<compile_context>
chip_gen: v7x
topology: tpu7x:2x2x1
jax: 0.10.2.dev20260603
libtpu: 0.0.44.dev20260713+nightly
codegen_flags: <defaults>
</compile_context>

<pallas_src>
import functools

import jax
import jax.numpy as jnp
from jax import lax
from jax.experimental import pallas as pl
from jax.experimental.pallas import tpu as pltpu
from jax.experimental.pallas import tpu_sc as plsc

_BINS = 30
_B, _C, _Q, _D = 64, 4, 32, 2048
_ROWS = _B * _C * _Q
_HPAD = 32
_NC, _NS, _L = 2, 16, 16
_NW = _NC * _NS
_RPW = _ROWS // _NW
_GROUP = _L
_NGROUPS = _RPW // _GROUP
_HWORDS = _GROUP * _HPAD
_MLPAD = _D + _L
_UNROLL = 16
_LN2 = 0.6931471805599453


def _log_approx(x):
    bits = lax.bitcast_convert_type(x, jnp.int32)
    e = lax.shift_right_logical(bits, 23) - 127
    mbits = (bits & 0x7FFFFF) | 0x3F800000
    m = lax.bitcast_convert_type(mbits, jnp.float32)
    big = m > 1.4142135
    m = jnp.where(big, m * 0.5, m)
    e = jnp.where(big, e + 1, e)
    z = (m - 1.0) / (m + 1.0)
    z2 = z * z
    p = 1.0 + z2 * (1.0 / 3.0 + z2 * (0.2 + z2 * (1.0 / 7.0)))
    return e.astype(jnp.float32) * _LN2 + 2.0 * z * p


def _bin_of(val):
    return ((val + 1.000001) * 14.5).astype(jnp.int32)


def _tec_body(sim_hbm, dt_hbm, qt_hbm, out_hbm, buf, dtb, qtb, mlist, hist,
              sem0, sem1):
    wid = lax.axis_index("c") * _NS + lax.axis_index("s")
    lane = lax.iota(jnp.int32, _L)
    dbase = lane * _D
    rowbase = lane * _HPAD
    ones = jnp.ones((_L,), jnp.float32)
    neg_ones = -ones
    zeros = jnp.zeros((_L,), jnp.float32)
    row0 = wid * _RPW
    sems = [sem0, sem1]

    pltpu.sync_copy(dt_hbm.at[pl.ds(wid * 2 * _D, 2 * _D)], dtb)
    pltpu.sync_copy(qt_hbm.at[pl.ds(wid * 2 * _Q, 2 * _Q)], qtb)
    mcnt = []
    for bs in range(2):
        def chunk(k, off, bs=bs):
            dtv = dtb[pl.ds(bs * _D + k * _L, _L)]
            m = dtv == -1
            didx = k * _L + lane
            plsc.store_compressed(mlist.at[pl.ds(bs * _MLPAD + off, _L)],
                                  didx, mask=m)
            return off + jnp.sum(m.astype(jnp.int32))
        mcnt.append(lax.fori_loop(0, _D // _L, chunk, 0))

    def dma_group(g, slot):
        return pltpu.make_async_copy(
            sim_hbm.at[pl.ds((row0 + g * _GROUP) * _D, _GROUP * _D)],
            buf.at[pl.ds(slot * _GROUP * _D, _GROUP * _D)],
            sems[slot])

    def issue(g, slot):
        dma_group(g, slot).start()

    issue(0, 0)

    def one_group(g, slot, carry):
        dma_group(g, slot).wait()

        @pl.when(g + 1 < _NGROUPS)
        def _():
            issue(g + 1, 1 - slot)

        bs = g // 8
        q0 = slot * _L
        sbase = slot * _GROUP * _D
        qm = qtb[pl.ds(bs * _Q + q0, _L)] != -1
        nmask = jnp.where(bs == 0, carry[0], carry[1])

        for i in range(_HWORDS // _L):
            hist[pl.ds(i * _L, _L)] = zeros

        gbase = dbase + sbase

        def d_body(k, c):
            base = gbase + k * _UNROLL
            for j in range(_UNROLL):
                val = plsc.load_gather(buf, [base + j])
                plsc.addupdate_scatter(
                    hist, [rowbase + _bin_of(val)], ones, mask=qm)
            return c

        lax.fori_loop(0, _D // _UNROLL, d_body, 0)

        def corr(j, c):
            dvec = plsc.load_gather(
                mlist, [jnp.full((_L,), bs * _MLPAD, jnp.int32) + j])
            val = plsc.load_gather(buf, [gbase + dvec])
            plsc.addupdate_scatter(
                hist, [rowbase + _bin_of(val)], neg_ones, mask=qm)
            return c

        lax.fori_loop(0, nmask, corr, 0)

        for i in range(_HWORDS // _L):
            h = hist[pl.ds(i * _L, _L)]
            hist[pl.ds(i * _L, _L)] = _log_approx(h + 1e-5)
        pltpu.sync_copy(
            hist, out_hbm.at[pl.ds((row0 + g * _GROUP) * _HPAD, _HWORDS)])

    def group_pair(gg, carry):
        for p in range(2):
            one_group(gg * 2 + p, p, carry)
        return carry

    lax.fori_loop(0, _NGROUPS // 2, group_pair, (mcnt[0], mcnt[1]))


_sc_hist = functools.partial(
    pl.kernel,
    out_type=jax.ShapeDtypeStruct((_ROWS * _HPAD,), jnp.float32),
    mesh=plsc.VectorSubcoreMesh(
        core_axis_name="c", subcore_axis_name="s",
        num_cores=_NC, num_subcores=_NS),
    scratch_types=[
        pltpu.VMEM((2 * _GROUP * _D,), jnp.float32),
        pltpu.VMEM((2 * _D,), jnp.int32),
        pltpu.VMEM((2 * _Q,), jnp.int32),
        pltpu.VMEM((2 * _MLPAD,), jnp.int32),
        pltpu.VMEM((_HWORDS,), jnp.float32),
        pltpu.SemaphoreType.DMA,
        pltpu.SemaphoreType.DMA,
    ],
    compiler_params=pltpu.CompilerParams(needs_layout_passes=False),
)(_tec_body)


def kernel(simmat, dtoks, qtoks):
    sim = simmat.reshape(_ROWS * _D)
    dt = dtoks.astype(jnp.int32).reshape(_B * _D)
    qt = qtoks.astype(jnp.int32).reshape(_B * _Q)
    out = _sc_hist(sim, dt, qt)
    out = out.reshape(_ROWS, _HPAD)[:, :_BINS]
    return out.reshape(_B, _C, _Q, _BINS)

# --- scband reference (transcript-rebuilt; emitter-appended) ---
"""Pipeline reference for scband-drmmlog-count-histogram-24816321036869 (READ-ONLY COPY).

The authoritative reference and input builder live on the scoring server;
editing this copy changes nothing except your own understanding.
"""

import jax, jax.numpy as jnp
import numpy as np

BINS = 30
B, C, Q, D = 64, 4, 32, 2048

def setup_inputs(seed: int = 0) -> dict:
    key = jax.random.key(seed)
    k1, k2, k3 = jax.random.split(key, 3)
    simmat = jax.random.uniform(k1, (B, C, Q, D), dtype=jnp.float32)
    dtoks = jax.random.randint(k2, (B, D), 0, 30000, dtype=jnp.int64)
    qtoks = jax.random.randint(k3, (B, Q), 0, 30000, dtype=jnp.int64)
    return {"simmat": simmat, "dtoks": dtoks, "qtoks": qtoks}

def reference(simmat, dtoks, qtoks):
    b_, c_, q_, d_ = simmat.shape
    # quantize similarities into bin indices (int cast, matches torch .int())
    bins_idx = ((simmat + 1.000001) / 2.0 * (BINS - 1)).astype(jnp.int32)
    # padding mask weights: token != -1 for both doc and query
    dmask = (dtoks != -1).reshape(b_, 1, d_)
    qmask = (qtoks != -1).reshape(b_, q_, 1)
    weights = (dmask & qmask).astype(jnp.float32)            # [B, Q, D]
    weights = jnp.broadcast_to(weights[:, None, :, :], (b_, c_, q_, d_))
    # weighted bincount per (b, c, q) row via segment_sum
    rows = b_ * c_ * q_
    flat_bins = bins_idx.reshape(rows, d_)
    offsets = (jnp.arange(rows, dtype=jnp.int32) * BINS)[:, None]
    seg_ids = (flat_bins + offsets).reshape(-1)
    hist = jax.ops.segment_sum(weights.reshape(-1), seg_ids, num_segments=rows * BINS)
    hist = hist.reshape(b_, c_, q_, BINS)
    return jnp.log(hist.astype(jnp.float32) + 1e-05)

if __name__ == "__main__":
    import jax
    _d = setup_inputs()
    print(jax.jit(kernel)(*tuple(_d.values())))

</pallas_src>

<mosaic_0001>
#map = affine_map<(d0, d1) -> (0)>
module attributes {stable_mosaic.version = 14 : i64} {
  func.func @_tec_body(%arg0: i32, %arg1: i32, %arg2: memref<16777216xf32, #tpu.memory_space<hbm>>, %arg3: memref<131072xi32, #tpu.memory_space<hbm>>, %arg4: memref<2048xi32, #tpu.memory_space<hbm>>, %arg5: memref<262144xf32, #tpu.memory_space<hbm>>, %arg6: memref<65536xf32, #tpu.memory_space<vmem>>, %arg7: memref<4096xi32, #tpu.memory_space<vmem>>, %arg8: memref<64xi32, #tpu.memory_space<vmem>>, %arg9: memref<4128xi32, #tpu.memory_space<vmem>>, %arg10: memref<512xf32, #tpu.memory_space<vmem>>, %arg11: memref<!tpu.dma_semaphore, #tpu.memory_space<semaphore_mem>>, %arg12: memref<!tpu.dma_semaphore, #tpu.memory_space<semaphore_mem>>) attributes {dimension_semantics = [#tpu.dimension_semantics<core_parallel>, #tpu.dimension_semantics<subcore_parallel>], iteration_bounds = array<i64: 2, 16>, scalar_prefetch = 0 : i64, scratch_operands = 7 : i64, tpu.core_type = #tpu.core_type<sc_vector_subcore>, window_params = [{transform_indices = #map}, {transform_indices = #map}, {transform_indices = #map}, {transform_indices = #map}]} {
    %mul3A = arith.constant 16 : i32
    %mul3A_0 = arith.muli %arg0, %mul3A : i32
    %add3A = arith.addi %mul3A_0, %arg1 : i32
    %iota3A = tpu.iota {dimensions = array<i32: 0>} : vector<16xi32>
    %mul3A_1 = arith.constant 2048 : i32
    %mul3A_2 = vector.broadcast %mul3A_1 : i32 to vector<16xi32>
    %mul3A_3 = arith.muli %iota3A, %mul3A_2 : vector<16xi32>
    %mul3A_4 = arith.constant 32 : i32
    %mul3A_5 = vector.broadcast %mul3A_4 : i32 to vector<16xi32>
    %mul3A_6 = arith.muli %iota3A, %mul3A_5 : vector<16xi32>
    %broadcast_in_dim3A = arith.constant 1.000000e+00 : f32
    %broadcast_in_dim3A_7 = vector.broadcast %broadcast_in_dim3A : f32 to vector<16xf32>
    %neg3A = arith.constant 0.000000e+00 : f32
    %neg3A_8 = vector.broadcast %neg3A : f32 to vector<16xf32>
    %neg3A_9 = arith.subf %neg3A_8, %broadcast_in_dim3A_7 : vector<16xf32>
    %broadcast_in_dim3A_10 = arith.constant 0.000000e+00 : f32
    %broadcast_in_dim3A_11 = vector.broadcast %broadcast_in_dim3A_10 : f32 to vector<16xf32>
    %mul3A_12 = arith.constant 256 : i32
    %mul3A_13 = arith.muli %add3A, %mul3A_12 : i32
    %mul3A_14 = arith.constant 2 : i32
    %mul3A_15 = arith.muli %add3A, %mul3A_14 : i32
    %mul3A_16 = arith.constant 2048 : i32
    %mul3A_17 = arith.muli %mul3A_15, %mul3A_16 : i32
    "tpu.region"() ({
      %run_scoped3A = tpu.sem_alloc : memref<!tpu.dma_semaphore, #tpu.memory_space<semaphore_mem>>
      %dma_start3A_49 = tpu.memref_slice %arg3[%mul3A_17] : memref<131072xi32, #tpu.memory_space<hbm>> -> memref<4096xi32, #tpu.memory_space<hbm>>
      %dma_start3A_50 = tpu.memref_slice %arg3[%mul3A_17] : memref<131072xi32, #tpu.memory_space<hbm>> -> memref<4096xi32, #tpu.memory_space<hbm>>
      tpu.enqueue_dma source(%dma_start3A_50 : memref<4096xi32, #tpu.memory_space<hbm>>) target(%arg7 : memref<4096xi32, #tpu.memory_space<vmem>>) target_semaphore(%run_scoped3A : memref<!tpu.dma_semaphore, #tpu.memory_space<semaphore_mem>>)
      %dma_wait3A = tpu.memref_slice %arg3[%mul3A_17] : memref<131072xi32, #tpu.memory_space<hbm>> -> memref<4096xi32, #tpu.memory_space<hbm>>
      %dma_wait3A_51 = tpu.memref_slice %arg3[%mul3A_17] : memref<131072xi32, #tpu.memory_space<hbm>> -> memref<4096xi32, #tpu.memory_space<hbm>>
      tpu.wait_dma2 semaphore(%run_scoped3A : memref<!tpu.dma_semaphore, #tpu.memory_space<semaphore_mem>>) src(%dma_wait3A_51 : memref<4096xi32, #tpu.memory_space<hbm>>) dst(%arg7 : memref<4096xi32, #tpu.memory_space<vmem>>)
      tpu.yield
    }) : () -> ()
    %mul3A_18 = arith.constant 2 : i32
    %mul3A_19 = arith.muli %add3A, %mul3A_18 : i32
    %mul3A_20 = arith.constant 32 : i32
    %mul3A_21 = arith.muli %mul3A_19, %mul3A_20 : i32
    "tpu.region"() ({
      %run_scoped3A = tpu.sem_alloc : memref<!tpu.dma_semaphore, #tpu.memory_space<semaphore_mem>>
      %dma_start3A_49 = tpu.memref_slice %arg4[%mul3A_21] : memref<2048xi32, #tpu.memory_space<hbm>> -> memref<64xi32, #tpu.memory_space<hbm>>
      %dma_start3A_50 = tpu.memref_slice %arg4[%mul3A_21] : memref<2048xi32, #tpu.memory_space<hbm>> -> memref<64xi32, #tpu.memory_space<hbm>>
      tpu.enqueue_dma source(%dma_start3A_50 : memref<64xi32, #tpu.memory_space<hbm>>) target(%arg8 : memref<64xi32, #tpu.memory_space<vmem>>) target_semaphore(%run_scoped3A : memref<!tpu.dma_semaphore, #tpu.memory_space<semaphore_mem>>)
      %dma_wait3A = tpu.memref_slice %arg4[%mul3A_21] : memref<2048xi32, #tpu.memory_space<hbm>> -> memref<64xi32, #tpu.memory_space<hbm>>
      %dma_wait3A_51 = tpu.memref_slice %arg4[%mul3A_21] : memref<2048xi32, #tpu.memory_space<hbm>> -> memref<64xi32, #tpu.memory_space<hbm>>
      tpu.wait_dma2 semaphore(%run_scoped3A : memref<!tpu.dma_semaphore, #tpu.memory_space<semaphore_mem>>) src(%dma_wait3A_51 : memref<64xi32, #tpu.memory_space<hbm>>) dst(%arg8 : memref<64xi32, #tpu.memory_space<vmem>>)
      tpu.yield
    }) : () -> ()
    %scan3A = arith.constant 0 : i32
    %scan3A_22 = arith.constant 0 : i32
    %scan3A_23 = arith.constant 128 : i32
    %scan3A_24 = arith.addi %scan3A_22, %scan3A_23 : i32
    %scan3A_25 = arith.constant 1 : i32
    %scan3A_26 = scf.for %scan3A_49 = %scan3A_22 to %scan3A_24 step %scan3A_25 iter_args(%scan3A_50 = %scan3A) -> (i32)  : i32 {
      %mul3A_51 = arith.constant 16 : i32
      %mul3A_52 = arith.muli %scan3A_49, %mul3A_51 : i32
      %add3A_53 = arith.constant 0 : i32
      %add3A_54 = arith.addi %add3A_53, %mul3A_52 : i32
      %get3A = arith.index_cast %add3A_54 : i32 to index
      %get3A_55 = tpu.vector_load %arg7[%get3A] {strides = array<i32>} : memref<4096xi32, #tpu.memory_space<vmem>>, vector<16xi32>,
      %eq3A = arith.constant -1 : i32
      %eq3A_56 = vector.broadcast %eq3A : i32 to vector<16xi32>
      %eq3A_57 = arith.cmpi eq, %get3A_55, %eq3A_56 : vector<16xi32>
      %mul3A_58 = arith.constant 16 : i32
      %mul3A_59 = arith.muli %scan3A_49, %mul3A_58 : i32
      %add3A_60 = vector.broadcast %mul3A_59 : i32 to vector<16xi32>
      %add3A_61 = arith.addi %add3A_60, %iota3A : vector<16xi32>
      %add3A_62 = arith.constant 0 : i32
      %add3A_63 = arith.addi %add3A_62, %scan3A_50 : i32
      %swap3A = arith.index_cast %add3A_63 : i32 to index
      %swap3A_64 = tpu.vector_load %arg9[%swap3A] masked %eq3A_57 {strides = array<i32>} : memref<4128xi32, #tpu.memory_space<vmem>>, vector<16xi32>, vector<16xi1>
      tpu.vector_store %arg9[%swap3A], %add3A_61 masked %eq3A_57 {strides = array<i32>} : memref<4128xi32, #tpu.memory_space<vmem>>, vector<16xi32>, vector<16xi1>
      %convert_element_type3A = arith.extui %eq3A_57 : vector<16xi1> to vector<16xi32>
      %reduce_sum3A = arith.constant true
      %reduce_sum3A_65 = vector.broadcast %reduce_sum3A : i1 to vector<16xi1>
      %reduce_sum3A_66 = tpu.scan <sum>, %convert_element_type3A masked %reduce_sum3A_65 : vector<16xi32>, vector<16xi1> -> vector<16xi32>
      %reduce_sum3A_67 = vector.extract %reduce_sum3A_66[15] : i32 from vector<16xi32>
      %add3A_68 = arith.addi %scan3A_50, %reduce_sum3A_67 : i32
      scf.yield %add3A_68 : i32
    }
    %scan3A_27 = arith.constant 128 : i32
    %scan3A_28 = arith.constant 0 : i32
    %scan3A_29 = arith.constant 0 : i32
    %scan3A_30 = arith.constant 128 : i32
    %scan3A_31 = arith.addi %scan3A_29, %scan3A_30 : i32
    %scan3A_32 = arith.constant 1 : i32
    %scan3A_33 = scf.for %scan3A_49 = %scan3A_29 to %scan3A_31 step %scan3A_32 iter_args(%scan3A_50 = %scan3A_28) -> (i32)  : i32 {
      %mul3A_51 = arith.constant 16 : i32
      %mul3A_52 = arith.muli %scan3A_49, %mul3A_51 : i32
      %add3A_53 = arith.constant 2048 : i32
      %add3A_54 = arith.addi %add3A_53, %mul3A_52 : i32
      %get3A = arith.index_cast %add3A_54 : i32 to index
      %get3A_55 = tpu.vector_load %arg7[%get3A] {strides = array<i32>} : memref<4096xi32, #tpu.memory_space<vmem>>, vector<16xi32>,
      %eq3A = arith.constant -1 : i32
      %eq3A_56 = vector.broadcast %eq3A : i32 to vector<16xi32>
      %eq3A_57 = arith.cmpi eq, %get3A_55, %eq3A_56 : vector<16xi32>
      %mul3A_58 = arith.constant 16 : i32
      %mul3A_59 = arith.muli %scan3A_49, %mul3A_58 : i32
      %add3A_60 = vector.broadcast %mul3A_59 : i32 to vector<16xi32>
      %add3A_61 = arith.addi %add3A_60, %iota3A : vector<16xi32>
      %add3A_62 = arith.constant 2064 : i32
      %add3A_63 = arith.addi %add3A_62, %scan3A_50 : i32
      %swap3A = arith.index_cast %add3A_63 : i32 to index
      %swap3A_64 = tpu.vector_load %arg9[%swap3A] masked %eq3A_57 {strides = array<i32>} : memref<4128xi32, #tpu.memory_space<vmem>>, vector<16xi32>, vector<16xi1>
      tpu.vector_store %arg9[%swap3A], %add3A_61 masked %eq3A_57 {strides = array<i32>} : memref<4128xi32, #tpu.memory_space<vmem>>, vector<16xi32>, vector<16xi1>
      %convert_element_type3A = arith.extui %eq3A_57 : vector<16xi1> to vector<16xi32>
      %reduce_sum3A = arith.constant true
      %reduce_sum3A_65 = vector.broadcast %reduce_sum3A : i1 to vector<16xi1>
      %reduce_sum3A_66 = tpu.scan <sum>, %convert_element_type3A masked %reduce_sum3A_65 : vector<16xi32>, vector<16xi1> -> vector<16xi32>
      %reduce_sum3A_67 = vector.extract %reduce_sum3A_66[15] : i32 from vector<16xi32>
      %add3A_68 = arith.addi %scan3A_50, %reduce_sum3A_67 : i32
      scf.yield %add3A_68 : i32
    }
    %scan3A_34 = arith.constant 128 : i32
    %add3A_35 = arith.constant 0 : i32
    %add3A_36 = arith.addi %mul3A_13, %add3A_35 : i32
    %mul3A_37 = arith.constant 2048 : i32
    %mul3A_38 = arith.muli %add3A_36, %mul3A_37 : i32
    %dma_start3A = arith.constant 0 : i32
    %dma_start3A_39 = tpu.memref_slice %arg6[%dma_start3A] : memref<65536xf32, #tpu.memory_space<vmem>> -> memref<32768xf32, #tpu.memory_space<vmem>>
    %dma_start3A_40 = tpu.memref_slice %arg2[%mul3A_38] : memref<16777216xf32, #tpu.memory_space<hbm>> -> memref<32768xf32, #tpu.memory_space<hbm>>
    %dma_start3A_41 = arith.constant 0 : i32
    %dma_start3A_42 = tpu.memref_slice %arg6[%dma_start3A_41] : memref<65536xf32, #tpu.memory_space<vmem>> -> memref<32768xf32, #tpu.memory_space<vmem>>
    %dma_start3A_43 = tpu.memref_slice %arg2[%mul3A_38] : memref<16777216xf32, #tpu.memory_space<hbm>> -> memref<32768xf32, #tpu.memory_space<hbm>>
    tpu.enqueue_dma source(%dma_start3A_43 : memref<32768xf32, #tpu.memory_space<hbm>>) target(%dma_start3A_42 : memref<32768xf32, #tpu.memory_space<vmem>>) target_semaphore(%arg11 : memref<!tpu.dma_semaphore, #tpu.memory_space<semaphore_mem>>)
    %scan3A_44 = arith.constant 0 : i32
    %scan3A_45 = arith.constant 8 : i32
    %scan3A_46 = arith.addi %scan3A_44, %scan3A_45 : i32
    %scan3A_47 = arith.constant 1 : i32
    scf.for %scan3A_49 = %scan3A_44 to %scan3A_46 step %scan3A_47  : i32 {
      %mul3A_50 = arith.constant 2 : i32
      %mul3A_51 = arith.muli %scan3A_49, %mul3A_50 : i32
      %add3A_52 = arith.constant 0 : i32
      %add3A_53 = arith.addi %mul3A_51, %add3A_52 : i32
      %mul3A_54 = arith.constant 16 : i32
      %mul3A_55 = arith.muli %add3A_53, %mul3A_54 : i32
      %add3A_56 = arith.addi %mul3A_13, %mul3A_55 : i32
      %mul3A_57 = arith.constant 2048 : i32
      %mul3A_58 = arith.muli %add3A_56, %mul3A_57 : i32
      %dma_wait3A = arith.constant 0 : i32
      %dma_wait3A_59 = tpu.memref_slice %arg6[%dma_wait3A] : memref<65536xf32, #tpu.memory_space<vmem>> -> memref<32768xf32, #tpu.memory_space<vmem>>
      %dma_wait3A_60 = tpu.memref_slice %arg2[%mul3A_58] : memref<16777216xf32, #tpu.memory_space<hbm>> -> memref<32768xf32, #tpu.memory_space<hbm>>
      %dma_wait3A_61 = arith.constant 0 : i32
      %dma_wait3A_62 = tpu.memref_slice %arg6[%dma_wait3A_61] : memref<65536xf32, #tpu.memory_space<vmem>> -> memref<32768xf32, #tpu.memory_space<vmem>>
      %dma_wait3A_63 = tpu.memref_slice %arg2[%mul3A_58] : memref<16777216xf32, #tpu.memory_space<hbm>> -> memref<32768xf32, #tpu.memory_space<hbm>>
      tpu.wait_dma2 semaphore(%arg11 : memref<!tpu.dma_semaphore, #tpu.memory_space<semaphore_mem>>) src(%dma_wait3A_63 : memref<32768xf32, #tpu.memory_space<hbm>>) dst(%dma_wait3A_62 : memref<32768xf32, #tpu.memory_space<vmem>>)
      %add3A_64 = arith.constant 1 : i32
      %add3A_65 = arith.addi %add3A_53, %add3A_64 : i32
      %lt3A = arith.constant 16 : i32
      %lt3A_66 = arith.cmpi slt, %add3A_65, %lt3A : i32
      %convert_element_type3A = arith.extui %lt3A_66 : i1 to i32
      %cond3A = arith.constant 0 : i32
      %cond3A_67 = arith.cmpi ne, %convert_element_type3A, %cond3A : i32
      scf.if %cond3A_67 {
        %add3A_4354 = arith.constant 1 : i32
        %add3A_4355 = arith.addi %add3A_53, %add3A_4354 : i32
        %mul3A_4356 = arith.constant 16 : i32
        %mul3A_4357 = arith.muli %add3A_4355, %mul3A_4356 : i32
        %add3A_4358 = arith.addi %mul3A_13, %mul3A_4357 : i32
        %mul3A_4359 = arith.constant 2048 : i32
        %mul3A_4360 = arith.muli %add3A_4358, %mul3A_4359 : i32
        %dma_start3A_4361 = arith.constant 32768 : i32
        %dma_start3A_4362 = tpu.memref_slice %arg6[%dma_start3A_4361] : memref<65536xf32, #tpu.memory_space<vmem>> -> memref<32768xf32, #tpu.memory_space<vmem>>
        %dma_start3A_4363 = tpu.memref_slice %arg2[%mul3A_4360] : memref<16777216xf32, #tpu.memory_space<hbm>> -> memref<32768xf32, #tpu.memory_space<hbm>>
        %dma_start3A_4364 = arith.constant 32768 : i32
        %dma_start3A_4365 = tpu.memref_slice %arg6[%dma_start3A_4364] : memref<65536xf32, #tpu.memory_space<vmem>> -> memref<32768xf32, #tpu.memory_space<vmem>>
        %dma_start3A_4366 = tpu.memref_slice %arg2[%mul3A_4360] : memref<16777216xf32, #tpu.memory_space<hbm>> -> memref<32768xf32, #tpu.memory_space<hbm>>
        tpu.enqueue_dma source(%dma_start3A_4366 : memref<32768xf32, #tpu.memory_space<hbm>>) target(%dma_start3A_4365 : memref<32768xf32, #tpu.memory_space<vmem>>) target_semaphore(%arg12 : memref<!tpu.dma_semaphore, #tpu.memory_space<semaphore_mem>>)
      } else {
      }
      %jit3A = arith.constant 8 : i32
      %div3A = arith.divsi %add3A_53, %jit3A : i32
      %sign3A = arith.constant 0 : i32
      %sign3A_68 = arith.cmpi sgt, %add3A_53, %sign3A : i32
      %sign3A_69 = arith.extui %sign3A_68 : i1 to i32
      %sign3A_70 = arith.constant 0 : i32
      %sign3A_71 = arith.cmpi slt, %add3A_53, %sign3A_70 : i32
      %sign3A_72 = arith.extui %sign3A_71 : i1 to i32
      %sign3A_73 = arith.subi %sign3A_69, %sign3A_72 : i32
      %sign3A_74 = arith.constant 0 : i32
      %sign3A_75 = arith.cmpi sgt, %jit3A, %sign3A_74 : i32
      %sign3A_76 = arith.extui %sign3A_75 : i1 to i32
      %sign3A_77 = arith.constant 0 : i32
      %sign3A_78 = arith.cmpi slt, %jit3A, %sign3A_77 : i32
      %sign3A_79 = arith.extui %sign3A_78 : i1 to i32
      %sign3A_80 = arith.subi %sign3A_76, %sign3A_79 : i32
      %ne3A = arith.cmpi ne, %sign3A_73, %sign3A_80 : i32
      %rem3A = arith.remsi %add3A_53, %jit3A : i32
      %ne3A_81 = arith.constant 0 : i32
      %ne3A_82 = arith.cmpi ne, %rem3A, %ne3A_81 : i32
      %and3A = arith.andi %ne3A, %ne3A_82 : i1
      %sub3A = arith.constant 1 : i32
      %sub3A_83 = arith.subi %div3A, %sub3A : i32
      %select_n3A = arith.select %and3A, %sub3A_83, %div3A : i32
      %mul3A_84 = arith.constant 32 : i32
      %mul3A_85 = arith.muli %select_n3A, %mul3A_84 : i32
      %add3A_86 = arith.constant 0 : i32
      %add3A_87 = arith.addi %mul3A_85, %add3A_86 : i32
      %get3A = arith.index_cast %add3A_87 : i32 to index
      %get3A_88 = tpu.vector_load %arg8[%get3A] {strides = array<i32>} : memref<64xi32, #tpu.memory_space<vmem>>, vector<16xi32>,
      %ne3A_89 = arith.constant -1 : i32
      %ne3A_90 = vector.broadcast %ne3A_89 : i32 to vector<16xi32>
      %ne3A_91 = arith.cmpi ne, %get3A_88, %ne3A_90 : vector<16xi32>
      %eq3A = arith.constant 0 : i32
      %eq3A_92 = arith.cmpi eq, %select_n3A, %eq3A : i32
      %select_n3A_93 = arith.select %eq3A_92, %scan3A_26, %scan3A_33 : i32
      %swap3A = arith.constant 0 : index
      %swap3A_94 = tpu.vector_load %arg10[%swap3A] {strides = array<i32>} : memref<512xf32, #tpu.memory_space<vmem>>, vector<16xf32>,
      tpu.vector_store %arg10[%swap3A], %broadcast_in_dim3A_11 {strides = array<i32>} : memref<512xf32, #tpu.memory_space<vmem>>, vector<16xf32>,
      %swap3A_95 = arith.constant 16 : index
      %swap3A_96 = tpu.vector_load %arg10[%swap3A_95] {strides = array<i32>} : memref<512xf32, #tpu.memory_space<vmem>>, vector<16xf32>,
      tpu.vector_store %arg10[%swap3A_95], %broadcast_in_dim3A_11 {strides = array<i32>} : memref<512xf32, #tpu.memory_space<vmem>>, vector<16xf32>,
      %swap3A_97 = arith.constant 32 : index
      %swap3A_98 = tpu.vector_load %arg10[%swap3A_97] {strides = array<i32>} : memref<512xf32, #tpu.memory_space<vmem>>, vector<16xf32>,
      tpu.vector_store %arg10[%swap3A_97], %broadcast_in_dim3A_11 {strides = array<i32>} : memref<512xf32, #tpu.memory_space<vmem>>, vector<16xf32>,
      %swap3A_99 = arith.constant 48 : index
      %swap3A_100 = tpu.vector_load %arg10[%swap3A_99] {strides = array<i32>} : memref<512xf32, #tpu.memory_space<vmem>>, vector<16xf32>,
      tpu.vector_store %arg10[%swap3A_99], %broadcast_in_dim3A_11 {strides = array<i32>} : memref<512xf32, #tpu.memory_space<vmem>>, vector<16xf32>,
      %swap3A_101 = arith.constant 64 : index
      %swap3A_102 = tpu.vector_load %arg10[%swap3A_101] {strides = array<i32>} : memref<512xf32, #tpu.memory_space<vmem>>, vector<16xf32>,
      tpu.vector_store %arg10[%swap3A_101], %broadcast_in_dim3A_11 {strides = array<i32>} : memref<512xf32, #tpu.memory_space<vmem>>, vector<16xf32>,
      %swap3A_103 = arith.constant 80 : index
      %swap3A_104 = tpu.vector_load %arg10[%swap3A_103] {strides = array<i32>} : memref<512xf32, #tpu.memory_space<vmem>>, vector<16xf32>,
      tpu.vector_store %arg10[%swap3A_103], %broadcast_in_dim3A_11 {strides = array<i32>} : memref<512xf32, #tpu.memory_space<vmem>>, vector<16xf32>,
      %swap3A_105 = arith.constant 96 : index
      %swap3A_106 = tpu.vector_load %arg10[%swap3A_105] {strides = array<i32>} : memref<512xf32, #tpu.memory_space<vmem>>, vector<16xf32>,
      tpu.vector_store %arg10[%swap3A_105], %broadcast_in_dim3A_11 {strides = array<i32>} : memref<512xf32, #tpu.memory_space<vmem>>, vector<16xf32>,
      %swap3A_107 = arith.constant 112 : index
      %swap3A_108 = tpu.vector_load %arg10[%swap3A_107] {strides = array<i32>} : memref<512xf32, #tpu.memory_space<vmem>>, vector<16xf32>,
      tpu.vector_store %arg10[%swap3A_107], %broadcast_in_dim3A_11 {strides = array<i32>} : memref<512xf32, #tpu.memory_space<vmem>>, vector<16xf32>,
      %swap3A_109 = arith.constant 128 : index
      %swap3A_110 = tpu.vector_load %arg10[%swap3A_109] {strides = array<i32>} : memref<512xf32, #tpu.memory_space<vmem>>, vector<16xf32>,
      tpu.vector_store %arg10[%swap3A_109], %broadcast_in_dim3A_11 {strides = array<i32>} : memref<512xf32, #tpu.memory_space<vmem>>, vector<16xf32>,
      %swap3A_111 = arith.constant 144 : index
      %swap3A_112 = tpu.vector_load %arg10[%swap3A_111] {strides = array<i32>} : memref<512xf32, #tpu.memory_space<vmem>>, vector<16xf32>,
      tpu.vector_store %arg10[%swap3A_111], %broadcast_in_dim3A_11 {strides = array<i32>} : memref<512xf32, #tpu.memory_space<vmem>>, vector<16xf32>,
      %swap3A_113 = arith.constant 160 : index
      %swap3A_114 = tpu.vector_load %arg10[%swap3A_113] {strides = array<i32>} : memref<512xf32, #tpu.memory_space<vmem>>, vector<16xf32>,
      tpu.vector_store %arg10[%swap3A_113], %broadcast_in_dim3A_11 {strides = array<i32>} : memref<512xf32, #tpu.memory_space<vmem>>, vector<16xf32>,
      %swap3A_115 = arith.constant 176 : index
      %swap3A_116 = tpu.vector_load %arg10[%swap3A_115] {strides = array<i32>} : memref<512xf32, #tpu.memory_space<vmem>>, vector<16xf32>,
      tpu.vector_store %arg10[%swap3A_115], %broadcast_in_dim3A_11 {strides = array<i32>} : memref<512xf32, #tpu.memory_space<vmem>>, vector<16xf32>,
      %swap3A_117 = arith.constant 192 : index
      %swap3A_118 = tpu.vector_load %arg10[%swap3A_117] {strides = array<i32>} : memref<512xf32, #tpu.memory_space<vmem>>, vector<16xf32>,
      tpu.vector_store %arg10[%swap3A_117], %broadcast_in_dim3A_11 {strides = array<i32>} : memref<512xf32, #tpu.memory_space<vmem>>, vector<16xf32>,
      %swap3A_119 = arith.constant 208 : index
      %swap3A_120 = tpu.vector_load %arg10[%swap3A_119] {strides = array<i32>} : memref<512xf32, #tpu.memory_space<vmem>>, vector<16xf32>,
      tpu.vector_store %arg10[%swap3A_119], %broadcast_in_dim3A_11 {strides = array<i32>} : memref<512xf32, #tpu.memory_space<vmem>>, vector<16xf32>,
      %swap3A_121 = arith.constant 224 : index
      %swap3A_122 = tpu.vector_load %arg10[%swap3A_121] {strides = array<i32>} : memref<512xf32, #tpu.memory_space<vmem>>, vector<16xf32>,
      tpu.vector_store %arg10[%swap3A_121], %broadcast_in_dim3A_11 {strides = array<i32>} : memref<512xf32, #tpu.memory_space<vmem>>, vector<16xf32>,
      %swap3A_123 = arith.constant 240 : index
      %swap3A_124 = tpu.vector_load %arg10[%swap3A_123] {strides = array<i32>} : memref<512xf32, #tpu.memory_space<vmem>>, vector<16xf32>,
      tpu.vector_store %arg10[%swap3A_123], %broadcast_in_dim3A_11 {strides = array<i32>} : memref<512xf32, #tpu.memory_space<vmem>>, vector<16xf32>,
      %swap3A_125 = arith.constant 256 : index
      %swap3A_126 = tpu.vector_load %arg10[%swap3A_125] {strides = array<i32>} : memref<512xf32, #tpu.memory_space<vmem>>, vector<16xf32>,
      tpu.vector_store %arg10[%swap3A_125], %broadcast_in_dim3A_11 {strides = array<i32>} : memref<512xf32, #tpu.memory_space<vmem>>, vector<16xf32>,
      %swap3A_127 = arith.constant 272 : index
      %swap3A_128 = tpu.vector_load %arg10[%swap3A_127] {strides = array<i32>} : memref<512xf32, #tpu.memory_space<vmem>>, vector<16xf32>,
      tpu.vector_store %arg10[%swap3A_127], %broadcast_in_dim3A_11 {strides = array<i32>} : memref<512xf32, #tpu.memory_space<vmem>>, vector<16xf32>,
      %swap3A_129 = arith.constant 288 : index
      %swap3A_130 = tpu.vector_load %arg10[%swap3A_129] {strides = array<i32>} : memref<512xf32, #tpu.memory_space<vmem>>, vector<16xf32>,
      tpu.vector_store %arg10[%swap3A_129], %broadcast_in_dim3A_11 {strides = array<i32>} : memref<512xf32, #tpu.memory_space<vmem>>, vector<16xf32>,
      %swap3A_131 = arith.constant 304 : index
      %swap3A_132 = tpu.vector_load %arg10[%swap3A_131] {strides = array<i32>} : memref<512xf32, #tpu.memory_space<vmem>>, vector<16xf32>,
      tpu.vector_store %arg10[%swap3A_131], %broadcast_in_dim3A_11 {strides = array<i32>} : memref<512xf32, #tpu.memory_space<vmem>>, vector<16xf32>,
      %swap3A_133 = arith.constant 320 : index
      %swap3A_134 = tpu.vector_load %arg10[%swap3A_133] {strides = array<i32>} : memref<512xf32, #tpu.memory_space<vmem>>, vector<16xf32>,
      tpu.vector_store %arg10[%swap3A_133], %broadcast_in_dim3A_11 {strides = array<i32>} : memref<512xf32, #tpu.memory_space<vmem>>, vector<16xf32>,
      %swap3A_135 = arith.constant 336 : index
      %swap3A_136 = tpu.vector_load %arg10[%swap3A_135] {strides = array<i32>} : memref<512xf32, #tpu.memory_space<vmem>>, vector<16xf32>,
      tpu.vector_store %arg10[%swap3A_135], %broadcast_in_dim3A_11 {strides = array<i32>} : memref<512xf32, #tpu.memory_space<vmem>>, vector<16xf32>,
      %swap3A_137 = arith.constant 352 : index
      %swap3A_138 = tpu.vector_load %arg10[%swap3A_137] {strides = array<i32>} : memref<512xf32, #tpu.memory_space<vmem>>, vector<16xf32>,
      tpu.vector_store %arg10[%swap3A_137], %broadcast_in_dim3A_11 {strides = array<i32>} : memref<512xf32, #tpu.memory_space<vmem>>, vector<16xf32>,
      %swap3A_139 = arith.constant 368 : index
      %swap3A_140 = tpu.vector_load %arg10[%swap3A_139] {strides = array<i32>} : memref<512xf32, #tpu.memory_space<vmem>>, vector<16xf32>,
      tpu.vector_store %arg10[%swap3A_139], %broadcast_in_dim3A_11 {strides = array<i32>} : memref<512xf32, #tpu.memory_space<vmem>>, vector<16xf32>,
      %swap3A_141 = arith.constant 384 : index
      %swap3A_142 = tpu.vector_load %arg10[%swap3A_141] {strides = array<i32>} : memref<512xf32, #tpu.memory_space<vmem>>, vector<16xf32>,
      tpu.vector_store %arg10[%swap3A_141], %broadcast_in_dim3A_11 {strides = array<i32>} : memref<512xf32, #tpu.memory_space<vmem>>, vector<16xf32>,
      %swap3A_143 = arith.constant 400 : index
      %swap3A_144 = tpu.vector_load %arg10[%swap3A_143] {strides = array<i32>} : memref<512xf32, #tpu.memory_space<vmem>>, vector<16xf32>,
      tpu.vector_store %arg10[%swap3A_143], %broadcast_in_dim3A_11 {strides = array<i32>} : memref<512xf32, #tpu.memory_space<vmem>>, vector<16xf32>,
      %swap3A_145 = arith.constant 416 : index
      %swap3A_146 = tpu.vector_load %arg10[%swap3A_145] {strides = array<i32>} : memref<512xf32, #tpu.memory_space<vmem>>, vector<16xf32>,
      tpu.vector_store %arg10[%swap3A_145], %broadcast_in_dim3A_11 {strides = array<i32>} : memref<512xf32, #tpu.memory_space<vmem>>, vector<16xf32>,
      %swap3A_147 = arith.constant 432 : index
      %swap3A_148 = tpu.vector_load %arg10[%swap3A_147] {strides = array<i32>} : memref<512xf32, #tpu.memory_space<vmem>>, vector<16xf32>,
      tpu.vector_store %arg10[%swap3A_147], %broadcast_in_dim3A_11 {strides = array<i32>} : memref<512xf32, #tpu.memory_space<vmem>>, vector<16xf32>,
      %swap3A_149 = arith.constant 448 : index
      %swap3A_150 = tpu.vector_load %arg10[%swap3A_149] {strides = array<i32>} : memref<512xf32, #tpu.memory_space<vmem>>, vector<16xf32>,
      tpu.vector_store %arg10[%swap3A_149], %broadcast_in_dim3A_11 {strides = array<i32>} : memref<512xf32, #tpu.memory_space<vmem>>, vector<16xf32>,
      %swap3A_151 = arith.constant 464 : index
      %swap3A_152 = tpu.vector_load %arg10[%swap3A_151] {strides = array<i32>} : memref<512xf32, #tpu.memory_space<vmem>>, vector<16xf32>,
      tpu.vector_store %arg10[%swap3A_151], %broadcast_in_dim3A_11 {strides = array<i32>} : memref<512xf32, #tpu.memory_space<vmem>>, vector<16xf32>,
      %swap3A_153 = arith.constant 480 : index
      %swap3A_154 = tpu.vector_load %arg10[%swap3A_153] {strides = array<i32>} : memref<512xf32, #tpu.memory_space<vmem>>, vector<16xf32>,
      tpu.vector_store %arg10[%swap3A_153], %broadcast_in_dim3A_11 {strides = array<i32>} : memref<512xf32, #tpu.memory_space<vmem>>, vector<16xf32>,
      %swap3A_155 = arith.constant 496 : index
      %swap3A_156 = tpu.vector_load %arg10[%swap3A_155] {strides = array<i32>} : memref<512xf32, #tpu.memory_space<vmem>>, vector<16xf32>,
      tpu.vector_store %arg10[%swap3A_155], %broadcast_in_dim3A_11 {strides = array<i32>} : memref<512xf32, #tpu.memory_space<vmem>>, vector<16xf32>,
      %add3A_157 = arith.constant 0 : i32
      %add3A_158 = vector.broadcast %add3A_157 : i32 to vector<16xi32>
      %add3A_159 = arith.addi %mul3A_3, %add3A_158 : vector<16xi32>
      %scan3A_160 = arith.constant 0 : i32
      %scan3A_161 = arith.constant 0 : i32
      %scan3A_162 = arith.constant 128 : i32
      %scan3A_163 = arith.addi %scan3A_161, %scan3A_162 : i32
      %scan3A_164 = arith.constant 1 : i32
      scf.for %scan3A_4354 = %scan3A_161 to %scan3A_163 step %scan3A_164  : i32 {
        %mul3A_4355 = arith.constant 16 : i32
        %mul3A_4356 = arith.muli %scan3A_4354, %mul3A_4355 : i32
        %add3A_4357 = vector.broadcast %mul3A_4356 : i32 to vector<16xi32>
        %add3A_4358 = arith.addi %add3A_159, %add3A_4357 : vector<16xi32>
        %add3A_4359 = arith.constant 0 : i32
        %add3A_4360 = vector.broadcast %add3A_4359 : i32 to vector<16xi32>
        %add3A_4361 = arith.addi %add3A_4358, %add3A_4360 : vector<16xi32>
        %gather3A = tpu.vector_load_idx %arg6[%add3A_4361] : memref<65536xf32, #tpu.memory_space<vmem>>[vector<16xi32>], vector<16xf32>,
        %add3A_4362 = arith.constant 1.00000095 : f32
        %add3A_4363 = vector.broadcast %add3A_4362 : f32 to vector<16xf32>
        %add3A_4364 = arith.addf %gather3A, %add3A_4363 : vector<16xf32>
        %mul3A_4365 = arith.constant 1.450000e+01 : f32
        %mul3A_4366 = vector.broadcast %mul3A_4365 : f32 to vector<16xf32>
        %mul3A_4367 = arith.mulf %add3A_4364, %mul3A_4366 : vector<16xf32>
        %convert_element_type3A_4368 = arith.fptosi %mul3A_4367 : vector<16xf32> to vector<16xi32>
        %add3A_4369 = arith.addi %mul3A_6, %convert_element_type3A_4368 : vector<16xi32>
        tpu.vector_store_idx %arg10[%add3A_4369], %broadcast_in_dim3A_7 masked %ne3A_91 {add = true} : memref<512xf32, #tpu.memory_space<vmem>>[vector<16xi32>], vector<16xf32>, vector<16xi1>
        %add3A_4370 = arith.constant 1 : i32
        %add3A_4371 = vector.broadcast %add3A_4370 : i32 to vector<16xi32>
        %add3A_4372 = arith.addi %add3A_4358, %add3A_4371 : vector<16xi32>
        %gather3A_4373 = tpu.vector_load_idx %arg6[%add3A_4372] : memref<65536xf32, #tpu.memory_space<vmem>>[vector<16xi32>], vector<16xf32>,
        %add3A_4374 = arith.constant 1.00000095 : f32
        %add3A_4375 = vector.broadcast %add3A_4374 : f32 to vector<16xf32>
        %add3A_4376 = arith.addf %gather3A_4373, %add3A_4375 : vector<16xf32>
        %mul3A_4377 = arith.constant 1.450000e+01 : f32
        %mul3A_4378 = vector.broadcast %mul3A_4377 : f32 to vector<16xf32>
        %mul3A_4379 = arith.mulf %add3A_4376, %mul3A_4378 : vector<16xf32>
        %convert_element_type3A_4380 = arith.fptosi %mul3A_4379 : vector<16xf32> to vector<16xi32>
        %add3A_4381 = arith.addi %mul3A_6, %convert_element_type3A_4380 : vector<16xi32>
        tpu.vector_store_idx %arg10[%add3A_4381], %broadcast_in_dim3A_7 masked %ne3A_91 {add = true} : memref<512xf32, #tpu.memory_space<vmem>>[vector<16xi32>], vector<16xf32>, vector<16xi1>
        %add3A_4382 = arith.constant 2 : i32
        %add3A_4383 = vector.broadcast %add3A_4382 : i32 to vector<16xi32>
        %add3A_4384 = arith.addi %add3A_4358, %add3A_4383 : vector<16xi32>
        %gather3A_4385 = tpu.vector_load_idx %arg6[%add3A_4384] : memref<65536xf32, #tpu.memory_space<vmem>>[vector<16xi32>], vector<16xf32>,
        %add3A_4386 = arith.constant 1.00000095 : f32
        %add3A_4387 = vector.broadcast %add3A_4386 : f32 to vector<16xf32>
        %add3A_4388 = arith.addf %gather3A_4385, %add3A_4387 : vector<16xf32>
        %mul3A_4389 = arith.constant 1.450000e+01 : f32
        %mul3A_4390 = vector.broadcast %mul3A_4389 : f32 to vector<16xf32>
        %mul3A_4391 = arith.mulf %add3A_4388, %mul3A_4390 : vector<16xf32>
        %convert_element_type3A_4392 = arith.fptosi %mul3A_4391 : vector<16xf32> to vector<16xi32>
        %add3A_4393 = arith.addi %mul3A_6, %convert_element_type3A_4392 : vector<16xi32>
        tpu.vector_store_idx %arg10[%add3A_4393], %broadcast_in_dim3A_7 masked %ne3A_91 {add = true} : memref<512xf32, #tpu.memory_space<vmem>>[vector<16xi32>], vector<16xf32>, vector<16xi1>
        %add3A_4394 = arith.constant 3 : i32
        %add3A_4395 = vector.broadcast %add3A_4394 : i32 to vector<16xi32>
        %add3A_4396 = arith.addi %add3A_4358, %add3A_4395 : vector<16xi32>
        %gather3A_4397 = tpu.vector_load_idx %arg6[%add3A_4396] : memref<65536xf32, #tpu.memory_space<vmem>>[vector<16xi32>], vector<16xf32>,
        %add3A_4398 = arith.constant 1.00000095 : f32
        %add3A_4399 = vector.broadcast %add3A_4398 : f32 to vector<16xf32>
        %add3A_4400 = arith.addf %gather3A_4397, %add3A_4399 : vector<16xf32>
        %mul3A_4401 = arith.constant 1.450000e+01 : f32
        %mul3A_4402 = vector.broadcast %mul3A_4401 : f32 to vector<16xf32>
        %mul3A_4403 = arith.mulf %add3A_4400, %mul3A_4402 : vector<16xf32>
        %convert_element_type3A_4404 = arith.fptosi %mul3A_4403 : vector<16xf32> to vector<16xi32>
        %add3A_4405 = arith.addi %mul3A_6, %convert_element_type3A_4404 : vector<16xi32>
        tpu.vector_store_idx %arg10[%add3A_4405], %broadcast_in_dim3A_7 masked %ne3A_91 {add = true} : memref<512xf32, #tpu.memory_space<vmem>>[vector<16xi32>], vector<16xf32>, vector<16xi1>
        %add3A_4406 = arith.constant 4 : i32
        %add3A_4407 = vector.broadcast %add3A_4406 : i32 to vector<16xi32>
        %add3A_4408 = arith.addi %add3A_4358, %add3A_4407 : vector<16xi32>
        %gather3A_4409 = tpu.vector_load_idx %arg6[%add3A_4408] : memref<65536xf32, #tpu.memory_space<vmem>>[vector<16xi32>], vector<16xf32>,
        %add3A_4410 = arith.constant 1.00000095 : f32
        %add3A_4411 = vector.broadcast %add3A_4410 : f32 to vector<16xf32>
        %add3A_4412 = arith.addf %gather3A_4409, %add3A_4411 : vector<16xf32>
        %mul3A_4413 = arith.constant 1.450000e+01 : f32
        %mul3A_4414 = vector.broadcast %mul3A_4413 : f32 to vector<16xf32>
        %mul3A_4415 = arith.mulf %add3A_4412, %mul3A_4414 : vector<16xf32>
        %convert_element_type3A_4416 = arith.fptosi %mul3A_4415 : vector<16xf32> to vector<16xi32>
        %add3A_4417 = arith.addi %mul3A_6, %convert_element_type3A_4416 : vector<16xi32>
        tpu.vector_store_idx %arg10[%add3A_4417], %broadcast_in_dim3A_7 masked %ne3A_91 {add = true} : memref<512xf32, #tpu.memory_space<vmem>>[vector<16xi32>], vector<16xf32>, vector<16xi1>
        %add3A_4418 = arith.constant 5 : i32
        %add3A_4419 = vector.broadcast %add3A_4418 : i32 to vector<16xi32>
        %add3A_4420 = arith.addi %add3A_4358, %add3A_4419 : vector<16xi32>
        %gather3A_4421 = tpu.vector_load_idx %arg6[%add3A_4420] : memref<65536xf32, #tpu.memory_space<vmem>>[vector<16xi32>], vector<16xf32>,
        %add3A_4422 = arith.constant 1.00000095 : f32
        %add3A_4423 = vector.broadcast %add3A_4422 : f32 to vector<16xf32>
        %add3A_4424 = arith.addf %gather3A_4421, %add3A_4423 : vector<16xf32>
        %mul3A_4425 = arith.constant 1.450000e+01 : f32
        %mul3A_4426 = vector.broadcast %mul3A_4425 : f32 to vector<16xf32>
        %mul3A_4427 = arith.mulf %add3A_4424, %mul3A_4426 : vector<16xf32>
        %convert_element_type3A_4428 = arith.fptosi %mul3A_4427 : vector<16xf32> to vector<16xi32>
        %add3A_4429 = arith.addi %mul3A_6, %convert_element_type3A_4428 : vector<16xi32>
        tpu.vector_store_idx %arg10[%add3A_4429], %broadcast_in_dim3A_7 masked %ne3A_91 {add = true} : memref<512xf32, #tpu.memory_space<vmem>>[vector<16xi32>], vector<16xf32>, vector<16xi1>
        %add3A_4430 = arith.constant 6 : i32
        %add3A_4431 = vector.broadcast %add3A_4430 : i32 to vector<16xi32>
        %add3A_4432 = arith.addi %add3A_4358, %add3A_4431 : vector<16xi32>
        %gather3A_4433 = tpu.vector_load_idx %arg6[%add3A_4432] : memref<65536xf32, #tpu.memory_space<vmem>>[vector<16xi32>], vector<16xf32>,
        %add3A_4434 = arith.constant 1.00000095 : f32
        %add3A_4435 = vector.broadcast %add3A_4434 : f32 to vector<16xf32>
        %add3A_4436 = arith.addf %gather3A_4433, %add3A_4435 : vector<16xf32>
        %mul3A_4437 = arith.constant 1.450000e+01 : f32
        %mul3A_4438 = vector.broadcast %mul3A_4437 : f32 to vector<16xf32>
        %mul3A_4439 = arith.mulf %add3A_4436, %mul3A_4438 : vector<16xf32>
        %convert_element_type3A_4440 = arith.fptosi %mul3A_4439 : vector<16xf32> to vector<16xi32>
        %add3A_4441 = arith.addi %mul3A_6, %convert_element_type3A_4440 : vector<16xi32>
        tpu.vector_store_idx %arg10[%add3A_4441], %broadcast_in_dim3A_7 masked %ne3A_91 {add = true} : memref<512xf32, #tpu.memory_space<vmem>>[vector<16xi32>], vector<16xf32>, vector<16xi1>
        %add3A_4442 = arith.constant 7 : i32
        %add3A_4443 = vector.broadcast %add3A_4442 : i32 to vector<16xi32>
        %add3A_4444 = arith.addi %add3A_4358, %add3A_4443 : vector<16xi32>
        %gather3A_4445 = tpu.vector_load_idx %arg6[%add3A_4444] : memref<65536xf32, #tpu.memory_space<vmem>>[vector<16xi32>], vector<16xf32>,
        %add3A_4446 = arith.constant 1.00000095 : f32
        %add3A_4447 = vector.broadcast %add3A_4446 : f32 to vector<16xf32>
        %add3A_4448 = arith.addf %gather3A_4445, %add3A_4447 : vector<16xf32>
        %mul3A_4449 = arith.constant 1.450000e+01 : f32
        %mul3A_4450 = vector.broadcast %mul3A_4449 : f32 to vector<16xf32>
        %mul3A_4451 = arith.mulf %add3A_4448, %mul3A_4450 : vector<16xf32>
        %convert_element_type3A_4452 = arith.fptosi %mul3A_4451 : vector<16xf32> to vector<16xi32>
        %add3A_4453 = arith.addi %mul3A_6, %convert_element_type3A_4452 : vector<16xi32>
        tpu.vector_store_idx %arg10[%add3A_4453], %broadcast_in_dim3A_7 masked %ne3A_91 {add = true} : memref<512xf32, #tpu.memory_space<vmem>>[vector<16xi32>], vector<16xf32>, vector<16xi1>
        %add3A_4454 = arith.constant 8 : i32
        %add3A_4455 = vector.broadcast %add3A_4454 : i32 to vector<16xi32>
        %add3A_4456 = arith.addi %add3A_4358, %add3A_4455 : vector<16xi32>
        %gather3A_4457 = tpu.vector_load_idx %arg6[%add3A_4456] : memref<65536xf32, #tpu.memory_space<vmem>>[vector<16xi32>], vector<16xf32>,
        %add3A_4458 = arith.constant 1.00000095 : f32
        %add3A_4459 = vector.broadcast %add3A_4458 : f32 to vector<16xf32>
        %add3A_4460 = arith.addf %gather3A_4457, %add3A_4459 : vector<16xf32>
        %mul3A_4461 = arith.constant 1.450000e+01 : f32
        %mul3A_4462 = vector.broadcast %mul3A_4461 : f32 to vector<16xf32>
        %mul3A_4463 = arith.mulf %add3A_4460, %mul3A_4462 : vector<16xf32>
        %convert_element_type3A_4464 = arith.fptosi %mul3A_4463 : vector<16xf32> to vector<16xi32>
        %add3A_4465 = arith.addi %mul3A_6, %convert_element_type3A_4464 : vector<16xi32>
        tpu.vector_store_idx %arg10[%add3A_4465], %broadcast_in_dim3A_7 masked %ne3A_91 {add = true} : memref<512xf32, #tpu.memory_space<vmem>>[vector<16xi32>], vector<16xf32>, vector<16xi1>
        %add3A_4466 = arith.constant 9 : i32
        %add3A_4467 = vector.broadcast %add3A_4466 : i32 to vector<16xi32>
        %add3A_4468 = arith.addi %add3A_4358, %add3A_4467 : vector<16xi32>
        %gather3A_4469 = tpu.vector_load_idx %arg6[%add3A_4468] : memref<65536xf32, #tpu.memory_space<vmem>>[vector<16xi32>], vector<16xf32>,
        %add3A_4470 = arith.constant 1.00000095 : f32
        %add3A_4471 = vector.broadcast %add3A_4470 : f32 to vector<16xf32>
        %add3A_4472 = arith.addf %gather3A_4469, %add3A_4471 : vector<16xf32>
        %mul3A_4473 = arith.constant 1.450000e+01 : f32
        %mul3A_4474 = vector.broadcast %mul3A_4473 : f32 to vector<16xf32>
        %mul3A_4475 = arith.mulf %add3A_4472, %mul3A_4474 : vector<16xf32>
        %convert_element_type3A_4476 = arith.fptosi %mul3A_4475 : vector<16xf32> to vector<16xi32>
        %add3A_4477 = arith.addi %mul3A_6, %convert_element_type3A_4476 : vector<16xi32>
        tpu.vector_store_idx %arg10[%add3A_4477], %broadcast_in_dim3A_7 masked %ne3A_91 {add = true} : memref<512xf32, #tpu.memory_space<vmem>>[vector<16xi32>], vector<16xf32>, vector<16xi1>
        %add3A_4478 = arith.constant 10 : i32
        %add3A_4479 = vector.broadcast %add3A_4478 : i32 to vector<16xi32>
        %add3A_4480 = arith.addi %add3A_4358, %add3A_4479 : vector<16xi32>
        %gather3A_4481 = tpu.vector_load_idx %arg6[%add3A_4480] : memref<65536xf32, #tpu.memory_space<vmem>>[vector<16xi32>], vector<16xf32>,
        %add3A_4482 = arith.constant 1.00000095 : f32
        %add3A_4483 = vector.broadcast %add3A_4482 : f32 to vector<16xf32>
        %add3A_4484 = arith.addf %gather3A_4481, %add3A_4483 : vector<16xf32>
        %mul3A_4485 = arith.constant 1.450000e+01 : f32
        %mul3A_4486 = vector.broadcast %mul3A_4485 : f32 to vector<16xf32>
        %mul3A_4487 = arith.mulf %add3A_4484, %mul3A_4486 : vector<16xf32>
        %convert_element_type3A_4488 = arith.fptosi %mul3A_4487 : vector<16xf32> to vector<16xi32>
        %add3A_4489 = arith.addi %mul3A_6, %convert_element_type3A_4488 : vector<16xi32>
        tpu.vector_store_idx %arg10[%add3A_4489], %broadcast_in_dim3A_7 masked %ne3A_91 {add = true} : memref<512xf32, #tpu.memory_space<vmem>>[vector<16xi32>], vector<16xf32>, vector<16xi1>
        %add3A_4490 = arith.constant 11 : i32
        %add3A_4491 = vector.broadcast %add3A_4490 : i32 to vector<16xi32>
        %add3A_4492 = arith.addi %add3A_4358, %add3A_4491 : vector<16xi32>
        %gather3A_4493 = tpu.vector_load_idx %arg6[%add3A_4492] : memref<65536xf32, #tpu.memory_space<vmem>>[vector<16xi32>], vector<16xf32>,
        %add3A_4494 = arith.constant 1.00000095 : f32
        %add3A_4495 = vector.broadcast %add3A_4494 : f32 to vector<16xf32>
        %add3A_4496 = arith.addf %gather3A_4493, %add3A_4495 : vector<16xf32>
        %mul3A_4497 = arith.constant 1.450000e+01 : f32
        %mul3A_4498 = vector.broadcast %mul3A_4497 : f32 to vector<16xf32>
        %mul3A_4499 = arith.mulf %add3A_4496, %mul3A_4498 : vector<16xf32>
        %convert_element_type3A_4500 = arith.fptosi %mul3A_4499 : vector<16xf32> to vector<16xi32>
        %add3A_4501 = arith.addi %mul3A_6, %convert_element_type3A_4500 : vector<16xi32>
        tpu.vector_store_idx %arg10[%add3A_4501], %broadcast_in_dim3A_7 masked %ne3A_91 {add = true} : memref<512xf32, #tpu.memory_space<vmem>>[vector<16xi32>], vector<16xf32>, vector<16xi1>
        %add3A_4502 = arith.constant 12 : i32
        %add3A_4503 = vector.broadcast %add3A_4502 : i32 to vector<16xi32>
        %add3A_4504 = arith.addi %add3A_4358, %add3A_4503 : vector<16xi32>
        %gather3A_4505 = tpu.vector_load_idx %arg6[%add3A_4504] : memref<65536xf32, #tpu.memory_space<vmem>>[vector<16xi32>], vector<16xf32>,
        %add3A_4506 = arith.constant 1.00000095 : f32
        %add3A_4507 = vector.broadcast %add3A_4506 : f32 to vector<16xf32>
        %add3A_4508 = arith.addf %gather3A_4505, %add3A_4507 : vector<16xf32>
        %mul3A_4509 = arith.constant 1.450000e+01 : f32
        %mul3A_4510 = vector.broadcast %mul3A_4509 : f32 to vector<16xf32>
        %mul3A_4511 = arith.mulf %add3A_4508, %mul3A_4510 : vector<16xf32>
        %convert_element_type3A_4512 = arith.fptosi %mul3A_4511 : vector<16xf32> to vector<16xi32>
        %add3A_4513 = arith.addi %mul3A_6, %convert_element_type3A_4512 : vector<16xi32>
        tpu.vector_store_idx %arg10[%add3A_4513], %broadcast_in_dim3A_7 masked %ne3A_91 {add = true} : memref<512xf32, #tpu.memory_space<vmem>>[vector<16xi32>], vector<16xf32>, vector<16xi1>
        %add3A_4514 = arith.constant 13 : i32
        %add3A_4515 = vector.broadcast %add3A_4514 : i32 to vector<16xi32>
        %add3A_4516 = arith.addi %add3A_4358, %add3A_4515 : vector<16xi32>
        %gather3A_4517 = tpu.vector_load_idx %arg6[%add3A_4516] : memref<65536xf32, #tpu.memory_space<vmem>>[vector<16xi32>], vector<16xf32>,
        %add3A_4518 = arith.constant 1.00000095 : f32
        %add3A_4519 = vector.broadcast %add3A_4518 : f32 to vector<16xf32>
        %add3A_4520 = arith.addf %gather3A_4517, %add3A_4519 : vector<16xf32>
        %mul3A_4521 = arith.constant 1.450000e+01 : f32
        %mul3A_4522 = vector.broadcast %mul3A_4521 : f32 to vector<16xf32>
        %mul3A_4523 = arith.mulf %add3A_4520, %mul3A_4522 : vector<16xf32>
        %convert_element_type3A_4524 = arith.fptosi %mul3A_4523 : vector<16xf32> to vector<16xi32>
        %add3A_4525 = arith.addi %mul3A_6, %convert_element_type3A_4524 : vector<16xi32>
        tpu.vector_store_idx %arg10[%add3A_4525], %broadcast_in_dim3A_7 masked %ne3A_91 {add = true} : memref<512xf32, #tpu.memory_space<vmem>>[vector<16xi32>], vector<16xf32>, vector<16xi1>
        %add3A_4526 = arith.constant 14 : i32
        %add3A_4527 = vector.broadcast %add3A_4526 : i32 to vector<16xi32>
        %add3A_4528 = arith.addi %add3A_4358, %add3A_4527 : vector<16xi32>
        %gather3A_4529 = tpu.vector_load_idx %arg6[%add3A_4528] : memref<65536xf32, #tpu.memory_space<vmem>>[vector<16xi32>], vector<16xf32>,
        %add3A_4530 = arith.constant 1.00000095 : f32
        %add3A_4531 = vector.broadcast %add3A_4530 : f32 to vector<16xf32>
        %add3A_4532 = arith.addf %gather3A_4529, %add3A_4531 : vector<16xf32>
        %mul3A_4533 = arith.constant 1.450000e+01 : f32
        %mul3A_4534 = vector.broadcast %mul3A_4533 : f32 to vector<16xf32>
        %mul3A_4535 = arith.mulf %add3A_4532, %mul3A_4534 : vector<16xf32>
        %convert_element_type3A_4536 = arith.fptosi %mul3A_4535 : vector<16xf32> to vector<16xi32>
        %add3A_4537 = arith.addi %mul3A_6, %convert_element_type3A_4536 : vector<16xi32>
        tpu.vector_store_idx %arg10[%add3A_4537], %broadcast_in_dim3A_7 masked %ne3A_91 {add = true} : memref<512xf32, #tpu.memory_space<vmem>>[vector<16xi32>], vector<16xf32>, vector<16xi1>
        %add3A_4538 = arith.constant 15 : i32
        %add3A_4539 = vector.broadcast %add3A_4538 : i32 to vector<16xi32>
        %add3A_4540 = arith.addi %add3A_4358, %add3A_4539 : vector<16xi32>
        %gather3A_4541 = tpu.vector_load_idx %arg6[%add3A_4540] : memref<65536xf32, #tpu.memory_space<vmem>>[vector<16xi32>], vector<16xf32>,
        %add3A_4542 = arith.constant 1.00000095 : f32
        %add3A_4543 = vector.broadcast %add3A_4542 : f32 to vector<16xf32>
        %add3A_4544 = arith.addf %gather3A_4541, %add3A_4543 : vector<16xf32>
        %mul3A_4545 = arith.constant 1.450000e+01 : f32
        %mul3A_4546 = vector.broadcast %mul3A_4545 : f32 to vector<16xf32>
        %mul3A_4547 = arith.mulf %add3A_4544, %mul3A_4546 : vector<16xf32>
        %convert_element_type3A_4548 = arith.fptosi %mul3A_4547 : vector<16xf32> to vector<16xi32>
        %add3A_4549 = arith.addi %mul3A_6, %convert_element_type3A_4548 : vector<16xi32>
        tpu.vector_store_idx %arg10[%add3A_4549], %broadcast_in_dim3A_7 masked %ne3A_91 {add = true} : memref<512xf32, #tpu.memory_space<vmem>>[vector<16xi32>], vector<16xf32>, vector<16xi1>
      }
      %scan3A_165 = arith.constant 128 : i32
      %while3A = arith.constant 0 : i32
      %while3A_166 = arith.constant 0 : i32
      %while3A_167 = arith.subi %select_n3A_93, %while3A_166 : i32
      %while3A_168 = arith.addi %while3A_166, %while3A_167 : i32
      %while3A_169 = arith.constant 1 : i32
      %while3A_170 = arith.divsi %while3A_167, %while3A_169 : i32
      %while3A_171 = arith.muli %while3A_170, %while3A_169 : i32
      %while3A_172 = arith.addi %while3A_166, %while3A_171 : i32
      %while3A_173 = arith.constant 1 : i32
      scf.for %while3A_4354 = %while3A_166 to %while3A_172 step %while3A_173  : i32 {
        %mul3A_4355 = arith.constant 2064 : i32
        %mul3A_4356 = arith.muli %select_n3A, %mul3A_4355 : i32
        %broadcast_in_dim3A_4357 = vector.broadcast %mul3A_4356 : i32 to vector<16xi32>
        %add3A_4358 = vector.broadcast %while3A_4354 : i32 to vector<16xi32>
        %add3A_4359 = arith.addi %broadcast_in_dim3A_4357, %add3A_4358 : vector<16xi32>
        %gather3A = tpu.vector_load_idx %arg9[%add3A_4359] : memref<4128xi32, #tpu.memory_space<vmem>>[vector<16xi32>], vector<16xi32>,
        %add3A_4360 = arith.addi %add3A_159, %gather3A : vector<16xi32>
        %gather3A_4361 = tpu.vector_load_idx %arg6[%add3A_4360] : memref<65536xf32, #tpu.memory_space<vmem>>[vector<16xi32>], vector<16xf32>,
        %add3A_4362 = arith.constant 1.00000095 : f32
        %add3A_4363 = vector.broadcast %add3A_4362 : f32 to vector<16xf32>
        %add3A_4364 = arith.addf %gather3A_4361, %add3A_4363 : vector<16xf32>
        %mul3A_4365 = arith.constant 1.450000e+01 : f32
        %mul3A_4366 = vector.broadcast %mul3A_4365 : f32 to vector<16xf32>
        %mul3A_4367 = arith.mulf %add3A_4364, %mul3A_4366 : vector<16xf32>
        %convert_element_type3A_4368 = arith.fptosi %mul3A_4367 : vector<16xf32> to vector<16xi32>
        %add3A_4369 = arith.addi %mul3A_6, %convert_element_type3A_4368 : vector<16xi32>
        tpu.vector_store_idx %arg10[%add3A_4369], %neg3A_9 masked %ne3A_91 {add = true} : memref<512xf32, #tpu.memory_space<vmem>>[vector<16xi32>], vector<16xf32>, vector<16xi1>
      }
      %while3A_174 = arith.constant 1 : i32
      scf.for %while3A_4354 = %while3A_172 to %while3A_168 step %while3A_174  : i32 {
        %mul3A_4355 = arith.constant 2064 : i32
        %mul3A_4356 = arith.muli %select_n3A, %mul3A_4355 : i32
        %broadcast_in_dim3A_4357 = vector.broadcast %mul3A_4356 : i32 to vector<16xi32>
        %add3A_4358 = vector.broadcast %while3A_4354 : i32 to vector<16xi32>
        %add3A_4359 = arith.addi %broadcast_in_dim3A_4357, %add3A_4358 : vector<16xi32>
        %gather3A = tpu.vector_load_idx %arg9[%add3A_4359] : memref<4128xi32, #tpu.memory_space<vmem>>[vector<16xi32>], vector<16xi32>,
        %add3A_4360 = arith.addi %add3A_159, %gather3A : vector<16xi32>
        %gather3A_4361 = tpu.vector_load_idx %arg6[%add3A_4360] : memref<65536xf32, #tpu.memory_space<vmem>>[vector<16xi32>], vector<16xf32>,
        %add3A_4362 = arith.constant 1.00000095 : f32
        %add3A_4363 = vector.broadcast %add3A_4362 : f32 to vector<16xf32>
        %add3A_4364 = arith.addf %gather3A_4361, %add3A_4363 : vector<16xf32>
        %mul3A_4365 = arith.constant 1.450000e+01 : f32
        %mul3A_4366 = vector.broadcast %mul3A_4365 : f32 to vector<16xf32>
        %mul3A_4367 = arith.mulf %add3A_4364, %mul3A_4366 : vector<16xf32>
        %convert_element_type3A_4368 = arith.fptosi %mul3A_4367 : vector<16xf32> to vector<16xi32>
        %add3A_4369 = arith.addi %mul3A_6, %convert_element_type3A_4368 : vector<16xi32>
        tpu.vector_store_idx %arg10[%add3A_4369], %neg3A_9 masked %ne3A_91 {add = true} : memref<512xf32, #tpu.memory_space<vmem>>[vector<16xi32>], vector<16xf32>, vector<16xi1>
      }
      %get3A_175 = arith.constant 0 : index
      %get3A_176 = tpu.vector_load %arg10[%get3A_175] {strides = array<i32>} : memref<512xf32, #tpu.memory_space<vmem>>, vector<16xf32>,
      %add3A_177 = arith.constant 9.99999974E-6 : f32
      %add3A_178 = vector.broadcast %add3A_177 : f32 to vector<16xf32>
      %add3A_179 = arith.addf %get3A_176, %add3A_178 : vector<16xf32>
      %bitcast_convert_type3A = tpu.bitcast %add3A_179 : vector<16xf32> -> vector<16xi32>
      %shift_right_logical3A = arith.constant 23 : i32
      %shift_right_logical3A_180 = vector.broadcast %shift_right_logical3A : i32 to vector<16xi32>
      %shift_right_logical3A_181 = arith.shrui %bitcast_convert_type3A, %shift_right_logical3A_180 : vector<16xi32>
      %sub3A_182 = arith.constant 127 : i32
      %sub3A_183 = vector.broadcast %sub3A_182 : i32 to vector<16xi32>
      %sub3A_184 = arith.subi %shift_right_logical3A_181, %sub3A_183 : vector<16xi32>
      %and3A_185 = arith.constant 8388607 : i32
      %and3A_186 = vector.broadcast %and3A_185 : i32 to vector<16xi32>
      %and3A_187 = arith.andi %bitcast_convert_type3A, %and3A_186 : vector<16xi32>
      %or3A = arith.constant 1065353216 : i32
      %or3A_188 = vector.broadcast %or3A : i32 to vector<16xi32>
      %or3A_189 = arith.ori %and3A_187, %or3A_188 : vector<16xi32>
      %bitcast_convert_type3A_190 = tpu.bitcast %or3A_189 : vector<16xi32> -> vector<16xf32>
      %gt3A = arith.constant 1.41421354 : f32
      %gt3A_191 = vector.broadcast %gt3A : f32 to vector<16xf32>
      %gt3A_192 = arith.cmpf ogt, %bitcast_convert_type3A_190, %gt3A_191 : vector<16xf32>
      %mul3A_193 = arith.constant 5.000000e-01 : f32
      %mul3A_194 = vector.broadcast %mul3A_193 : f32 to vector<16xf32>
      %mul3A_195 = arith.mulf %bitcast_convert_type3A_190, %mul3A_194 : vector<16xf32>
      %select_n3A_196 = arith.select %gt3A_192, %mul3A_195, %bitcast_convert_type3A_190 : vector<16xi1>, vector<16xf32>
      %add3A_197 = arith.constant 1 : i32
      %add3A_198 = vector.broadcast %add3A_197 : i32 to vector<16xi32>
      %add3A_199 = arith.addi %sub3A_184, %add3A_198 : vector<16xi32>
      %select_n3A_200 = arith.select %gt3A_192, %add3A_199, %sub3A_184 : vector<16xi1>, vector<16xi32>
      %sub3A_201 = arith.constant 1.000000e+00 : f32
      %sub3A_202 = vector.broadcast %sub3A_201 : f32 to vector<16xf32>
      %sub3A_203 = arith.subf %select_n3A_196, %sub3A_202 : vector<16xf32>
      %add3A_204 = arith.constant 1.000000e+00 : f32
      %add3A_205 = vector.broadcast %add3A_204 : f32 to vector<16xf32>
      %add3A_206 = arith.addf %select_n3A_196, %add3A_205 : vector<16xf32>
      %div3A_207 = arith.divf %sub3A_203, %add3A_206 : vector<16xf32>
      %mul3A_208 = arith.mulf %div3A_207, %div3A_207 : vector<16xf32>
      %mul3A_209 = arith.constant 0.142857149 : f32
      %mul3A_210 = vector.broadcast %mul3A_209 : f32 to vector<16xf32>
      %mul3A_211 = arith.mulf %mul3A_208, %mul3A_210 : vector<16xf32>
      %add3A_212 = arith.constant 2.000000e-01 : f32
      %add3A_213 = vector.broadcast %add3A_212 : f32 to vector<16xf32>
      %add3A_214 = arith.addf %add3A_213, %mul3A_211 : vector<16xf32>
      %mul3A_215 = arith.mulf %mul3A_208, %add3A_214 : vector<16xf32>
      %add3A_216 = arith.constant 0.333333343 : f32
      %add3A_217 = vector.broadcast %add3A_216 : f32 to vector<16xf32>
      %add3A_218 = arith.addf %add3A_217, %mul3A_215 : vector<16xf32>
      %mul3A_219 = arith.mulf %mul3A_208, %add3A_218 : vector<16xf32>
      %add3A_220 = arith.constant 1.000000e+00 : f32
      %add3A_221 = vector.broadcast %add3A_220 : f32 to vector<16xf32>
      %add3A_222 = arith.addf %add3A_221, %mul3A_219 : vector<16xf32>
      %convert_element_type3A_223 = arith.sitofp %select_n3A_200 : vector<16xi32> to vector<16xf32>
      %mul3A_224 = arith.constant 0.693147182 : f32
      %mul3A_225 = vector.broadcast %mul3A_224 : f32 to vector<16xf32>
      %mul3A_226 = arith.mulf %convert_element_type3A_223, %mul3A_225 : vector<16xf32>
      %mul3A_227 = arith.constant 2.000000e+00 : f32
      %mul3A_228 = vector.broadcast %mul3A_227 : f32 to vector<16xf32>
      %mul3A_229 = arith.mulf %mul3A_228, %div3A_207 : vector<16xf32>
      %mul3A_230 = arith.mulf %mul3A_229, %add3A_222 : vector<16xf32>
      %add3A_231 = arith.addf %mul3A_226, %mul3A_230 : vector<16xf32>
      %swap3A_232 = arith.constant 0 : index
      %swap3A_233 = tpu.vector_load %arg10[%swap3A_232] {strides = array<i32>} : memref<512xf32, #tpu.memory_space<vmem>>, vector<16xf32>,
      tpu.vector_store %arg10[%swap3A_232], %add3A_231 {strides = array<i32>} : memref<512xf32, #tpu.memory_space<vmem>>, vector<16xf32>,
      %get3A_234 = arith.constant 16 : index
      %get3A_235 = tpu.vector_load %arg10[%get3A_234] {strides = array<i32>} : memref<512xf32, #tpu.memory_space<vmem>>, vector<16xf32>,
      %add3A_236 = arith.constant 9.99999974E-6 : f32
      %add3A_237 = vector.broadcast %add3A_236 : f32 to vector<16xf32>
      %add3A_238 = arith.addf %get3A_235, %add3A_237 : vector<16xf32>
      %bitcast_convert_type3A_239 = tpu.bitcast %add3A_238 : vector<16xf32> -> vector<16xi32>
      %shift_right_logical3A_240 = arith.constant 23 : i32
      %shift_right_logical3A_241 = vector.broadcast %shift_right_logical3A_240 : i32 to vector<16xi32>
      %shift_right_logical3A_242 = arith.shrui %bitcast_convert_type3A_239, %shift_right_logical3A_241 : vector<16xi32>
      %sub3A_243 = arith.constant 127 : i32
      %sub3A_244 = vector.broadcast %sub3A_243 : i32 to vector<16xi32>
      %sub3A_245 = arith.subi %shift_right_logical3A_242, %sub3A_244 : vector<16xi32>
      %and3A_246 = arith.constant 8388607 : i32
      %and3A_247 = vector.broadcast %and3A_246 : i32 to vector<16xi32>
      %and3A_248 = arith.andi %bitcast_convert_type3A_239, %and3A_247 : vector<16xi32>
      %or3A_249 = arith.constant 1065353216 : i32
      %or3A_250 = vector.broadcast %or3A_249 : i32 to vector<16xi32>
      %or3A_251 = arith.ori %and3A_248, %or3A_250 : vector<16xi32>
      %bitcast_convert_type3A_252 = tpu.bitcast %or3A_251 : vector<16xi32> -> vector<16xf32>
      %gt3A_253 = arith.constant 1.41421354 : f32
      %gt3A_254 = vector.broadcast %gt3A_253 : f32 to vector<16xf32>
      %gt3A_255 = arith.cmpf ogt, %bitcast_convert_type3A_252, %gt3A_254 : vector<16xf32>
      %mul3A_256 = arith.constant 5.000000e-01 : f32
      %mul3A_257 = vector.broadcast %mul3A_256 : f32 to vector<16xf32>
      %mul3A_258 = arith.mulf %bitcast_convert_type3A_252, %mul3A_257 : vector<16xf32>
      %select_n3A_259 = arith.select %gt3A_255, %mul3A_258, %bitcast_convert_type3A_252 : vector<16xi1>, vector<16xf32>
      %add3A_260 = arith.constant 1 : i32
      %add3A_261 = vector.broadcast %add3A_260 : i32 to vector<16xi32>
      %add3A_262 = arith.addi %sub3A_245, %add3A_261 : vector<16xi32>
      %select_n3A_263 = arith.select %gt3A_255, %add3A_262, %sub3A_245 : vector<16xi1>, vector<16xi32>
      %sub3A_264 = arith.constant 1.000000e+00 : f32
      %sub3A_265 = vector.broadcast %sub3A_264 : f32 to vector<16xf32>
      %sub3A_266 = arith.subf %select_n3A_259, %sub3A_265 : vector<16xf32>
      %add3A_267 = arith.constant 1.000000e+00 : f32
      %add3A_268 = vector.broadcast %add3A_267 : f32 to vector<16xf32>
      %add3A_269 = arith.addf %select_n3A_259, %add3A_268 : vector<16xf32>
      %div3A_270 = arith.divf %sub3A_266, %add3A_269 : vector<16xf32>
      %mul3A_271 = arith.mulf %div3A_270, %div3A_270 : vector<16xf32>
      %mul3A_272 = arith.constant 0.142857149 : f32
      %mul3A_273 = vector.broadcast %mul3A_272 : f32 to vector<16xf32>
      %mul3A_274 = arith.mulf %mul3A_271, %mul3A_273 : vector<16xf32>
      %add3A_275 = arith.constant 2.000000e-01 : f32
      %add3A_276 = vector.broadcast %add3A_275 : f32 to vector<16xf32>
      %add3A_277 = arith.addf %add3A_276, %mul3A_274 : vector<16xf32>
      %mul3A_278 = arith.mulf %mul3A_271, %add3A_277 : vector<16xf32>
      %add3A_279 = arith.constant 0.333333343 : f32
      %add3A_280 = vector.broadcast %add3A_279 : f32 to vector<16xf32>
      %add3A_281 = arith.addf %add3A_280, %mul3A_278 : vector<16xf32>
      %mul3A_282 = arith.mulf %mul3A_271, %add3A_281 : vector<16xf32>
      %add3A_283 = arith.constant 1.000000e+00 : f32
      %add3A_284 = vector.broadcast %add3A_283 : f32 to vector<16xf32>
      %add3A_285 = arith.addf %add3A_284, %mul3A_282 : vector<16xf32>
      %convert_element_type3A_286 = arith.sitofp %select_n3A_263 : vector<16xi32> to vector<16xf32>
      %mul3A_287 = arith.constant 0.693147182 : f32
      %mul3A_288 = vector.broadcast %mul3A_287 : f32 to vector<16xf32>
      %mul3A_289 = arith.mulf %convert_element_type3A_286, %mul3A_288 : vector<16xf32>
      %mul3A_290 = arith.constant 2.000000e+00 : f32
      %mul3A_291 = vector.broadcast %mul3A_290 : f32 to vector<16xf32>
      %mul3A_292 = arith.mulf %mul3A_291, %div3A_270 : vector<16xf32>
      %mul3A_293 = arith.mulf %mul3A_292, %add3A_285 : vector<16xf32>
      %add3A_294 = arith.addf %mul3A_289, %mul3A_293 : vector<16xf32>
      %swap3A_295 = arith.constant 16 : index
      %swap3A_296 = tpu.vector_load %arg10[%swap3A_295] {strides = array<i32>} : memref<512xf32, #tpu.memory_space<vmem>>, vector<16xf32>,
      tpu.vector_store %arg10[%swap3A_295], %add3A_294 {strides = array<i32>} : memref<512xf32, #tpu.memory_space<vmem>>, vector<16xf32>,
      %get3A_297 = arith.constant 32 : index
      %get3A_298 = tpu.vector_load %arg10[%get3A_297] {strides = array<i32>} : memref<512xf32, #tpu.memory_space<vmem>>, vector<16xf32>,
      %add3A_299 = arith.constant 9.99999974E-6 : f32
      %add3A_300 = vector.broadcast %add3A_299 : f32 to vector<16xf32>
      %add3A_301 = arith.addf %get3A_298, %add3A_300 : vector<16xf32>
      %bitcast_convert_type3A_302 = tpu.bitcast %add3A_301 : vector<16xf32> -> vector<16xi32>
      %shift_right_logical3A_303 = arith.constant 23 : i32
      %shift_right_logical3A_304 = vector.broadcast %shift_right_logical3A_303 : i32 to vector<16xi32>
      %shift_right_logical3A_305 = arith.shrui %bitcast_convert_type3A_302, %shift_right_logical3A_304 : vector<16xi32>
      %sub3A_306 = arith.constant 127 : i32
      %sub3A_307 = vector.broadcast %sub3A_306 : i32 to vector<16xi32>
      %sub3A_308 = arith.subi %shift_right_logical3A_305, %sub3A_307 : vector<16xi32>
      %and3A_309 = arith.constant 8388607 : i32
      %and3A_310 = vector.broadcast %and3A_309 : i32 to vector<16xi32>
      %and3A_311 = arith.andi %bitcast_convert_type3A_302, %and3A_310 : vector<16xi32>
      %or3A_312 = arith.constant 1065353216 : i32
      %or3A_313 = vector.broadcast %or3A_312 : i32 to vector<16xi32>
      %or3A_314 = arith.ori %and3A_311, %or3A_313 : vector<16xi32>
      %bitcast_convert_type3A_315 = tpu.bitcast %or3A_314 : vector<16xi32> -> vector<16xf32>
      %gt3A_316 = arith.constant 1.41421354 : f32
      %gt3A_317 = vector.broadcast %gt3A_316 : f32 to vector<16xf32>
      %gt3A_318 = arith.cmpf ogt, %bitcast_convert_type3A_315, %gt3A_317 : vector<16xf32>
      %mul3A_319 = arith.constant 5.000000e-01 : f32
      %mul3A_320 = vector.broadcast %mul3A_319 : f32 to vector<16xf32>
      %mul3A_321 = arith.mulf %bitcast_convert_type3A_315, %mul3A_320 : vector<16xf32>
      %select_n3A_322 = arith.select %gt3A_318, %mul3A_321, %bitcast_convert_type3A_315 : vector<16xi1>, vector<16xf32>
      %add3A_323 = arith.constant 1 : i32
      %add3A_324 = vector.broadcast %add3A_323 : i32 to vector<16xi32>
      %add3A_325 = arith.addi %sub3A_308, %add3A_324 : vector<16xi32>
      %select_n3A_326 = arith.select %gt3A_318, %add3A_325, %sub3A_308 : vector<16xi1>, vector<16xi32>
      %sub3A_327 = arith.constant 1.000000e+00 : f32
      %sub3A_328 = vector.broadcast %sub3A_327 : f32 to vector<16xf32>
      %sub3A_329 = arith.subf %select_n3A_322, %sub3A_328 : vector<16xf32>
      %add3A_330 = arith.constant 1.000000e+00 : f32
      %add3A_331 = vector.broadcast %add3A_330 : f32 to vector<16xf32>
      %add3A_332 = arith.addf %select_n3A_322, %add3A_331 : vector<16xf32>
      %div3A_333 = arith.divf %sub3A_329, %add3A_332 : vector<16xf32>
      %mul3A_334 = arith.mulf %div3A_333, %div3A_333 : vector<16xf32>
      %mul3A_335 = arith.constant 0.142857149 : f32
      %mul3A_336 = vector.broadcast %mul3A_335 : f32 to vector<16xf32>
      %mul3A_337 = arith.mulf %mul3A_334, %mul3A_336 : vector<16xf32>
      %add3A_338 = arith.constant 2.000000e-01 : f32
      %add3A_339 = vector.broadcast %add3A_338 : f32 to vector<16xf32>
      %add3A_340 = arith.addf %add3A_339, %mul3A_337 : vector<16xf32>
      %mul3A_341 = arith.mulf %mul3A_334, %add3A_340 : vector<16xf32>
      %add3A_342 = arith.constant 0.333333343 : f32
      %add3A_343 = vector.broadcast %add3A_342 : f32 to vector<16xf32>
      %add3A_344 = arith.addf %add3A_343, %mul3A_341 : vector<16xf32>
      %mul3A_345 = arith.mulf %mul3A_334, %add3A_344 : vector<16xf32>
      %add3A_346 = arith.constant 1.000000e+00 : f32
      %add3A_347 = vector.broadcast %add3A_346 : f32 to vector<16xf32>
      %add3A_348 = arith.addf %add3A_347, %mul3A_345 : vector<16xf32>
      %convert_element_type3A_349 = arith.sitofp %select_n3A_326 : vector<16xi32> to vector<16xf32>
      %mul3A_350 = arith.constant 0.693147182 : f32
      %mul3A_351 = vector.broadcast %mul3A_350 : f32 to vector<16xf32>
      %mul3A_352 = arith.mulf %convert_element_type3A_349, %mul3A_351 : vector<16xf32>
      %mul3A_353 = arith.constant 2.000000e+00 : f32
      %mul3A_354 = vector.broadcast %mul3A_353 : f32 to vector<16xf32>
      %mul3A_355 = arith.mulf %mul3A_354, %div3A_333 : vector<16xf32>
      %mul3A_356 = arith.mulf %mul3A_355, %add3A_348 : vector<16xf32>
      %add3A_357 = arith.addf %mul3A_352, %mul3A_356 : vector<16xf32>
      %swap3A_358 = arith.constant 32 : index
      %swap3A_359 = tpu.vector_load %arg10[%swap3A_358] {strides = array<i32>} : memref<512xf32, #tpu.memory_space<vmem>>, vector<16xf32>,
      tpu.vector_store %arg10[%swap3A_358], %add3A_357 {strides = array<i32>} : memref<512xf32, #tpu.memory_space<vmem>>, vector<16xf32>,
      %get3A_360 = arith.constant 48 : index
      %get3A_361 = tpu.vector_load %arg10[%get3A_360] {strides = array<i32>} : memref<512xf32, #tpu.memory_space<vmem>>, vector<16xf32>,
      %add3A_362 = arith.constant 9.99999974E-6 : f32
      %add3A_363 = vector.broadcast %add3A_362 : f32 to vector<16xf32>
      %add3A_364 = arith.addf %get3A_361, %add3A_363 : vector<16xf32>
      %bitcast_convert_type3A_365 = tpu.bitcast %add3A_364 : vector<16xf32> -> vector<16xi32>
      %shift_right_logical3A_366 = arith.constant 23 : i32
      %shift_right_logical3A_367 = vector.broadcast %shift_right_logical3A_366 : i32 to vector<16xi32>
      %shift_right_logical3A_368 = arith.shrui %bitcast_convert_type3A_365, %shift_right_logical3A_367 : vector<16xi32>
      %sub3A_369 = arith.constant 127 : i32
      %sub3A_370 = vector.broadcast %sub3A_369 : i32 to vector<16xi32>
      %sub3A_371 = arith.subi %shift_right_logical3A_368, %sub3A_370 : vector<16xi32>
      %and3A_372 = arith.constant 8388607 : i32
      %and3A_373 = vector.broadcast %and3A_372 : i32 to vector<16xi32>
      %and3A_374 = arith.andi %bitcast_convert_type3A_365, %and3A_373 : vector<16xi32>
      %or3A_375 = arith.constant 1065353216 : i32
      %or3A_376 = vector.broadcast %or3A_375 : i32 to vector<16xi32>
      %or3A_377 = arith.ori %and3A_374, %or3A_376 : vector<16xi32>
      %bitcast_convert_type3A_378 = tpu.bitcast %or3A_377 : vector<16xi32> -> vector<16xf32>
      %gt3A_379 = arith.constant 1.41421354 : f32
      %gt3A_380 = vector.broadcast %gt3A_379 : f32 to vector<16xf32>
      %gt3A_381 = arith.cmpf ogt, %bitcast_convert_type3A_378, %gt3A_380 : vector<16xf32>
      %mul3A_382 = arith.constant 5.000000e-01 : f32
      %mul3A_383 = vector.broadcast %mul3A_382 : f32 to vector<16xf32>
      %mul3A_384 = arith.mulf %bitcast_convert_type3A_378, %mul3A_383 : vector<16xf32>
      %select_n3A_385 = arith.select %gt3A_381, %mul3A_384, %bitcast_convert_type3A_378 : vector<16xi1>, vector<16xf32>
      %add3A_386 = arith.constant 1 : i32
      %add3A_387 = vector.broadcast %add3A_386 : i32 to vector<16xi32>
      %add3A_388 = arith.addi %sub3A_371, %add3A_387 : vector<16xi32>
      %select_n3A_389 = arith.select %gt3A_381, %add3A_388, %sub3A_371 : vector<16xi1>, vector<16xi32>
      %sub3A_390 = arith.constant 1.000000e+00 : f32
      %sub3A_391 = vector.broadcast %sub3A_390 : f32 to vector<16xf32>
      %sub3A_392 = arith.subf %select_n3A_385, %sub3A_391 : vector<16xf32>
      %add3A_393 = arith.constant 1.000000e+00 : f32
      %add3A_394 = vector.broadcast %add3A_393 : f32 to vector<16xf32>
      %add3A_395 = arith.addf %select_n3A_385, %add3A_394 : vector<16xf32>
      %div3A_396 = arith.divf %sub3A_392, %add3A_395 : vector<16xf32>
      %mul3A_397 = arith.mulf %div3A_396, %div3A_396 : vector<16xf32>
      %mul3A_398 = arith.constant 0.142857149 : f32
      %mul3A_399 = vector.broadcast %mul3A_398 : f32 to vector<16xf32>
      %mul3A_400 = arith.mulf %mul3A_397, %mul3A_399 : vector<16xf32>
      %add3A_401 = arith.constant 2.000000e-01 : f32
      %add3A_402 = vector.broadcast %add3A_401 : f32 to vector<16xf32>
      %add3A_403 = arith.addf %add3A_402, %mul3A_400 : vector<16xf32>
      %mul3A_404 = arith.mulf %mul3A_397, %add3A_403 : vector<16xf32>
      %add3A_405 = arith.constant 0.333333343 : f32
      %add3A_406 = vector.broadcast %add3A_405 : f32 to vector<16xf32>
      %add3A_407 = arith.addf %add3A_406, %mul3A_404 : vector<16xf32>
      %mul3A_408 = arith.mulf %mul3A_397, %add3A_407 : vector<16xf32>
      %add3A_409 = arith.constant 1.000000e+00 : f32
      %add3A_410 = vector.broadcast %add3A_409 : f32 to vector<16xf32>
      %add3A_411 = arith.addf %add3A_410, %mul3A_408 : vector<16xf32>
      %convert_element_type3A_412 = arith.sitofp %select_n3A_389 : vector<16xi32> to vector<16xf32>
      %mul3A_413 = arith.constant 0.693147182 : f32
      %mul3A_414 = vector.broadcast %mul3A_413 : f32 to vector<16xf32>
      %mul3A_415 = arith.mulf %convert_element_type3A_412, %mul3A_414 : vector<16xf32>
      %mul3A_416 = arith.constant 2.000000e+00 : f32
      %mul3A_417 = vector.broadcast %mul3A_416 : f32 to vector<16xf32>
      %mul3A_418 = arith.mulf %mul3A_417, %div3A_396 : vector<16xf32>
      %mul3A_419 = arith.mulf %mul3A_418, %add3A_411 : vector<16xf32>
      %add3A_420 = arith.addf %mul3A_415, %mul3A_419 : vector<16xf32>
      %swap3A_421 = arith.constant 48 : index
      %swap3A_422 = tpu.vector_load %arg10[%swap3A_421] {strides = array<i32>} : memref<512xf32, #tpu.memory_space<vmem>>, vector<16xf32>,
      tpu.vector_store %arg10[%swap3A_421], %add3A_420 {strides = array<i32>} : memref<512xf32, #tpu.memory_space<vmem>>, vector<16xf32>,
      %get3A_423 = arith.constant 64 : index
      %get3A_424 = tpu.vector_load %arg10[%get3A_423] {strides = array<i32>} : memref<512xf32, #tpu.memory_space<vmem>>, vector<16xf32>,
      %add3A_425 = arith.constant 9.99999974E-6 : f32
      %add3A_426 = vector.broadcast %add3A_425 : f32 to vector<16xf32>
      %add3A_427 = arith.addf %get3A_424, %add3A_426 : vector<16xf32>
      %bitcast_convert_type3A_428 = tpu.bitcast %add3A_427 : vector<16xf32> -> vector<16xi32>
      %shift_right_logical3A_429 = arith.constant 23 : i32
      %shift_right_logical3A_430 = vector.broadcast %shift_right_logical3A_429 : i32 to vector<16xi32>
      %shift_right_logical3A_431 = arith.shrui %bitcast_convert_type3A_428, %shift_right_logical3A_430 : vector<16xi32>
      %sub3A_432 = arith.constant 127 : i32
      %sub3A_433 = vector.broadcast %sub3A_432 : i32 to vector<16xi32>
      %sub3A_434 = arith.subi %shift_right_logical3A_431, %sub3A_433 : vector<16xi32>
      %and3A_435 = arith.constant 8388607 : i32
      %and3A_436 = vector.broadcast %and3A_435 : i32 to vector<16xi32>
      %and3A_437 = arith.andi %bitcast_convert_type3A_428, %and3A_436 : vector<16xi32>
      %or3A_438 = arith.constant 1065353216 : i32
      %or3A_439 = vector.broadcast %or3A_438 : i32 to vector<16xi32>
      %or3A_440 = arith.ori %and3A_437, %or3A_439 : vector<16xi32>
      %bitcast_convert_type3A_441 = tpu.bitcast %or3A_440 : vector<16xi32> -> vector<16xf32>
      %gt3A_442 = arith.constant 1.41421354 : f32
      %gt3A_443 = vector.broadcast %gt3A_442 : f32 to vector<16xf32>
      %gt3A_444 = arith.cmpf ogt, %bitcast_convert_type3A_441, %gt3A_443 : vector<16xf32>
      %mul3A_445 = arith.constant 5.000000e-01 : f32
      %mul3A_446 = vector.broadcast %mul3A_445 : f32 to vector<16xf32>
      %mul3A_447 = arith.mulf %bitcast_convert_type3A_441, %mul3A_446 : vector<16xf32>
      %select_n3A_448 = arith.select %gt3A_444, %mul3A_447, %bitcast_convert_type3A_441 : vector<16xi1>, vector<16xf32>
      %add3A_449 = arith.constant 1 : i32
      %add3A_450 = vector.broadcast %add3A_449 : i32 to vector<16xi32>
      %add3A_451 = arith.addi %sub3A_434, %add3A_450 : vector<16xi32>
      %select_n3A_452 = arith.select %gt3A_444, %add3A_451, %sub3A_434 : vector<16xi1>, vector<16xi32>
      %sub3A_453 = arith.constant 1.000000e+00 : f32
      %sub3A_454 = vector.broadcast %sub3A_453 : f32 to vector<16xf32>
      %sub3A_455 = arith.subf %select_n3A_448, %sub3A_454 : vector<16xf32>
      %add3A_456 = arith.constant 1.000000e+00 : f32
      %add3A_457 = vector.broadcast %add3A_456 : f32 to vector<16xf32>
      %add3A_458 = arith.addf %select_n3A_448, %add3A_457 : vector<16xf32>
      %div3A_459 = arith.divf %sub3A_455, %add3A_458 : vector<16xf32>
      %mul3A_460 = arith.mulf %div3A_459, %div3A_459 : vector<16xf32>
      %mul3A_461 = arith.constant 0.142857149 : f32
      %mul3A_462 = vector.broadcast %mul3A_461 : f32 to vector<16xf32>
      %mul3A_463 = arith.mulf %mul3A_460, %mul3A_462 : vector<16xf32>
      %add3A_464 = arith.constant 2.000000e-01 : f32
      %add3A_465 = vector.broadcast %add3A_464 : f32 to vector<16xf32>
      %add3A_466 = arith.addf %add3A_465, %mul3A_463 : vector<16xf32>
      %mul3A_467 = arith.mulf %mul3A_460, %add3A_466 : vector<16xf32>
      %add3A_468 = arith.constant 0.333333343 : f32
      %add3A_469 = vector.broadcast %add3A_468 : f32 to vector<16xf32>
      %add3A_470 = arith.addf %add3A_469, %mul3A_467 : vector<16xf32>
      %mul3A_471 = arith.mulf %mul3A_460, %add3A_470 : vector<16xf32>
      %add3A_472 = arith.constant 1.000000e+00 : f32
      %add3A_473 = vector.broadcast %add3A_472 : f32 to vector<16xf32>
      %add3A_474 = arith.addf %add3A_473, %mul3A_471 : vector<16xf32>
      %convert_element_type3A_475 = arith.sitofp %select_n3A_452 : vector<16xi32> to vector<16xf32>
      %mul3A_476 = arith.constant 0.693147182 : f32
      %mul3A_477 = vector.broadcast %mul3A_476 : f32 to vector<16xf32>
      %mul3A_478 = arith.mulf %convert_element_type3A_475, %mul3A_477 : vector<16xf32>
      %mul3A_479 = arith.constant 2.000000e+00 : f32
      %mul3A_480 = vector.broadcast %mul3A_479 : f32 to vector<16xf32>
      %mul3A_481 = arith.mulf %mul3A_480, %div3A_459 : vector<16xf32>
      %mul3A_482 = arith.mulf %mul3A_481, %add3A_474 : vector<16xf32>
      %add3A_483 = arith.addf %mul3A_478, %mul3A_482 : vector<16xf32>
      %swap3A_484 = arith.constant 64 : index
      %swap3A_485 = tpu.vector_load %arg10[%swap3A_484] {strides = array<i32>} : memref<512xf32, #tpu.memory_space<vmem>>, vector<16xf32>,
      tpu.vector_store %arg10[%swap3A_484], %add3A_483 {strides = array<i32>} : memref<512xf32, #tpu.memory_space<vmem>>, vector<16xf32>,
      %get3A_486 = arith.constant 80 : index
      %get3A_487 = tpu.vector_load %arg10[%get3A_486] {strides = array<i32>} : memref<512xf32, #tpu.memory_space<vmem>>, vector<16xf32>,
      %add3A_488 = arith.constant 9.99999974E-6 : f32
      %add3A_489 = vector.broadcast %add3A_488 : f32 to vector<16xf32>
      %add3A_490 = arith.addf %get3A_487, %add3A_489 : vector<16xf32>
      %bitcast_convert_type3A_491 = tpu.bitcast %add3A_490 : vector<16xf32> -> vector<16xi32>
      %shift_right_logical3A_492 = arith.constant 23 : i32
      %shift_right_logical3A_493 = vector.broadcast %shift_right_logical3A_492 : i32 to vector<16xi32>
      %shift_right_logical3A_494 = arith.shrui %bitcast_convert_type3A_491, %shift_right_logical3A_493 : vector<16xi32>
      %sub3A_495 = arith.constant 127 : i32
      %sub3A_496 = vector.broadcast %sub3A_495 : i32 to vector<16xi32>
      %sub3A_497 = arith.subi %shift_right_logical3A_494, %sub3A_496 : vector<16xi32>
      %and3A_498 = arith.constant 8388607 : i32
      %and3A_499 = vector.broadcast %and3A_498 : i32 to vector<16xi32>
      %and3A_500 = arith.andi %bitcast_convert_type3A_491, %and3A_499 : vector<16xi32>
      %or3A_501 = arith.constant 1065353216 : i32
      %or3A_502 = vector.broadcast %or3A_501 : i32 to vector<16xi32>
      %or3A_503 = arith.ori %and3A_500, %or3A_502 : vector<16xi32>
      %bitcast_convert_type3A_504 = tpu.bitcast %or3A_503 : vector<16xi32> -> vector<16xf32>
      %gt3A_505 = arith.constant 1.41421354 : f32
      %gt3A_506 = vector.broadcast %gt3A_505 : f32 to vector<16xf32>
      %gt3A_507 = arith.cmpf ogt, %bitcast_convert_type3A_504, %gt3A_506 : vector<16xf32>
      %mul3A_508 = arith.constant 5.000000e-01 : f32
      %mul3A_509 = vector.broadcast %mul3A_508 : f32 to vector<16xf32>
      %mul3A_510 = arith.mulf %bitcast_convert_type3A_504, %mul3A_509 : vector<16xf32>
      %select_n3A_511 = arith.select %gt3A_507, %mul3A_510, %bitcast_convert_type3A_504 : vector<16xi1>, vector<16xf32>
      %add3A_512 = arith.constant 1 : i32
      %add3A_513 = vector.broadcast %add3A_512 : i32 to vector<16xi32>
      %add3A_514 = arith.addi %sub3A_497, %add3A_513 : vector<16xi32>
      %select_n3A_515 = arith.select %gt3A_507, %add3A_514, %sub3A_497 : vector<16xi1>, vector<16xi32>
      %sub3A_516 = arith.constant 1.000000e+00 : f32
      %sub3A_517 = vector.broadcast %sub3A_516 : f32 to vector<16xf32>
      %sub3A_518 = arith.subf %select_n3A_511, %sub3A_517 : vector<16xf32>
      %add3A_519 = arith.constant 1.000000e+00 : f32
      %add3A_520 = vector.broadcast %add3A_519 : f32 to vector<16xf32>
      %add3A_521 = arith.addf %select_n3A_511, %add3A_520 : vector<16xf32>
      %div3A_522 = arith.divf %sub3A_518, %add3A_521 : vector<16xf32>
      %mul3A_523 = arith.mulf %div3A_522, %div3A_522 : vector<16xf32>
      %mul3A_524 = arith.constant 0.142857149 : f32
      %mul3A_525 = vector.broadcast %mul3A_524 : f32 to vector<16xf32>
      %mul3A_526 = arith.mulf %mul3A_523, %mul3A_525 : vector<16xf32>
      %add3A_527 = arith.constant 2.000000e-01 : f32
      %add3A_528 = vector.broadcast %add3A_527 : f32 to vector<16xf32>
      %add3A_529 = arith.addf %add3A_528, %mul3A_526 : vector<16xf32>
      %mul3A_530 = arith.mulf %mul3A_523, %add3A_529 : vector<16xf32>
      %add3A_531 = arith.constant 0.333333343 : f32
      %add3A_532 = vector.broadcast %add3A_531 : f32 to vector<16xf32>
      %add3A_533 = arith.addf %add3A_532, %mul3A_530 : vector<16xf32>
      %mul3A_534 = arith.mulf %mul3A_523, %add3A_533 : vector<16xf32>
      %add3A_535 = arith.constant 1.000000e+00 : f32
      %add3A_536 = vector.broadcast %add3A_535 : f32 to vector<16xf32>
      %add3A_537 = arith.addf %add3A_536, %mul3A_534 : vector<16xf32>
      %convert_element_type3A_538 = arith.sitofp %select_n3A_515 : vector<16xi32> to vector<16xf32>
      %mul3A_539 = arith.constant 0.693147182 : f32
      %mul3A_540 = vector.broadcast %mul3A_539 : f32 to vector<16xf32>
      %mul3A_541 = arith.mulf %convert_element_type3A_538, %mul3A_540 : vector<16xf32>
      %mul3A_542 = arith.constant 2.000000e+00 : f32
      %mul3A_543 = vector.broadcast %mul3A_542 : f32 to vector<16xf32>
      %mul3A_544 = arith.mulf %mul3A_543, %div3A_522 : vector<16xf32>
      %mul3A_545 = arith.mulf %mul3A_544, %add3A_537 : vector<16xf32>
      %add3A_546 = arith.addf %mul3A_541, %mul3A_545 : vector<16xf32>
      %swap3A_547 = arith.constant 80 : index
      %swap3A_548 = tpu.vector_load %arg10[%swap3A_547] {strides = array<i32>} : memref<512xf32, #tpu.memory_space<vmem>>, vector<16xf32>,
      tpu.vector_store %arg10[%swap3A_547], %add3A_546 {strides = array<i32>} : memref<512xf32, #tpu.memory_space<vmem>>, vector<16xf32>,
      %get3A_549 = arith.constant 96 : index
      %get3A_550 = tpu.vector_load %arg10[%get3A_549] {strides = array<i32>} : memref<512xf32, #tpu.memory_space<vmem>>, vector<16xf32>,
      %add3A_551 = arith.constant 9.99999974E-6 : f32
      %add3A_552 = vector.broadcast %add3A_551 : f32 to vector<16xf32>
      %add3A_553 = arith.addf %get3A_550, %add3A_552 : vector<16xf32>
      %bitcast_convert_type3A_554 = tpu.bitcast %add3A_553 : vector<16xf32> -> vector<16xi32>
      %shift_right_logical3A_555 = arith.constant 23 : i32
      %shift_right_logical3A_556 = vector.broadcast %shift_right_logical3A_555 : i32 to vector<16xi32>
      %shift_right_logical3A_557 = arith.shrui %bitcast_convert_type3A_554, %shift_right_logical3A_556 : vector<16xi32>
      %sub3A_558 = arith.constant 127 : i32
      %sub3A_559 = vector.broadcast %sub3A_558 : i32 to vector<16xi32>
      %sub3A_560 = arith.subi %shift_right_logical3A_557, %sub3A_559 : vector<16xi32>
      %and3A_561 = arith.constant 8388607 : i32
      %and3A_562 = vector.broadcast %and3A_561 : i32 to vector<16xi32>
      %and3A_563 = arith.andi %bitcast_convert_type3A_554, %and3A_562 : vector<16xi32>
      %or3A_564 = arith.constant 1065353216 : i32
      %or3A_565 = vector.broadcast %or3A_564 : i32 to vector<16xi32>
      %or3A_566 = arith.ori %and3A_563, %or3A_565 : vector<16xi32>
      %bitcast_convert_type3A_567 = tpu.bitcast %or3A_566 : vector<16xi32> -> vector<16xf32>
      %gt3A_568 = arith.constant 1.41421354 : f32
      %gt3A_569 = vector.broadcast %gt3A_568 : f32 to vector<16xf32>
      %gt3A_570 = arith.cmpf ogt, %bitcast_convert_type3A_567, %gt3A_569 : vector<16xf32>
      %mul3A_571 = arith.constant 5.000000e-01 : f32
      %mul3A_572 = vector.broadcast %mul3A_571 : f32 to vector<16xf32>
      %mul3A_573 = arith.mulf %bitcast_convert_type3A_567, %mul3A_572 : vector<16xf32>
      %select_n3A_574 = arith.select %gt3A_570, %mul3A_573, %bitcast_convert_type3A_567 : vector<16xi1>, vector<16xf32>
      %add3A_575 = arith.constant 1 : i32
      %add3A_576 = vector.broadcast %add3A_575 : i32 to vector<16xi32>
      %add3A_577 = arith.addi %sub3A_560, %add3A_576 : vector<16xi32>
      %select_n3A_578 = arith.select %gt3A_570, %add3A_577, %sub3A_560 : vector<16xi1>, vector<16xi32>
      %sub3A_579 = arith.constant 1.000000e+00 : f32
      %sub3A_580 = vector.broadcast %sub3A_579 : f32 to vector<16xf32>
      %sub3A_581 = arith.subf %select_n3A_574, %sub3A_580 : vector<16xf32>
      %add3A_582 = arith.constant 1.000000e+00 : f32
      %add3A_583 = vector.broadcast %add3A_582 : f32 to vector<16xf32>
      %add3A_584 = arith.addf %select_n3A_574, %add3A_583 : vector<16xf32>
      %div3A_585 = arith.divf %sub3A_581, %add3A_584 : vector<16xf32>
      %mul3A_586 = arith.mulf %div3A_585, %div3A_585 : vector<16xf32>
      %mul3A_587 = arith.constant 0.142857149 : f32
      %mul3A_588 = vector.broadcast %mul3A_587 : f32 to vector<16xf32>
      %mul3A_589 = arith.mulf %mul3A_586, %mul3A_588 : vector<16xf32>
      %add3A_590 = arith.constant 2.000000e-01 : f32
      %add3A_591 = vector.broadcast %add3A_590 : f32 to vector<16xf32>
      %add3A_592 = arith.addf %add3A_591, %mul3A_589 : vector<16xf32>
      %mul3A_593 = arith.mulf %mul3A_586, %add3A_592 : vector<16xf32>
      %add3A_594 = arith.constant 0.333333343 : f32
      %add3A_595 = vector.broadcast %add3A_594 : f32 to vector<16xf32>
      %add3A_596 = arith.addf %add3A_595, %mul3A_593 : vector<16xf32>
      %mul3A_597 = arith.mulf %mul3A_586, %add3A_596 : vector<16xf32>
      %add3A_598 = arith.constant 1.000000e+00 : f32
      %add3A_599 = vector.broadcast %add3A_598 : f32 to vector<16xf32>
      %add3A_600 = arith.addf %add3A_599, %mul3A_597 : vector<16xf32>
      %convert_element_type3A_601 = arith.sitofp %select_n3A_578 : vector<16xi32> to vector<16xf32>
      %mul3A_602 = arith.constant 0.693147182 : f32
      %mul3A_603 = vector.broadcast %mul3A_602 : f32 to vector<16xf32>
      %mul3A_604 = arith.mulf %convert_element_type3A_601, %mul3A_603 : vector<16xf32>
      %mul3A_605 = arith.constant 2.000000e+00 : f32
      %mul3A_606 = vector.broadcast %mul3A_605 : f32 to vector<16xf32>
      %mul3A_607 = arith.mulf %mul3A_606, %div3A_585 : vector<16xf32>
      %mul3A_608 = arith.mulf %mul3A_607, %add3A_600 : vector<16xf32>
      %add3A_609 = arith.addf %mul3A_604, %mul3A_608 : vector<16xf32>
      %swap3A_610 = arith.constant 96 : index
      %swap3A_611 = tpu.vector_load %arg10[%swap3A_610] {strides = array<i32>} : memref<512xf32, #tpu.memory_space<vmem>>, vector<16xf32>,
      tpu.vector_store %arg10[%swap3A_610], %add3A_609 {strides = array<i32>} : memref<512xf32, #tpu.memory_space<vmem>>, vector<16xf32>,
      %get3A_612 = arith.constant 112 : index
      %get3A_613 = tpu.vector_load %arg10[%get3A_612] {strides = array<i32>} : memref<512xf32, #tpu.memory_space<vmem>>, vector<16xf32>,
      %add3A_614 = arith.constant 9.99999974E-6 : f32
      %add3A_615 = vector.broadcast %add3A_614 : f32 to vector<16xf32>
      %add3A_616 = arith.addf %get3A_613, %add3A_615 : vector<16xf32>
      %bitcast_convert_type3A_617 = tpu.bitcast %add3A_616 : vector<16xf32> -> vector<16xi32>
      %shift_right_logical3A_618 = arith.constant 23 : i32
      %shift_right_logical3A_619 = vector.broadcast %shift_right_logical3A_618 : i32 to vector<16xi32>
      %shift_right_logical3A_620 = arith.shrui %bitcast_convert_type3A_617, %shift_right_logical3A_619 : vector<16xi32>
      %sub3A_621 = arith.constant 127 : i32
      %sub3A_622 = vector.broadcast %sub3A_621 : i32 to vector<16xi32>
      %sub3A_623 = arith.subi %shift_right_logical3A_620, %sub3A_622 : vector<16xi32>
      %and3A_624 = arith.constant 8388607 : i32
      %and3A_625 = vector.broadcast %and3A_624 : i32 to vector<16xi32>
      %and3A_626 = arith.andi %bitcast_convert_type3A_617, %and3A_625 : vector<16xi32>
      %or3A_627 = arith.constant 1065353216 : i32
      %or3A_628 = vector.broadcast %or3A_627 : i32 to vector<16xi32>
      %or3A_629 = arith.ori %and3A_626, %or3A_628 : vector<16xi32>
      %bitcast_convert_type3A_630 = tpu.bitcast %or3A_629 : vector<16xi32> -> vector<16xf32>
      %gt3A_631 = arith.constant 1.41421354 : f32
      %gt3A_632 = vector.broadcast %gt3A_631 : f32 to vector<16xf32>
      %gt3A_633 = arith.cmpf ogt, %bitcast_convert_type3A_630, %gt3A_632 : vector<16xf32>
      %mul3A_634 = arith.constant 5.000000e-01 : f32
      %mul3A_635 = vector.broadcast %mul3A_634 : f32 to vector<16xf32>
      %mul3A_636 = arith.mulf %bitcast_convert_type3A_630, %mul3A_635 : vector<16xf32>
      %select_n3A_637 = arith.select %gt3A_633, %mul3A_636, %bitcast_convert_type3A_630 : vector<16xi1>, vector<16xf32>
      %add3A_638 = arith.constant 1 : i32
      %add3A_639 = vector.broadcast %add3A_638 : i32 to vector<16xi32>
      %add3A_640 = arith.addi %sub3A_623, %add3A_639 : vector<16xi32>
      %select_n3A_641 = arith.select %gt3A_633, %add3A_640, %sub3A_623 : vector<16xi1>, vector<16xi32>
      %sub3A_642 = arith.constant 1.000000e+00 : f32
      %sub3A_643 = vector.broadcast %sub3A_642 : f32 to vector<16xf32>
      %sub3A_644 = arith.subf %select_n3A_637, %sub3A_643 : vector<16xf32>
      %add3A_645 = arith.constant 1.000000e+00 : f32
      %add3A_646 = vector.broadcast %add3A_645 : f32 to vector<16xf32>
      %add3A_647 = arith.addf %select_n3A_637, %add3A_646 : vector<16xf32>
      %div3A_648 = arith.divf %sub3A_644, %add3A_647 : vector<16xf32>
      %mul3A_649 = arith.mulf %div3A_648, %div3A_648 : vector<16xf32>
      %mul3A_650 = arith.constant 0.142857149 : f32
      %mul3A_651 = vector.broadcast %mul3A_650 : f32 to vector<16xf32>
      %mul3A_652 = arith.mulf %mul3A_649, %mul3A_651 : vector<16xf32>
      %add3A_653 = arith.constant 2.000000e-01 : f32
      %add3A_654 = vector.broadcast %add3A_653 : f32 to vector<16xf32>
      %add3A_655 = arith.addf %add3A_654, %mul3A_652 : vector<16xf32>
      %mul3A_656 = arith.mulf %mul3A_649, %add3A_655 : vector<16xf32>
      %add3A_657 = arith.constant 0.333333343 : f32
      %add3A_658 = vector.broadcast %add3A_657 : f32 to vector<16xf32>
      %add3A_659 = arith.addf %add3A_658, %mul3A_656 : vector<16xf32>
      %mul3A_660 = arith.mulf %mul3A_649, %add3A_659 : vector<16xf32>
      %add3A_661 = arith.constant 1.000000e+00 : f32
      %add3A_662 = vector.broadcast %add3A_661 : f32 to vector<16xf32>
      %add3A_663 = arith.addf %add3A_662, %mul3A_660 : vector<16xf32>
      %convert_element_type3A_664 = arith.sitofp %select_n3A_641 : vector<16xi32> to vector<16xf32>
      %mul3A_665 = arith.constant 0.693147182 : f32
      %mul3A_666 = vector.broadcast %mul3A_665 : f32 to vector<16xf32>
      %mul3A_667 = arith.mulf %convert_element_type3A_664, %mul3A_666 : vector<16xf32>
      %mul3A_668 = arith.constant 2.000000e+00 : f32
      %mul3A_669 = vector.broadcast %mul3A_668 : f32 to vector<16xf32>
      %mul3A_670 = arith.mulf %mul3A_669, %div3A_648 : vector<16xf32>
      %mul3A_671 = arith.mulf %mul3A_670, %add3A_663 : vector<16xf32>
      %add3A_672 = arith.addf %mul3A_667, %mul3A_671 : vector<16xf32>
      %swap3A_673 = arith.constant 112 : index
      %swap3A_674 = tpu.vector_load %arg10[%swap3A_673] {strides = array<i32>} : memref<512xf32, #tpu.memory_space<vmem>>, vector<16xf32>,
      tpu.vector_store %arg10[%swap3A_673], %add3A_672 {strides = array<i32>} : memref<512xf32, #tpu.memory_space<vmem>>, vector<16xf32>,
      %get3A_675 = arith.constant 128 : index
      %get3A_676 = tpu.vector_load %arg10[%get3A_675] {strides = array<i32>} : memref<512xf32, #tpu.memory_space<vmem>>, vector<16xf32>,
      %add3A_677 = arith.constant 9.99999974E-6 : f32
      %add3A_678 = vector.broadcast %add3A_677 : f32 to vector<16xf32>
      %add3A_679 = arith.addf %get3A_676, %add3A_678 : vector<16xf32>
      %bitcast_convert_type3A_680 = tpu.bitcast %add3A_679 : vector<16xf32> -> vector<16xi32>
      %shift_right_logical3A_681 = arith.constant 23 : i32
      %shift_right_logical3A_682 = vector.broadcast %shift_right_logical3A_681 : i32 to vector<16xi32>
      %shift_right_logical3A_683 = arith.shrui %bitcast_convert_type3A_680, %shift_right_logical3A_682 : vector<16xi32>
      %sub3A_684 = arith.constant 127 : i32
      %sub3A_685 = vector.broadcast %sub3A_684 : i32 to vector<16xi32>
      %sub3A_686 = arith.subi %shift_right_logical3A_683, %sub3A_685 : vector<16xi32>
      %and3A_687 = arith.constant 8388607 : i32
      %and3A_688 = vector.broadcast %and3A_687 : i32 to vector<16xi32>
      %and3A_689 = arith.andi %bitcast_convert_type3A_680, %and3A_688 : vector<16xi32>
      %or3A_690 = arith.constant 1065353216 : i32
      %or3A_691 = vector.broadcast %or3A_690 : i32 to vector<16xi32>
      %or3A_692 = arith.ori %and3A_689, %or3A_691 : vector<16xi32>
      %bitcast_convert_type3A_693 = tpu.bitcast %or3A_692 : vector<16xi32> -> vector<16xf32>
      %gt3A_694 = arith.constant 1.41421354 : f32
      %gt3A_695 = vector.broadcast %gt3A_694 : f32 to vector<16xf32>
      %gt3A_696 = arith.cmpf ogt, %bitcast_convert_type3A_693, %gt3A_695 : vector<16xf32>
      %mul3A_697 = arith.constant 5.000000e-01 : f32
      %mul3A_698 = vector.broadcast %mul3A_697 : f32 to vector<16xf32>
      %mul3A_699 = arith.mulf %bitcast_convert_type3A_693, %mul3A_698 : vector<16xf32>
      %select_n3A_700 = arith.select %gt3A_696, %mul3A_699, %bitcast_convert_type3A_693 : vector<16xi1>, vector<16xf32>
      %add3A_701 = arith.constant 1 : i32
      %add3A_702 = vector.broadcast %add3A_701 : i32 to vector<16xi32>
      %add3A_703 = arith.addi %sub3A_686, %add3A_702 : vector<16xi32>
      %select_n3A_704 = arith.select %gt3A_696, %add3A_703, %sub3A_686 : vector<16xi1>, vector<16xi32>
      %sub3A_705 = arith.constant 1.000000e+00 : f32
      %sub3A_706 = vector.broadcast %sub3A_705 : f32 to vector<16xf32>
      %sub3A_707 = arith.subf %select_n3A_700, %sub3A_706 : vector<16xf32>
      %add3A_708 = arith.constant 1.000000e+00 : f32
      %add3A_709 = vector.broadcast %add3A_708 : f32 to vector<16xf32>
      %add3A_710 = arith.addf %select_n3A_700, %add3A_709 : vector<16xf32>
      %div3A_711 = arith.divf %sub3A_707, %add3A_710 : vector<16xf32>
      %mul3A_712 = arith.mulf %div3A_711, %div3A_711 : vector<16xf32>
      %mul3A_713 = arith.constant 0.142857149 : f32
      %mul3A_714 = vector.broadcast %mul3A_713 : f32 to vector<16xf32>
      %mul3A_715 = arith.mulf %mul3A_712, %mul3A_714 : vector<16xf32>
      %add3A_716 = arith.constant 2.000000e-01 : f32
      %add3A_717 = vector.broadcast %add3A_716 : f32 to vector<16xf32>
      %add3A_718 = arith.addf %add3A_717, %mul3A_715 : vector<16xf32>
      %mul3A_719 = arith.mulf %mul3A_712, %add3A_718 : vector<16xf32>
      %add3A_720 = arith.constant 0.333333343 : f32
      %add3A_721 = vector.broadcast %add3A_720 : f32 to vector<16xf32>
      %add3A_722 = arith.addf %add3A_721, %mul3A_719 : vector<16xf32>
      %mul3A_723 = arith.mulf %mul3A_712, %add3A_722 : vector<16xf32>
      %add3A_724 = arith.constant 1.000000e+00 : f32
      %add3A_725 = vector.broadcast %add3A_724 : f32 to vector<16xf32>
      %add3A_726 = arith.addf %add3A_725, %mul3A_723 : vector<16xf32>
      %convert_element_type3A_727 = arith.sitofp %select_n3A_704 : vector<16xi32> to vector<16xf32>
      %mul3A_728 = arith.constant 0.693147182 : f32
      %mul3A_729 = vector.broadcast %mul3A_728 : f32 to vector<16xf32>
      %mul3A_730 = arith.mulf %convert_element_type3A_727, %mul3A_729 : vector<16xf32>
      %mul3A_731 = arith.constant 2.000000e+00 : f32
      %mul3A_732 = vector.broadcast %mul3A_731 : f32 to vector<16xf32>
      %mul3A_733 = arith.mulf %mul3A_732, %div3A_711 : vector<16xf32>
      %mul3A_734 = arith.mulf %mul3A_733, %add3A_726 : vector<16xf32>
      %add3A_735 = arith.addf %mul3A_730, %mul3A_734 : vector<16xf32>
      %swap3A_736 = arith.constant 128 : index
      %swap3A_737 = tpu.vector_load %arg10[%swap3A_736] {strides = array<i32>} : memref<512xf32, #tpu.memory_space<vmem>>, vector<16xf32>,
      tpu.vector_store %arg10[%swap3A_736], %add3A_735 {strides = array<i32>} : memref<512xf32, #tpu.memory_space<vmem>>, vector<16xf32>,
      %get3A_738 = arith.constant 144 : index
      %get3A_739 = tpu.vector_load %arg10[%get3A_738] {strides = array<i32>} : memref<512xf32, #tpu.memory_space<vmem>>, vector<16xf32>,
      %add3A_740 = arith.constant 9.99999974E-6 : f32
      %add3A_741 = vector.broadcast %add3A_740 : f32 to vector<16xf32>
      %add3A_742 = arith.addf %get3A_739, %add3A_741 : vector<16xf32>
      %bitcast_convert_type3A_743 = tpu.bitcast %add3A_742 : vector<16xf32> -> vector<16xi32>
      %shift_right_logical3A_744 = arith.constant 23 : i32
      %shift_right_logical3A_745 = vector.broadcast %shift_right_logical3A_744 : i32 to vector<16xi32>
      %shift_right_logical3A_746 = arith.shrui %bitcast_convert_type3A_743, %shift_right_logical3A_745 : vector<16xi32>
      %sub3A_747 = arith.constant 127 : i32
      %sub3A_748 = vector.broadcast %sub3A_747 : i32 to vector<16xi32>
      %sub3A_749 = arith.subi %shift_right_logical3A_746, %sub3A_748 : vector<16xi32>
      %and3A_750 = arith.constant 8388607 : i32
      %and3A_751 = vector.broadcast %and3A_750 : i32 to vector<16xi32>
      %and3A_752 = arith.andi %bitcast_convert_type3A_743, %and3A_751 : vector<16xi32>
      %or3A_753 = arith.constant 1065353216 : i32
      %or3A_754 = vector.broadcast %or3A_753 : i32 to vector<16xi32>
      %or3A_755 = arith.ori %and3A_752, %or3A_754 : vector<16xi32>
      %bitcast_convert_type3A_756 = tpu.bitcast %or3A_755 : vector<16xi32> -> vector<16xf32>
      %gt3A_757 = arith.constant 1.41421354 : f32
      %gt3A_758 = vector.broadcast %gt3A_757 : f32 to vector<16xf32>
      %gt3A_759 = arith.cmpf ogt, %bitcast_convert_type3A_756, %gt3A_758 : vector<16xf32>
      %mul3A_760 = arith.constant 5.000000e-01 : f32
      %mul3A_761 = vector.broadcast %mul3A_760 : f32 to vector<16xf32>
      %mul3A_762 = arith.mulf %bitcast_convert_type3A_756, %mul3A_761 : vector<16xf32>
      %select_n3A_763 = arith.select %gt3A_759, %mul3A_762, %bitcast_convert_type3A_756 : vector<16xi1>, vector<16xf32>
      %add3A_764 = arith.constant 1 : i32
      %add3A_765 = vector.broadcast %add3A_764 : i32 to vector<16xi32>
      %add3A_766 = arith.addi %sub3A_749, %add3A_765 : vector<16xi32>
      %select_n3A_767 = arith.select %gt3A_759, %add3A_766, %sub3A_749 : vector<16xi1>, vector<16xi32>
      %sub3A_768 = arith.constant 1.000000e+00 : f32
      %sub3A_769 = vector.broadcast %sub3A_768 : f32 to vector<16xf32>
      %sub3A_770 = arith.subf %select_n3A_763, %sub3A_769 : vector<16xf32>
      %add3A_771 = arith.constant 1.000000e+00 : f32
      %add3A_772 = vector.broadcast %add3A_771 : f32 to vector<16xf32>
      %add3A_773 = arith.addf %select_n3A_763, %add3A_772 : vector<16xf32>
      %div3A_774 = arith.divf %sub3A_770, %add3A_773 : vector<16xf32>
      %mul3A_775 = arith.mulf %div3A_774, %div3A_774 : vector<16xf32>
      %mul3A_776 = arith.constant 0.142857149 : f32
      %mul3A_777 = vector.broadcast %mul3A_776 : f32 to vector<16xf32>
      %mul3A_778 = arith.mulf %mul3A_775, %mul3A_777 : vector<16xf32>
      %add3A_779 = arith.constant 2.000000e-01 : f32
      %add3A_780 = vector.broadcast %add3A_779 : f32 to vector<16xf32>
      %add3A_781 = arith.addf %add3A_780, %mul3A_778 : vector<16xf32>
      %mul3A_782 = arith.mulf %mul3A_775, %add3A_781 : vector<16xf32>
      %add3A_783 = arith.constant 0.333333343 : f32
      %add3A_784 = vector.broadcast %add3A_783 : f32 to vector<16xf32>
      %add3A_785 = arith.addf %add3A_784, %mul3A_782 : vector<16xf32>
      %mul3A_786 = arith.mulf %mul3A_775, %add3A_785 : vector<16xf32>
      %add3A_787 = arith.constant 1.000000e+00 : f32
      %add3A_788 = vector.broadcast %add3A_787 : f32 to vector<16xf32>
      %add3A_789 = arith.addf %add3A_788, %mul3A_786 : vector<16xf32>
      %convert_element_type3A_790 = arith.sitofp %select_n3A_767 : vector<16xi32> to vector<16xf32>
      %mul3A_791 = arith.constant 0.693147182 : f32
      %mul3A_792 = vector.broadcast %mul3A_791 : f32 to vector<16xf32>
      %mul3A_793 = arith.mulf %convert_element_type3A_790, %mul3A_792 : vector<16xf32>
      %mul3A_794 = arith.constant 2.000000e+00 : f32
      %mul3A_795 = vector.broadcast %mul3A_794 : f32 to vector<16xf32>
      %mul3A_796 = arith.mulf %mul3A_795, %div3A_774 : vector<16xf32>
      %mul3A_797 = arith.mulf %mul3A_796, %add3A_789 : vector<16xf32>
      %add3A_798 = arith.addf %mul3A_793, %mul3A_797 : vector<16xf32>
      %swap3A_799 = arith.constant 144 : index
      %swap3A_800 = tpu.vector_load %arg10[%swap3A_799] {strides = array<i32>} : memref<512xf32, #tpu.memory_space<vmem>>, vector<16xf32>,
      tpu.vector_store %arg10[%swap3A_799], %add3A_798 {strides = array<i32>} : memref<512xf32, #tpu.memory_space<vmem>>, vector<16xf32>,
      %get3A_801 = arith.constant 160 : index
      %get3A_802 = tpu.vector_load %arg10[%get3A_801] {strides = array<i32>} : memref<512xf32, #tpu.memory_space<vmem>>, vector<16xf32>,
      %add3A_803 = arith.constant 9.99999974E-6 : f32
      %add3A_804 = vector.broadcast %add3A_803 : f32 to vector<16xf32>
      %add3A_805 = arith.addf %get3A_802, %add3A_804 : vector<16xf32>
      %bitcast_convert_type3A_806 = tpu.bitcast %add3A_805 : vector<16xf32> -> vector<16xi32>
      %shift_right_logical3A_807 = arith.constant 23 : i32
      %shift_right_logical3A_808 = vector.broadcast %shift_right_logical3A_807 : i32 to vector<16xi32>
      %shift_right_logical3A_809 = arith.shrui %bitcast_convert_type3A_806, %shift_right_logical3A_808 : vector<16xi32>
      %sub3A_810 = arith.constant 127 : i32
      %sub3A_811 = vector.broadcast %sub3A_810 : i32 to vector<16xi32>
      %sub3A_812 = arith.subi %shift_right_logical3A_809, %sub3A_811 : vector<16xi32>
      %and3A_813 = arith.constant 8388607 : i32
      %and3A_814 = vector.broadcast %and3A_813 : i32 to vector<16xi32>
      %and3A_815 = arith.andi %bitcast_convert_type3A_806, %and3A_814 : vector<16xi32>
      %or3A_816 = arith.constant 1065353216 : i32
      %or3A_817 = vector.broadcast %or3A_816 : i32 to vector<16xi32>
      %or3A_818 = arith.ori %and3A_815, %or3A_817 : vector<16xi32>
      %bitcast_convert_type3A_819 = tpu.bitcast %or3A_818 : vector<16xi32> -> vector<16xf32>
      %gt3A_820 = arith.constant 1.41421354 : f32
      %gt3A_821 = vector.broadcast %gt3A_820 : f32 to vector<16xf32>
      %gt3A_822 = arith.cmpf ogt, %bitcast_convert_type3A_819, %gt3A_821 : vector<16xf32>
      %mul3A_823 = arith.constant 5.000000e-01 : f32
      %mul3A_824 = vector.broadcast %mul3A_823 : f32 to vector<16xf32>
      %mul3A_825 = arith.mulf %bitcast_convert_type3A_819, %mul3A_824 : vector<16xf32>
      %select_n3A_826 = arith.select %gt3A_822, %mul3A_825, %bitcast_convert_type3A_819 : vector<16xi1>, vector<16xf32>
      %add3A_827 = arith.constant 1 : i32
      %add3A_828 = vector.broadcast %add3A_827 : i32 to vector<16xi32>
      %add3A_829 = arith.addi %sub3A_812, %add3A_828 : vector<16xi32>
      %select_n3A_830 = arith.select %gt3A_822, %add3A_829, %sub3A_812 : vector<16xi1>, vector<16xi32>
      %sub3A_831 = arith.constant 1.000000e+00 : f32
      %sub3A_832 = vector.broadcast %sub3A_831 : f32 to vector<16xf32>
      %sub3A_833 = arith.subf %select_n3A_826, %sub3A_832 : vector<16xf32>
      %add3A_834 = arith.constant 1.000000e+00 : f32
      %add3A_835 = vector.broadcast %add3A_834 : f32 to vector<16xf32>
      %add3A_836 = arith.addf %select_n3A_826, %add3A_835 : vector<16xf32>
      %div3A_837 = arith.divf %sub3A_833, %add3A_836 : vector<16xf32>
      %mul3A_838 = arith.mulf %div3A_837, %div3A_837 : vector<16xf32>
      %mul3A_839 = arith.constant 0.142857149 : f32
      %mul3A_840 = vector.broadcast %mul3A_839 : f32 to vector<16xf32>
      %mul3A_841 = arith.mulf %mul3A_838, %mul3A_840 : vector<16xf32>
      %add3A_842 = arith.constant 2.000000e-01 : f32
      %add3A_843 = vector.broadcast %add3A_842 : f32 to vector<16xf32>
      %add3A_844 = arith.addf %add3A_843, %mul3A_841 : vector<16xf32>
      %mul3A_845 = arith.mulf %mul3A_838, %add3A_844 : vector<16xf32>
      %add3A_846 = arith.constant 0.333333343 : f32
      %add3A_847 = vector.broadcast %add3A_846 : f32 to vector<16xf32>
      %add3A_848 = arith.addf %add3A_847, %mul3A_845 : vector<16xf32>
      %mul3A_849 = arith.mulf %mul3A_838, %add3A_848 : vector<16xf32>
      %add3A_850 = arith.constant 1.000000e+00 : f32
      %add3A_851 = vector.broadcast %add3A_850 : f32 to vector<16xf32>
      %add3A_852 = arith.addf %add3A_851, %mul3A_849 : vector<16xf32>
      %convert_element_type3A_853 = arith.sitofp %select_n3A_830 : vector<16xi32> to vector<16xf32>
      %mul3A_854 = arith.constant 0.693147182 : f32
      %mul3A_855 = vector.broadcast %mul3A_854 : f32 to vector<16xf32>
      %mul3A_856 = arith.mulf %convert_element_type3A_853, %mul3A_855 : vector<16xf32>
      %mul3A_857 = arith.constant 2.000000e+00 : f32
      %mul3A_858 = vector.broadcast %mul3A_857 : f32 to vector<16xf32>
      %mul3A_859 = arith.mulf %mul3A_858, %div3A_837 : vector<16xf32>
      %mul3A_860 = arith.mulf %mul3A_859, %add3A_852 : vector<16xf32>
      %add3A_861 = arith.addf %mul3A_856, %mul3A_860 : vector<16xf32>
      %swap3A_862 = arith.constant 160 : index
      %swap3A_863 = tpu.vector_load %arg10[%swap3A_862] {strides = array<i32>} : memref<512xf32, #tpu.memory_space<vmem>>, vector<16xf32>,
      tpu.vector_store %arg10[%swap3A_862], %add3A_861 {strides = array<i32>} : memref<512xf32, #tpu.memory_space<vmem>>, vector<16xf32>,
      %get3A_864 = arith.constant 176 : index
      %get3A_865 = tpu.vector_load %arg10[%get3A_864] {strides = array<i32>} : memref<512xf32, #tpu.memory_space<vmem>>, vector<16xf32>,
      %add3A_866 = arith.constant 9.99999974E-6 : f32
      %add3A_867 = vector.broadcast %add3A_866 : f32 to vector<16xf32>
      %add3A_868 = arith.addf %get3A_865, %add3A_867 : vector<16xf32>
      %bitcast_convert_type3A_869 = tpu.bitcast %add3A_868 : vector<16xf32> -> vector<16xi32>
      %shift_right_logical3A_870 = arith.constant 23 : i32
      %shift_right_logical3A_871 = vector.broadcast %shift_right_logical3A_870 : i32 to vector<16xi32>
      %shift_right_logical3A_872 = arith.shrui %bitcast_convert_type3A_869, %shift_right_logical3A_871 : vector<16xi32>
      %sub3A_873 = arith.constant 127 : i32
      %sub3A_874 = vector.broadcast %sub3A_873 : i32 to vector<16xi32>
      %sub3A_875 = arith.subi %shift_right_logical3A_872, %sub3A_874 : vector<16xi32>
      %and3A_876 = arith.constant 8388607 : i32
      %and3A_877 = vector.broadcast %and3A_876 : i32 to vector<16xi32>
      %and3A_878 = arith.andi %bitcast_convert_type3A_869, %and3A_877 : vector<16xi32>
      %or3A_879 = arith.constant 1065353216 : i32
      %or3A_880 = vector.broadcast %or3A_879 : i32 to vector<16xi32>
      %or3A_881 = arith.ori %and3A_878, %or3A_880 : vector<16xi32>
      %bitcast_convert_type3A_882 = tpu.bitcast %or3A_881 : vector<16xi32> -> vector<16xf32>
      %gt3A_883 = arith.constant 1.41421354 : f32
      %gt3A_884 = vector.broadcast %gt3A_883 : f32 to vector<16xf32>
      %gt3A_885 = arith.cmpf ogt, %bitcast_convert_type3A_882, %gt3A_884 : vector<16xf32>
      %mul3A_886 = arith.constant 5.000000e-01 : f32
      %mul3A_887 = vector.broadcast %mul3A_886 : f32 to vector<16xf32>
      %mul3A_888 = arith.mulf %bitcast_convert_type3A_882, %mul3A_887 : vector<16xf32>
      %select_n3A_889 = arith.select %gt3A_885, %mul3A_888, %bitcast_convert_type3A_882 : vector<16xi1>, vector<16xf32>
      %add3A_890 = arith.constant 1 : i32
      %add3A_891 = vector.broadcast %add3A_890 : i32 to vector<16xi32>
      %add3A_892 = arith.addi %sub3A_875, %add3A_891 : vector<16xi32>
      %select_n3A_893 = arith.select %gt3A_885, %add3A_892, %sub3A_875 : vector<16xi1>, vector<16xi32>
      %sub3A_894 = arith.constant 1.000000e+00 : f32
      %sub3A_895 = vector.broadcast %sub3A_894 : f32 to vector<16xf32>
      %sub3A_896 = arith.subf %select_n3A_889, %sub3A_895 : vector<16xf32>
      %add3A_897 = arith.constant 1.000000e+00 : f32
      %add3A_898 = vector.broadcast %add3A_897 : f32 to vector<16xf32>
      %add3A_899 = arith.addf %select_n3A_889, %add3A_898 : vector<16xf32>
      %div3A_900 = arith.divf %sub3A_896, %add3A_899 : vector<16xf32>
      %mul3A_901 = arith.mulf %div3A_900, %div3A_900 : vector<16xf32>
      %mul3A_902 = arith.constant 0.142857149 : f32
      %mul3A_903 = vector.broadcast %mul3A_902 : f32 to vector<16xf32>
      %mul3A_904 = arith.mulf %mul3A_901, %mul3A_903 : vector<16xf32>
      %add3A_905 = arith.constant 2.000000e-01 : f32
      %add3A_906 = vector.broadcast %add3A_905 : f32 to vector<16xf32>
      %add3A_907 = arith.addf %add3A_906, %mul3A_904 : vector<16xf32>
      %mul3A_908 = arith.mulf %mul3A_901, %add3A_907 : vector<16xf32>
      %add3A_909 = arith.constant 0.333333343 : f32
      %add3A_910 = vector.broadcast %add3A_909 : f32 to vector<16xf32>
      %add3A_911 = arith.addf %add3A_910, %mul3A_908 : vector<16xf32>
      %mul3A_912 = arith.mulf %mul3A_901, %add3A_911 : vector<16xf32>
      %add3A_913 = arith.constant 1.000000e+00 : f32
      %add3A_914 = vector.broadcast %add3A_913 : f32 to vector<16xf32>
      %add3A_915 = arith.addf %add3A_914, %mul3A_912 : vector<16xf32>
      %convert_element_type3A_916 = arith.sitofp %select_n3A_893 : vector<16xi32> to vector<16xf32>
      %mul3A_917 = arith.constant 0.693147182 : f32
      %mul3A_918 = vector.broadcast %mul3A_917 : f32 to vector<16xf32>
      %mul3A_919 = arith.mulf %convert_element_type3A_916, %mul3A_918 : vector<16xf32>
      %mul3A_920 = arith.constant 2.000000e+00 : f32
      %mul3A_921 = vector.broadcast %mul3A_920 : f32 to vector<16xf32>
      %mul3A_922 = arith.mulf %mul3A_921, %div3A_900 : vector<16xf32>
      %mul3A_923 = arith.mulf %mul3A_922, %add3A_915 : vector<16xf32>
      %add3A_924 = arith.addf %mul3A_919, %mul3A_923 : vector<16xf32>
      %swap3A_925 = arith.constant 176 : index
      %swap3A_926 = tpu.vector_load %arg10[%swap3A_925] {strides = array<i32>} : memref<512xf32, #tpu.memory_space<vmem>>, vector<16xf32>,
      tpu.vector_store %arg10[%swap3A_925], %add3A_924 {strides = array<i32>} : memref<512xf32, #tpu.memory_space<vmem>>, vector<16xf32>,
      %get3A_927 = arith.constant 192 : index
      %get3A_928 = tpu.vector_load %arg10[%get3A_927] {strides = array<i32>} : memref<512xf32, #tpu.memory_space<vmem>>, vector<16xf32>,
      %add3A_929 = arith.constant 9.99999974E-6 : f32
      %add3A_930 = vector.broadcast %add3A_929 : f32 to vector<16xf32>
      %add3A_931 = arith.addf %get3A_928, %add3A_930 : vector<16xf32>
      %bitcast_convert_type3A_932 = tpu.bitcast %add3A_931 : vector<16xf32> -> vector<16xi32>
      %shift_right_logical3A_933 = arith.constant 23 : i32
      %shift_right_logical3A_934 = vector.broadcast %shift_right_logical3A_933 : i32 to vector<16xi32>
      %shift_right_logical3A_935 = arith.shrui %bitcast_convert_type3A_932, %shift_right_logical3A_934 : vector<16xi32>
      %sub3A_936 = arith.constant 127 : i32
      %sub3A_937 = vector.broadcast %sub3A_936 : i32 to vector<16xi32>
      %sub3A_938 = arith.subi %shift_right_logical3A_935, %sub3A_937 : vector<16xi32>
      %and3A_939 = arith.constant 8388607 : i32
      %and3A_940 = vector.broadcast %and3A_939 : i32 to vector<16xi32>
      %and3A_941 = arith.andi %bitcast_convert_type3A_932, %and3A_940 : vector<16xi32>
      %or3A_942 = arith.constant 1065353216 : i32
      %or3A_943 = vector.broadcast %or3A_942 : i32 to vector<16xi32>
      %or3A_944 = arith.ori %and3A_941, %or3A_943 : vector<16xi32>
      %bitcast_convert_type3A_945 = tpu.bitcast %or3A_944 : vector<16xi32> -> vector<16xf32>
      %gt3A_946 = arith.constant 1.41421354 : f32
      %gt3A_947 = vector.broadcast %gt3A_946 : f32 to vector<16xf32>
      %gt3A_948 = arith.cmpf ogt, %bitcast_convert_type3A_945, %gt3A_947 : vector<16xf32>
      %mul3A_949 = arith.constant 5.000000e-01 : f32
      %mul3A_950 = vector.broadcast %mul3A_949 : f32 to vector<16xf32>
      %mul3A_951 = arith.mulf %bitcast_convert_type3A_945, %mul3A_950 : vector<16xf32>
      %select_n3A_952 = arith.select %gt3A_948, %mul3A_951, %bitcast_convert_type3A_945 : vector<16xi1>, vector<16xf32>
      %add3A_953 = arith.constant 1 : i32
      %add3A_954 = vector.broadcast %add3A_953 : i32 to vector<16xi32>
      %add3A_955 = arith.addi %sub3A_938, %add3A_954 : vector<16xi32>
      %select_n3A_956 = arith.select %gt3A_948, %add3A_955, %sub3A_938 : vector<16xi1>, vector<16xi32>
      %sub3A_957 = arith.constant 1.000000e+00 : f32
      %sub3A_958 = vector.broadcast %sub3A_957 : f32 to vector<16xf32>
      %sub3A_959 = arith.subf %select_n3A_952, %sub3A_958 : vector<16xf32>
      %add3A_960 = arith.constant 1.000000e+00 : f32
      %add3A_961 = vector.broadcast %add3A_960 : f32 to vector<16xf32>
      %add3A_962 = arith.addf %select_n3A_952, %add3A_961 : vector<16xf32>
      %div3A_963 = arith.divf %sub3A_959, %add3A_962 : vector<16xf32>
      %mul3A_964 = arith.mulf %div3A_963, %div3A_963 : vector<16xf32>
      %mul3A_965 = arith.constant 0.142857149 : f32
      %mul3A_966 = vector.broadcast %mul3A_965 : f32 to vector<16xf32>
      %mul3A_967 = arith.mulf %mul3A_964, %mul3A_966 : vector<16xf32>
      %add3A_968 = arith.constant 2.000000e-01 : f32
      %add3A_969 = vector.broadcast %add3A_968 : f32 to vector<16xf32>
      %add3A_970 = arith.addf %add3A_969, %mul3A_967 : vector<16xf32>
      %mul3A_971 = arith.mulf %mul3A_964, %add3A_970 : vector<16xf32>
      %add3A_972 = arith.constant 0.333333343 : f32
      %add3A_973 = vector.broadcast %add3A_972 : f32 to vector<16xf32>
      %add3A_974 = arith.addf %add3A_973, %mul3A_971 : vector<16xf32>
      %mul3A_975 = arith.mulf %mul3A_964, %add3A_974 : vector<16xf32>
      %add3A_976 = arith.constant 1.000000e+00 : f32
      %add3A_977 = vector.broadcast %add3A_976 : f32 to vector<16xf32>
      %add3A_978 = arith.addf %add3A_977, %mul3A_975 : vector<16xf32>
      %convert_element_type3A_979 = arith.sitofp %select_n3A_956 : vector<16xi32> to vector<16xf32>
      %mul3A_980 = arith.constant 0.693147182 : f32
      %mul3A_981 = vector.broadcast %mul3A_980 : f32 to vector<16xf32>
      %mul3A_982 = arith.mulf %convert_element_type3A_979, %mul3A_981 : vector<16xf32>
      %mul3A_983 = arith.constant 2.000000e+00 : f32
      %mul3A_984 = vector.broadcast %mul3A_983 : f32 to vector<16xf32>
      %mul3A_985 = arith.mulf %mul3A_984, %div3A_963 : vector<16xf32>
      %mul3A_986 = arith.mulf %mul3A_985, %add3A_978 : vector<16xf32>
      %add3A_987 = arith.addf %mul3A_982, %mul3A_986 : vector<16xf32>
      %swap3A_988 = arith.constant 192 : index
      %swap3A_989 = tpu.vector_load %arg10[%swap3A_988] {strides = array<i32>} : memref<512xf32, #tpu.memory_space<vmem>>, vector<16xf32>,
      tpu.vector_store %arg10[%swap3A_988], %add3A_987 {strides = array<i32>} : memref<512xf32, #tpu.memory_space<vmem>>, vector<16xf32>,
      %get3A_990 = arith.constant 208 : index
      %get3A_991 = tpu.vector_load %arg10[%get3A_990] {strides = array<i32>} : memref<512xf32, #tpu.memory_space<vmem>>, vector<16xf32>,
      %add3A_992 = arith.constant 9.99999974E-6 : f32
      %add3A_993 = vector.broadcast %add3A_992 : f32 to vector<16xf32>
      %add3A_994 = arith.addf %get3A_991, %add3A_993 : vector<16xf32>
      %bitcast_convert_type3A_995 = tpu.bitcast %add3A_994 : vector<16xf32> -> vector<16xi32>
      %shift_right_logical3A_996 = arith.constant 23 : i32
      %shift_right_logical3A_997 = vector.broadcast %shift_right_logical3A_996 : i32 to vector<16xi32>
      %shift_right_logical3A_998 = arith.shrui %bitcast_convert_type3A_995, %shift_right_logical3A_997 : vector<16xi32>
      %sub3A_999 = arith.constant 127 : i32
      %sub3A_1000 = vector.broadcast %sub3A_999 : i32 to vector<16xi32>
      %sub3A_1001 = arith.subi %shift_right_logical3A_998, %sub3A_1000 : vector<16xi32>
      %and3A_1002 = arith.constant 8388607 : i32
      %and3A_1003 = vector.broadcast %and3A_1002 : i32 to vector<16xi32>
      %and3A_1004 = arith.andi %bitcast_convert_type3A_995, %and3A_1003 : vector<16xi32>
      %or3A_1005 = arith.constant 1065353216 : i32
      %or3A_1006 = vector.broadcast %or3A_1005 : i32 to vector<16xi32>
      %or3A_1007 = arith.ori %and3A_1004, %or3A_1006 : vector<16xi32>
      %bitcast_convert_type3A_1008 = tpu.bitcast %or3A_1007 : vector<16xi32> -> vector<16xf32>
      %gt3A_1009 = arith.constant 1.41421354 : f32
      %gt3A_1010 = vector.broadcast %gt3A_1009 : f32 to vector<16xf32>
      %gt3A_1011 = arith.cmpf ogt, %bitcast_convert_type3A_1008, %gt3A_1010 : vector<16xf32>
      %mul3A_1012 = arith.constant 5.000000e-01 : f32
      %mul3A_1013 = vector.broadcast %mul3A_1012 : f32 to vector<16xf32>
      %mul3A_1014 = arith.mulf %bitcast_convert_type3A_1008, %mul3A_1013 : vector<16xf32>
      %select_n3A_1015 = arith.select %gt3A_1011, %mul3A_1014, %bitcast_convert_type3A_1008 : vector<16xi1>, vector<16xf32>
      %add3A_1016 = arith.constant 1 : i32
      %add3A_1017 = vector.broadcast %add3A_1016 : i32 to vector<16xi32>
      %add3A_1018 = arith.addi %sub3A_1001, %add3A_1017 : vector<16xi32>
      %select_n3A_1019 = arith.select %gt3A_1011, %add3A_1018, %sub3A_1001 : vector<16xi1>, vector<16xi32>
      %sub3A_1020 = arith.constant 1.000000e+00 : f32
      %sub3A_1021 = vector.broadcast %sub3A_1020 : f32 to vector<16xf32>
      %sub3A_1022 = arith.subf %select_n3A_1015, %sub3A_1021 : vector<16xf32>
      %add3A_1023 = arith.constant 1.000000e+00 : f32
      %add3A_1024 = vector.broadcast %add3A_1023 : f32 to vector<16xf32>
      %add3A_1025 = arith.addf %select_n3A_1015, %add3A_1024 : vector<16xf32>
      %div3A_1026 = arith.divf %sub3A_1022, %add3A_1025 : vector<16xf32>
      %mul3A_1027 = arith.mulf %div3A_1026, %div3A_1026 : vector<16xf32>
      %mul3A_1028 = arith.constant 0.142857149 : f32
      %mul3A_1029 = vector.broadcast %mul3A_1028 : f32 to vector<16xf32>
      %mul3A_1030 = arith.mulf %mul3A_1027, %mul3A_1029 : vector<16xf32>
      %add3A_1031 = arith.constant 2.000000e-01 : f32
      %add3A_1032 = vector.broadcast %add3A_1031 : f32 to vector<16xf32>
      %add3A_1033 = arith.addf %add3A_1032, %mul3A_1030 : vector<16xf32>
      %mul3A_1034 = arith.mulf %mul3A_1027, %add3A_1033 : vector<16xf32>
      %add3A_1035 = arith.constant 0.333333343 : f32
      %add3A_1036 = vector.broadcast %add3A_1035 : f32 to vector<16xf32>
      %add3A_1037 = arith.addf %add3A_1036, %mul3A_1034 : vector<16xf32>
      %mul3A_1038 = arith.mulf %mul3A_1027, %add3A_1037 : vector<16xf32>
      %add3A_1039 = arith.constant 1.000000e+00 : f32
      %add3A_1040 = vector.broadcast %add3A_1039 : f32 to vector<16xf32>
      %add3A_1041 = arith.addf %add3A_1040, %mul3A_1038 : vector<16xf32>
      %convert_element_type3A_1042 = arith.sitofp %select_n3A_1019 : vector<16xi32> to vector<16xf32>
      %mul3A_1043 = arith.constant 0.693147182 : f32
      %mul3A_1044 = vector.broadcast %mul3A_1043 : f32 to vector<16xf32>
      %mul3A_1045 = arith.mulf %convert_element_type3A_1042, %mul3A_1044 : vector<16xf32>
      %mul3A_1046 = arith.constant 2.000000e+00 : f32
      %mul3A_1047 = vector.broadcast %mul3A_1046 : f32 to vector<16xf32>
      %mul3A_1048 = arith.mulf %mul3A_1047, %div3A_1026 : vector<16xf32>
      %mul3A_1049 = arith.mulf %mul3A_1048, %add3A_1041 : vector<16xf32>
      %add3A_1050 = arith.addf %mul3A_1045, %mul3A_1049 : vector<16xf32>
      %swap3A_1051 = arith.constant 208 : index
      %swap3A_1052 = tpu.vector_load %arg10[%swap3A_1051] {strides = array<i32>} : memref<512xf32, #tpu.memory_space<vmem>>, vector<16xf32>,
      tpu.vector_store %arg10[%swap3A_1051], %add3A_1050 {strides = array<i32>} : memref<512xf32, #tpu.memory_space<vmem>>, vector<16xf32>,
      %get3A_1053 = arith.constant 224 : index
      %get3A_1054 = tpu.vector_load %arg10[%get3A_1053] {strides = array<i32>} : memref<512xf32, #tpu.memory_space<vmem>>, vector<16xf32>,
      %add3A_1055 = arith.constant 9.99999974E-6 : f32
      %add3A_1056 = vector.broadcast %add3A_1055 : f32 to vector<16xf32>
      %add3A_1057 = arith.addf %get3A_1054, %add3A_1056 : vector<16xf32>
      %bitcast_convert_type3A_1058 = tpu.bitcast %add3A_1057 : vector<16xf32> -> vector<16xi32>
      %shift_right_logical3A_1059 = arith.constant 23 : i32
      %shift_right_logical3A_1060 = vector.broadcast %shift_right_logical3A_1059 : i32 to vector<16xi32>
      %shift_right_logical3A_1061 = arith.shrui %bitcast_convert_type3A_1058, %shift_right_logical3A_1060 : vector<16xi32>
      %sub3A_1062 = arith.constant 127 : i32
      %sub3A_1063 = vector.broadcast %sub3A_1062 : i32 to vector<16xi32>
      %sub3A_1064 = arith.subi %shift_right_logical3A_1061, %sub3A_1063 : vector<16xi32>
      %and3A_1065 = arith.constant 8388607 : i32
      %and3A_1066 = vector.broadcast %and3A_1065 : i32 to vector<16xi32>
      %and3A_1067 = arith.andi %bitcast_convert_type3A_1058, %and3A_1066 : vector<16xi32>
      %or3A_1068 = arith.constant 1065353216 : i32
      %or3A_1069 = vector.broadcast %or3A_1068 : i32 to vector<16xi32>
      %or3A_1070 = arith.ori %and3A_1067, %or3A_1069 : vector<16xi32>
      %bitcast_convert_type3A_1071 = tpu.bitcast %or3A_1070 : vector<16xi32> -> vector<16xf32>
      %gt3A_1072 = arith.constant 1.41421354 : f32
      %gt3A_1073 = vector.broadcast %gt3A_1072 : f32 to vector<16xf32>
      %gt3A_1074 = arith.cmpf ogt, %bitcast_convert_type3A_1071, %gt3A_1073 : vector<16xf32>
      %mul3A_1075 = arith.constant 5.000000e-01 : f32
      %mul3A_1076 = vector.broadcast %mul3A_1075 : f32 to vector<16xf32>
      %mul3A_1077 = arith.mulf %bitcast_convert_type3A_1071, %mul3A_1076 : vector<16xf32>
      %select_n3A_1078 = arith.select %gt3A_1074, %mul3A_1077, %bitcast_convert_type3A_1071 : vector<16xi1>, vector<16xf32>
      %add3A_1079 = arith.constant 1 : i32
      %add3A_1080 = vector.broadcast %add3A_1079 : i32 to vector<16xi32>
      %add3A_1081 = arith.addi %sub3A_1064, %add3A_1080 : vector<16xi32>
      %select_n3A_1082 = arith.select %gt3A_1074, %add3A_1081, %sub3A_1064 : vector<16xi1>, vector<16xi32>
      %sub3A_1083 = arith.constant 1.000000e+00 : f32
      %sub3A_1084 = vector.broadcast %sub3A_1083 : f32 to vector<16xf32>
      %sub3A_1085 = arith.subf %select_n3A_1078, %sub3A_1084 : vector<16xf32>
      %add3A_1086 = arith.constant 1.000000e+00 : f32
      %add3A_1087 = vector.broadcast %add3A_1086 : f32 to vector<16xf32>
      %add3A_1088 = arith.addf %select_n3A_1078, %add3A_1087 : vector<16xf32>
      %div3A_1089 = arith.divf %sub3A_1085, %add3A_1088 : vector<16xf32>
      %mul3A_1090 = arith.mulf %div3A_1089, %div3A_1089 : vector<16xf32>
      %mul3A_1091 = arith.constant 0.142857149 : f32
      %mul3A_1092 = vector.broadcast %mul3A_1091 : f32 to vector<16xf32>
      %mul3A_1093 = arith.mulf %mul3A_1090, %mul3A_1092 : vector<16xf32>
      %add3A_1094 = arith.constant 2.000000e-01 : f32
      %add3A_1095 = vector.broadcast %add3A_1094 : f32 to vector<16xf32>
      %add3A_1096 = arith.addf %add3A_1095, %mul3A_1093 : vector<16xf32>
      %mul3A_1097 = arith.mulf %mul3A_1090, %add3A_1096 : vector<16xf32>
      %add3A_1098 = arith.constant 0.333333343 : f32
      %add3A_1099 = vector.broadcast %add3A_1098 : f32 to vector<16xf32>
      %add3A_1100 = arith.addf %add3A_1099, %mul3A_1097 : vector<16xf32>
      %mul3A_1101 = arith.mulf %mul3A_1090, %add3A_1100 : vector<16xf32>
      %add3A_1102 = arith.constant 1.000000e+00 : f32
      %add3A_1103 = vector.broadcast %add3A_1102 : f32 to vector<16xf32>
      %add3A_1104 = arith.addf %add3A_1103, %mul3A_1101 : vector<16xf32>
      %convert_element_type3A_1105 = arith.sitofp %select_n3A_1082 : vector<16xi32> to vector<16xf32>
      %mul3A_1106 = arith.constant 0.693147182 : f32
      %mul3A_1107 = vector.broadcast %mul3A_1106 : f32 to vector<16xf32>
      %mul3A_1108 = arith.mulf %convert_element_type3A_1105, %mul3A_1107 : vector<16xf32>
      %mul3A_1109 = arith.constant 2.000000e+00 : f32
      %mul3A_1110 = vector.broadcast %mul3A_1109 : f32 to vector<16xf32>
      %mul3A_1111 = arith.mulf %mul3A_1110, %div3A_1089 : vector<16xf32>
      %mul3A_1112 = arith.mulf %mul3A_1111, %add3A_1104 : vector<16xf32>
      %add3A_1113 = arith.addf %mul3A_1108, %mul3A_1112 : vector<16xf32>
      %swap3A_1114 = arith.constant 224 : index
      %swap3A_1115 = tpu.vector_load %arg10[%swap3A_1114] {strides = array<i32>} : memref<512xf32, #tpu.memory_space<vmem>>, vector<16xf32>,
      tpu.vector_store %arg10[%swap3A_1114], %add3A_1113 {strides = array<i32>} : memref<512xf32, #tpu.memory_space<vmem>>, vector<16xf32>,
      %get3A_1116 = arith.constant 240 : index
      %get3A_1117 = tpu.vector_load %arg10[%get3A_1116] {strides = array<i32>} : memref<512xf32, #tpu.memory_space<vmem>>, vector<16xf32>,
      %add3A_1118 = arith.constant 9.99999974E-6 : f32
      %add3A_1119 = vector.broadcast %add3A_1118 : f32 to vector<16xf32>
      %add3A_1120 = arith.addf %get3A_1117, %add3A_1119 : vector<16xf32>
      %bitcast_convert_type3A_1121 = tpu.bitcast %add3A_1120 : vector<16xf32> -> vector<16xi32>
      %shift_right_logical3A_1122 = arith.constant 23 : i32
      %shift_right_logical3A_1123 = vector.broadcast %shift_right_logical3A_1122 : i32 to vector<16xi32>
      %shift_right_logical3A_1124 = arith.shrui %bitcast_convert_type3A_1121, %shift_right_logical3A_1123 : vector<16xi32>
      %sub3A_1125 = arith.constant 127 : i32
      %sub3A_1126 = vector.broadcast %sub3A_1125 : i32 to vector<16xi32>
      %sub3A_1127 = arith.subi %shift_right_logical3A_1124, %sub3A_1126 : vector<16xi32>
      %and3A_1128 = arith.constant 8388607 : i32
      %and3A_1129 = vector.broadcast %and3A_1128 : i32 to vector<16xi32>
      %and3A_1130 = arith.andi %bitcast_convert_type3A_1121, %and3A_1129 : vector<16xi32>
      %or3A_1131 = arith.constant 1065353216 : i32
      %or3A_1132 = vector.broadcast %or3A_1131 : i32 to vector<16xi32>
      %or3A_1133 = arith.ori %and3A_1130, %or3A_1132 : vector<16xi32>
      %bitcast_convert_type3A_1134 = tpu.bitcast %or3A_1133 : vector<16xi32> -> vector<16xf32>
      %gt3A_1135 = arith.constant 1.41421354 : f32
      %gt3A_1136 = vector.broadcast %gt3A_1135 : f32 to vector<16xf32>
      %gt3A_1137 = arith.cmpf ogt, %bitcast_convert_type3A_1134, %gt3A_1136 : vector<16xf32>
      %mul3A_1138 = arith.constant 5.000000e-01 : f32
      %mul3A_1139 = vector.broadcast %mul3A_1138 : f32 to vector<16xf32>
      %mul3A_1140 = arith.mulf %bitcast_convert_type3A_1134, %mul3A_1139 : vector<16xf32>
      %select_n3A_1141 = arith.select %gt3A_1137, %mul3A_1140, %bitcast_convert_type3A_1134 : vector<16xi1>, vector<16xf32>
      %add3A_1142 = arith.constant 1 : i32
      %add3A_1143 = vector.broadcast %add3A_1142 : i32 to vector<16xi32>
      %add3A_1144 = arith.addi %sub3A_1127, %add3A_1143 : vector<16xi32>
      %select_n3A_1145 = arith.select %gt3A_1137, %add3A_1144, %sub3A_1127 : vector<16xi1>, vector<16xi32>
      %sub3A_1146 = arith.constant 1.000000e+00 : f32
      %sub3A_1147 = vector.broadcast %sub3A_1146 : f32 to vector<16xf32>
      %sub3A_1148 = arith.subf %select_n3A_1141, %sub3A_1147 : vector<16xf32>
      %add3A_1149 = arith.constant 1.000000e+00 : f32
      %add3A_1150 = vector.broadcast %add3A_1149 : f32 to vector<16xf32>
      %add3A_1151 = arith.addf %select_n3A_1141, %add3A_1150 : vector<16xf32>
      %div3A_1152 = arith.divf %sub3A_1148, %add3A_1151 : vector<16xf32>
      %mul3A_1153 = arith.mulf %div3A_1152, %div3A_1152 : vector<16xf32>
      %mul3A_1154 = arith.constant 0.142857149 : f32
      %mul3A_1155 = vector.broadcast %mul3A_1154 : f32 to vector<16xf32>
      %mul3A_1156 = arith.mulf %mul3A_1153, %mul3A_1155 : vector<16xf32>
      %add3A_1157 = arith.constant 2.000000e-01 : f32
      %add3A_1158 = vector.broadcast %add3A_1157 : f32 to vector<16xf32>
      %add3A_1159 = arith.addf %add3A_1158, %mul3A_1156 : vector<16xf32>
      %mul3A_1160 = arith.mulf %mul3A_1153, %add3A_1159 : vector<16xf32>
      %add3A_1161 = arith.constant 0.333333343 : f32
      %add3A_1162 = vector.broadcast %add3A_1161 : f32 to vector<16xf32>
      %add3A_1163 = arith.addf %add3A_1162, %mul3A_1160 : vector<16xf32>
      %mul3A_1164 = arith.mulf %mul3A_1153, %add3A_1163 : vector<16xf32>
      %add3A_1165 = arith.constant 1.000000e+00 : f32
      %add3A_1166 = vector.broadcast %add3A_1165 : f32 to vector<16xf32>
      %add3A_1167 = arith.addf %add3A_1166, %mul3A_1164 : vector<16xf32>
      %convert_element_type3A_1168 = arith.sitofp %select_n3A_1145 : vector<16xi32> to vector<16xf32>
      %mul3A_1169 = arith.constant 0.693147182 : f32
      %mul3A_1170 = vector.broadcast %mul3A_1169 : f32 to vector<16xf32>
      %mul3A_1171 = arith.mulf %convert_element_type3A_1168, %mul3A_1170 : vector<16xf32>
      %mul3A_1172 = arith.constant 2.000000e+00 : f32
      %mul3A_1173 = vector.broadcast %mul3A_1172 : f32 to vector<16xf32>
      %mul3A_1174 = arith.mulf %mul3A_1173, %div3A_1152 : vector<16xf32>
      %mul3A_1175 = arith.mulf %mul3A_1174, %add3A_1167 : vector<16xf32>
      %add3A_1176 = arith.addf %mul3A_1171, %mul3A_1175 : vector<16xf32>
      %swap3A_1177 = arith.constant 240 : index
      %swap3A_1178 = tpu.vector_load %arg10[%swap3A_1177] {strides = array<i32>} : memref<512xf32, #tpu.memory_space<vmem>>, vector<16xf32>,
      tpu.vector_store %arg10[%swap3A_1177], %add3A_1176 {strides = array<i32>} : memref<512xf32, #tpu.memory_space<vmem>>, vector<16xf32>,
      %get3A_1179 = arith.constant 256 : index
      %get3A_1180 = tpu.vector_load %arg10[%get3A_1179] {strides = array<i32>} : memref<512xf32, #tpu.memory_space<vmem>>, vector<16xf32>,
      %add3A_1181 = arith.constant 9.99999974E-6 : f32
      %add3A_1182 = vector.broadcast %add3A_1181 : f32 to vector<16xf32>
      %add3A_1183 = arith.addf %get3A_1180, %add3A_1182 : vector<16xf32>
      %bitcast_convert_type3A_1184 = tpu.bitcast %add3A_1183 : vector<16xf32> -> vector<16xi32>
      %shift_right_logical3A_1185 = arith.constant 23 : i32
      %shift_right_logical3A_1186 = vector.broadcast %shift_right_logical3A_1185 : i32 to vector<16xi32>
      %shift_right_logical3A_1187 = arith.shrui %bitcast_convert_type3A_1184, %shift_right_logical3A_1186 : vector<16xi32>
      %sub3A_1188 = arith.constant 127 : i32
      %sub3A_1189 = vector.broadcast %sub3A_1188 : i32 to vector<16xi32>
      %sub3A_1190 = arith.subi %shift_right_logical3A_1187, %sub3A_1189 : vector<16xi32>
      %and3A_1191 = arith.constant 8388607 : i32
      %and3A_1192 = vector.broadcast %and3A_1191 : i32 to vector<16xi32>
      %and3A_1193 = arith.andi %bitcast_convert_type3A_1184, %and3A_1192 : vector<16xi32>
      %or3A_1194 = arith.constant 1065353216 : i32
      %or3A_1195 = vector.broadcast %or3A_1194 : i32 to vector<16xi32>
      %or3A_1196 = arith.ori %and3A_1193, %or3A_1195 : vector<16xi32>
      %bitcast_convert_type3A_1197 = tpu.bitcast %or3A_1196 : vector<16xi32> -> vector<16xf32>
      %gt3A_1198 = arith.constant 1.41421354 : f32
      %gt3A_1199 = vector.broadcast %gt3A_1198 : f32 to vector<16xf32>
      %gt3A_1200 = arith.cmpf ogt, %bitcast_convert_type3A_1197, %gt3A_1199 : vector<16xf32>
      %mul3A_1201 = arith.constant 5.000000e-01 : f32
      %mul3A_1202 = vector.broadcast %mul3A_1201 : f32 to vector<16xf32>
      %mul3A_1203 = arith.mulf %bitcast_convert_type3A_1197, %mul3A_1202 : vector<16xf32>
      %select_n3A_1204 = arith.select %gt3A_1200, %mul3A_1203, %bitcast_convert_type3A_1197 : vector<16xi1>, vector<16xf32>
      %add3A_1205 = arith.constant 1 : i32
      %add3A_1206 = vector.broadcast %add3A_1205 : i32 to vector<16xi32>
      %add3A_1207 = arith.addi %sub3A_1190, %add3A_1206 : vector<16xi32>
      %select_n3A_1208 = arith.select %gt3A_1200, %add3A_1207, %sub3A_1190 : vector<16xi1>, vector<16xi32>
      %sub3A_1209 = arith.constant 1.000000e+00 : f32
      %sub3A_1210 = vector.broadcast %sub3A_1209 : f32 to vector<16xf32>
      %sub3A_1211 = arith.subf %select_n3A_1204, %sub3A_1210 : vector<16xf32>
      %add3A_1212 = arith.constant 1.000000e+00 : f32
      %add3A_1213 = vector.broadcast %add3A_1212 : f32 to vector<16xf32>
      %add3A_1214 = arith.addf %select_n3A_1204, %add3A_1213 : vector<16xf32>
      %div3A_1215 = arith.divf %sub3A_1211, %add3A_1214 : vector<16xf32>
      %mul3A_1216 = arith.mulf %div3A_1215, %div3A_1215 : vector<16xf32>
      %mul3A_1217 = arith.constant 0.142857149 : f32
      %mul3A_1218 = vector.broadcast %mul3A_1217 : f32 to vector<16xf32>
      %mul3A_1219 = arith.mulf %mul3A_1216, %mul3A_1218 : vector<16xf32>
      %add3A_1220 = arith.constant 2.000000e-01 : f32
      %add3A_1221 = vector.broadcast %add3A_1220 : f32 to vector<16xf32>
      %add3A_1222 = arith.addf %add3A_1221, %mul3A_1219 : vector<16xf32>
      %mul3A_1223 = arith.mulf %mul3A_1216, %add3A_1222 : vector<16xf32>
      %add3A_1224 = arith.constant 0.333333343 : f32
      %add3A_1225 = vector.broadcast %add3A_1224 : f32 to vector<16xf32>
      %add3A_1226 = arith.addf %add3A_1225, %mul3A_1223 : vector<16xf32>
      %mul3A_1227 = arith.mulf %mul3A_1216, %add3A_1226 : vector<16xf32>
      %add3A_1228 = arith.constant 1.000000e+00 : f32
      %add3A_1229 = vector.broadcast %add3A_1228 : f32 to vector<16xf32>
      %add3A_1230 = arith.addf %add3A_1229, %mul3A_1227 : vector<16xf32>
      %convert_element_type3A_1231 = arith.sitofp %select_n3A_1208 : vector<16xi32> to vector<16xf32>
      %mul3A_1232 = arith.constant 0.693147182 : f32
      %mul3A_1233 = vector.broadcast %mul3A_1232 : f32 to vector<16xf32>
      %mul3A_1234 = arith.mulf %convert_element_type3A_1231, %mul3A_1233 : vector<16xf32>
      %mul3A_1235 = arith.constant 2.000000e+00 : f32
      %mul3A_1236 = vector.broadcast %mul3A_1235 : f32 to vector<16xf32>
      %mul3A_1237 = arith.mulf %mul3A_1236, %div3A_1215 : vector<16xf32>
      %mul3A_1238 = arith.mulf %mul3A_1237, %add3A_1230 : vector<16xf32>
      %add3A_1239 = arith.addf %mul3A_1234, %mul3A_1238 : vector<16xf32>
      %swap3A_1240 = arith.constant 256 : index
      %swap3A_1241 = tpu.vector_load %arg10[%swap3A_1240] {strides = array<i32>} : memref<512xf32, #tpu.memory_space<vmem>>, vector<16xf32>,
      tpu.vector_store %arg10[%swap3A_1240], %add3A_1239 {strides = array<i32>} : memref<512xf32, #tpu.memory_space<vmem>>, vector<16xf32>,
      %get3A_1242 = arith.constant 272 : index
      %get3A_1243 = tpu.vector_load %arg10[%get3A_1242] {strides = array<i32>} : memref<512xf32, #tpu.memory_space<vmem>>, vector<16xf32>,
      %add3A_1244 = arith.constant 9.99999974E-6 : f32
      %add3A_1245 = vector.broadcast %add3A_1244 : f32 to vector<16xf32>
      %add3A_1246 = arith.addf %get3A_1243, %add3A_1245 : vector<16xf32>
      %bitcast_convert_type3A_1247 = tpu.bitcast %add3A_1246 : vector<16xf32> -> vector<16xi32>
      %shift_right_logical3A_1248 = arith.constant 23 : i32
      %shift_right_logical3A_1249 = vector.broadcast %shift_right_logical3A_1248 : i32 to vector<16xi32>
      %shift_right_logical3A_1250 = arith.shrui %bitcast_convert_type3A_1247, %shift_right_logical3A_1249 : vector<16xi32>
      %sub3A_1251 = arith.constant 127 : i32
      %sub3A_1252 = vector.broadcast %sub3A_1251 : i32 to vector<16xi32>
      %sub3A_1253 = arith.subi %shift_right_logical3A_1250, %sub3A_1252 : vector<16xi32>
      %and3A_1254 = arith.constant 8388607 : i32
      %and3A_1255 = vector.broadcast %and3A_1254 : i32 to vector<16xi32>
      %and3A_1256 = arith.andi %bitcast_convert_type3A_1247, %and3A_1255 : vector<16xi32>
      %or3A_1257 = arith.constant 1065353216 : i32
      %or3A_1258 = vector.broadcast %or3A_1257 : i32 to vector<16xi32>
      %or3A_1259 = arith.ori %and3A_1256, %or3A_1258 : vector<16xi32>
      %bitcast_convert_type3A_1260 = tpu.bitcast %or3A_1259 : vector<16xi32> -> vector<16xf32>
      %gt3A_1261 = arith.constant 1.41421354 : f32
      %gt3A_1262 = vector.broadcast %gt3A_1261 : f32 to vector<16xf32>
      %gt3A_1263 = arith.cmpf ogt, %bitcast_convert_type3A_1260, %gt3A_1262 : vector<16xf32>
      %mul3A_1264 = arith.constant 5.000000e-01 : f32
      %mul3A_1265 = vector.broadcast %mul3A_1264 : f32 to vector<16xf32>
      %mul3A_1266 = arith.mulf %bitcast_convert_type3A_1260, %mul3A_1265 : vector<16xf32>
      %select_n3A_1267 = arith.select %gt3A_1263, %mul3A_1266, %bitcast_convert_type3A_1260 : vector<16xi1>, vector<16xf32>
      %add3A_1268 = arith.constant 1 : i32
      %add3A_1269 = vector.broadcast %add3A_1268 : i32 to vector<16xi32>
      %add3A_1270 = arith.addi %sub3A_1253, %add3A_1269 : vector<16xi32>
      %select_n3A_1271 = arith.select %gt3A_1263, %add3A_1270, %sub3A_1253 : vector<16xi1>, vector<16xi32>
      %sub3A_1272 = arith.constant 1.000000e+00 : f32
      %sub3A_1273 = vector.broadcast %sub3A_1272 : f32 to vector<16xf32>
      %sub3A_1274 = arith.subf %select_n3A_1267, %sub3A_1273 : vector<16xf32>
      %add3A_1275 = arith.constant 1.000000e+00 : f32
      %add3A_1276 = vector.broadcast %add3A_1275 : f32 to vector<16xf32>
      %add3A_1277 = arith.addf %select_n3A_1267, %add3A_1276 : vector<16xf32>
      %div3A_1278 = arith.divf %sub3A_1274, %add3A_1277 : vector<16xf32>
      %mul3A_1279 = arith.mulf %div3A_1278, %div3A_1278 : vector<16xf32>
      %mul3A_1280 = arith.constant 0.142857149 : f32
      %mul3A_1281 = vector.broadcast %mul3A_1280 : f32 to vector<16xf32>
      %mul3A_1282 = arith.mulf %mul3A_1279, %mul3A_1281 : vector<16xf32>
      %add3A_1283 = arith.constant 2.000000e-01 : f32
      %add3A_1284 = vector.broadcast %add3A_1283 : f32 to vector<16xf32>
      %add3A_1285 = arith.addf %add3A_1284, %mul3A_1282 : vector<16xf32>
      %mul3A_1286 = arith.mulf %mul3A_1279, %add3A_1285 : vector<16xf32>
      %add3A_1287 = arith.constant 0.333333343 : f32
      %add3A_1288 = vector.broadcast %add3A_1287 : f32 to vector<16xf32>
      %add3A_1289 = arith.addf %add3A_1288, %mul3A_1286 : vector<16xf32>
      %mul3A_1290 = arith.mulf %mul3A_1279, %add3A_1289 : vector<16xf32>
      %add3A_1291 = arith.constant 1.000000e+00 : f32
      %add3A_1292 = vector.broadcast %add3A_1291 : f32 to vector<16xf32>
      %add3A_1293 = arith.addf %add3A_1292, %mul3A_1290 : vector<16xf32>
      %convert_element_type3A_1294 = arith.sitofp %select_n3A_1271 : vector<16xi32> to vector<16xf32>
      %mul3A_1295 = arith.constant 0.693147182 : f32
      %mul3A_1296 = vector.broadcast %mul3A_1295 : f32 to vector<16xf32>
      %mul3A_1297 = arith.mulf %convert_element_type3A_1294, %mul3A_1296 : vector<16xf32>
      %mul3A_1298 = arith.constant 2.000000e+00 : f32
      %mul3A_1299 = vector.broadcast %mul3A_1298 : f32 to vector<16xf32>
      %mul3A_1300 = arith.mulf %mul3A_1299, %div3A_1278 : vector<16xf32>
      %mul3A_1301 = arith.mulf %mul3A_1300, %add3A_1293 : vector<16xf32>
      %add3A_1302 = arith.addf %mul3A_1297, %mul3A_1301 : vector<16xf32>
      %swap3A_1303 = arith.constant 272 : index
      %swap3A_1304 = tpu.vector_load %arg10[%swap3A_1303] {strides = array<i32>} : memref<512xf32, #tpu.memory_space<vmem>>, vector<16xf32>,
      tpu.vector_store %arg10[%swap3A_1303], %add3A_1302 {strides = array<i32>} : memref<512xf32, #tpu.memory_space<vmem>>, vector<16xf32>,
      %get3A_1305 = arith.constant 288 : index
      %get3A_1306 = tpu.vector_load %arg10[%get3A_1305] {strides = array<i32>} : memref<512xf32, #tpu.memory_space<vmem>>, vector<16xf32>,
      %add3A_1307 = arith.constant 9.99999974E-6 : f32
      %add3A_1308 = vector.broadcast %add3A_1307 : f32 to vector<16xf32>
      %add3A_1309 = arith.addf %get3A_1306, %add3A_1308 : vector<16xf32>
      %bitcast_convert_type3A_1310 = tpu.bitcast %add3A_1309 : vector<16xf32> -> vector<16xi32>
      %shift_right_logical3A_1311 = arith.constant 23 : i32
      %shift_right_logical3A_1312 = vector.broadcast %shift_right_logical3A_1311 : i32 to vector<16xi32>
      %shift_right_logical3A_1313 = arith.shrui %bitcast_convert_type3A_1310, %shift_right_logical3A_1312 : vector<16xi32>
      %sub3A_1314 = arith.constant 127 : i32
      %sub3A_1315 = vector.broadcast %sub3A_1314 : i32 to vector<16xi32>
      %sub3A_1316 = arith.subi %shift_right_logical3A_1313, %sub3A_1315 : vector<16xi32>
      %and3A_1317 = arith.constant 8388607 : i32
      %and3A_1318 = vector.broadcast %and3A_1317 : i32 to vector<16xi32>
      %and3A_1319 = arith.andi %bitcast_convert_type3A_1310, %and3A_1318 : vector<16xi32>
      %or3A_1320 = arith.constant 1065353216 : i32
      %or3A_1321 = vector.broadcast %or3A_1320 : i32 to vector<16xi32>
      %or3A_1322 = arith.ori %and3A_1319, %or3A_1321 : vector<16xi32>
      %bitcast_convert_type3A_1323 = tpu.bitcast %or3A_1322 : vector<16xi32> -> vector<16xf32>
      %gt3A_1324 = arith.constant 1.41421354 : f32
      %gt3A_1325 = vector.broadcast %gt3A_1324 : f32 to vector<16xf32>
      %gt3A_1326 = arith.cmpf ogt, %bitcast_convert_type3A_1323, %gt3A_1325 : vector<16xf32>
      %mul3A_1327 = arith.constant 5.000000e-01 : f32
      %mul3A_1328 = vector.broadcast %mul3A_1327 : f32 to vector<16xf32>
      %mul3A_1329 = arith.mulf %bitcast_convert_type3A_1323, %mul3A_1328 : vector<16xf32>
      %select_n3A_1330 = arith.select %gt3A_1326, %mul3A_1329, %bitcast_convert_type3A_1323 : vector<16xi1>, vector<16xf32>
      %add3A_1331 = arith.constant 1 : i32
      %add3A_1332 = vector.broadcast %add3A_1331 : i32 to vector<16xi32>
      %add3A_1333 = arith.addi %sub3A_1316, %add3A_1332 : vector<16xi32>
      %select_n3A_1334 = arith.select %gt3A_1326, %add3A_1333, %sub3A_1316 : vector<16xi1>, vector<16xi32>
      %sub3A_1335 = arith.constant 1.000000e+00 : f32
      %sub3A_1336 = vector.broadcast %sub3A_1335 : f32 to vector<16xf32>
      %sub3A_1337 = arith.subf %select_n3A_1330, %sub3A_1336 : vector<16xf32>
      %add3A_1338 = arith.constant 1.000000e+00 : f32
      %add3A_1339 = vector.broadcast %add3A_1338 : f32 to vector<16xf32>
      %add3A_1340 = arith.addf %select_n3A_1330, %add3A_1339 : vector<16xf32>
      %div3A_1341 = arith.divf %sub3A_1337, %add3A_1340 : vector<16xf32>
      %mul3A_1342 = arith.mulf %div3A_1341, %div3A_1341 : vector<16xf32>
      %mul3A_1343 = arith.constant 0.142857149 : f32
      %mul3A_1344 = vector.broadcast %mul3A_1343 : f32 to vector<16xf32>
      %mul3A_1345 = arith.mulf %mul3A_1342, %mul3A_1344 : vector<16xf32>
      %add3A_1346 = arith.constant 2.000000e-01 : f32
      %add3A_1347 = vector.broadcast %add3A_1346 : f32 to vector<16xf32>
      %add3A_1348 = arith.addf %add3A_1347, %mul3A_1345 : vector<16xf32>
      %mul3A_1349 = arith.mulf %mul3A_1342, %add3A_1348 : vector<16xf32>
      %add3A_1350 = arith.constant 0.333333343 : f32
      %add3A_1351 = vector.broadcast %add3A_1350 : f32 to vector<16xf32>
      %add3A_1352 = arith.addf %add3A_1351, %mul3A_1349 : vector<16xf32>
      %mul3A_1353 = arith.mulf %mul3A_1342, %add3A_1352 : vector<16xf32>
      %add3A_1354 = arith.constant 1.000000e+00 : f32
      %add3A_1355 = vector.broadcast %add3A_1354 : f32 to vector<16xf32>
      %add3A_1356 = arith.addf %add3A_1355, %mul3A_1353 : vector<16xf32>
      %convert_element_type3A_1357 = arith.sitofp %select_n3A_1334 : vector<16xi32> to vector<16xf32>
      %mul3A_1358 = arith.constant 0.693147182 : f32
      %mul3A_1359 = vector.broadcast %mul3A_1358 : f32 to vector<16xf32>
      %mul3A_1360 = arith.mulf %convert_element_type3A_1357, %mul3A_1359 : vector<16xf32>
      %mul3A_1361 = arith.constant 2.000000e+00 : f32
      %mul3A_1362 = vector.broadcast %mul3A_1361 : f32 to vector<16xf32>
      %mul3A_1363 = arith.mulf %mul3A_1362, %div3A_1341 : vector<16xf32>
      %mul3A_1364 = arith.mulf %mul3A_1363, %add3A_1356 : vector<16xf32>
      %add3A_1365 = arith.addf %mul3A_1360, %mul3A_1364 : vector<16xf32>
      %swap3A_1366 = arith.constant 288 : index
      %swap3A_1367 = tpu.vector_load %arg10[%swap3A_1366] {strides = array<i32>} : memref<512xf32, #tpu.memory_space<vmem>>, vector<16xf32>,
      tpu.vector_store %arg10[%swap3A_1366], %add3A_1365 {strides = array<i32>} : memref<512xf32, #tpu.memory_space<vmem>>, vector<16xf32>,
      %get3A_1368 = arith.constant 304 : index
      %get3A_1369 = tpu.vector_load %arg10[%get3A_1368] {strides = array<i32>} : memref<512xf32, #tpu.memory_space<vmem>>, vector<16xf32>,
      %add3A_1370 = arith.constant 9.99999974E-6 : f32
      %add3A_1371 = vector.broadcast %add3A_1370 : f32 to vector<16xf32>
      %add3A_1372 = arith.addf %get3A_1369, %add3A_1371 : vector<16xf32>
      %bitcast_convert_type3A_1373 = tpu.bitcast %add3A_1372 : vector<16xf32> -> vector<16xi32>
      %shift_right_logical3A_1374 = arith.constant 23 : i32
      %shift_right_logical3A_1375 = vector.broadcast %shift_right_logical3A_1374 : i32 to vector<16xi32>
      %shift_right_logical3A_1376 = arith.shrui %bitcast_convert_type3A_1373, %shift_right_logical3A_1375 : vector<16xi32>
      %sub3A_1377 = arith.constant 127 : i32
      %sub3A_1378 = vector.broadcast %sub3A_1377 : i32 to vector<16xi32>
      %sub3A_1379 = arith.subi %shift_right_logical3A_1376, %sub3A_1378 : vector<16xi32>
      %and3A_1380 = arith.constant 8388607 : i32
      %and3A_1381 = vector.broadcast %and3A_1380 : i32 to vector<16xi32>
      %and3A_1382 = arith.andi %bitcast_convert_type3A_1373, %and3A_1381 : vector<16xi32>
      %or3A_1383 = arith.constant 1065353216 : i32
      %or3A_1384 = vector.broadcast %or3A_1383 : i32 to vector<16xi32>
      %or3A_1385 = arith.ori %and3A_1382, %or3A_1384 : vector<16xi32>
      %bitcast_convert_type3A_1386 = tpu.bitcast %or3A_1385 : vector<16xi32> -> vector<16xf32>
      %gt3A_1387 = arith.constant 1.41421354 : f32
      %gt3A_1388 = vector.broadcast %gt3A_1387 : f32 to vector<16xf32>
      %gt3A_1389 = arith.cmpf ogt, %bitcast_convert_type3A_1386, %gt3A_1388 : vector<16xf32>
      %mul3A_1390 = arith.constant 5.000000e-01 : f32
      %mul3A_1391 = vector.broadcast %mul3A_1390 : f32 to vector<16xf32>
      %mul3A_1392 = arith.mulf %bitcast_convert_type3A_1386, %mul3A_1391 : vector<16xf32>
      %select_n3A_1393 = arith.select %gt3A_1389, %mul3A_1392, %bitcast_convert_type3A_1386 : vector<16xi1>, vector<16xf32>
      %add3A_1394 = arith.constant 1 : i32
      %add3A_1395 = vector.broadcast %add3A_1394 : i32 to vector<16xi32>
      %add3A_1396 = arith.addi %sub3A_1379, %add3A_1395 : vector<16xi32>
      %select_n3A_1397 = arith.select %gt3A_1389, %add3A_1396, %sub3A_1379 : vector<16xi1>, vector<16xi32>
      %sub3A_1398 = arith.constant 1.000000e+00 : f32
      %sub3A_1399 = vector.broadcast %sub3A_1398 : f32 to vector<16xf32>
      %sub3A_1400 = arith.subf %select_n3A_1393, %sub3A_1399 : vector<16xf32>
      %add3A_1401 = arith.constant 1.000000e+00 : f32
      %add3A_1402 = vector.broadcast %add3A_1401 : f32 to vector<16xf32>
      %add3A_1403 = arith.addf %select_n3A_1393, %add3A_1402 : vector<16xf32>
      %div3A_1404 = arith.divf %sub3A_1400, %add3A_1403 : vector<16xf32>
      %mul3A_1405 = arith.mulf %div3A_1404, %div3A_1404 : vector<16xf32>
      %mul3A_1406 = arith.constant 0.142857149 : f32
      %mul3A_1407 = vector.broadcast %mul3A_1406 : f32 to vector<16xf32>
      %mul3A_1408 = arith.mulf %mul3A_1405, %mul3A_1407 : vector<16xf32>
      %add3A_1409 = arith.constant 2.000000e-01 : f32
      %add3A_1410 = vector.broadcast %add3A_1409 : f32 to vector<16xf32>
      %add3A_1411 = arith.addf %add3A_1410, %mul3A_1408 : vector<16xf32>
      %mul3A_1412 = arith.mulf %mul3A_1405, %add3A_1411 : vector<16xf32>
      %add3A_1413 = arith.constant 0.333333343 : f32
      %add3A_1414 = vector.broadcast %add3A_1413 : f32 to vector<16xf32>
      %add3A_1415 = arith.addf %add3A_1414, %mul3A_1412 : vector<16xf32>
      %mul3A_1416 = arith.mulf %mul3A_1405, %add3A_1415 : vector<16xf32>
      %add3A_1417 = arith.constant 1.000000e+00 : f32
      %add3A_1418 = vector.broadcast %add3A_1417 : f32 to vector<16xf32>
      %add3A_1419 = arith.addf %add3A_1418, %mul3A_1416 : vector<16xf32>
      %convert_element_type3A_1420 = arith.sitofp %select_n3A_1397 : vector<16xi32> to vector<16xf32>
      %mul3A_1421 = arith.constant 0.693147182 : f32
      %mul3A_1422 = vector.broadcast %mul3A_1421 : f32 to vector<16xf32>
      %mul3A_1423 = arith.mulf %convert_element_type3A_1420, %mul3A_1422 : vector<16xf32>
      %mul3A_1424 = arith.constant 2.000000e+00 : f32
      %mul3A_1425 = vector.broadcast %mul3A_1424 : f32 to vector<16xf32>
      %mul3A_1426 = arith.mulf %mul3A_1425, %div3A_1404 : vector<16xf32>
      %mul3A_1427 = arith.mulf %mul3A_1426, %add3A_1419 : vector<16xf32>
      %add3A_1428 = arith.addf %mul3A_1423, %mul3A_1427 : vector<16xf32>
      %swap3A_1429 = arith.constant 304 : index
      %swap3A_1430 = tpu.vector_load %arg10[%swap3A_1429] {strides = array<i32>} : memref<512xf32, #tpu.memory_space<vmem>>, vector<16xf32>,
      tpu.vector_store %arg10[%swap3A_1429], %add3A_1428 {strides = array<i32>} : memref<512xf32, #tpu.memory_space<vmem>>, vector<16xf32>,
      %get3A_1431 = arith.constant 320 : index
      %get3A_1432 = tpu.vector_load %arg10[%get3A_1431] {strides = array<i32>} : memref<512xf32, #tpu.memory_space<vmem>>, vector<16xf32>,
      %add3A_1433 = arith.constant 9.99999974E-6 : f32
      %add3A_1434 = vector.broadcast %add3A_1433 : f32 to vector<16xf32>
      %add3A_1435 = arith.addf %get3A_1432, %add3A_1434 : vector<16xf32>
      %bitcast_convert_type3A_1436 = tpu.bitcast %add3A_1435 : vector<16xf32> -> vector<16xi32>
      %shift_right_logical3A_1437 = arith.constant 23 : i32
      %shift_right_logical3A_1438 = vector.broadcast %shift_right_logical3A_1437 : i32 to vector<16xi32>
      %shift_right_logical3A_1439 = arith.shrui %bitcast_convert_type3A_1436, %shift_right_logical3A_1438 : vector<16xi32>
      %sub3A_1440 = arith.constant 127 : i32
      %sub3A_1441 = vector.broadcast %sub3A_1440 : i32 to vector<16xi32>
      %sub3A_1442 = arith.subi %shift_right_logical3A_1439, %sub3A_1441 : vector<16xi32>
      %and3A_1443 = arith.constant 8388607 : i32
      %and3A_1444 = vector.broadcast %and3A_1443 : i32 to vector<16xi32>
      %and3A_1445 = arith.andi %bitcast_convert_type3A_1436, %and3A_1444 : vector<16xi32>
      %or3A_1446 = arith.constant 1065353216 : i32
      %or3A_1447 = vector.broadcast %or3A_1446 : i32 to vector<16xi32>
      %or3A_1448 = arith.ori %and3A_1445, %or3A_1447 : vector<16xi32>
      %bitcast_convert_type3A_1449 = tpu.bitcast %or3A_1448 : vector<16xi32> -> vector<16xf32>
      %gt3A_1450 = arith.constant 1.41421354 : f32
      %gt3A_1451 = vector.broadcast %gt3A_1450 : f32 to vector<16xf32>
      %gt3A_1452 = arith.cmpf ogt, %bitcast_convert_type3A_1449, %gt3A_1451 : vector<16xf32>
      %mul3A_1453 = arith.constant 5.000000e-01 : f32
      %mul3A_1454 = vector.broadcast %mul3A_1453 : f32 to vector<16xf32>
      %mul3A_1455 = arith.mulf %bitcast_convert_type3A_1449, %mul3A_1454 : vector<16xf32>
      %select_n3A_1456 = arith.select %gt3A_1452, %mul3A_1455, %bitcast_convert_type3A_1449 : vector<16xi1>, vector<16xf32>
      %add3A_1457 = arith.constant 1 : i32
      %add3A_1458 = vector.broadcast %add3A_1457 : i32 to vector<16xi32>
      %add3A_1459 = arith.addi %sub3A_1442, %add3A_1458 : vector<16xi32>
      %select_n3A_1460 = arith.select %gt3A_1452, %add3A_1459, %sub3A_1442 : vector<16xi1>, vector<16xi32>
      %sub3A_1461 = arith.constant 1.000000e+00 : f32
      %sub3A_1462 = vector.broadcast %sub3A_1461 : f32 to vector<16xf32>
      %sub3A_1463 = arith.subf %select_n3A_1456, %sub3A_1462 : vector<16xf32>
      %add3A_1464 = arith.constant 1.000000e+00 : f32
      %add3A_1465 = vector.broadcast %add3A_1464 : f32 to vector<16xf32>
      %add3A_1466 = arith.addf %select_n3A_1456, %add3A_1465 : vector<16xf32>
      %div3A_1467 = arith.divf %sub3A_1463, %add3A_1466 : vector<16xf32>
      %mul3A_1468 = arith.mulf %div3A_1467, %div3A_1467 : vector<16xf32>
      %mul3A_1469 = arith.constant 0.142857149 : f32
      %mul3A_1470 = vector.broadcast %mul3A_1469 : f32 to vector<16xf32>
      %mul3A_1471 = arith.mulf %mul3A_1468, %mul3A_1470 : vector<16xf32>
      %add3A_1472 = arith.constant 2.000000e-01 : f32
      %add3A_1473 = vector.broadcast %add3A_1472 : f32 to vector<16xf32>
      %add3A_1474 = arith.addf %add3A_1473, %mul3A_1471 : vector<16xf32>
      %mul3A_1475 = arith.mulf %mul3A_1468, %add3A_1474 : vector<16xf32>
      %add3A_1476 = arith.constant 0.333333343 : f32
      %add3A_1477 = vector.broadcast %add3A_1476 : f32 to vector<16xf32>
      %add3A_1478 = arith.addf %add3A_1477, %mul3A_1475 : vector<16xf32>
      %mul3A_1479 = arith.mulf %mul3A_1468, %add3A_1478 : vector<16xf32>
      %add3A_1480 = arith.constant 1.000000e+00 : f32
      %add3A_1481 = vector.broadcast %add3A_1480 : f32 to vector<16xf32>
      %add3A_1482 = arith.addf %add3A_1481, %mul3A_1479 : vector<16xf32>
      %convert_element_type3A_1483 = arith.sitofp %select_n3A_1460 : vector<16xi32> to vector<16xf32>
      %mul3A_1484 = arith.constant 0.693147182 : f32
      %mul3A_1485 = vector.broadcast %mul3A_1484 : f32 to vector<16xf32>
      %mul3A_1486 = arith.mulf %convert_element_type3A_1483, %mul3A_1485 : vector<16xf32>
      %mul3A_1487 = arith.constant 2.000000e+00 : f32
      %mul3A_1488 = vector.broadcast %mul3A_1487 : f32 to vector<16xf32>
      %mul3A_1489 = arith.mulf %mul3A_1488, %div3A_1467 : vector<16xf32>
      %mul3A_1490 = arith.mulf %mul3A_1489, %add3A_1482 : vector<16xf32>
      %add3A_1491 = arith.addf %mul3A_1486, %mul3A_1490 : vector<16xf32>
      %swap3A_1492 = arith.constant 320 : index
      %swap3A_1493 = tpu.vector_load %arg10[%swap3A_1492] {strides = array<i32>} : memref<512xf32, #tpu.memory_space<vmem>>, vector<16xf32>,
      tpu.vector_store %arg10[%swap3A_1492], %add3A_1491 {strides = array<i32>} : memref<512xf32, #tpu.memory_space<vmem>>, vector<16xf32>,
      %get3A_1494 = arith.constant 336 : index
      %get3A_1495 = tpu.vector_load %arg10[%get3A_1494] {strides = array<i32>} : memref<512xf32, #tpu.memory_space<vmem>>, vector<16xf32>,
      %add3A_1496 = arith.constant 9.99999974E-6 : f32
      %add3A_1497 = vector.broadcast %add3A_1496 : f32 to vector<16xf32>
      %add3A_1498 = arith.addf %get3A_1495, %add3A_1497 : vector<16xf32>
      %bitcast_convert_type3A_1499 = tpu.bitcast %add3A_1498 : vector<16xf32> -> vector<16xi32>
      %shift_right_logical3A_1500 = arith.constant 23 : i32
      %shift_right_logical3A_1501 = vector.broadcast %shift_right_logical3A_1500 : i32 to vector<16xi32>
      %shift_right_logical3A_1502 = arith.shrui %bitcast_convert_type3A_1499, %shift_right_logical3A_1501 : vector<16xi32>
      %sub3A_1503 = arith.constant 127 : i32
      %sub3A_1504 = vector.broadcast %sub3A_1503 : i32 to vector<16xi32>
      %sub3A_1505 = arith.subi %shift_right_logical3A_1502, %sub3A_1504 : vector<16xi32>
      %and3A_1506 = arith.constant 8388607 : i32
      %and3A_1507 = vector.broadcast %and3A_1506 : i32 to vector<16xi32>
      %and3A_1508 = arith.andi %bitcast_convert_type3A_1499, %and3A_1507 : vector<16xi32>
      %or3A_1509 = arith.constant 1065353216 : i32
      %or3A_1510 = vector.broadcast %or3A_1509 : i32 to vector<16xi32>
      %or3A_1511 = arith.ori %and3A_1508, %or3A_1510 : vector<16xi32>
      %bitcast_convert_type3A_1512 = tpu.bitcast %or3A_1511 : vector<16xi32> -> vector<16xf32>
      %gt3A_1513 = arith.constant 1.41421354 : f32
      %gt3A_1514 = vector.broadcast %gt3A_1513 : f32 to vector<16xf32>
      %gt3A_1515 = arith.cmpf ogt, %bitcast_convert_type3A_1512, %gt3A_1514 : vector<16xf32>
      %mul3A_1516 = arith.constant 5.000000e-01 : f32
      %mul3A_1517 = vector.broadcast %mul3A_1516 : f32 to vector<16xf32>
      %mul3A_1518 = arith.mulf %bitcast_convert_type3A_1512, %mul3A_1517 : vector<16xf32>
      %select_n3A_1519 = arith.select %gt3A_1515, %mul3A_1518, %bitcast_convert_type3A_1512 : vector<16xi1>, vector<16xf32>
      %add3A_1520 = arith.constant 1 : i32
      %add3A_1521 = vector.broadcast %add3A_1520 : i32 to vector<16xi32>
      %add3A_1522 = arith.addi %sub3A_1505, %add3A_1521 : vector<16xi32>
      %select_n3A_1523 = arith.select %gt3A_1515, %add3A_1522, %sub3A_1505 : vector<16xi1>, vector<16xi32>
      %sub3A_1524 = arith.constant 1.000000e+00 : f32
      %sub3A_1525 = vector.broadcast %sub3A_1524 : f32 to vector<16xf32>
      %sub3A_1526 = arith.subf %select_n3A_1519, %sub3A_1525 : vector<16xf32>
      %add3A_1527 = arith.constant 1.000000e+00 : f32
      %add3A_1528 = vector.broadcast %add3A_1527 : f32 to vector<16xf32>
      %add3A_1529 = arith.addf %select_n3A_1519, %add3A_1528 : vector<16xf32>
      %div3A_1530 = arith.divf %sub3A_1526, %add3A_1529 : vector<16xf32>
      %mul3A_1531 = arith.mulf %div3A_1530, %div3A_1530 : vector<16xf32>
      %mul3A_1532 = arith.constant 0.142857149 : f32
      %mul3A_1533 = vector.broadcast %mul3A_1532 : f32 to vector<16xf32>
      %mul3A_1534 = arith.mulf %mul3A_1531, %mul3A_1533 : vector<16xf32>
      %add3A_1535 = arith.constant 2.000000e-01 : f32
      %add3A_1536 = vector.broadcast %add3A_1535 : f32 to vector<16xf32>
      %add3A_1537 = arith.addf %add3A_1536, %mul3A_1534 : vector<16xf32>
      %mul3A_1538 = arith.mulf %mul3A_1531, %add3A_1537 : vector<16xf32>
      %add3A_1539 = arith.constant 0.333333343 : f32
      %add3A_1540 = vector.broadcast %add3A_1539 : f32 to vector<16xf32>
      %add3A_1541 = arith.addf %add3A_1540, %mul3A_1538 : vector<16xf32>
      %mul3A_1542 = arith.mulf %mul3A_1531, %add3A_1541 : vector<16xf32>
      %add3A_1543 = arith.constant 1.000000e+00 : f32
      %add3A_1544 = vector.broadcast %add3A_1543 : f32 to vector<16xf32>
      %add3A_1545 = arith.addf %add3A_1544, %mul3A_1542 : vector<16xf32>
      %convert_element_type3A_1546 = arith.sitofp %select_n3A_1523 : vector<16xi32> to vector<16xf32>
      %mul3A_1547 = arith.constant 0.693147182 : f32
      %mul3A_1548 = vector.broadcast %mul3A_1547 : f32 to vector<16xf32>
      %mul3A_1549 = arith.mulf %convert_element_type3A_1546, %mul3A_1548 : vector<16xf32>
      %mul3A_1550 = arith.constant 2.000000e+00 : f32
      %mul3A_1551 = vector.broadcast %mul3A_1550 : f32 to vector<16xf32>
      %mul3A_1552 = arith.mulf %mul3A_1551, %div3A_1530 : vector<16xf32>
      %mul3A_1553 = arith.mulf %mul3A_1552, %add3A_1545 : vector<16xf32>
      %add3A_1554 = arith.addf %mul3A_1549, %mul3A_1553 : vector<16xf32>
      %swap3A_1555 = arith.constant 336 : index
      %swap3A_1556 = tpu.vector_load %arg10[%swap3A_1555] {strides = array<i32>} : memref<512xf32, #tpu.memory_space<vmem>>, vector<16xf32>,
      tpu.vector_store %arg10[%swap3A_1555], %add3A_1554 {strides = array<i32>} : memref<512xf32, #tpu.memory_space<vmem>>, vector<16xf32>,
      %get3A_1557 = arith.constant 352 : index
      %get3A_1558 = tpu.vector_load %arg10[%get3A_1557] {strides = array<i32>} : memref<512xf32, #tpu.memory_space<vmem>>, vector<16xf32>,
      %add3A_1559 = arith.constant 9.99999974E-6 : f32
      %add3A_1560 = vector.broadcast %add3A_1559 : f32 to vector<16xf32>
      %add3A_1561 = arith.addf %get3A_1558, %add3A_1560 : vector<16xf32>
      %bitcast_convert_type3A_1562 = tpu.bitcast %add3A_1561 : vector<16xf32> -> vector<16xi32>
      %shift_right_logical3A_1563 = arith.constant 23 : i32
      %shift_right_logical3A_1564 = vector.broadcast %shift_right_logical3A_1563 : i32 to vector<16xi32>
      %shift_right_logical3A_1565 = arith.shrui %bitcast_convert_type3A_1562, %shift_right_logical3A_1564 : vector<16xi32>
      %sub3A_1566 = arith.constant 127 : i32
      %sub3A_1567 = vector.broadcast %sub3A_1566 : i32 to vector<16xi32>
      %sub3A_1568 = arith.subi %shift_right_logical3A_1565, %sub3A_1567 : vector<16xi32>
      %and3A_1569 = arith.constant 8388607 : i32
      %and3A_1570 = vector.broadcast %and3A_1569 : i32 to vector<16xi32>
      %and3A_1571 = arith.andi %bitcast_convert_type3A_1562, %and3A_1570 : vector<16xi32>
      %or3A_1572 = arith.constant 1065353216 : i32
      %or3A_1573 = vector.broadcast %or3A_1572 : i32 to vector<16xi32>
      %or3A_1574 = arith.ori %and3A_1571, %or3A_1573 : vector<16xi32>
      %bitcast_convert_type3A_1575 = tpu.bitcast %or3A_1574 : vector<16xi32> -> vector<16xf32>
      %gt3A_1576 = arith.constant 1.41421354 : f32
      %gt3A_1577 = vector.broadcast %gt3A_1576 : f32 to vector<16xf32>
      %gt3A_1578 = arith.cmpf ogt, %bitcast_convert_type3A_1575, %gt3A_1577 : vector<16xf32>
      %mul3A_1579 = arith.constant 5.000000e-01 : f32
      %mul3A_1580 = vector.broadcast %mul3A_1579 : f32 to vector<16xf32>
      %mul3A_1581 = arith.mulf %bitcast_convert_type3A_1575, %mul3A_1580 : vector<16xf32>
      %select_n3A_1582 = arith.select %gt3A_1578, %mul3A_1581, %bitcast_convert_type3A_1575 : vector<16xi1>, vector<16xf32>
      %add3A_1583 = arith.constant 1 : i32
      %add3A_1584 = vector.broadcast %add3A_1583 : i32 to vector<16xi32>
      %add3A_1585 = arith.addi %sub3A_1568, %add3A_1584 : vector<16xi32>
      %select_n3A_1586 = arith.select %gt3A_1578, %add3A_1585, %sub3A_1568 : vector<16xi1>, vector<16xi32>
      %sub3A_1587 = arith.constant 1.000000e+00 : f32
      %sub3A_1588 = vector.broadcast %sub3A_1587 : f32 to vector<16xf32>
      %sub3A_1589 = arith.subf %select_n3A_1582, %sub3A_1588 : vector<16xf32>
      %add3A_1590 = arith.constant 1.000000e+00 : f32
      %add3A_1591 = vector.broadcast %add3A_1590 : f32 to vector<16xf32>
      %add3A_1592 = arith.addf %select_n3A_1582, %add3A_1591 : vector<16xf32>
      %div3A_1593 = arith.divf %sub3A_1589, %add3A_1592 : vector<16xf32>
      %mul3A_1594 = arith.mulf %div3A_1593, %div3A_1593 : vector<16xf32>
      %mul3A_1595 = arith.constant 0.142857149 : f32
      %mul3A_1596 = vector.broadcast %mul3A_1595 : f32 to vector<16xf32>
      %mul3A_1597 = arith.mulf %mul3A_1594, %mul3A_1596 : vector<16xf32>
      %add3A_1598 = arith.constant 2.000000e-01 : f32
      %add3A_1599 = vector.broadcast %add3A_1598 : f32 to vector<16xf32>
      %add3A_1600 = arith.addf %add3A_1599, %mul3A_1597 : vector<16xf32>
      %mul3A_1601 = arith.mulf %mul3A_1594, %add3A_1600 : vector<16xf32>
      %add3A_1602 = arith.constant 0.333333343 : f32
      %add3A_1603 = vector.broadcast %add3A_1602 : f32 to vector<16xf32>
      %add3A_1604 = arith.addf %add3A_1603, %mul3A_1601 : vector<16xf32>
      %mul3A_1605 = arith.mulf %mul3A_1594, %add3A_1604 : vector<16xf32>
      %add3A_1606 = arith.constant 1.000000e+00 : f32
      %add3A_1607 = vector.broadcast %add3A_1606 : f32 to vector<16xf32>
      %add3A_1608 = arith.addf %add3A_1607, %mul3A_1605 : vector<16xf32>
      %convert_element_type3A_1609 = arith.sitofp %select_n3A_1586 : vector<16xi32> to vector<16xf32>
      %mul3A_1610 = arith.constant 0.693147182 : f32
      %mul3A_1611 = vector.broadcast %mul3A_1610 : f32 to vector<16xf32>
      %mul3A_1612 = arith.mulf %convert_element_type3A_1609, %mul3A_1611 : vector<16xf32>
      %mul3A_1613 = arith.constant 2.000000e+00 : f32
      %mul3A_1614 = vector.broadcast %mul3A_1613 : f32 to vector<16xf32>
      %mul3A_1615 = arith.mulf %mul3A_1614, %div3A_1593 : vector<16xf32>
      %mul3A_1616 = arith.mulf %mul3A_1615, %add3A_1608 : vector<16xf32>
      %add3A_1617 = arith.addf %mul3A_1612, %mul3A_1616 : vector<16xf32>
      %swap3A_1618 = arith.constant 352 : index
      %swap3A_1619 = tpu.vector_load %arg10[%swap3A_1618] {strides = array<i32>} : memref<512xf32, #tpu.memory_space<vmem>>, vector<16xf32>,
      tpu.vector_store %arg10[%swap3A_1618], %add3A_1617 {strides = array<i32>} : memref<512xf32, #tpu.memory_space<vmem>>, vector<16xf32>,
      %get3A_1620 = arith.constant 368 : index
      %get3A_1621 = tpu.vector_load %arg10[%get3A_1620] {strides = array<i32>} : memref<512xf32, #tpu.memory_space<vmem>>, vector<16xf32>,
      %add3A_1622 = arith.constant 9.99999974E-6 : f32
      %add3A_1623 = vector.broadcast %add3A_1622 : f32 to vector<16xf32>
      %add3A_1624 = arith.addf %get3A_1621, %add3A_1623 : vector<16xf32>
      %bitcast_convert_type3A_1625 = tpu.bitcast %add3A_1624 : vector<16xf32> -> vector<16xi32>
      %shift_right_logical3A_1626 = arith.constant 23 : i32
      %shift_right_logical3A_1627 = vector.broadcast %shift_right_logical3A_1626 : i32 to vector<16xi32>
      %shift_right_logical3A_1628 = arith.shrui %bitcast_convert_type3A_1625, %shift_right_logical3A_1627 : vector<16xi32>
      %sub3A_1629 = arith.constant 127 : i32
      %sub3A_1630 = vector.broadcast %sub3A_1629 : i32 to vector<16xi32>
      %sub3A_1631 = arith.subi %shift_right_logical3A_1628, %sub3A_1630 : vector<16xi32>
      %and3A_1632 = arith.constant 8388607 : i32
      %and3A_1633 = vector.broadcast %and3A_1632 : i32 to vector<16xi32>
      %and3A_1634 = arith.andi %bitcast_convert_type3A_1625, %and3A_1633 : vector<16xi32>
      %or3A_1635 = arith.constant 1065353216 : i32
      %or3A_1636 = vector.broadcast %or3A_1635 : i32 to vector<16xi32>
      %or3A_1637 = arith.ori %and3A_1634, %or3A_1636 : vector<16xi32>
      %bitcast_convert_type3A_1638 = tpu.bitcast %or3A_1637 : vector<16xi32> -> vector<16xf32>
      %gt3A_1639 = arith.constant 1.41421354 : f32
      %gt3A_1640 = vector.broadcast %gt3A_1639 : f32 to vector<16xf32>
      %gt3A_1641 = arith.cmpf ogt, %bitcast_convert_type3A_1638, %gt3A_1640 : vector<16xf32>
      %mul3A_1642 = arith.constant 5.000000e-01 : f32
      %mul3A_1643 = vector.broadcast %mul3A_1642 : f32 to vector<16xf32>
      %mul3A_1644 = arith.mulf %bitcast_convert_type3A_1638, %mul3A_1643 : vector<16xf32>
      %select_n3A_1645 = arith.select %gt3A_1641, %mul3A_1644, %bitcast_convert_type3A_1638 : vector<16xi1>, vector<16xf32>
      %add3A_1646 = arith.constant 1 : i32
      %add3A_1647 = vector.broadcast %add3A_1646 : i32 to vector<16xi32>
      %add3A_1648 = arith.addi %sub3A_1631, %add3A_1647 : vector<16xi32>
      %select_n3A_1649 = arith.select %gt3A_1641, %add3A_1648, %sub3A_1631 : vector<16xi1>, vector<16xi32>
      %sub3A_1650 = arith.constant 1.000000e+00 : f32
      %sub3A_1651 = vector.broadcast %sub3A_1650 : f32 to vector<16xf32>
      %sub3A_1652 = arith.subf %select_n3A_1645, %sub3A_1651 : vector<16xf32>
      %add3A_1653 = arith.constant 1.000000e+00 : f32
      %add3A_1654 = vector.broadcast %add3A_1653 : f32 to vector<16xf32>
      %add3A_1655 = arith.addf %select_n3A_1645, %add3A_1654 : vector<16xf32>
      %div3A_1656 = arith.divf %sub3A_1652, %add3A_1655 : vector<16xf32>
      %mul3A_1657 = arith.mulf %div3A_1656, %div3A_1656 : vector<16xf32>
      %mul3A_1658 = arith.constant 0.142857149 : f32
      %mul3A_1659 = vector.broadcast %mul3A_1658 : f32 to vector<16xf32>
      %mul3A_1660 = arith.mulf %mul3A_1657, %mul3A_1659 : vector<16xf32>
      %add3A_1661 = arith.constant 2.000000e-01 : f32
      %add3A_1662 = vector.broadcast %add3A_1661 : f32 to vector<16xf32>
      %add3A_1663 = arith.addf %add3A_1662, %mul3A_1660 : vector<16xf32>
      %mul3A_1664 = arith.mulf %mul3A_1657, %add3A_1663 : vector<16xf32>
      %add3A_1665 = arith.constant 0.333333343 : f32
      %add3A_1666 = vector.broadcast %add3A_1665 : f32 to vector<16xf32>
      %add3A_1667 = arith.addf %add3A_1666, %mul3A_1664 : vector<16xf32>
      %mul3A_1668 = arith.mulf %mul3A_1657, %add3A_1667 : vector<16xf32>
      %add3A_1669 = arith.constant 1.000000e+00 : f32
      %add3A_1670 = vector.broadcast %add3A_1669 : f32 to vector<16xf32>
      %add3A_1671 = arith.addf %add3A_1670, %mul3A_1668 : vector<16xf32>
      %convert_element_type3A_1672 = arith.sitofp %select_n3A_1649 : vector<16xi32> to vector<16xf32>
      %mul3A_1673 = arith.constant 0.693147182 : f32
      %mul3A_1674 = vector.broadcast %mul3A_1673 : f32 to vector<16xf32>
      %mul3A_1675 = arith.mulf %convert_element_type3A_1672, %mul3A_1674 : vector<16xf32>
      %mul3A_1676 = arith.constant 2.000000e+00 : f32
      %mul3A_1677 = vector.broadcast %mul3A_1676 : f32 to vector<16xf32>
      %mul3A_1678 = arith.mulf %mul3A_1677, %div3A_1656 : vector<16xf32>
      %mul3A_1679 = arith.mulf %mul3A_1678, %add3A_1671 : vector<16xf32>
      %add3A_1680 = arith.addf %mul3A_1675, %mul3A_1679 : vector<16xf32>
      %swap3A_1681 = arith.constant 368 : index
      %swap3A_1682 = tpu.vector_load %arg10[%swap3A_1681] {strides = array<i32>} : memref<512xf32, #tpu.memory_space<vmem>>, vector<16xf32>,
      tpu.vector_store %arg10[%swap3A_1681], %add3A_1680 {strides = array<i32>} : memref<512xf32, #tpu.memory_space<vmem>>, vector<16xf32>,
      %get3A_1683 = arith.constant 384 : index
      %get3A_1684 = tpu.vector_load %arg10[%get3A_1683] {strides = array<i32>} : memref<512xf32, #tpu.memory_space<vmem>>, vector<16xf32>,
      %add3A_1685 = arith.constant 9.99999974E-6 : f32
      %add3A_1686 = vector.broadcast %add3A_1685 : f32 to vector<16xf32>
      %add3A_1687 = arith.addf %get3A_1684, %add3A_1686 : vector<16xf32>
      %bitcast_convert_type3A_1688 = tpu.bitcast %add3A_1687 : vector<16xf32> -> vector<16xi32>
      %shift_right_logical3A_1689 = arith.constant 23 : i32
      %shift_right_logical3A_1690 = vector.broadcast %shift_right_logical3A_1689 : i32 to vector<16xi32>
      %shift_right_logical3A_1691 = arith.shrui %bitcast_convert_type3A_1688, %shift_right_logical3A_1690 : vector<16xi32>
      %sub3A_1692 = arith.constant 127 : i32
      %sub3A_1693 = vector.broadcast %sub3A_1692 : i32 to vector<16xi32>
      %sub3A_1694 = arith.subi %shift_right_logical3A_1691, %sub3A_1693 : vector<16xi32>
      %and3A_1695 = arith.constant 8388607 : i32
      %and3A_1696 = vector.broadcast %and3A_1695 : i32 to vector<16xi32>
      %and3A_1697 = arith.andi %bitcast_convert_type3A_1688, %and3A_1696 : vector<16xi32>
      %or3A_1698 = arith.constant 1065353216 : i32
      %or3A_1699 = vector.broadcast %or3A_1698 : i32 to vector<16xi32>
      %or3A_1700 = arith.ori %and3A_1697, %or3A_1699 : vector<16xi32>
      %bitcast_convert_type3A_1701 = tpu.bitcast %or3A_1700 : vector<16xi32> -> vector<16xf32>
      %gt3A_1702 = arith.constant 1.41421354 : f32
      %gt3A_1703 = vector.broadcast %gt3A_1702 : f32 to vector<16xf32>
      %gt3A_1704 = arith.cmpf ogt, %bitcast_convert_type3A_1701, %gt3A_1703 : vector<16xf32>
      %mul3A_1705 = arith.constant 5.000000e-01 : f32
      %mul3A_1706 = vector.broadcast %mul3A_1705 : f32 to vector<16xf32>
      %mul3A_1707 = arith.mulf %bitcast_convert_type3A_1701, %mul3A_1706 : vector<16xf32>
      %select_n3A_1708 = arith.select %gt3A_1704, %mul3A_1707, %bitcast_convert_type3A_1701 : vector<16xi1>, vector<16xf32>
      %add3A_1709 = arith.constant 1 : i32
      %add3A_1710 = vector.broadcast %add3A_1709 : i32 to vector<16xi32>
      %add3A_1711 = arith.addi %sub3A_1694, %add3A_1710 : vector<16xi32>
      %select_n3A_1712 = arith.select %gt3A_1704, %add3A_1711, %sub3A_1694 : vector<16xi1>, vector<16xi32>
      %sub3A_1713 = arith.constant 1.000000e+00 : f32
      %sub3A_1714 = vector.broadcast %sub3A_1713 : f32 to vector<16xf32>
      %sub3A_1715 = arith.subf %select_n3A_1708, %sub3A_1714 : vector<16xf32>
      %add3A_1716 = arith.constant 1.000000e+00 : f32
      %add3A_1717 = vector.broadcast %add3A_1716 : f32 to vector<16xf32>
      %add3A_1718 = arith.addf %select_n3A_1708, %add3A_1717 : vector<16xf32>
      %div3A_1719 = arith.divf %sub3A_1715, %add3A_1718 : vector<16xf32>
      %mul3A_1720 = arith.mulf %div3A_1719, %div3A_1719 : vector<16xf32>
      %mul3A_1721 = arith.constant 0.142857149 : f32
      %mul3A_1722 = vector.broadcast %mul3A_1721 : f32 to vector<16xf32>
      %mul3A_1723 = arith.mulf %mul3A_1720, %mul3A_1722 : vector<16xf32>
      %add3A_1724 = arith.constant 2.000000e-01 : f32
      %add3A_1725 = vector.broadcast %add3A_1724 : f32 to vector<16xf32>
      %add3A_1726 = arith.addf %add3A_1725, %mul3A_1723 : vector<16xf32>
      %mul3A_1727 = arith.mulf %mul3A_1720, %add3A_1726 : vector<16xf32>
      %add3A_1728 = arith.constant 0.333333343 : f32
      %add3A_1729 = vector.broadcast %add3A_1728 : f32 to vector<16xf32>
      %add3A_1730 = arith.addf %add3A_1729, %mul3A_1727 : vector<16xf32>
      %mul3A_1731 = arith.mulf %mul3A_1720, %add3A_1730 : vector<16xf32>
      %add3A_1732 = arith.constant 1.000000e+00 : f32
      %add3A_1733 = vector.broadcast %add3A_1732 : f32 to vector<16xf32>
      %add3A_1734 = arith.addf %add3A_1733, %mul3A_1731 : vector<16xf32>
      %convert_element_type3A_1735 = arith.sitofp %select_n3A_1712 : vector<16xi32> to vector<16xf32>
      %mul3A_1736 = arith.constant 0.693147182 : f32
      %mul3A_1737 = vector.broadcast %mul3A_1736 : f32 to vector<16xf32>
      %mul3A_1738 = arith.mulf %convert_element_type3A_1735, %mul3A_1737 : vector<16xf32>
      %mul3A_1739 = arith.constant 2.000000e+00 : f32
      %mul3A_1740 = vector.broadcast %mul3A_1739 : f32 to vector<16xf32>
      %mul3A_1741 = arith.mulf %mul3A_1740, %div3A_1719 : vector<16xf32>
      %mul3A_1742 = arith.mulf %mul3A_1741, %add3A_1734 : vector<16xf32>
      %add3A_1743 = arith.addf %mul3A_1738, %mul3A_1742 : vector<16xf32>
      %swap3A_1744 = arith.constant 384 : index
      %swap3A_1745 = tpu.vector_load %arg10[%swap3A_1744] {strides = array<i32>} : memref<512xf32, #tpu.memory_space<vmem>>, vector<16xf32>,
      tpu.vector_store %arg10[%swap3A_1744], %add3A_1743 {strides = array<i32>} : memref<512xf32, #tpu.memory_space<vmem>>, vector<16xf32>,
      %get3A_1746 = arith.constant 400 : index
      %get3A_1747 = tpu.vector_load %arg10[%get3A_1746] {strides = array<i32>} : memref<512xf32, #tpu.memory_space<vmem>>, vector<16xf32>,
      %add3A_1748 = arith.constant 9.99999974E-6 : f32
      %add3A_1749 = vector.broadcast %add3A_1748 : f32 to vector<16xf32>
      %add3A_1750 = arith.addf %get3A_1747, %add3A_1749 : vector<16xf32>
      %bitcast_convert_type3A_1751 = tpu.bitcast %add3A_1750 : vector<16xf32> -> vector<16xi32>
      %shift_right_logical3A_1752 = arith.constant 23 : i32
      %shift_right_logical3A_1753 = vector.broadcast %shift_right_logical3A_1752 : i32 to vector<16xi32>
      %shift_right_logical3A_1754 = arith.shrui %bitcast_convert_type3A_1751, %shift_right_logical3A_1753 : vector<16xi32>
      %sub3A_1755 = arith.constant 127 : i32
      %sub3A_1756 = vector.broadcast %sub3A_1755 : i32 to vector<16xi32>
      %sub3A_1757 = arith.subi %shift_right_logical3A_1754, %sub3A_1756 : vector<16xi32>
      %and3A_1758 = arith.constant 8388607 : i32
      %and3A_1759 = vector.broadcast %and3A_1758 : i32 to vector<16xi32>
      %and3A_1760 = arith.andi %bitcast_convert_type3A_1751, %and3A_1759 : vector<16xi32>
      %or3A_1761 = arith.constant 1065353216 : i32
      %or3A_1762 = vector.broadcast %or3A_1761 : i32 to vector<16xi32>
      %or3A_1763 = arith.ori %and3A_1760, %or3A_1762 : vector<16xi32>
      %bitcast_convert_type3A_1764 = tpu.bitcast %or3A_1763 : vector<16xi32> -> vector<16xf32>
      %gt3A_1765 = arith.constant 1.41421354 : f32
      %gt3A_1766 = vector.broadcast %gt3A_1765 : f32 to vector<16xf32>
      %gt3A_1767 = arith.cmpf ogt, %bitcast_convert_type3A_1764, %gt3A_1766 : vector<16xf32>
      %mul3A_1768 = arith.constant 5.000000e-01 : f32
      %mul3A_1769 = vector.broadcast %mul3A_1768 : f32 to vector<16xf32>
      %mul3A_1770 = arith.mulf %bitcast_convert_type3A_1764, %mul3A_1769 : vector<16xf32>
      %select_n3A_1771 = arith.select %gt3A_1767, %mul3A_1770, %bitcast_convert_type3A_1764 : vector<16xi1>, vector<16xf32>
      %add3A_1772 = arith.constant 1 : i32
      %add3A_1773 = vector.broadcast %add3A_1772 : i32 to vector<16xi32>
      %add3A_1774 = arith.addi %sub3A_1757, %add3A_1773 : vector<16xi32>
      %select_n3A_1775 = arith.select %gt3A_1767, %add3A_1774, %sub3A_1757 : vector<16xi1>, vector<16xi32>
      %sub3A_1776 = arith.constant 1.000000e+00 : f32
      %sub3A_1777 = vector.broadcast %sub3A_1776 : f32 to vector<16xf32>
      %sub3A_1778 = arith.subf %select_n3A_1771, %sub3A_1777 : vector<16xf32>
      %add3A_1779 = arith.constant 1.000000e+00 : f32
      %add3A_1780 = vector.broadcast %add3A_1779 : f32 to vector<16xf32>
      %add3A_1781 = arith.addf %select_n3A_1771, %add3A_1780 : vector<16xf32>
      %div3A_1782 = arith.divf %sub3A_1778, %add3A_1781 : vector<16xf32>
      %mul3A_1783 = arith.mulf %div3A_1782, %div3A_1782 : vector<16xf32>
      %mul3A_1784 = arith.constant 0.142857149 : f32
      %mul3A_1785 = vector.broadcast %mul3A_1784 : f32 to vector<16xf32>
      %mul3A_1786 = arith.mulf %mul3A_1783, %mul3A_1785 : vector<16xf32>
      %add3A_1787 = arith.constant 2.000000e-01 : f32
      %add3A_1788 = vector.broadcast %add3A_1787 : f32 to vector<16xf32>
      %add3A_1789 = arith.addf %add3A_1788, %mul3A_1786 : vector<16xf32>
      %mul3A_1790 = arith.mulf %mul3A_1783, %add3A_1789 : vector<16xf32>
      %add3A_1791 = arith.constant 0.333333343 : f32
      %add3A_1792 = vector.broadcast %add3A_1791 : f32 to vector<16xf32>
      %add3A_1793 = arith.addf %add3A_1792, %mul3A_1790 : vector<16xf32>
      %mul3A_1794 = arith.mulf %mul3A_1783, %add3A_1793 : vector<16xf32>
      %add3A_1795 = arith.constant 1.000000e+00 : f32
      %add3A_1796 = vector.broadcast %add3A_1795 : f32 to vector<16xf32>
      %add3A_1797 = arith.addf %add3A_1796, %mul3A_1794 : vector<16xf32>
      %convert_element_type3A_1798 = arith.sitofp %select_n3A_1775 : vector<16xi32> to vector<16xf32>
      %mul3A_1799 = arith.constant 0.693147182 : f32
      %mul3A_1800 = vector.broadcast %mul3A_1799 : f32 to vector<16xf32>
      %mul3A_1801 = arith.mulf %convert_element_type3A_1798, %mul3A_1800 : vector<16xf32>
      %mul3A_1802 = arith.constant 2.000000e+00 : f32
      %mul3A_1803 = vector.broadcast %mul3A_1802 : f32 to vector<16xf32>
      %mul3A_1804 = arith.mulf %mul3A_1803, %div3A_1782 : vector<16xf32>
      %mul3A_1805 = arith.mulf %mul3A_1804, %add3A_1797 : vector<16xf32>
      %add3A_1806 = arith.addf %mul3A_1801, %mul3A_1805 : vector<16xf32>
      %swap3A_1807 = arith.constant 400 : index
      %swap3A_1808 = tpu.vector_load %arg10[%swap3A_1807] {strides = array<i32>} : memref<512xf32, #tpu.memory_space<vmem>>, vector<16xf32>,
      tpu.vector_store %arg10[%swap3A_1807], %add3A_1806 {strides = array<i32>} : memref<512xf32, #tpu.memory_space<vmem>>, vector<16xf32>,
      %get3A_1809 = arith.constant 416 : index
      %get3A_1810 = tpu.vector_load %arg10[%get3A_1809] {strides = array<i32>} : memref<512xf32, #tpu.memory_space<vmem>>, vector<16xf32>,
      %add3A_1811 = arith.constant 9.99999974E-6 : f32
      %add3A_1812 = vector.broadcast %add3A_1811 : f32 to vector<16xf32>
      %add3A_1813 = arith.addf %get3A_1810, %add3A_1812 : vector<16xf32>
      %bitcast_convert_type3A_1814 = tpu.bitcast %add3A_1813 : vector<16xf32> -> vector<16xi32>
      %shift_right_logical3A_1815 = arith.constant 23 : i32
      %shift_right_logical3A_1816 = vector.broadcast %shift_right_logical3A_1815 : i32 to vector<16xi32>
      %shift_right_logical3A_1817 = arith.shrui %bitcast_convert_type3A_1814, %shift_right_logical3A_1816 : vector<16xi32>
      %sub3A_1818 = arith.constant 127 : i32
      %sub3A_1819 = vector.broadcast %sub3A_1818 : i32 to vector<16xi32>
      %sub3A_1820 = arith.subi %shift_right_logical3A_1817, %sub3A_1819 : vector<16xi32>
      %and3A_1821 = arith.constant 8388607 : i32
      %and3A_1822 = vector.broadcast %and3A_1821 : i32 to vector<16xi32>
      %and3A_1823 = arith.andi %bitcast_convert_type3A_1814, %and3A_1822 : vector<16xi32>
      %or3A_1824 = arith.constant 1065353216 : i32
      %or3A_1825 = vector.broadcast %or3A_1824 : i32 to vector<16xi32>
      %or3A_1826 = arith.ori %and3A_1823, %or3A_1825 : vector<16xi32>
      %bitcast_convert_type3A_1827 = tpu.bitcast %or3A_1826 : vector<16xi32> -> vector<16xf32>
      %gt3A_1828 = arith.constant 1.41421354 : f32
      %gt3A_1829 = vector.broadcast %gt3A_1828 : f32 to vector<16xf32>
      %gt3A_1830 = arith.cmpf ogt, %bitcast_convert_type3A_1827, %gt3A_1829 : vector<16xf32>
      %mul3A_1831 = arith.constant 5.000000e-01 : f32
      %mul3A_1832 = vector.broadcast %mul3A_1831 : f32 to vector<16xf32>
      %mul3A_1833 = arith.mulf %bitcast_convert_type3A_1827, %mul3A_1832 : vector<16xf32>
      %select_n3A_1834 = arith.select %gt3A_1830, %mul3A_1833, %bitcast_convert_type3A_1827 : vector<16xi1>, vector<16xf32>
      %add3A_1835 = arith.constant 1 : i32
      %add3A_1836 = vector.broadcast %add3A_1835 : i32 to vector<16xi32>
      %add3A_1837 = arith.addi %sub3A_1820, %add3A_1836 : vector<16xi32>
      %select_n3A_1838 = arith.select %gt3A_1830, %add3A_1837, %sub3A_1820 : vector<16xi1>, vector<16xi32>
      %sub3A_1839 = arith.constant 1.000000e+00 : f32
      %sub3A_1840 = vector.broadcast %sub3A_1839 : f32 to vector<16xf32>
      %sub3A_1841 = arith.subf %select_n3A_1834, %sub3A_1840 : vector<16xf32>
      %add3A_1842 = arith.constant 1.000000e+00 : f32
      %add3A_1843 = vector.broadcast %add3A_1842 : f32 to vector<16xf32>
      %add3A_1844 = arith.addf %select_n3A_1834, %add3A_1843 : vector<16xf32>
      %div3A_1845 = arith.divf %sub3A_1841, %add3A_1844 : vector<16xf32>
      %mul3A_1846 = arith.mulf %div3A_1845, %div3A_1845 : vector<16xf32>
      %mul3A_1847 = arith.constant 0.142857149 : f32
      %mul3A_1848 = vector.broadcast %mul3A_1847 : f32 to vector<16xf32>
      %mul3A_1849 = arith.mulf %mul3A_1846, %mul3A_1848 : vector<16xf32>
      %add3A_1850 = arith.constant 2.000000e-01 : f32
      %add3A_1851 = vector.broadcast %add3A_1850 : f32 to vector<16xf32>
      %add3A_1852 = arith.addf %add3A_1851, %mul3A_1849 : vector<16xf32>
      %mul3A_1853 = arith.mulf %mul3A_1846, %add3A_1852 : vector<16xf32>
      %add3A_1854 = arith.constant 0.333333343 : f32
      %add3A_1855 = vector.broadcast %add3A_1854 : f32 to vector<16xf32>
      %add3A_1856 = arith.addf %add3A_1855, %mul3A_1853 : vector<16xf32>
      %mul3A_1857 = arith.mulf %mul3A_1846, %add3A_1856 : vector<16xf32>
      %add3A_1858 = arith.constant 1.000000e+00 : f32
      %add3A_1859 = vector.broadcast %add3A_1858 : f32 to vector<16xf32>
      %add3A_1860 = arith.addf %add3A_1859, %mul3A_1857 : vector<16xf32>
      %convert_element_type3A_1861 = arith.sitofp %select_n3A_1838 : vector<16xi32> to vector<16xf32>
      %mul3A_1862 = arith.constant 0.693147182 : f32
      %mul3A_1863 = vector.broadcast %mul3A_1862 : f32 to vector<16xf32>
      %mul3A_1864 = arith.mulf %convert_element_type3A_1861, %mul3A_1863 : vector<16xf32>
      %mul3A_1865 = arith.constant 2.000000e+00 : f32
      %mul3A_1866 = vector.broadcast %mul3A_1865 : f32 to vector<16xf32>
      %mul3A_1867 = arith.mulf %mul3A_1866, %div3A_1845 : vector<16xf32>
      %mul3A_1868 = arith.mulf %mul3A_1867, %add3A_1860 : vector<16xf32>
      %add3A_1869 = arith.addf %mul3A_1864, %mul3A_1868 : vector<16xf32>
      %swap3A_1870 = arith.constant 416 : index
      %swap3A_1871 = tpu.vector_load %arg10[%swap3A_1870] {strides = array<i32>} : memref<512xf32, #tpu.memory_space<vmem>>, vector<16xf32>,
      tpu.vector_store %arg10[%swap3A_1870], %add3A_1869 {strides = array<i32>} : memref<512xf32, #tpu.memory_space<vmem>>, vector<16xf32>,
      %get3A_1872 = arith.constant 432 : index
      %get3A_1873 = tpu.vector_load %arg10[%get3A_1872] {strides = array<i32>} : memref<512xf32, #tpu.memory_space<vmem>>, vector<16xf32>,
      %add3A_1874 = arith.constant 9.99999974E-6 : f32
      %add3A_1875 = vector.broadcast %add3A_1874 : f32 to vector<16xf32>
      %add3A_1876 = arith.addf %get3A_1873, %add3A_1875 : vector<16xf32>
      %bitcast_convert_type3A_1877 = tpu.bitcast %add3A_1876 : vector<16xf32> -> vector<16xi32>
      %shift_right_logical3A_1878 = arith.constant 23 : i32
      %shift_right_logical3A_1879 = vector.broadcast %shift_right_logical3A_1878 : i32 to vector<16xi32>
      %shift_right_logical3A_1880 = arith.shrui %bitcast_convert_type3A_1877, %shift_right_logical3A_1879 : vector<16xi32>
      %sub3A_1881 = arith.constant 127 : i32
      %sub3A_1882 = vector.broadcast %sub3A_1881 : i32 to vector<16xi32>
      %sub3A_1883 = arith.subi %shift_right_logical3A_1880, %sub3A_1882 : vector<16xi32>
      %and3A_1884 = arith.constant 8388607 : i32
      %and3A_1885 = vector.broadcast %and3A_1884 : i32 to vector<16xi32>
      %and3A_1886 = arith.andi %bitcast_convert_type3A_1877, %and3A_1885 : vector<16xi32>
      %or3A_1887 = arith.constant 1065353216 : i32
      %or3A_1888 = vector.broadcast %or3A_1887 : i32 to vector<16xi32>
      %or3A_1889 = arith.ori %and3A_1886, %or3A_1888 : vector<16xi32>
      %bitcast_convert_type3A_1890 = tpu.bitcast %or3A_1889 : vector<16xi32> -> vector<16xf32>
      %gt3A_1891 = arith.constant 1.41421354 : f32
      %gt3A_1892 = vector.broadcast %gt3A_1891 : f32 to vector<16xf32>
      %gt3A_1893 = arith.cmpf ogt, %bitcast_convert_type3A_1890, %gt3A_1892 : vector<16xf32>
      %mul3A_1894 = arith.constant 5.000000e-01 : f32
      %mul3A_1895 = vector.broadcast %mul3A_1894 : f32 to vector<16xf32>
      %mul3A_1896 = arith.mulf %bitcast_convert_type3A_1890, %mul3A_1895 : vector<16xf32>
      %select_n3A_1897 = arith.select %gt3A_1893, %mul3A_1896, %bitcast_convert_type3A_1890 : vector<16xi1>, vector<16xf32>
      %add3A_1898 = arith.constant 1 : i32
      %add3A_1899 = vector.broadcast %add3A_1898 : i32 to vector<16xi32>
      %add3A_1900 = arith.addi %sub3A_1883, %add3A_1899 : vector<16xi32>
      %select_n3A_1901 = arith.select %gt3A_1893, %add3A_1900, %sub3A_1883 : vector<16xi1>, vector<16xi32>
      %sub3A_1902 = arith.constant 1.000000e+00 : f32
      %sub3A_1903 = vector.broadcast %sub3A_1902 : f32 to vector<16xf32>
      %sub3A_1904 = arith.subf %select_n3A_1897, %sub3A_1903 : vector<16xf32>
      %add3A_1905 = arith.constant 1.000000e+00 : f32
      %add3A_1906 = vector.broadcast %add3A_1905 : f32 to vector<16xf32>
      %add3A_1907 = arith.addf %select_n3A_1897, %add3A_1906 : vector<16xf32>
      %div3A_1908 = arith.divf %sub3A_1904, %add3A_1907 : vector<16xf32>
      %mul3A_1909 = arith.mulf %div3A_1908, %div3A_1908 : vector<16xf32>
      %mul3A_1910 = arith.constant 0.142857149 : f32
      %mul3A_1911 = vector.broadcast %mul3A_1910 : f32 to vector<16xf32>
      %mul3A_1912 = arith.mulf %mul3A_1909, %mul3A_1911 : vector<16xf32>
      %add3A_1913 = arith.constant 2.000000e-01 : f32
      %add3A_1914 = vector.broadcast %add3A_1913 : f32 to vector<16xf32>
      %add3A_1915 = arith.addf %add3A_1914, %mul3A_1912 : vector<16xf32>
      %mul3A_1916 = arith.mulf %mul3A_1909, %add3A_1915 : vector<16xf32>
      %add3A_1917 = arith.constant 0.333333343 : f32
      %add3A_1918 = vector.broadcast %add3A_1917 : f32 to vector<16xf32>
      %add3A_1919 = arith.addf %add3A_1918, %mul3A_1916 : vector<16xf32>
      %mul3A_1920 = arith.mulf %mul3A_1909, %add3A_1919 : vector<16xf32>
      %add3A_1921 = arith.constant 1.000000e+00 : f32
      %add3A_1922 = vector.broadcast %add3A_1921 : f32 to vector<16xf32>
      %add3A_1923 = arith.addf %add3A_1922, %mul3A_1920 : vector<16xf32>
      %convert_element_type3A_1924 = arith.sitofp %select_n3A_1901 : vector<16xi32> to vector<16xf32>
      %mul3A_1925 = arith.constant 0.693147182 : f32
      %mul3A_1926 = vector.broadcast %mul3A_1925 : f32 to vector<16xf32>
      %mul3A_1927 = arith.mulf %convert_element_type3A_1924, %mul3A_1926 : vector<16xf32>
      %mul3A_1928 = arith.constant 2.000000e+00 : f32
      %mul3A_1929 = vector.broadcast %mul3A_1928 : f32 to vector<16xf32>
      %mul3A_1930 = arith.mulf %mul3A_1929, %div3A_1908 : vector<16xf32>
      %mul3A_1931 = arith.mulf %mul3A_1930, %add3A_1923 : vector<16xf32>
      %add3A_1932 = arith.addf %mul3A_1927, %mul3A_1931 : vector<16xf32>
      %swap3A_1933 = arith.constant 432 : index
      %swap3A_1934 = tpu.vector_load %arg10[%swap3A_1933] {strides = array<i32>} : memref<512xf32, #tpu.memory_space<vmem>>, vector<16xf32>,
      tpu.vector_store %arg10[%swap3A_1933], %add3A_1932 {strides = array<i32>} : memref<512xf32, #tpu.memory_space<vmem>>, vector<16xf32>,
      %get3A_1935 = arith.constant 448 : index
      %get3A_1936 = tpu.vector_load %arg10[%get3A_1935] {strides = array<i32>} : memref<512xf32, #tpu.memory_space<vmem>>, vector<16xf32>,
      %add3A_1937 = arith.constant 9.99999974E-6 : f32
      %add3A_1938 = vector.broadcast %add3A_1937 : f32 to vector<16xf32>
      %add3A_1939 = arith.addf %get3A_1936, %add3A_1938 : vector<16xf32>
      %bitcast_convert_type3A_1940 = tpu.bitcast %add3A_1939 : vector<16xf32> -> vector<16xi32>
      %shift_right_logical3A_1941 = arith.constant 23 : i32
      %shift_right_logical3A_1942 = vector.broadcast %shift_right_logical3A_1941 : i32 to vector<16xi32>
      %shift_right_logical3A_1943 = arith.shrui %bitcast_convert_type3A_1940, %shift_right_logical3A_1942 : vector<16xi32>
      %sub3A_1944 = arith.constant 127 : i32
      %sub3A_1945 = vector.broadcast %sub3A_1944 : i32 to vector<16xi32>
      %sub3A_1946 = arith.subi %shift_right_logical3A_1943, %sub3A_1945 : vector<16xi32>
      %and3A_1947 = arith.constant 8388607 : i32
      %and3A_1948 = vector.broadcast %and3A_1947 : i32 to vector<16xi32>
      %and3A_1949 = arith.andi %bitcast_convert_type3A_1940, %and3A_1948 : vector<16xi32>
      %or3A_1950 = arith.constant 1065353216 : i32
      %or3A_1951 = vector.broadcast %or3A_1950 : i32 to vector<16xi32>
      %or3A_1952 = arith.ori %and3A_1949, %or3A_1951 : vector<16xi32>
      %bitcast_convert_type3A_1953 = tpu.bitcast %or3A_1952 : vector<16xi32> -> vector<16xf32>
      %gt3A_1954 = arith.constant 1.41421354 : f32
      %gt3A_1955 = vector.broadcast %gt3A_1954 : f32 to vector<16xf32>
      %gt3A_1956 = arith.cmpf ogt, %bitcast_convert_type3A_1953, %gt3A_1955 : vector<16xf32>
      %mul3A_1957 = arith.constant 5.000000e-01 : f32
      %mul3A_1958 = vector.broadcast %mul3A_1957 : f32 to vector<16xf32>
      %mul3A_1959 = arith.mulf %bitcast_convert_type3A_1953, %mul3A_1958 : vector<16xf32>
      %select_n3A_1960 = arith.select %gt3A_1956, %mul3A_1959, %bitcast_convert_type3A_1953 : vector<16xi1>, vector<16xf32>
      %add3A_1961 = arith.constant 1 : i32
      %add3A_1962 = vector.broadcast %add3A_1961 : i32 to vector<16xi32>
      %add3A_1963 = arith.addi %sub3A_1946, %add3A_1962 : vector<16xi32>
      %select_n3A_1964 = arith.select %gt3A_1956, %add3A_1963, %sub3A_1946 : vector<16xi1>, vector<16xi32>
      %sub3A_1965 = arith.constant 1.000000e+00 : f32
      %sub3A_1966 = vector.broadcast %sub3A_1965 : f32 to vector<16xf32>
      %sub3A_1967 = arith.subf %select_n3A_1960, %sub3A_1966 : vector<16xf32>
      %add3A_1968 = arith.constant 1.000000e+00 : f32
      %add3A_1969 = vector.broadcast %add3A_1968 : f32 to vector<16xf32>
      %add3A_1970 = arith.addf %select_n3A_1960, %add3A_1969 : vector<16xf32>
      %div3A_1971 = arith.divf %sub3A_1967, %add3A_1970 : vector<16xf32>
      %mul3A_1972 = arith.mulf %div3A_1971, %div3A_1971 : vector<16xf32>
      %mul3A_1973 = arith.constant 0.142857149 : f32
      %mul3A_1974 = vector.broadcast %mul3A_1973 : f32 to vector<16xf32>
      %mul3A_1975 = arith.mulf %mul3A_1972, %mul3A_1974 : vector<16xf32>
      %add3A_1976 = arith.constant 2.000000e-01 : f32
      %add3A_1977 = vector.broadcast %add3A_1976 : f32 to vector<16xf32>
      %add3A_1978 = arith.addf %add3A_1977, %mul3A_1975 : vector<16xf32>
      %mul3A_1979 = arith.mulf %mul3A_1972, %add3A_1978 : vector<16xf32>
      %add3A_1980 = arith.constant 0.333333343 : f32
      %add3A_1981 = vector.broadcast %add3A_1980 : f32 to vector<16xf32>
      %add3A_1982 = arith.addf %add3A_1981, %mul3A_1979 : vector<16xf32>
      %mul3A_1983 = arith.mulf %mul3A_1972, %add3A_1982 : vector<16xf32>
      %add3A_1984 = arith.constant 1.000000e+00 : f32
      %add3A_1985 = vector.broadcast %add3A_1984 : f32 to vector<16xf32>
      %add3A_1986 = arith.addf %add3A_1985, %mul3A_1983 : vector<16xf32>
      %convert_element_type3A_1987 = arith.sitofp %select_n3A_1964 : vector<16xi32> to vector<16xf32>
      %mul3A_1988 = arith.constant 0.693147182 : f32
      %mul3A_1989 = vector.broadcast %mul3A_1988 : f32 to vector<16xf32>
      %mul3A_1990 = arith.mulf %convert_element_type3A_1987, %mul3A_1989 : vector<16xf32>
      %mul3A_1991 = arith.constant 2.000000e+00 : f32
      %mul3A_1992 = vector.broadcast %mul3A_1991 : f32 to vector<16xf32>
      %mul3A_1993 = arith.mulf %mul3A_1992, %div3A_1971 : vector<16xf32>
      %mul3A_1994 = arith.mulf %mul3A_1993, %add3A_1986 : vector<16xf32>
      %add3A_1995 = arith.addf %mul3A_1990, %mul3A_1994 : vector<16xf32>
      %swap3A_1996 = arith.constant 448 : index
      %swap3A_1997 = tpu.vector_load %arg10[%swap3A_1996] {strides = array<i32>} : memref<512xf32, #tpu.memory_space<vmem>>, vector<16xf32>,
      tpu.vector_store %arg10[%swap3A_1996], %add3A_1995 {strides = array<i32>} : memref<512xf32, #tpu.memory_space<vmem>>, vector<16xf32>,
      %get3A_1998 = arith.constant 464 : index
      %get3A_1999 = tpu.vector_load %arg10[%get3A_1998] {strides = array<i32>} : memref<512xf32, #tpu.memory_space<vmem>>, vector<16xf32>,
      %add3A_2000 = arith.constant 9.99999974E-6 : f32
      %add3A_2001 = vector.broadcast %add3A_2000 : f32 to vector<16xf32>
      %add3A_2002 = arith.addf %get3A_1999, %add3A_2001 : vector<16xf32>
      %bitcast_convert_type3A_2003 = tpu.bitcast %add3A_2002 : vector<16xf32> -> vector<16xi32>
      %shift_right_logical3A_2004 = arith.constant 23 : i32
      %shift_right_logical3A_2005 = vector.broadcast %shift_right_logical3A_2004 : i32 to vector<16xi32>
      %shift_right_logical3A_2006 = arith.shrui %bitcast_convert_type3A_2003, %shift_right_logical3A_2005 : vector<16xi32>
      %sub3A_2007 = arith.constant 127 : i32
      %sub3A_2008 = vector.broadcast %sub3A_2007 : i32 to vector<16xi32>
      %sub3A_2009 = arith.subi %shift_right_logical3A_2006, %sub3A_2008 : vector<16xi32>
      %and3A_2010 = arith.constant 8388607 : i32
      %and3A_2011 = vector.broadcast %and3A_2010 : i32 to vector<16xi32>
      %and3A_2012 = arith.andi %bitcast_convert_type3A_2003, %and3A_2011 : vector<16xi32>
      %or3A_2013 = arith.constant 1065353216 : i32
      %or3A_2014 = vector.broadcast %or3A_2013 : i32 to vector<16xi32>
      %or3A_2015 = arith.ori %and3A_2012, %or3A_2014 : vector<16xi32>
      %bitcast_convert_type3A_2016 = tpu.bitcast %or3A_2015 : vector<16xi32> -> vector<16xf32>
      %gt3A_2017 = arith.constant 1.41421354 : f32
      %gt3A_2018 = vector.broadcast %gt3A_2017 : f32 to vector<16xf32>
      %gt3A_2019 = arith.cmpf ogt, %bitcast_convert_type3A_2016, %gt3A_2018 : vector<16xf32>
      %mul3A_2020 = arith.constant 5.000000e-01 : f32
      %mul3A_2021 = vector.broadcast %mul3A_2020 : f32 to vector<16xf32>
      %mul3A_2022 = arith.mulf %bitcast_convert_type3A_2016, %mul3A_2021 : vector<16xf32>
      %select_n3A_2023 = arith.select %gt3A_2019, %mul3A_2022, %bitcast_convert_type3A_2016 : vector<16xi1>, vector<16xf32>
      %add3A_2024 = arith.constant 1 : i32
      %add3A_2025 = vector.broadcast %add3A_2024 : i32 to vector<16xi32>
      %add3A_2026 = arith.addi %sub3A_2009, %add3A_2025 : vector<16xi32>
      %select_n3A_2027 = arith.select %gt3A_2019, %add3A_2026, %sub3A_2009 : vector<16xi1>, vector<16xi32>
      %sub3A_2028 = arith.constant 1.000000e+00 : f32
      %sub3A_2029 = vector.broadcast %sub3A_2028 : f32 to vector<16xf32>
      %sub3A_2030 = arith.subf %select_n3A_2023, %sub3A_2029 : vector<16xf32>
      %add3A_2031 = arith.constant 1.000000e+00 : f32
      %add3A_2032 = vector.broadcast %add3A_2031 : f32 to vector<16xf32>
      %add3A_2033 = arith.addf %select_n3A_2023, %add3A_2032 : vector<16xf32>
      %div3A_2034 = arith.divf %sub3A_2030, %add3A_2033 : vector<16xf32>
      %mul3A_2035 = arith.mulf %div3A_2034, %div3A_2034 : vector<16xf32>
      %mul3A_2036 = arith.constant 0.142857149 : f32
      %mul3A_2037 = vector.broadcast %mul3A_2036 : f32 to vector<16xf32>
      %mul3A_2038 = arith.mulf %mul3A_2035, %mul3A_2037 : vector<16xf32>
      %add3A_2039 = arith.constant 2.000000e-01 : f32
      %add3A_2040 = vector.broadcast %add3A_2039 : f32 to vector<16xf32>
      %add3A_2041 = arith.addf %add3A_2040, %mul3A_2038 : vector<16xf32>
      %mul3A_2042 = arith.mulf %mul3A_2035, %add3A_2041 : vector<16xf32>
      %add3A_2043 = arith.constant 0.333333343 : f32
      %add3A_2044 = vector.broadcast %add3A_2043 : f32 to vector<16xf32>
      %add3A_2045 = arith.addf %add3A_2044, %mul3A_2042 : vector<16xf32>
      %mul3A_2046 = arith.mulf %mul3A_2035, %add3A_2045 : vector<16xf32>
      %add3A_2047 = arith.constant 1.000000e+00 : f32
      %add3A_2048 = vector.broadcast %add3A_2047 : f32 to vector<16xf32>
      %add3A_2049 = arith.addf %add3A_2048, %mul3A_2046 : vector<16xf32>
      %convert_element_type3A_2050 = arith.sitofp %select_n3A_2027 : vector<16xi32> to vector<16xf32>
      %mul3A_2051 = arith.constant 0.693147182 : f32
      %mul3A_2052 = vector.broadcast %mul3A_2051 : f32 to vector<16xf32>
      %mul3A_2053 = arith.mulf %convert_element_type3A_2050, %mul3A_2052 : vector<16xf32>
      %mul3A_2054 = arith.constant 2.000000e+00 : f32
      %mul3A_2055 = vector.broadcast %mul3A_2054 : f32 to vector<16xf32>
      %mul3A_2056 = arith.mulf %mul3A_2055, %div3A_2034 : vector<16xf32>
      %mul3A_2057 = arith.mulf %mul3A_2056, %add3A_2049 : vector<16xf32>
      %add3A_2058 = arith.addf %mul3A_2053, %mul3A_2057 : vector<16xf32>
      %swap3A_2059 = arith.constant 464 : index
      %swap3A_2060 = tpu.vector_load %arg10[%swap3A_2059] {strides = array<i32>} : memref<512xf32, #tpu.memory_space<vmem>>, vector<16xf32>,
      tpu.vector_store %arg10[%swap3A_2059], %add3A_2058 {strides = array<i32>} : memref<512xf32, #tpu.memory_space<vmem>>, vector<16xf32>,
      %get3A_2061 = arith.constant 480 : index
      %get3A_2062 = tpu.vector_load %arg10[%get3A_2061] {strides = array<i32>} : memref<512xf32, #tpu.memory_space<vmem>>, vector<16xf32>,
      %add3A_2063 = arith.constant 9.99999974E-6 : f32
      %add3A_2064 = vector.broadcast %add3A_2063 : f32 to vector<16xf32>
      %add3A_2065 = arith.addf %get3A_2062, %add3A_2064 : vector<16xf32>
      %bitcast_convert_type3A_2066 = tpu.bitcast %add3A_2065 : vector<16xf32> -> vector<16xi32>
      %shift_right_logical3A_2067 = arith.constant 23 : i32
      %shift_right_logical3A_2068 = vector.broadcast %shift_right_logical3A_2067 : i32 to vector<16xi32>
      %shift_right_logical3A_2069 = arith.shrui %bitcast_convert_type3A_2066, %shift_right_logical3A_2068 : vector<16xi32>
      %sub3A_2070 = arith.constant 127 : i32
      %sub3A_2071 = vector.broadcast %sub3A_2070 : i32 to vector<16xi32>
      %sub3A_2072 = arith.subi %shift_right_logical3A_2069, %sub3A_2071 : vector<16xi32>
      %and3A_2073 = arith.constant 8388607 : i32
      %and3A_2074 = vector.broadcast %and3A_2073 : i32 to vector<16xi32>
      %and3A_2075 = arith.andi %bitcast_convert_type3A_2066, %and3A_2074 : vector<16xi32>
      %or3A_2076 = arith.constant 1065353216 : i32
      %or3A_2077 = vector.broadcast %or3A_2076 : i32 to vector<16xi32>
      %or3A_2078 = arith.ori %and3A_2075, %or3A_2077 : vector<16xi32>
      %bitcast_convert_type3A_2079 = tpu.bitcast %or3A_2078 : vector<16xi32> -> vector<16xf32>
      %gt3A_2080 = arith.constant 1.41421354 : f32
      %gt3A_2081 = vector.broadcast %gt3A_2080 : f32 to vector<16xf32>
      %gt3A_2082 = arith.cmpf ogt, %bitcast_convert_type3A_2079, %gt3A_2081 : vector<16xf32>
      %mul3A_2083 = arith.constant 5.000000e-01 : f32
      %mul3A_2084 = vector.broadcast %mul3A_2083 : f32 to vector<16xf32>
      %mul3A_2085 = arith.mulf %bitcast_convert_type3A_2079, %mul3A_2084 : vector<16xf32>
      %select_n3A_2086 = arith.select %gt3A_2082, %mul3A_2085, %bitcast_convert_type3A_2079 : vector<16xi1>, vector<16xf32>
      %add3A_2087 = arith.constant 1 : i32
      %add3A_2088 = vector.broadcast %add3A_2087 : i32 to vector<16xi32>
      %add3A_2089 = arith.addi %sub3A_2072, %add3A_2088 : vector<16xi32>
      %select_n3A_2090 = arith.select %gt3A_2082, %add3A_2089, %sub3A_2072 : vector<16xi1>, vector<16xi32>
      %sub3A_2091 = arith.constant 1.000000e+00 : f32
      %sub3A_2092 = vector.broadcast %sub3A_2091 : f32 to vector<16xf32>
      %sub3A_2093 = arith.subf %select_n3A_2086, %sub3A_2092 : vector<16xf32>
      %add3A_2094 = arith.constant 1.000000e+00 : f32
      %add3A_2095 = vector.broadcast %add3A_2094 : f32 to vector<16xf32>
      %add3A_2096 = arith.addf %select_n3A_2086, %add3A_2095 : vector<16xf32>
      %div3A_2097 = arith.divf %sub3A_2093, %add3A_2096 : vector<16xf32>
      %mul3A_2098 = arith.mulf %div3A_2097, %div3A_2097 : vector<16xf32>
      %mul3A_2099 = arith.constant 0.142857149 : f32
      %mul3A_2100 = vector.broadcast %mul3A_2099 : f32 to vector<16xf32>
      %mul3A_2101 = arith.mulf %mul3A_2098, %mul3A_2100 : vector<16xf32>
      %add3A_2102 = arith.constant 2.000000e-01 : f32
      %add3A_2103 = vector.broadcast %add3A_2102 : f32 to vector<16xf32>
      %add3A_2104 = arith.addf %add3A_2103, %mul3A_2101 : vector<16xf32>
      %mul3A_2105 = arith.mulf %mul3A_2098, %add3A_2104 : vector<16xf32>
      %add3A_2106 = arith.constant 0.333333343 : f32
      %add3A_2107 = vector.broadcast %add3A_2106 : f32 to vector<16xf32>
      %add3A_2108 = arith.addf %add3A_2107, %mul3A_2105 : vector<16xf32>
      %mul3A_2109 = arith.mulf %mul3A_2098, %add3A_2108 : vector<16xf32>
      %add3A_2110 = arith.constant 1.000000e+00 : f32
      %add3A_2111 = vector.broadcast %add3A_2110 : f32 to vector<16xf32>
      %add3A_2112 = arith.addf %add3A_2111, %mul3A_2109 : vector<16xf32>
      %convert_element_type3A_2113 = arith.sitofp %select_n3A_2090 : vector<16xi32> to vector<16xf32>
      %mul3A_2114 = arith.constant 0.693147182 : f32
      %mul3A_2115 = vector.broadcast %mul3A_2114 : f32 to vector<16xf32>
      %mul3A_2116 = arith.mulf %convert_element_type3A_2113, %mul3A_2115 : vector<16xf32>
      %mul3A_2117 = arith.constant 2.000000e+00 : f32
      %mul3A_2118 = vector.broadcast %mul3A_2117 : f32 to vector<16xf32>
      %mul3A_2119 = arith.mulf %mul3A_2118, %div3A_2097 : vector<16xf32>
      %mul3A_2120 = arith.mulf %mul3A_2119, %add3A_2112 : vector<16xf32>
      %add3A_2121 = arith.addf %mul3A_2116, %mul3A_2120 : vector<16xf32>
      %swap3A_2122 = arith.constant 480 : index
      %swap3A_2123 = tpu.vector_load %arg10[%swap3A_2122] {strides = array<i32>} : memref<512xf32, #tpu.memory_space<vmem>>, vector<16xf32>,
      tpu.vector_store %arg10[%swap3A_2122], %add3A_2121 {strides = array<i32>} : memref<512xf32, #tpu.memory_space<vmem>>, vector<16xf32>,
      %get3A_2124 = arith.constant 496 : index
      %get3A_2125 = tpu.vector_load %arg10[%get3A_2124] {strides = array<i32>} : memref<512xf32, #tpu.memory_space<vmem>>, vector<16xf32>,
      %add3A_2126 = arith.constant 9.99999974E-6 : f32
      %add3A_2127 = vector.broadcast %add3A_2126 : f32 to vector<16xf32>
      %add3A_2128 = arith.addf %get3A_2125, %add3A_2127 : vector<16xf32>
      %bitcast_convert_type3A_2129 = tpu.bitcast %add3A_2128 : vector<16xf32> -> vector<16xi32>
      %shift_right_logical3A_2130 = arith.constant 23 : i32
      %shift_right_logical3A_2131 = vector.broadcast %shift_right_logical3A_2130 : i32 to vector<16xi32>
      %shift_right_logical3A_2132 = arith.shrui %bitcast_convert_type3A_2129, %shift_right_logical3A_2131 : vector<16xi32>
      %sub3A_2133 = arith.constant 127 : i32
      %sub3A_2134 = vector.broadcast %sub3A_2133 : i32 to vector<16xi32>
      %sub3A_2135 = arith.subi %shift_right_logical3A_2132, %sub3A_2134 : vector<16xi32>
      %and3A_2136 = arith.constant 8388607 : i32
      %and3A_2137 = vector.broadcast %and3A_2136 : i32 to vector<16xi32>
      %and3A_2138 = arith.andi %bitcast_convert_type3A_2129, %and3A_2137 : vector<16xi32>
      %or3A_2139 = arith.constant 1065353216 : i32
      %or3A_2140 = vector.broadcast %or3A_2139 : i32 to vector<16xi32>
      %or3A_2141 = arith.ori %and3A_2138, %or3A_2140 : vector<16xi32>
      %bitcast_convert_type3A_2142 = tpu.bitcast %or3A_2141 : vector<16xi32> -> vector<16xf32>
      %gt3A_2143 = arith.constant 1.41421354 : f32
      %gt3A_2144 = vector.broadcast %gt3A_2143 : f32 to vector<16xf32>
      %gt3A_2145 = arith.cmpf ogt, %bitcast_convert_type3A_2142, %gt3A_2144 : vector<16xf32>
      %mul3A_2146 = arith.constant 5.000000e-01 : f32
      %mul3A_2147 = vector.broadcast %mul3A_2146 : f32 to vector<16xf32>
      %mul3A_2148 = arith.mulf %bitcast_convert_type3A_2142, %mul3A_2147 : vector<16xf32>
      %select_n3A_2149 = arith.select %gt3A_2145, %mul3A_2148, %bitcast_convert_type3A_2142 : vector<16xi1>, vector<16xf32>
      %add3A_2150 = arith.constant 1 : i32
      %add3A_2151 = vector.broadcast %add3A_2150 : i32 to vector<16xi32>
      %add3A_2152 = arith.addi %sub3A_2135, %add3A_2151 : vector<16xi32>
      %select_n3A_2153 = arith.select %gt3A_2145, %add3A_2152, %sub3A_2135 : vector<16xi1>, vector<16xi32>
      %sub3A_2154 = arith.constant 1.000000e+00 : f32
      %sub3A_2155 = vector.broadcast %sub3A_2154 : f32 to vector<16xf32>
      %sub3A_2156 = arith.subf %select_n3A_2149, %sub3A_2155 : vector<16xf32>
      %add3A_2157 = arith.constant 1.000000e+00 : f32
      %add3A_2158 = vector.broadcast %add3A_2157 : f32 to vector<16xf32>
      %add3A_2159 = arith.addf %select_n3A_2149, %add3A_2158 : vector<16xf32>
      %div3A_2160 = arith.divf %sub3A_2156, %add3A_2159 : vector<16xf32>
      %mul3A_2161 = arith.mulf %div3A_2160, %div3A_2160 : vector<16xf32>
      %mul3A_2162 = arith.constant 0.142857149 : f32
      %mul3A_2163 = vector.broadcast %mul3A_2162 : f32 to vector<16xf32>
      %mul3A_2164 = arith.mulf %mul3A_2161, %mul3A_2163 : vector<16xf32>
      %add3A_2165 = arith.constant 2.000000e-01 : f32
      %add3A_2166 = vector.broadcast %add3A_2165 : f32 to vector<16xf32>
      %add3A_2167 = arith.addf %add3A_2166, %mul3A_2164 : vector<16xf32>
      %mul3A_2168 = arith.mulf %mul3A_2161, %add3A_2167 : vector<16xf32>
      %add3A_2169 = arith.constant 0.333333343 : f32
      %add3A_2170 = vector.broadcast %add3A_2169 : f32 to vector<16xf32>
      %add3A_2171 = arith.addf %add3A_2170, %mul3A_2168 : vector<16xf32>
      %mul3A_2172 = arith.mulf %mul3A_2161, %add3A_2171 : vector<16xf32>
      %add3A_2173 = arith.constant 1.000000e+00 : f32
      %add3A_2174 = vector.broadcast %add3A_2173 : f32 to vector<16xf32>
      %add3A_2175 = arith.addf %add3A_2174, %mul3A_2172 : vector<16xf32>
      %convert_element_type3A_2176 = arith.sitofp %select_n3A_2153 : vector<16xi32> to vector<16xf32>
      %mul3A_2177 = arith.constant 0.693147182 : f32
      %mul3A_2178 = vector.broadcast %mul3A_2177 : f32 to vector<16xf32>
      %mul3A_2179 = arith.mulf %convert_element_type3A_2176, %mul3A_2178 : vector<16xf32>
      %mul3A_2180 = arith.constant 2.000000e+00 : f32
      %mul3A_2181 = vector.broadcast %mul3A_2180 : f32 to vector<16xf32>
      %mul3A_2182 = arith.mulf %mul3A_2181, %div3A_2160 : vector<16xf32>
      %mul3A_2183 = arith.mulf %mul3A_2182, %add3A_2175 : vector<16xf32>
      %add3A_2184 = arith.addf %mul3A_2179, %mul3A_2183 : vector<16xf32>
      %swap3A_2185 = arith.constant 496 : index
      %swap3A_2186 = tpu.vector_load %arg10[%swap3A_2185] {strides = array<i32>} : memref<512xf32, #tpu.memory_space<vmem>>, vector<16xf32>,
      tpu.vector_store %arg10[%swap3A_2185], %add3A_2184 {strides = array<i32>} : memref<512xf32, #tpu.memory_space<vmem>>, vector<16xf32>,
      %mul3A_2187 = arith.constant 16 : i32
      %mul3A_2188 = arith.muli %add3A_53, %mul3A_2187 : i32
      %add3A_2189 = arith.addi %mul3A_13, %mul3A_2188 : i32
      %mul3A_2190 = arith.constant 32 : i32
      %mul3A_2191 = arith.muli %add3A_2189, %mul3A_2190 : i32
      "tpu.region"() ({
        %run_scoped3A = tpu.sem_alloc : memref<!tpu.dma_semaphore, #tpu.memory_space<semaphore_mem>>
        %dma_start3A_4354 = tpu.memref_slice %arg5[%mul3A_2191] : memref<262144xf32, #tpu.memory_space<hbm>> -> memref<512xf32, #tpu.memory_space<hbm>>
        %dma_start3A_4355 = tpu.memref_slice %arg5[%mul3A_2191] : memref<262144xf32, #tpu.memory_space<hbm>> -> memref<512xf32, #tpu.memory_space<hbm>>
        tpu.enqueue_dma source(%arg10 : memref<512xf32, #tpu.memory_space<vmem>>) target(%dma_start3A_4355 : memref<512xf32, #tpu.memory_space<hbm>>) target_semaphore(%run_scoped3A : memref<!tpu.dma_semaphore, #tpu.memory_space<semaphore_mem>>)
        %dma_wait3A_4356 = tpu.memref_slice %arg5[%mul3A_2191] : memref<262144xf32, #tpu.memory_space<hbm>> -> memref<512xf32, #tpu.memory_space<hbm>>
        %dma_wait3A_4357 = tpu.memref_slice %arg5[%mul3A_2191] : memref<262144xf32, #tpu.memory_space<hbm>> -> memref<512xf32, #tpu.memory_space<hbm>>
        tpu.wait_dma2 semaphore(%run_scoped3A : memref<!tpu.dma_semaphore, #tpu.memory_space<semaphore_mem>>) src(%arg10 : memref<512xf32, #tpu.memory_space<vmem>>) dst(%dma_wait3A_4357 : memref<512xf32, #tpu.memory_space<hbm>>)
        tpu.yield
      }) : () -> ()
      %mul3A_2192 = arith.constant 2 : i32
      %mul3A_2193 = arith.muli %scan3A_49, %mul3A_2192 : i32
      %add3A_2194 = arith.constant 1 : i32
      %add3A_2195 = arith.addi %mul3A_2193, %add3A_2194 : i32
      %mul3A_2196 = arith.constant 16 : i32
      %mul3A_2197 = arith.muli %add3A_2195, %mul3A_2196 : i32
      %add3A_2198 = arith.addi %mul3A_13, %mul3A_2197 : i32
      %mul3A_2199 = arith.constant 2048 : i32
      %mul3A_2200 = arith.muli %add3A_2198, %mul3A_2199 : i32
      %dma_wait3A_2201 = arith.constant 32768 : i32
      %dma_wait3A_2202 = tpu.memref_slice %arg6[%dma_wait3A_2201] : memref<65536xf32, #tpu.memory_space<vmem>> -> memref<32768xf32, #tpu.memory_space<vmem>>
      %dma_wait3A_2203 = tpu.memref_slice %arg2[%mul3A_2200] : memref<16777216xf32, #tpu.memory_space<hbm>> -> memref<32768xf32, #tpu.memory_space<hbm>>
      %dma_wait3A_2204 = arith.constant 32768 : i32
      %dma_wait3A_2205 = tpu.memref_slice %arg6[%dma_wait3A_2204] : memref<65536xf32, #tpu.memory_space<vmem>> -> memref<32768xf32, #tpu.memory_space<vmem>>
      %dma_wait3A_2206 = tpu.memref_slice %arg2[%mul3A_2200] : memref<16777216xf32, #tpu.memory_space<hbm>> -> memref<32768xf32, #tpu.memory_space<hbm>>
      tpu.wait_dma2 semaphore(%arg12 : memref<!tpu.dma_semaphore, #tpu.memory_space<semaphore_mem>>) src(%dma_wait3A_2206 : memref<32768xf32, #tpu.memory_space<hbm>>) dst(%dma_wait3A_2205 : memref<32768xf32, #tpu.memory_space<vmem>>)
      %add3A_2207 = arith.constant 1 : i32
      %add3A_2208 = arith.addi %add3A_2195, %add3A_2207 : i32
      %lt3A_2209 = arith.constant 16 : i32
      %lt3A_2210 = arith.cmpi slt, %add3A_2208, %lt3A_2209 : i32
      %convert_element_type3A_2211 = arith.extui %lt3A_2210 : i1 to i32
      %cond3A_2212 = arith.constant 0 : i32
      %cond3A_2213 = arith.cmpi ne, %convert_element_type3A_2211, %cond3A_2212 : i32
      scf.if %cond3A_2213 {
        %add3A_4354 = arith.constant 1 : i32
        %add3A_4355 = arith.addi %add3A_2195, %add3A_4354 : i32
        %mul3A_4356 = arith.constant 16 : i32
        %mul3A_4357 = arith.muli %add3A_4355, %mul3A_4356 : i32
        %add3A_4358 = arith.addi %mul3A_13, %mul3A_4357 : i32
        %mul3A_4359 = arith.constant 2048 : i32
        %mul3A_4360 = arith.muli %add3A_4358, %mul3A_4359 : i32
        %dma_start3A_4361 = arith.constant 0 : i32
        %dma_start3A_4362 = tpu.memref_slice %arg6[%dma_start3A_4361] : memref<65536xf32, #tpu.memory_space<vmem>> -> memref<32768xf32, #tpu.memory_space<vmem>>
        %dma_start3A_4363 = tpu.memref_slice %arg2[%mul3A_4360] : memref<16777216xf32, #tpu.memory_space<hbm>> -> memref<32768xf32, #tpu.memory_space<hbm>>
        %dma_start3A_4364 = arith.constant 0 : i32
        %dma_start3A_4365 = tpu.memref_slice %arg6[%dma_start3A_4364] : memref<65536xf32, #tpu.memory_space<vmem>> -> memref<32768xf32, #tpu.memory_space<vmem>>
        %dma_start3A_4366 = tpu.memref_slice %arg2[%mul3A_4360] : memref<16777216xf32, #tpu.memory_space<hbm>> -> memref<32768xf32, #tpu.memory_space<hbm>>
        tpu.enqueue_dma source(%dma_start3A_4366 : memref<32768xf32, #tpu.memory_space<hbm>>) target(%dma_start3A_4365 : memref<32768xf32, #tpu.memory_space<vmem>>) target_semaphore(%arg11 : memref<!tpu.dma_semaphore, #tpu.memory_space<semaphore_mem>>)
      } else {
      }
      %jit3A_2214 = arith.constant 8 : i32
      %div3A_2215 = arith.divsi %add3A_2195, %jit3A_2214 : i32
      %sign3A_2216 = arith.constant 0 : i32
      %sign3A_2217 = arith.cmpi sgt, %add3A_2195, %sign3A_2216 : i32
      %sign3A_2218 = arith.extui %sign3A_2217 : i1 to i32
      %sign3A_2219 = arith.constant 0 : i32
      %sign3A_2220 = arith.cmpi slt, %add3A_2195, %sign3A_2219 : i32
      %sign3A_2221 = arith.extui %sign3A_2220 : i1 to i32
      %sign3A_2222 = arith.subi %sign3A_2218, %sign3A_2221 : i32
      %sign3A_2223 = arith.constant 0 : i32
      %sign3A_2224 = arith.cmpi sgt, %jit3A_2214, %sign3A_2223 : i32
      %sign3A_2225 = arith.extui %sign3A_2224 : i1 to i32
      %sign3A_2226 = arith.constant 0 : i32
      %sign3A_2227 = arith.cmpi slt, %jit3A_2214, %sign3A_2226 : i32
      %sign3A_2228 = arith.extui %sign3A_2227 : i1 to i32
      %sign3A_2229 = arith.subi %sign3A_2225, %sign3A_2228 : i32
      %ne3A_2230 = arith.cmpi ne, %sign3A_2222, %sign3A_2229 : i32
      %rem3A_2231 = arith.remsi %add3A_2195, %jit3A_2214 : i32
      %ne3A_2232 = arith.constant 0 : i32
      %ne3A_2233 = arith.cmpi ne, %rem3A_2231, %ne3A_2232 : i32
      %and3A_2234 = arith.andi %ne3A_2230, %ne3A_2233 : i1
      %sub3A_2235 = arith.constant 1 : i32
      %sub3A_2236 = arith.subi %div3A_2215, %sub3A_2235 : i32
      %select_n3A_2237 = arith.select %and3A_2234, %sub3A_2236, %div3A_2215 : i32
      %mul3A_2238 = arith.constant 32 : i32
      %mul3A_2239 = arith.muli %select_n3A_2237, %mul3A_2238 : i32
      %add3A_2240 = arith.constant 16 : i32
      %add3A_2241 = arith.addi %mul3A_2239, %add3A_2240 : i32
      %get3A_2242 = arith.index_cast %add3A_2241 : i32 to index
      %get3A_2243 = tpu.vector_load %arg8[%get3A_2242] {strides = array<i32>} : memref<64xi32, #tpu.memory_space<vmem>>, vector<16xi32>,
      %ne3A_2244 = arith.constant -1 : i32
      %ne3A_2245 = vector.broadcast %ne3A_2244 : i32 to vector<16xi32>
      %ne3A_2246 = arith.cmpi ne, %get3A_2243, %ne3A_2245 : vector<16xi32>
      %eq3A_2247 = arith.constant 0 : i32
      %eq3A_2248 = arith.cmpi eq, %select_n3A_2237, %eq3A_2247 : i32
      %select_n3A_2249 = arith.select %eq3A_2248, %scan3A_26, %scan3A_33 : i32
      %swap3A_2250 = arith.constant 0 : index
      %swap3A_2251 = tpu.vector_load %arg10[%swap3A_2250] {strides = array<i32>} : memref<512xf32, #tpu.memory_space<vmem>>, vector<16xf32>,
      tpu.vector_store %arg10[%swap3A_2250], %broadcast_in_dim3A_11 {strides = array<i32>} : memref<512xf32, #tpu.memory_space<vmem>>, vector<16xf32>,
      %swap3A_2252 = arith.constant 16 : index
      %swap3A_2253 = tpu.vector_load %arg10[%swap3A_2252] {strides = array<i32>} : memref<512xf32, #tpu.memory_space<vmem>>, vector<16xf32>,
      tpu.vector_store %arg10[%swap3A_2252], %broadcast_in_dim3A_11 {strides = array<i32>} : memref<512xf32, #tpu.memory_space<vmem>>, vector<16xf32>,
      %swap3A_2254 = arith.constant 32 : index
      %swap3A_2255 = tpu.vector_load %arg10[%swap3A_2254] {strides = array<i32>} : memref<512xf32, #tpu.memory_space<vmem>>, vector<16xf32>,
      tpu.vector_store %arg10[%swap3A_2254], %broadcast_in_dim3A_11 {strides = array<i32>} : memref<512xf32, #tpu.memory_space<vmem>>, vector<16xf32>,
      %swap3A_2256 = arith.constant 48 : index
      %swap3A_2257 = tpu.vector_load %arg10[%swap3A_2256] {strides = array<i32>} : memref<512xf32, #tpu.memory_space<vmem>>, vector<16xf32>,
      tpu.vector_store %arg10[%swap3A_2256], %broadcast_in_dim3A_11 {strides = array<i32>} : memref<512xf32, #tpu.memory_space<vmem>>, vector<16xf32>,
      %swap3A_2258 = arith.constant 64 : index
      %swap3A_2259 = tpu.vector_load %arg10[%swap3A_2258] {strides = array<i32>} : memref<512xf32, #tpu.memory_space<vmem>>, vector<16xf32>,
      tpu.vector_store %arg10[%swap3A_2258], %broadcast_in_dim3A_11 {strides = array<i32>} : memref<512xf32, #tpu.memory_space<vmem>>, vector<16xf32>,
      %swap3A_2260 = arith.constant 80 : index
      %swap3A_2261 = tpu.vector_load %arg10[%swap3A_2260] {strides = array<i32>} : memref<512xf32, #tpu.memory_space<vmem>>, vector<16xf32>,
      tpu.vector_store %arg10[%swap3A_2260], %broadcast_in_dim3A_11 {strides = array<i32>} : memref<512xf32, #tpu.memory_space<vmem>>, vector<16xf32>,
      %swap3A_2262 = arith.constant 96 : index
      %swap3A_2263 = tpu.vector_load %arg10[%swap3A_2262] {strides = array<i32>} : memref<512xf32, #tpu.memory_space<vmem>>, vector<16xf32>,
      tpu.vector_store %arg10[%swap3A_2262], %broadcast_in_dim3A_11 {strides = array<i32>} : memref<512xf32, #tpu.memory_space<vmem>>, vector<16xf32>,
      %swap3A_2264 = arith.constant 112 : index
      %swap3A_2265 = tpu.vector_load %arg10[%swap3A_2264] {strides = array<i32>} : memref<512xf32, #tpu.memory_space<vmem>>, vector<16xf32>,
      tpu.vector_store %arg10[%swap3A_2264], %broadcast_in_dim3A_11 {strides = array<i32>} : memref<512xf32, #tpu.memory_space<vmem>>, vector<16xf32>,
      %swap3A_2266 = arith.constant 128 : index
      %swap3A_2267 = tpu.vector_load %arg10[%swap3A_2266] {strides = array<i32>} : memref<512xf32, #tpu.memory_space<vmem>>, vector<16xf32>,
      tpu.vector_store %arg10[%swap3A_2266], %broadcast_in_dim3A_11 {strides = array<i32>} : memref<512xf32, #tpu.memory_space<vmem>>, vector<16xf32>,
      %swap3A_2268 = arith.constant 144 : index
      %swap3A_2269 = tpu.vector_load %arg10[%swap3A_2268] {strides = array<i32>} : memref<512xf32, #tpu.memory_space<vmem>>, vector<16xf32>,
      tpu.vector_store %arg10[%swap3A_2268], %broadcast_in_dim3A_11 {strides = array<i32>} : memref<512xf32, #tpu.memory_space<vmem>>, vector<16xf32>,
      %swap3A_2270 = arith.constant 160 : index
      %swap3A_2271 = tpu.vector_load %arg10[%swap3A_2270] {strides = array<i32>} : memref<512xf32, #tpu.memory_space<vmem>>, vector<16xf32>,
      tpu.vector_store %arg10[%swap3A_2270], %broadcast_in_dim3A_11 {strides = array<i32>} : memref<512xf32, #tpu.memory_space<vmem>>, vector<16xf32>,
      %swap3A_2272 = arith.constant 176 : index
      %swap3A_2273 = tpu.vector_load %arg10[%swap3A_2272] {strides = array<i32>} : memref<512xf32, #tpu.memory_space<vmem>>, vector<16xf32>,
      tpu.vector_store %arg10[%swap3A_2272], %broadcast_in_dim3A_11 {strides = array<i32>} : memref<512xf32, #tpu.memory_space<vmem>>, vector<16xf32>,
      %swap3A_2274 = arith.constant 192 : index
      %swap3A_2275 = tpu.vector_load %arg10[%swap3A_2274] {strides = array<i32>} : memref<512xf32, #tpu.memory_space<vmem>>, vector<16xf32>,
      tpu.vector_store %arg10[%swap3A_2274], %broadcast_in_dim3A_11 {strides = array<i32>} : memref<512xf32, #tpu.memory_space<vmem>>, vector<16xf32>,
      %swap3A_2276 = arith.constant 208 : index
      %swap3A_2277 = tpu.vector_load %arg10[%swap3A_2276] {strides = array<i32>} : memref<512xf32, #tpu.memory_space<vmem>>, vector<16xf32>,
      tpu.vector_store %arg10[%swap3A_2276], %broadcast_in_dim3A_11 {strides = array<i32>} : memref<512xf32, #tpu.memory_space<vmem>>, vector<16xf32>,
      %swap3A_2278 = arith.constant 224 : index
      %swap3A_2279 = tpu.vector_load %arg10[%swap3A_2278] {strides = array<i32>} : memref<512xf32, #tpu.memory_space<vmem>>, vector<16xf32>,
      tpu.vector_store %arg10[%swap3A_2278], %broadcast_in_dim3A_11 {strides = array<i32>} : memref<512xf32, #tpu.memory_space<vmem>>, vector<16xf32>,
      %swap3A_2280 = arith.constant 240 : index
      %swap3A_2281 = tpu.vector_load %arg10[%swap3A_2280] {strides = array<i32>} : memref<512xf32, #tpu.memory_space<vmem>>, vector<16xf32>,
      tpu.vector_store %arg10[%swap3A_2280], %broadcast_in_dim3A_11 {strides = array<i32>} : memref<512xf32, #tpu.memory_space<vmem>>, vector<16xf32>,
      %swap3A_2282 = arith.constant 256 : index
      %swap3A_2283 = tpu.vector_load %arg10[%swap3A_2282] {strides = array<i32>} : memref<512xf32, #tpu.memory_space<vmem>>, vector<16xf32>,
      tpu.vector_store %arg10[%swap3A_2282], %broadcast_in_dim3A_11 {strides = array<i32>} : memref<512xf32, #tpu.memory_space<vmem>>, vector<16xf32>,
      %swap3A_2284 = arith.constant 272 : index
      %swap3A_2285 = tpu.vector_load %arg10[%swap3A_2284] {strides = array<i32>} : memref<512xf32, #tpu.memory_space<vmem>>, vector<16xf32>,
      tpu.vector_store %arg10[%swap3A_2284], %broadcast_in_dim3A_11 {strides = array<i32>} : memref<512xf32, #tpu.memory_space<vmem>>, vector<16xf32>,
      %swap3A_2286 = arith.constant 288 : index
      %swap3A_2287 = tpu.vector_load %arg10[%swap3A_2286] {strides = array<i32>} : memref<512xf32, #tpu.memory_space<vmem>>, vector<16xf32>,
      tpu.vector_store %arg10[%swap3A_2286], %broadcast_in_dim3A_11 {strides = array<i32>} : memref<512xf32, #tpu.memory_space<vmem>>, vector<16xf32>,
      %swap3A_2288 = arith.constant 304 : index
      %swap3A_2289 = tpu.vector_load %arg10[%swap3A_2288] {strides = array<i32>} : memref<512xf32, #tpu.memory_space<vmem>>, vector<16xf32>,
      tpu.vector_store %arg10[%swap3A_2288], %broadcast_in_dim3A_11 {strides = array<i32>} : memref<512xf32, #tpu.memory_space<vmem>>, vector<16xf32>,
      %swap3A_2290 = arith.constant 320 : index
      %swap3A_2291 = tpu.vector_load %arg10[%swap3A_2290] {strides = array<i32>} : memref<512xf32, #tpu.memory_space<vmem>>, vector<16xf32>,
      tpu.vector_store %arg10[%swap3A_2290], %broadcast_in_dim3A_11 {strides = array<i32>} : memref<512xf32, #tpu.memory_space<vmem>>, vector<16xf32>,
      %swap3A_2292 = arith.constant 336 : index
      %swap3A_2293 = tpu.vector_load %arg10[%swap3A_2292] {strides = array<i32>} : memref<512xf32, #tpu.memory_space<vmem>>, vector<16xf32>,
      tpu.vector_store %arg10[%swap3A_2292], %broadcast_in_dim3A_11 {strides = array<i32>} : memref<512xf32, #tpu.memory_space<vmem>>, vector<16xf32>,
      %swap3A_2294 = arith.constant 352 : index
      %swap3A_2295 = tpu.vector_load %arg10[%swap3A_2294] {strides = array<i32>} : memref<512xf32, #tpu.memory_space<vmem>>, vector<16xf32>,
      tpu.vector_store %arg10[%swap3A_2294], %broadcast_in_dim3A_11 {strides = array<i32>} : memref<512xf32, #tpu.memory_space<vmem>>, vector<16xf32>,
      %swap3A_2296 = arith.constant 368 : index
      %swap3A_2297 = tpu.vector_load %arg10[%swap3A_2296] {strides = array<i32>} : memref<512xf32, #tpu.memory_space<vmem>>, vector<16xf32>,
      tpu.vector_store %arg10[%swap3A_2296], %broadcast_in_dim3A_11 {strides = array<i32>} : memref<512xf32, #tpu.memory_space<vmem>>, vector<16xf32>,
      %swap3A_2298 = arith.constant 384 : index
      %swap3A_2299 = tpu.vector_load %arg10[%swap3A_2298] {strides = array<i32>} : memref<512xf32, #tpu.memory_space<vmem>>, vector<16xf32>,
      tpu.vector_store %arg10[%swap3A_2298], %broadcast_in_dim3A_11 {strides = array<i32>} : memref<512xf32, #tpu.memory_space<vmem>>, vector<16xf32>,
      %swap3A_2300 = arith.constant 400 : index
      %swap3A_2301 = tpu.vector_load %arg10[%swap3A_2300] {strides = array<i32>} : memref<512xf32, #tpu.memory_space<vmem>>, vector<16xf32>,
      tpu.vector_store %arg10[%swap3A_2300], %broadcast_in_dim3A_11 {strides = array<i32>} : memref<512xf32, #tpu.memory_space<vmem>>, vector<16xf32>,
      %swap3A_2302 = arith.constant 416 : index
      %swap3A_2303 = tpu.vector_load %arg10[%swap3A_2302] {strides = array<i32>} : memref<512xf32, #tpu.memory_space<vmem>>, vector<16xf32>,
      tpu.vector_store %arg10[%swap3A_2302], %broadcast_in_dim3A_11 {strides = array<i32>} : memref<512xf32, #tpu.memory_space<vmem>>, vector<16xf32>,
      %swap3A_2304 = arith.constant 432 : index
      %swap3A_2305 = tpu.vector_load %arg10[%swap3A_2304] {strides = array<i32>} : memref<512xf32, #tpu.memory_space<vmem>>, vector<16xf32>,
      tpu.vector_store %arg10[%swap3A_2304], %broadcast_in_dim3A_11 {strides = array<i32>} : memref<512xf32, #tpu.memory_space<vmem>>, vector<16xf32>,
      %swap3A_2306 = arith.constant 448 : index
      %swap3A_2307 = tpu.vector_load %arg10[%swap3A_2306] {strides = array<i32>} : memref<512xf32, #tpu.memory_space<vmem>>, vector<16xf32>,
      tpu.vector_store %arg10[%swap3A_2306], %broadcast_in_dim3A_11 {strides = array<i32>} : memref<512xf32, #tpu.memory_space<vmem>>, vector<16xf32>,
      %swap3A_2308 = arith.constant 464 : index
      %swap3A_2309 = tpu.vector_load %arg10[%swap3A_2308] {strides = array<i32>} : memref<512xf32, #tpu.memory_space<vmem>>, vector<16xf32>,
      tpu.vector_store %arg10[%swap3A_2308], %broadcast_in_dim3A_11 {strides = array<i32>} : memref<512xf32, #tpu.memory_space<vmem>>, vector<16xf32>,
      %swap3A_2310 = arith.constant 480 : index
      %swap3A_2311 = tpu.vector_load %arg10[%swap3A_2310] {strides = array<i32>} : memref<512xf32, #tpu.memory_space<vmem>>, vector<16xf32>,
      tpu.vector_store %arg10[%swap3A_2310], %broadcast_in_dim3A_11 {strides = array<i32>} : memref<512xf32, #tpu.memory_space<vmem>>, vector<16xf32>,
      %swap3A_2312 = arith.constant 496 : index
      %swap3A_2313 = tpu.vector_load %arg10[%swap3A_2312] {strides = array<i32>} : memref<512xf32, #tpu.memory_space<vmem>>, vector<16xf32>,
      tpu.vector_store %arg10[%swap3A_2312], %broadcast_in_dim3A_11 {strides = array<i32>} : memref<512xf32, #tpu.memory_space<vmem>>, vector<16xf32>,
      %add3A_2314 = arith.constant 32768 : i32
      %add3A_2315 = vector.broadcast %add3A_2314 : i32 to vector<16xi32>
      %add3A_2316 = arith.addi %mul3A_3, %add3A_2315 : vector<16xi32>
      %scan3A_2317 = arith.constant 0 : i32
      %scan3A_2318 = arith.constant 0 : i32
      %scan3A_2319 = arith.constant 128 : i32
      %scan3A_2320 = arith.addi %scan3A_2318, %scan3A_2319 : i32
      %scan3A_2321 = arith.constant 1 : i32
      scf.for %scan3A_4354 = %scan3A_2318 to %scan3A_2320 step %scan3A_2321  : i32 {
        %mul3A_4355 = arith.constant 16 : i32
        %mul3A_4356 = arith.muli %scan3A_4354, %mul3A_4355 : i32
        %add3A_4357 = vector.broadcast %mul3A_4356 : i32 to vector<16xi32>
        %add3A_4358 = arith.addi %add3A_2316, %add3A_4357 : vector<16xi32>
        %add3A_4359 = arith.constant 0 : i32
        %add3A_4360 = vector.broadcast %add3A_4359 : i32 to vector<16xi32>
        %add3A_4361 = arith.addi %add3A_4358, %add3A_4360 : vector<16xi32>
        %gather3A = tpu.vector_load_idx %arg6[%add3A_4361] : memref<65536xf32, #tpu.memory_space<vmem>>[vector<16xi32>], vector<16xf32>,
        %add3A_4362 = arith.constant 1.00000095 : f32
        %add3A_4363 = vector.broadcast %add3A_4362 : f32 to vector<16xf32>
        %add3A_4364 = arith.addf %gather3A, %add3A_4363 : vector<16xf32>
        %mul3A_4365 = arith.constant 1.450000e+01 : f32
        %mul3A_4366 = vector.broadcast %mul3A_4365 : f32 to vector<16xf32>
        %mul3A_4367 = arith.mulf %add3A_4364, %mul3A_4366 : vector<16xf32>
        %convert_element_type3A_4368 = arith.fptosi %mul3A_4367 : vector<16xf32> to vector<16xi32>
        %add3A_4369 = arith.addi %mul3A_6, %convert_element_type3A_4368 : vector<16xi32>
        tpu.vector_store_idx %arg10[%add3A_4369], %broadcast_in_dim3A_7 masked %ne3A_2246 {add = true} : memref<512xf32, #tpu.memory_space<vmem>>[vector<16xi32>], vector<16xf32>, vector<16xi1>
        %add3A_4370 = arith.constant 1 : i32
        %add3A_4371 = vector.broadcast %add3A_4370 : i32 to vector<16xi32>
        %add3A_4372 = arith.addi %add3A_4358, %add3A_4371 : vector<16xi32>
        %gather3A_4373 = tpu.vector_load_idx %arg6[%add3A_4372] : memref<65536xf32, #tpu.memory_space<vmem>>[vector<16xi32>], vector<16xf32>,
        %add3A_4374 = arith.constant 1.00000095 : f32
        %add3A_4375 = vector.broadcast %add3A_4374 : f32 to vector<16xf32>
        %add3A_4376 = arith.addf %gather3A_4373, %add3A_4375 : vector<16xf32>
        %mul3A_4377 = arith.constant 1.450000e+01 : f32
        %mul3A_4378 = vector.broadcast %mul3A_4377 : f32 to vector<16xf32>
        %mul3A_4379 = arith.mulf %add3A_4376, %mul3A_4378 : vector<16xf32>
        %convert_element_type3A_4380 = arith.fptosi %mul3A_4379 : vector<16xf32> to vector<16xi32>
        %add3A_4381 = arith.addi %mul3A_6, %convert_element_type3A_4380 : vector<16xi32>
        tpu.vector_store_idx %arg10[%add3A_4381], %broadcast_in_dim3A_7 masked %ne3A_2246 {add = true} : memref<512xf32, #tpu.memory_space<vmem>>[vector<16xi32>], vector<16xf32>, vector<16xi1>
        %add3A_4382 = arith.constant 2 : i32
        %add3A_4383 = vector.broadcast %add3A_4382 : i32 to vector<16xi32>
        %add3A_4384 = arith.addi %add3A_4358, %add3A_4383 : vector<16xi32>
        %gather3A_4385 = tpu.vector_load_idx %arg6[%add3A_4384] : memref<65536xf32, #tpu.memory_space<vmem>>[vector<16xi32>], vector<16xf32>,
        %add3A_4386 = arith.constant 1.00000095 : f32
        %add3A_4387 = vector.broadcast %add3A_4386 : f32 to vector<16xf32>
        %add3A_4388 = arith.addf %gather3A_4385, %add3A_4387 : vector<16xf32>
        %mul3A_4389 = arith.constant 1.450000e+01 : f32
        %mul3A_4390 = vector.broadcast %mul3A_4389 : f32 to vector<16xf32>
        %mul3A_4391 = arith.mulf %add3A_4388, %mul3A_4390 : vector<16xf32>
        %convert_element_type3A_4392 = arith.fptosi %mul3A_4391 : vector<16xf32> to vector<16xi32>
        %add3A_4393 = arith.addi %mul3A_6, %convert_element_type3A_4392 : vector<16xi32>
        tpu.vector_store_idx %arg10[%add3A_4393], %broadcast_in_dim3A_7 masked %ne3A_2246 {add = true} : memref<512xf32, #tpu.memory_space<vmem>>[vector<16xi32>], vector<16xf32>, vector<16xi1>
        %add3A_4394 = arith.constant 3 : i32
        %add3A_4395 = vector.broadcast %add3A_4394 : i32 to vector<16xi32>
        %add3A_4396 = arith.addi %add3A_4358, %add3A_4395 : vector<16xi32>
        %gather3A_4397 = tpu.vector_load_idx %arg6[%add3A_4396] : memref<65536xf32, #tpu.memory_space<vmem>>[vector<16xi32>], vector<16xf32>,
        %add3A_4398 = arith.constant 1.00000095 : f32
        %add3A_4399 = vector.broadcast %add3A_4398 : f32 to vector<16xf32>
        %add3A_4400 = arith.addf %gather3A_4397, %add3A_4399 : vector<16xf32>
        %mul3A_4401 = arith.constant 1.450000e+01 : f32
        %mul3A_4402 = vector.broadcast %mul3A_4401 : f32 to vector<16xf32>
        %mul3A_4403 = arith.mulf %add3A_4400, %mul3A_4402 : vector<16xf32>
        %convert_element_type3A_4404 = arith.fptosi %mul3A_4403 : vector<16xf32> to vector<16xi32>
        %add3A_4405 = arith.addi %mul3A_6, %convert_element_type3A_4404 : vector<16xi32>
        tpu.vector_store_idx %arg10[%add3A_4405], %broadcast_in_dim3A_7 masked %ne3A_2246 {add = true} : memref<512xf32, #tpu.memory_space<vmem>>[vector<16xi32>], vector<16xf32>, vector<16xi1>
        %add3A_4406 = arith.constant 4 : i32
        %add3A_4407 = vector.broadcast %add3A_4406 : i32 to vector<16xi32>
        %add3A_4408 = arith.addi %add3A_4358, %add3A_4407 : vector<16xi32>
        %gather3A_4409 = tpu.vector_load_idx %arg6[%add3A_4408] : memref<65536xf32, #tpu.memory_space<vmem>>[vector<16xi32>], vector<16xf32>,
        %add3A_4410 = arith.constant 1.00000095 : f32
        %add3A_4411 = vector.broadcast %add3A_4410 : f32 to vector<16xf32>
        %add3A_4412 = arith.addf %gather3A_4409, %add3A_4411 : vector<16xf32>
        %mul3A_4413 = arith.constant 1.450000e+01 : f32
        %mul3A_4414 = vector.broadcast %mul3A_4413 : f32 to vector<16xf32>
        %mul3A_4415 = arith.mulf %add3A_4412, %mul3A_4414 : vector<16xf32>
        %convert_element_type3A_4416 = arith.fptosi %mul3A_4415 : vector<16xf32> to vector<16xi32>
        %add3A_4417 = arith.addi %mul3A_6, %convert_element_type3A_4416 : vector<16xi32>
        tpu.vector_store_idx %arg10[%add3A_4417], %broadcast_in_dim3A_7 masked %ne3A_2246 {add = true} : memref<512xf32, #tpu.memory_space<vmem>>[vector<16xi32>], vector<16xf32>, vector<16xi1>
        %add3A_4418 = arith.constant 5 : i32
        %add3A_4419 = vector.broadcast %add3A_4418 : i32 to vector<16xi32>
        %add3A_4420 = arith.addi %add3A_4358, %add3A_4419 : vector<16xi32>
        %gather3A_4421 = tpu.vector_load_idx %arg6[%add3A_4420] : memref<65536xf32, #tpu.memory_space<vmem>>[vector<16xi32>], vector<16xf32>,
        %add3A_4422 = arith.constant 1.00000095 : f32
        %add3A_4423 = vector.broadcast %add3A_4422 : f32 to vector<16xf32>
        %add3A_4424 = arith.addf %gather3A_4421, %add3A_4423 : vector<16xf32>
        %mul3A_4425 = arith.constant 1.450000e+01 : f32
        %mul3A_4426 = vector.broadcast %mul3A_4425 : f32 to vector<16xf32>
        %mul3A_4427 = arith.mulf %add3A_4424, %mul3A_4426 : vector<16xf32>
        %convert_element_type3A_4428 = arith.fptosi %mul3A_4427 : vector<16xf32> to vector<16xi32>
        %add3A_4429 = arith.addi %mul3A_6, %convert_element_type3A_4428 : vector<16xi32>
        tpu.vector_store_idx %arg10[%add3A_4429], %broadcast_in_dim3A_7 masked %ne3A_2246 {add = true} : memref<512xf32, #tpu.memory_space<vmem>>[vector<16xi32>], vector<16xf32>, vector<16xi1>
        %add3A_4430 = arith.constant 6 : i32
        %add3A_4431 = vector.broadcast %add3A_4430 : i32 to vector<16xi32>
        %add3A_4432 = arith.addi %add3A_4358, %add3A_4431 : vector<16xi32>
        %gather3A_4433 = tpu.vector_load_idx %arg6[%add3A_4432] : memref<65536xf32, #tpu.memory_space<vmem>>[vector<16xi32>], vector<16xf32>,
        %add3A_4434 = arith.constant 1.00000095 : f32
        %add3A_4435 = vector.broadcast %add3A_4434 : f32 to vector<16xf32>
        %add3A_4436 = arith.addf %gather3A_4433, %add3A_4435 : vector<16xf32>
        %mul3A_4437 = arith.constant 1.450000e+01 : f32
        %mul3A_4438 = vector.broadcast %mul3A_4437 : f32 to vector<16xf32>
        %mul3A_4439 = arith.mulf %add3A_4436, %mul3A_4438 : vector<16xf32>
        %convert_element_type3A_4440 = arith.fptosi %mul3A_4439 : vector<16xf32> to vector<16xi32>
        %add3A_4441 = arith.addi %mul3A_6, %convert_element_type3A_4440 : vector<16xi32>
        tpu.vector_store_idx %arg10[%add3A_4441], %broadcast_in_dim3A_7 masked %ne3A_2246 {add = true} : memref<512xf32, #tpu.memory_space<vmem>>[vector<16xi32>], vector<16xf32>, vector<16xi1>
        %add3A_4442 = arith.constant 7 : i32
        %add3A_4443 = vector.broadcast %add3A_4442 : i32 to vector<16xi32>
        %add3A_4444 = arith.addi %add3A_4358, %add3A_4443 : vector<16xi32>
        %gather3A_4445 = tpu.vector_load_idx %arg6[%add3A_4444] : memref<65536xf32, #tpu.memory_space<vmem>>[vector<16xi32>], vector<16xf32>,
        %add3A_4446 = arith.constant 1.00000095 : f32
        %add3A_4447 = vector.broadcast %add3A_4446 : f32 to vector<16xf32>
        %add3A_4448 = arith.addf %gather3A_4445, %add3A_4447 : vector<16xf32>
        %mul3A_4449 = arith.constant 1.450000e+01 : f32
        %mul3A_4450 = vector.broadcast %mul3A_4449 : f32 to vector<16xf32>
        %mul3A_4451 = arith.mulf %add3A_4448, %mul3A_4450 : vector<16xf32>
        %convert_element_type3A_4452 = arith.fptosi %mul3A_4451 : vector<16xf32> to vector<16xi32>
        %add3A_4453 = arith.addi %mul3A_6, %convert_element_type3A_4452 : vector<16xi32>
        tpu.vector_store_idx %arg10[%add3A_4453], %broadcast_in_dim3A_7 masked %ne3A_2246 {add = true} : memref<512xf32, #tpu.memory_space<vmem>>[vector<16xi32>], vector<16xf32>, vector<16xi1>
        %add3A_4454 = arith.constant 8 : i32
        %add3A_4455 = vector.broadcast %add3A_4454 : i32 to vector<16xi32>
        %add3A_4456 = arith.addi %add3A_4358, %add3A_4455 : vector<16xi32>
        %gather3A_4457 = tpu.vector_load_idx %arg6[%add3A_4456] : memref<65536xf32, #tpu.memory_space<vmem>>[vector<16xi32>], vector<16xf32>,
        %add3A_4458 = arith.constant 1.00000095 : f32
        %add3A_4459 = vector.broadcast %add3A_4458 : f32 to vector<16xf32>
        %add3A_4460 = arith.addf %gather3A_4457, %add3A_4459 : vector<16xf32>
        %mul3A_4461 = arith.constant 1.450000e+01 : f32
        %mul3A_4462 = vector.broadcast %mul3A_4461 : f32 to vector<16xf32>
        %mul3A_4463 = arith.mulf %add3A_4460, %mul3A_4462 : vector<16xf32>
        %convert_element_type3A_4464 = arith.fptosi %mul3A_4463 : vector<16xf32> to vector<16xi32>
        %add3A_4465 = arith.addi %mul3A_6, %convert_element_type3A_4464 : vector<16xi32>
        tpu.vector_store_idx %arg10[%add3A_4465], %broadcast_in_dim3A_7 masked %ne3A_2246 {add = true} : memref<512xf32, #tpu.memory_space<vmem>>[vector<16xi32>], vector<16xf32>, vector<16xi1>
        %add3A_4466 = arith.constant 9 : i32
        %add3A_4467 = vector.broadcast %add3A_4466 : i32 to vector<16xi32>
        %add3A_4468 = arith.addi %add3A_4358, %add3A_4467 : vector<16xi32>
        %gather3A_4469 = tpu.vector_load_idx %arg6[%add3A_4468] : memref<65536xf32, #tpu.memory_space<vmem>>[vector<16xi32>], vector<16xf32>,
        %add3A_4470 = arith.constant 1.00000095 : f32
        %add3A_4471 = vector.broadcast %add3A_4470 : f32 to vector<16xf32>
        %add3A_4472 = arith.addf %gather3A_4469, %add3A_4471 : vector<16xf32>
        %mul3A_4473 = arith.constant 1.450000e+01 : f32
        %mul3A_4474 = vector.broadcast %mul3A_4473 : f32 to vector<16xf32>
        %mul3A_4475 = arith.mulf %add3A_4472, %mul3A_4474 : vector<16xf32>
        %convert_element_type3A_4476 = arith.fptosi %mul3A_4475 : vector<16xf32> to vector<16xi32>
        %add3A_4477 = arith.addi %mul3A_6, %convert_element_type3A_4476 : vector<16xi32>
        tpu.vector_store_idx %arg10[%add3A_4477], %broadcast_in_dim3A_7 masked %ne3A_2246 {add = true} : memref<512xf32, #tpu.memory_space<vmem>>[vector<16xi32>], vector<16xf32>, vector<16xi1>
        %add3A_4478 = arith.constant 10 : i32
        %add3A_4479 = vector.broadcast %add3A_4478 : i32 to vector<16xi32>
        %add3A_4480 = arith.addi %add3A_4358, %add3A_4479 : vector<16xi32>
        %gather3A_4481 = tpu.vector_load_idx %arg6[%add3A_4480] : memref<65536xf32, #tpu.memory_space<vmem>>[vector<16xi32>], vector<16xf32>,
        %add3A_4482 = arith.constant 1.00000095 : f32
        %add3A_4483 = vector.broadcast %add3A_4482 : f32 to vector<16xf32>
        %add3A_4484 = arith.addf %gather3A_4481, %add3A_4483 : vector<16xf32>
        %mul3A_4485 = arith.constant 1.450000e+01 : f32
        %mul3A_4486 = vector.broadcast %mul3A_4485 : f32 to vector<16xf32>
        %mul3A_4487 = arith.mulf %add3A_4484, %mul3A_4486 : vector<16xf32>
        %convert_element_type3A_4488 = arith.fptosi %mul3A_4487 : vector<16xf32> to vector<16xi32>
        %add3A_4489 = arith.addi %mul3A_6, %convert_element_type3A_4488 : vector<16xi32>
        tpu.vector_store_idx %arg10[%add3A_4489], %broadcast_in_dim3A_7 masked %ne3A_2246 {add = true} : memref<512xf32, #tpu.memory_space<vmem>>[vector<16xi32>], vector<16xf32>, vector<16xi1>
        %add3A_4490 = arith.constant 11 : i32
        %add3A_4491 = vector.broadcast %add3A_4490 : i32 to vector<16xi32>
        %add3A_4492 = arith.addi %add3A_4358, %add3A_4491 : vector<16xi32>
        %gather3A_4493 = tpu.vector_load_idx %arg6[%add3A_4492] : memref<65536xf32, #tpu.memory_space<vmem>>[vector<16xi32>], vector<16xf32>,
        %add3A_4494 = arith.constant 1.00000095 : f32
        %add3A_4495 = vector.broadcast %add3A_4494 : f32 to vector<16xf32>
        %add3A_4496 = arith.addf %gather3A_4493, %add3A_4495 : vector<16xf32>
        %mul3A_4497 = arith.constant 1.450000e+01 : f32
        %mul3A_4498 = vector.broadcast %mul3A_4497 : f32 to vector<16xf32>
        %mul3A_4499 = arith.mulf %add3A_4496, %mul3A_4498 : vector<16xf32>
        %convert_element_type3A_4500 = arith.fptosi %mul3A_4499 : vector<16xf32> to vector<16xi32>
        %add3A_4501 = arith.addi %mul3A_6, %convert_element_type3A_4500 : vector<16xi32>
        tpu.vector_store_idx %arg10[%add3A_4501], %broadcast_in_dim3A_7 masked %ne3A_2246 {add = true} : memref<512xf32, #tpu.memory_space<vmem>>[vector<16xi32>], vector<16xf32>, vector<16xi1>
        %add3A_4502 = arith.constant 12 : i32
        %add3A_4503 = vector.broadcast %add3A_4502 : i32 to vector<16xi32>
        %add3A_4504 = arith.addi %add3A_4358, %add3A_4503 : vector<16xi32>
        %gather3A_4505 = tpu.vector_load_idx %arg6[%add3A_4504] : memref<65536xf32, #tpu.memory_space<vmem>>[vector<16xi32>], vector<16xf32>,
        %add3A_4506 = arith.constant 1.00000095 : f32
        %add3A_4507 = vector.broadcast %add3A_4506 : f32 to vector<16xf32>
        %add3A_4508 = arith.addf %gather3A_4505, %add3A_4507 : vector<16xf32>
        %mul3A_4509 = arith.constant 1.450000e+01 : f32
        %mul3A_4510 = vector.broadcast %mul3A_4509 : f32 to vector<16xf32>
        %mul3A_4511 = arith.mulf %add3A_4508, %mul3A_4510 : vector<16xf32>
        %convert_element_type3A_4512 = arith.fptosi %mul3A_4511 : vector<16xf32> to vector<16xi32>
        %add3A_4513 = arith.addi %mul3A_6, %convert_element_type3A_4512 : vector<16xi32>
        tpu.vector_store_idx %arg10[%add3A_4513], %broadcast_in_dim3A_7 masked %ne3A_2246 {add = true} : memref<512xf32, #tpu.memory_space<vmem>>[vector<16xi32>], vector<16xf32>, vector<16xi1>
        %add3A_4514 = arith.constant 13 : i32
        %add3A_4515 = vector.broadcast %add3A_4514 : i32 to vector<16xi32>
        %add3A_4516 = arith.addi %add3A_4358, %add3A_4515 : vector<16xi32>
        %gather3A_4517 = tpu.vector_load_idx %arg6[%add3A_4516] : memref<65536xf32, #tpu.memory_space<vmem>>[vector<16xi32>], vector<16xf32>,
        %add3A_4518 = arith.constant 1.00000095 : f32
        %add3A_4519 = vector.broadcast %add3A_4518 : f32 to vector<16xf32>
        %add3A_4520 = arith.addf %gather3A_4517, %add3A_4519 : vector<16xf32>
        %mul3A_4521 = arith.constant 1.450000e+01 : f32
        %mul3A_4522 = vector.broadcast %mul3A_4521 : f32 to vector<16xf32>
        %mul3A_4523 = arith.mulf %add3A_4520, %mul3A_4522 : vector<16xf32>
        %convert_element_type3A_4524 = arith.fptosi %mul3A_4523 : vector<16xf32> to vector<16xi32>
        %add3A_4525 = arith.addi %mul3A_6, %convert_element_type3A_4524 : vector<16xi32>
        tpu.vector_store_idx %arg10[%add3A_4525], %broadcast_in_dim3A_7 masked %ne3A_2246 {add = true} : memref<512xf32, #tpu.memory_space<vmem>>[vector<16xi32>], vector<16xf32>, vector<16xi1>
        %add3A_4526 = arith.constant 14 : i32
        %add3A_4527 = vector.broadcast %add3A_4526 : i32 to vector<16xi32>
        %add3A_4528 = arith.addi %add3A_4358, %add3A_4527 : vector<16xi32>
        %gather3A_4529 = tpu.vector_load_idx %arg6[%add3A_4528] : memref<65536xf32, #tpu.memory_space<vmem>>[vector<16xi32>], vector<16xf32>,
        %add3A_4530 = arith.constant 1.00000095 : f32
        %add3A_4531 = vector.broadcast %add3A_4530 : f32 to vector<16xf32>
        %add3A_4532 = arith.addf %gather3A_4529, %add3A_4531 : vector<16xf32>
        %mul3A_4533 = arith.constant 1.450000e+01 : f32
        %mul3A_4534 = vector.broadcast %mul3A_4533 : f32 to vector<16xf32>
        %mul3A_4535 = arith.mulf %add3A_4532, %mul3A_4534 : vector<16xf32>
        %convert_element_type3A_4536 = arith.fptosi %mul3A_4535 : vector<16xf32> to vector<16xi32>
        %add3A_4537 = arith.addi %mul3A_6, %convert_element_type3A_4536 : vector<16xi32>
        tpu.vector_store_idx %arg10[%add3A_4537], %broadcast_in_dim3A_7 masked %ne3A_2246 {add = true} : memref<512xf32, #tpu.memory_space<vmem>>[vector<16xi32>], vector<16xf32>, vector<16xi1>
        %add3A_4538 = arith.constant 15 : i32
        %add3A_4539 = vector.broadcast %add3A_4538 : i32 to vector<16xi32>
        %add3A_4540 = arith.addi %add3A_4358, %add3A_4539 : vector<16xi32>
        %gather3A_4541 = tpu.vector_load_idx %arg6[%add3A_4540] : memref<65536xf32, #tpu.memory_space<vmem>>[vector<16xi32>], vector<16xf32>,
        %add3A_4542 = arith.constant 1.00000095 : f32
        %add3A_4543 = vector.broadcast %add3A_4542 : f32 to vector<16xf32>
        %add3A_4544 = arith.addf %gather3A_4541, %add3A_4543 : vector<16xf32>
        %mul3A_4545 = arith.constant 1.450000e+01 : f32
        %mul3A_4546 = vector.broadcast %mul3A_4545 : f32 to vector<16xf32>
        %mul3A_4547 = arith.mulf %add3A_4544, %mul3A_4546 : vector<16xf32>
        %convert_element_type3A_4548 = arith.fptosi %mul3A_4547 : vector<16xf32> to vector<16xi32>
        %add3A_4549 = arith.addi %mul3A_6, %convert_element_type3A_4548 : vector<16xi32>
        tpu.vector_store_idx %arg10[%add3A_4549], %broadcast_in_dim3A_7 masked %ne3A_2246 {add = true} : memref<512xf32, #tpu.memory_space<vmem>>[vector<16xi32>], vector<16xf32>, vector<16xi1>
      }
      %scan3A_2322 = arith.constant 128 : i32
      %while3A_2323 = arith.constant 0 : i32
      %while3A_2324 = arith.constant 0 : i32
      %while3A_2325 = arith.subi %select_n3A_2249, %while3A_2324 : i32
      %while3A_2326 = arith.addi %while3A_2324, %while3A_2325 : i32
      %while3A_2327 = arith.constant 1 : i32
      %while3A_2328 = arith.divsi %while3A_2325, %while3A_2327 : i32
      %while3A_2329 = arith.muli %while3A_2328, %while3A_2327 : i32
      %while3A_2330 = arith.addi %while3A_2324, %while3A_2329 : i32
      %while3A_2331 = arith.constant 1 : i32
      scf.for %while3A_4354 = %while3A_2324 to %while3A_2330 step %while3A_2331  : i32 {
        %mul3A_4355 = arith.constant 2064 : i32
        %mul3A_4356 = arith.muli %select_n3A_2237, %mul3A_4355 : i32
        %broadcast_in_dim3A_4357 = vector.broadcast %mul3A_4356 : i32 to vector<16xi32>
        %add3A_4358 = vector.broadcast %while3A_4354 : i32 to vector<16xi32>
        %add3A_4359 = arith.addi %broadcast_in_dim3A_4357, %add3A_4358 : vector<16xi32>
        %gather3A = tpu.vector_load_idx %arg9[%add3A_4359] : memref<4128xi32, #tpu.memory_space<vmem>>[vector<16xi32>], vector<16xi32>,
        %add3A_4360 = arith.addi %add3A_2316, %gather3A : vector<16xi32>
        %gather3A_4361 = tpu.vector_load_idx %arg6[%add3A_4360] : memref<65536xf32, #tpu.memory_space<vmem>>[vector<16xi32>], vector<16xf32>,
        %add3A_4362 = arith.constant 1.00000095 : f32
        %add3A_4363 = vector.broadcast %add3A_4362 : f32 to vector<16xf32>
        %add3A_4364 = arith.addf %gather3A_4361, %add3A_4363 : vector<16xf32>
        %mul3A_4365 = arith.constant 1.450000e+01 : f32
        %mul3A_4366 = vector.broadcast %mul3A_4365 : f32 to vector<16xf32>
        %mul3A_4367 = arith.mulf %add3A_4364, %mul3A_4366 : vector<16xf32>
        %convert_element_type3A_4368 = arith.fptosi %mul3A_4367 : vector<16xf32> to vector<16xi32>
        %add3A_4369 = arith.addi %mul3A_6, %convert_element_type3A_4368 : vector<16xi32>
        tpu.vector_store_idx %arg10[%add3A_4369], %neg3A_9 masked %ne3A_2246 {add = true} : memref<512xf32, #tpu.memory_space<vmem>>[vector<16xi32>], vector<16xf32>, vector<16xi1>
      }
      %while3A_2332 = arith.constant 1 : i32
      scf.for %while3A_4354 = %while3A_2330 to %while3A_2326 step %while3A_2332  : i32 {
        %mul3A_4355 = arith.constant 2064 : i32
        %mul3A_4356 = arith.muli %select_n3A_2237, %mul3A_4355 : i32
        %broadcast_in_dim3A_4357 = vector.broadcast %mul3A_4356 : i32 to vector<16xi32>
        %add3A_4358 = vector.broadcast %while3A_4354 : i32 to vector<16xi32>
        %add3A_4359 = arith.addi %broadcast_in_dim3A_4357, %add3A_4358 : vector<16xi32>
        %gather3A = tpu.vector_load_idx %arg9[%add3A_4359] : memref<4128xi32, #tpu.memory_space<vmem>>[vector<16xi32>], vector<16xi32>,
        %add3A_4360 = arith.addi %add3A_2316, %gather3A : vector<16xi32>
        %gather3A_4361 = tpu.vector_load_idx %arg6[%add3A_4360] : memref<65536xf32, #tpu.memory_space<vmem>>[vector<16xi32>], vector<16xf32>,
        %add3A_4362 = arith.constant 1.00000095 : f32
        %add3A_4363 = vector.broadcast %add3A_4362 : f32 to vector<16xf32>
        %add3A_4364 = arith.addf %gather3A_4361, %add3A_4363 : vector<16xf32>
        %mul3A_4365 = arith.constant 1.450000e+01 : f32
        %mul3A_4366 = vector.broadcast %mul3A_4365 : f32 to vector<16xf32>
        %mul3A_4367 = arith.mulf %add3A_4364, %mul3A_4366 : vector<16xf32>
        %convert_element_type3A_4368 = arith.fptosi %mul3A_4367 : vector<16xf32> to vector<16xi32>
        %add3A_4369 = arith.addi %mul3A_6, %convert_element_type3A_4368 : vector<16xi32>
        tpu.vector_store_idx %arg10[%add3A_4369], %neg3A_9 masked %ne3A_2246 {add = true} : memref<512xf32, #tpu.memory_space<vmem>>[vector<16xi32>], vector<16xf32>, vector<16xi1>
      }
      %get3A_2333 = arith.constant 0 : index
      %get3A_2334 = tpu.vector_load %arg10[%get3A_2333] {strides = array<i32>} : memref<512xf32, #tpu.memory_space<vmem>>, vector<16xf32>,
      %add3A_2335 = arith.constant 9.99999974E-6 : f32
      %add3A_2336 = vector.broadcast %add3A_2335 : f32 to vector<16xf32>
      %add3A_2337 = arith.addf %get3A_2334, %add3A_2336 : vector<16xf32>
      %bitcast_convert_type3A_2338 = tpu.bitcast %add3A_2337 : vector<16xf32> -> vector<16xi32>
      %shift_right_logical3A_2339 = arith.constant 23 : i32
      %shift_right_logical3A_2340 = vector.broadcast %shift_right_logical3A_2339 : i32 to vector<16xi32>
      %shift_right_logical3A_2341 = arith.shrui %bitcast_convert_type3A_2338, %shift_right_logical3A_2340 : vector<16xi32>
      %sub3A_2342 = arith.constant 127 : i32
      %sub3A_2343 = vector.broadcast %sub3A_2342 : i32 to vector<16xi32>
      %sub3A_2344 = arith.subi %shift_right_logical3A_2341, %sub3A_2343 : vector<16xi32>
      %and3A_2345 = arith.constant 8388607 : i32
      %and3A_2346 = vector.broadcast %and3A_2345 : i32 to vector<16xi32>
      %and3A_2347 = arith.andi %bitcast_convert_type3A_2338, %and3A_2346 : vector<16xi32>
      %or3A_2348 = arith.constant 1065353216 : i32
      %or3A_2349 = vector.broadcast %or3A_2348 : i32 to vector<16xi32>
      %or3A_2350 = arith.ori %and3A_2347, %or3A_2349 : vector<16xi32>
      %bitcast_convert_type3A_2351 = tpu.bitcast %or3A_2350 : vector<16xi32> -> vector<16xf32>
      %gt3A_2352 = arith.constant 1.41421354 : f32
      %gt3A_2353 = vector.broadcast %gt3A_2352 : f32 to vector<16xf32>
      %gt3A_2354 = arith.cmpf ogt, %bitcast_convert_type3A_2351, %gt3A_2353 : vector<16xf32>
      %mul3A_2355 = arith.constant 5.000000e-01 : f32
      %mul3A_2356 = vector.broadcast %mul3A_2355 : f32 to vector<16xf32>
      %mul3A_2357 = arith.mulf %bitcast_convert_type3A_2351, %mul3A_2356 : vector<16xf32>
      %select_n3A_2358 = arith.select %gt3A_2354, %mul3A_2357, %bitcast_convert_type3A_2351 : vector<16xi1>, vector<16xf32>
      %add3A_2359 = arith.constant 1 : i32
      %add3A_2360 = vector.broadcast %add3A_2359 : i32 to vector<16xi32>
      %add3A_2361 = arith.addi %sub3A_2344, %add3A_2360 : vector<16xi32>
      %select_n3A_2362 = arith.select %gt3A_2354, %add3A_2361, %sub3A_2344 : vector<16xi1>, vector<16xi32>
      %sub3A_2363 = arith.constant 1.000000e+00 : f32
      %sub3A_2364 = vector.broadcast %sub3A_2363 : f32 to vector<16xf32>
      %sub3A_2365 = arith.subf %select_n3A_2358, %sub3A_2364 : vector<16xf32>
      %add3A_2366 = arith.constant 1.000000e+00 : f32
      %add3A_2367 = vector.broadcast %add3A_2366 : f32 to vector<16xf32>
      %add3A_2368 = arith.addf %select_n3A_2358, %add3A_2367 : vector<16xf32>
      %div3A_2369 = arith.divf %sub3A_2365, %add3A_2368 : vector<16xf32>
      %mul3A_2370 = arith.mulf %div3A_2369, %div3A_2369 : vector<16xf32>
      %mul3A_2371 = arith.constant 0.142857149 : f32
      %mul3A_2372 = vector.broadcast %mul3A_2371 : f32 to vector<16xf32>
      %mul3A_2373 = arith.mulf %mul3A_2370, %mul3A_2372 : vector<16xf32>
      %add3A_2374 = arith.constant 2.000000e-01 : f32
      %add3A_2375 = vector.broadcast %add3A_2374 : f32 to vector<16xf32>
      %add3A_2376 = arith.addf %add3A_2375, %mul3A_2373 : vector<16xf32>
      %mul3A_2377 = arith.mulf %mul3A_2370, %add3A_2376 : vector<16xf32>
      %add3A_2378 = arith.constant 0.333333343 : f32
      %add3A_2379 = vector.broadcast %add3A_2378 : f32 to vector<16xf32>
      %add3A_2380 = arith.addf %add3A_2379, %mul3A_2377 : vector<16xf32>
      %mul3A_2381 = arith.mulf %mul3A_2370, %add3A_2380 : vector<16xf32>
      %add3A_2382 = arith.constant 1.000000e+00 : f32
      %add3A_2383 = vector.broadcast %add3A_2382 : f32 to vector<16xf32>
      %add3A_2384 = arith.addf %add3A_2383, %mul3A_2381 : vector<16xf32>
      %convert_element_type3A_2385 = arith.sitofp %select_n3A_2362 : vector<16xi32> to vector<16xf32>
      %mul3A_2386 = arith.constant 0.693147182 : f32
      %mul3A_2387 = vector.broadcast %mul3A_2386 : f32 to vector<16xf32>
      %mul3A_2388 = arith.mulf %convert_element_type3A_2385, %mul3A_2387 : vector<16xf32>
      %mul3A_2389 = arith.constant 2.000000e+00 : f32
      %mul3A_2390 = vector.broadcast %mul3A_2389 : f32 to vector<16xf32>
      %mul3A_2391 = arith.mulf %mul3A_2390, %div3A_2369 : vector<16xf32>
      %mul3A_2392 = arith.mulf %mul3A_2391, %add3A_2384 : vector<16xf32>
      %add3A_2393 = arith.addf %mul3A_2388, %mul3A_2392 : vector<16xf32>
      %swap3A_2394 = arith.constant 0 : index
      %swap3A_2395 = tpu.vector_load %arg10[%swap3A_2394] {strides = array<i32>} : memref<512xf32, #tpu.memory_space<vmem>>, vector<16xf32>,
      tpu.vector_store %arg10[%swap3A_2394], %add3A_2393 {strides = array<i32>} : memref<512xf32, #tpu.memory_space<vmem>>, vector<16xf32>,
      %get3A_2396 = arith.constant 16 : index
      %get3A_2397 = tpu.vector_load %arg10[%get3A_2396] {strides = array<i32>} : memref<512xf32, #tpu.memory_space<vmem>>, vector<16xf32>,
      %add3A_2398 = arith.constant 9.99999974E-6 : f32
      %add3A_2399 = vector.broadcast %add3A_2398 : f32 to vector<16xf32>
      %add3A_2400 = arith.addf %get3A_2397, %add3A_2399 : vector<16xf32>
      %bitcast_convert_type3A_2401 = tpu.bitcast %add3A_2400 : vector<16xf32> -> vector<16xi32>
      %shift_right_logical3A_2402 = arith.constant 23 : i32
      %shift_right_logical3A_2403 = vector.broadcast %shift_right_logical3A_2402 : i32 to vector<16xi32>
      %shift_right_logical3A_2404 = arith.shrui %bitcast_convert_type3A_2401, %shift_right_logical3A_2403 : vector<16xi32>
      %sub3A_2405 = arith.constant 127 : i32
      %sub3A_2406 = vector.broadcast %sub3A_2405 : i32 to vector<16xi32>
      %sub3A_2407 = arith.subi %shift_right_logical3A_2404, %sub3A_2406 : vector<16xi32>
      %and3A_2408 = arith.constant 8388607 : i32
      %and3A_2409 = vector.broadcast %and3A_2408 : i32 to vector<16xi32>
      %and3A_2410 = arith.andi %bitcast_convert_type3A_2401, %and3A_2409 : vector<16xi32>
      %or3A_2411 = arith.constant 1065353216 : i32
      %or3A_2412 = vector.broadcast %or3A_2411 : i32 to vector<16xi32>
      %or3A_2413 = arith.ori %and3A_2410, %or3A_2412 : vector<16xi32>
      %bitcast_convert_type3A_2414 = tpu.bitcast %or3A_2413 : vector<16xi32> -> vector<16xf32>
      %gt3A_2415 = arith.constant 1.41421354 : f32
      %gt3A_2416 = vector.broadcast %gt3A_2415 : f32 to vector<16xf32>
      %gt3A_2417 = arith.cmpf ogt, %bitcast_convert_type3A_2414, %gt3A_2416 : vector<16xf32>
      %mul3A_2418 = arith.constant 5.000000e-01 : f32
      %mul3A_2419 = vector.broadcast %mul3A_2418 : f32 to vector<16xf32>
      %mul3A_2420 = arith.mulf %bitcast_convert_type3A_2414, %mul3A_2419 : vector<16xf32>
      %select_n3A_2421 = arith.select %gt3A_2417, %mul3A_2420, %bitcast_convert_type3A_2414 : vector<16xi1>, vector<16xf32>
      %add3A_2422 = arith.constant 1 : i32
      %add3A_2423 = vector.broadcast %add3A_2422 : i32 to vector<16xi32>
      %add3A_2424 = arith.addi %sub3A_2407, %add3A_2423 : vector<16xi32>
      %select_n3A_2425 = arith.select %gt3A_2417, %add3A_2424, %sub3A_2407 : vector<16xi1>, vector<16xi32>
      %sub3A_2426 = arith.constant 1.000000e+00 : f32
      %sub3A_2427 = vector.broadcast %sub3A_2426 : f32 to vector<16xf32>
      %sub3A_2428 = arith.subf %select_n3A_2421, %sub3A_2427 : vector<16xf32>
      %add3A_2429 = arith.constant 1.000000e+00 : f32
      %add3A_2430 = vector.broadcast %add3A_2429 : f32 to vector<16xf32>
      %add3A_2431 = arith.addf %select_n3A_2421, %add3A_2430 : vector<16xf32>
      %div3A_2432 = arith.divf %sub3A_2428, %add3A_2431 : vector<16xf32>
      %mul3A_2433 = arith.mulf %div3A_2432, %div3A_2432 : vector<16xf32>
      %mul3A_2434 = arith.constant 0.142857149 : f32
      %mul3A_2435 = vector.broadcast %mul3A_2434 : f32 to vector<16xf32>
      %mul3A_2436 = arith.mulf %mul3A_2433, %mul3A_2435 : vector<16xf32>
      %add3A_2437 = arith.constant 2.000000e-01 : f32
      %add3A_2438 = vector.broadcast %add3A_2437 : f32 to vector<16xf32>
      %add3A_2439 = arith.addf %add3A_2438, %mul3A_2436 : vector<16xf32>
      %mul3A_2440 = arith.mulf %mul3A_2433, %add3A_2439 : vector<16xf32>
      %add3A_2441 = arith.constant 0.333333343 : f32
      %add3A_2442 = vector.broadcast %add3A_2441 : f32 to vector<16xf32>
      %add3A_2443 = arith.addf %add3A_2442, %mul3A_2440 : vector<16xf32>
      %mul3A_2444 = arith.mulf %mul3A_2433, %add3A_2443 : vector<16xf32>
      %add3A_2445 = arith.constant 1.000000e+00 : f32
      %add3A_2446 = vector.broadcast %add3A_2445 : f32 to vector<16xf32>
      %add3A_2447 = arith.addf %add3A_2446, %mul3A_2444 : vector<16xf32>
      %convert_element_type3A_2448 = arith.sitofp %select_n3A_2425 : vector<16xi32> to vector<16xf32>
      %mul3A_2449 = arith.constant 0.693147182 : f32
      %mul3A_2450 = vector.broadcast %mul3A_2449 : f32 to vector<16xf32>
      %mul3A_2451 = arith.mulf %convert_element_type3A_2448, %mul3A_2450 : vector<16xf32>
      %mul3A_2452 = arith.constant 2.000000e+00 : f32
      %mul3A_2453 = vector.broadcast %mul3A_2452 : f32 to vector<16xf32>
      %mul3A_2454 = arith.mulf %mul3A_2453, %div3A_2432 : vector<16xf32>
      %mul3A_2455 = arith.mulf %mul3A_2454, %add3A_2447 : vector<16xf32>
      %add3A_2456 = arith.addf %mul3A_2451, %mul3A_2455 : vector<16xf32>
      %swap3A_2457 = arith.constant 16 : index
      %swap3A_2458 = tpu.vector_load %arg10[%swap3A_2457] {strides = array<i32>} : memref<512xf32, #tpu.memory_space<vmem>>, vector<16xf32>,
      tpu.vector_store %arg10[%swap3A_2457], %add3A_2456 {strides = array<i32>} : memref<512xf32, #tpu.memory_space<vmem>>, vector<16xf32>,
      %get3A_2459 = arith.constant 32 : index
      %get3A_2460 = tpu.vector_load %arg10[%get3A_2459] {strides = array<i32>} : memref<512xf32, #tpu.memory_space<vmem>>, vector<16xf32>,
      %add3A_2461 = arith.constant 9.99999974E-6 : f32
      %add3A_2462 = vector.broadcast %add3A_2461 : f32 to vector<16xf32>
      %add3A_2463 = arith.addf %get3A_2460, %add3A_2462 : vector<16xf32>
      %bitcast_convert_type3A_2464 = tpu.bitcast %add3A_2463 : vector<16xf32> -> vector<16xi32>
      %shift_right_logical3A_2465 = arith.constant 23 : i32
      %shift_right_logical3A_2466 = vector.broadcast %shift_right_logical3A_2465 : i32 to vector<16xi32>
      %shift_right_logical3A_2467 = arith.shrui %bitcast_convert_type3A_2464, %shift_right_logical3A_2466 : vector<16xi32>
      %sub3A_2468 = arith.constant 127 : i32
      %sub3A_2469 = vector.broadcast %sub3A_2468 : i32 to vector<16xi32>
      %sub3A_2470 = arith.subi %shift_right_logical3A_2467, %sub3A_2469 : vector<16xi32>
      %and3A_2471 = arith.constant 8388607 : i32
      %and3A_2472 = vector.broadcast %and3A_2471 : i32 to vector<16xi32>
      %and3A_2473 = arith.andi %bitcast_convert_type3A_2464, %and3A_2472 : vector<16xi32>
      %or3A_2474 = arith.constant 1065353216 : i32
      %or3A_2475 = vector.broadcast %or3A_2474 : i32 to vector<16xi32>
      %or3A_2476 = arith.ori %and3A_2473, %or3A_2475 : vector<16xi32>
      %bitcast_convert_type3A_2477 = tpu.bitcast %or3A_2476 : vector<16xi32> -> vector<16xf32>
      %gt3A_2478 = arith.constant 1.41421354 : f32
      %gt3A_2479 = vector.broadcast %gt3A_2478 : f32 to vector<16xf32>
      %gt3A_2480 = arith.cmpf ogt, %bitcast_convert_type3A_2477, %gt3A_2479 : vector<16xf32>
      %mul3A_2481 = arith.constant 5.000000e-01 : f32
      %mul3A_2482 = vector.broadcast %mul3A_2481 : f32 to vector<16xf32>
      %mul3A_2483 = arith.mulf %bitcast_convert_type3A_2477, %mul3A_2482 : vector<16xf32>
      %select_n3A_2484 = arith.select %gt3A_2480, %mul3A_2483, %bitcast_convert_type3A_2477 : vector<16xi1>, vector<16xf32>
      %add3A_2485 = arith.constant 1 : i32
      %add3A_2486 = vector.broadcast %add3A_2485 : i32 to vector<16xi32>
      %add3A_2487 = arith.addi %sub3A_2470, %add3A_2486 : vector<16xi32>
      %select_n3A_2488 = arith.select %gt3A_2480, %add3A_2487, %sub3A_2470 : vector<16xi1>, vector<16xi32>
      %sub3A_2489 = arith.constant 1.000000e+00 : f32
      %sub3A_2490 = vector.broadcast %sub3A_2489 : f32 to vector<16xf32>
      %sub3A_2491 = arith.subf %select_n3A_2484, %sub3A_2490 : vector<16xf32>
      %add3A_2492 = arith.constant 1.000000e+00 : f32
      %add3A_2493 = vector.broadcast %add3A_2492 : f32 to vector<16xf32>
      %add3A_2494 = arith.addf %select_n3A_2484, %add3A_2493 : vector<16xf32>
      %div3A_2495 = arith.divf %sub3A_2491, %add3A_2494 : vector<16xf32>
      %mul3A_2496 = arith.mulf %div3A_2495, %div3A_2495 : vector<16xf32>
      %mul3A_2497 = arith.constant 0.142857149 : f32
      %mul3A_2498 = vector.broadcast %mul3A_2497 : f32 to vector<16xf32>
      %mul3A_2499 = arith.mulf %mul3A_2496, %mul3A_2498 : vector<16xf32>
      %add3A_2500 = arith.constant 2.000000e-01 : f32
      %add3A_2501 = vector.broadcast %add3A_2500 : f32 to vector<16xf32>
      %add3A_2502 = arith.addf %add3A_2501, %mul3A_2499 : vector<16xf32>
      %mul3A_2503 = arith.mulf %mul3A_2496, %add3A_2502 : vector<16xf32>
      %add3A_2504 = arith.constant 0.333333343 : f32
      %add3A_2505 = vector.broadcast %add3A_2504 : f32 to vector<16xf32>
      %add3A_2506 = arith.addf %add3A_2505, %mul3A_2503 : vector<16xf32>
      %mul3A_2507 = arith.mulf %mul3A_2496, %add3A_2506 : vector<16xf32>
      %add3A_2508 = arith.constant 1.000000e+00 : f32
      %add3A_2509 = vector.broadcast %add3A_2508 : f32 to vector<16xf32>
      %add3A_2510 = arith.addf %add3A_2509, %mul3A_2507 : vector<16xf32>
      %convert_element_type3A_2511 = arith.sitofp %select_n3A_2488 : vector<16xi32> to vector<16xf32>
      %mul3A_2512 = arith.constant 0.693147182 : f32
      %mul3A_2513 = vector.broadcast %mul3A_2512 : f32 to vector<16xf32>
      %mul3A_2514 = arith.mulf %convert_element_type3A_2511, %mul3A_2513 : vector<16xf32>
      %mul3A_2515 = arith.constant 2.000000e+00 : f32
      %mul3A_2516 = vector.broadcast %mul3A_2515 : f32 to vector<16xf32>
      %mul3A_2517 = arith.mulf %mul3A_2516, %div3A_2495 : vector<16xf32>
      %mul3A_2518 = arith.mulf %mul3A_2517, %add3A_2510 : vector<16xf32>
      %add3A_2519 = arith.addf %mul3A_2514, %mul3A_2518 : vector<16xf32>
      %swap3A_2520 = arith.constant 32 : index
      %swap3A_2521 = tpu.vector_load %arg10[%swap3A_2520] {strides = array<i32>} : memref<512xf32, #tpu.memory_space<vmem>>, vector<16xf32>,
      tpu.vector_store %arg10[%swap3A_2520], %add3A_2519 {strides = array<i32>} : memref<512xf32, #tpu.memory_space<vmem>>, vector<16xf32>,
      %get3A_2522 = arith.constant 48 : index
      %get3A_2523 = tpu.vector_load %arg10[%get3A_2522] {strides = array<i32>} : memref<512xf32, #tpu.memory_space<vmem>>, vector<16xf32>,
      %add3A_2524 = arith.constant 9.99999974E-6 : f32
      %add3A_2525 = vector.broadcast %add3A_2524 : f32 to vector<16xf32>
      %add3A_2526 = arith.addf %get3A_2523, %add3A_2525 : vector<16xf32>
      %bitcast_convert_type3A_2527 = tpu.bitcast %add3A_2526 : vector<16xf32> -> vector<16xi32>
      %shift_right_logical3A_2528 = arith.constant 23 : i32
      %shift_right_logical3A_2529 = vector.broadcast %shift_right_logical3A_2528 : i32 to vector<16xi32>
      %shift_right_logical3A_2530 = arith.shrui %bitcast_convert_type3A_2527, %shift_right_logical3A_2529 : vector<16xi32>
      %sub3A_2531 = arith.constant 127 : i32
      %sub3A_2532 = vector.broadcast %sub3A_2531 : i32 to vector<16xi32>
      %sub3A_2533 = arith.subi %shift_right_logical3A_2530, %sub3A_2532 : vector<16xi32>
      %and3A_2534 = arith.constant 8388607 : i32
      %and3A_2535 = vector.broadcast %and3A_2534 : i32 to vector<16xi32>
      %and3A_2536 = arith.andi %bitcast_convert_type3A_2527, %and3A_2535 : vector<16xi32>
      %or3A_2537 = arith.constant 1065353216 : i32
      %or3A_2538 = vector.broadcast %or3A_2537 : i32 to vector<16xi32>
      %or3A_2539 = arith.ori %and3A_2536, %or3A_2538 : vector<16xi32>
      %bitcast_convert_type3A_2540 = tpu.bitcast %or3A_2539 : vector<16xi32> -> vector<16xf32>
      %gt3A_2541 = arith.constant 1.41421354 : f32
      %gt3A_2542 = vector.broadcast %gt3A_2541 : f32 to vector<16xf32>
      %gt3A_2543 = arith.cmpf ogt, %bitcast_convert_type3A_2540, %gt3A_2542 : vector<16xf32>
      %mul3A_2544 = arith.constant 5.000000e-01 : f32
      %mul3A_2545 = vector.broadcast %mul3A_2544 : f32 to vector<16xf32>
      %mul3A_2546 = arith.mulf %bitcast_convert_type3A_2540, %mul3A_2545 : vector<16xf32>
      %select_n3A_2547 = arith.select %gt3A_2543, %mul3A_2546, %bitcast_convert_type3A_2540 : vector<16xi1>, vector<16xf32>
      %add3A_2548 = arith.constant 1 : i32
      %add3A_2549 = vector.broadcast %add3A_2548 : i32 to vector<16xi32>
      %add3A_2550 = arith.addi %sub3A_2533, %add3A_2549 : vector<16xi32>
      %select_n3A_2551 = arith.select %gt3A_2543, %add3A_2550, %sub3A_2533 : vector<16xi1>, vector<16xi32>
      %sub3A_2552 = arith.constant 1.000000e+00 : f32
      %sub3A_2553 = vector.broadcast %sub3A_2552 : f32 to vector<16xf32>
      %sub3A_2554 = arith.subf %select_n3A_2547, %sub3A_2553 : vector<16xf32>
      %add3A_2555 = arith.constant 1.000000e+00 : f32
      %add3A_2556 = vector.broadcast %add3A_2555 : f32 to vector<16xf32>
      %add3A_2557 = arith.addf %select_n3A_2547, %add3A_2556 : vector<16xf32>
      %div3A_2558 = arith.divf %sub3A_2554, %add3A_2557 : vector<16xf32>
      %mul3A_2559 = arith.mulf %div3A_2558, %div3A_2558 : vector<16xf32>
      %mul3A_2560 = arith.constant 0.142857149 : f32
      %mul3A_2561 = vector.broadcast %mul3A_2560 : f32 to vector<16xf32>
      %mul3A_2562 = arith.mulf %mul3A_2559, %mul3A_2561 : vector<16xf32>
      %add3A_2563 = arith.constant 2.000000e-01 : f32
      %add3A_2564 = vector.broadcast %add3A_2563 : f32 to vector<16xf32>
      %add3A_2565 = arith.addf %add3A_2564, %mul3A_2562 : vector<16xf32>
      %mul3A_2566 = arith.mulf %mul3A_2559, %add3A_2565 : vector<16xf32>
      %add3A_2567 = arith.constant 0.333333343 : f32
      %add3A_2568 = vector.broadcast %add3A_2567 : f32 to vector<16xf32>
      %add3A_2569 = arith.addf %add3A_2568, %mul3A_2566 : vector<16xf32>
      %mul3A_2570 = arith.mulf %mul3A_2559, %add3A_2569 : vector<16xf32>
      %add3A_2571 = arith.constant 1.000000e+00 : f32
      %add3A_2572 = vector.broadcast %add3A_2571 : f32 to vector<16xf32>
      %add3A_2573 = arith.addf %add3A_2572, %mul3A_2570 : vector<16xf32>
      %convert_element_type3A_2574 = arith.sitofp %select_n3A_2551 : vector<16xi32> to vector<16xf32>
      %mul3A_2575 = arith.constant 0.693147182 : f32
      %mul3A_2576 = vector.broadcast %mul3A_2575 : f32 to vector<16xf32>
      %mul3A_2577 = arith.mulf %convert_element_type3A_2574, %mul3A_2576 : vector<16xf32>
      %mul3A_2578 = arith.constant 2.000000e+00 : f32
      %mul3A_2579 = vector.broadcast %mul3A_2578 : f32 to vector<16xf32>
      %mul3A_2580 = arith.mulf %mul3A_2579, %div3A_2558 : vector<16xf32>
      %mul3A_2581 = arith.mulf %mul3A_2580, %add3A_2573 : vector<16xf32>
      %add3A_2582 = arith.addf %mul3A_2577, %mul3A_2581 : vector<16xf32>
      %swap3A_2583 = arith.constant 48 : index
      %swap3A_2584 = tpu.vector_load %arg10[%swap3A_2583] {strides = array<i32>} : memref<512xf32, #tpu.memory_space<vmem>>, vector<16xf32>,
      tpu.vector_store %arg10[%swap3A_2583], %add3A_2582 {strides = array<i32>} : memref<512xf32, #tpu.memory_space<vmem>>, vector<16xf32>,
      %get3A_2585 = arith.constant 64 : index
      %get3A_2586 = tpu.vector_load %arg10[%get3A_2585] {strides = array<i32>} : memref<512xf32, #tpu.memory_space<vmem>>, vector<16xf32>,
      %add3A_2587 = arith.constant 9.99999974E-6 : f32
      %add3A_2588 = vector.broadcast %add3A_2587 : f32 to vector<16xf32>
      %add3A_2589 = arith.addf %get3A_2586, %add3A_2588 : vector<16xf32>
      %bitcast_convert_type3A_2590 = tpu.bitcast %add3A_2589 : vector<16xf32> -> vector<16xi32>
      %shift_right_logical3A_2591 = arith.constant 23 : i32
      %shift_right_logical3A_2592 = vector.broadcast %shift_right_logical3A_2591 : i32 to vector<16xi32>
      %shift_right_logical3A_2593 = arith.shrui %bitcast_convert_type3A_2590, %shift_right_logical3A_2592 : vector<16xi32>
      %sub3A_2594 = arith.constant 127 : i32
      %sub3A_2595 = vector.broadcast %sub3A_2594 : i32 to vector<16xi32>
      %sub3A_2596 = arith.subi %shift_right_logical3A_2593, %sub3A_2595 : vector<16xi32>
      %and3A_2597 = arith.constant 8388607 : i32
      %and3A_2598 = vector.broadcast %and3A_2597 : i32 to vector<16xi32>
      %and3A_2599 = arith.andi %bitcast_convert_type3A_2590, %and3A_2598 : vector<16xi32>
      %or3A_2600 = arith.constant 1065353216 : i32
      %or3A_2601 = vector.broadcast %or3A_2600 : i32 to vector<16xi32>
      %or3A_2602 = arith.ori %and3A_2599, %or3A_2601 : vector<16xi32>
      %bitcast_convert_type3A_2603 = tpu.bitcast %or3A_2602 : vector<16xi32> -> vector<16xf32>
      %gt3A_2604 = arith.constant 1.41421354 : f32
      %gt3A_2605 = vector.broadcast %gt3A_2604 : f32 to vector<16xf32>
      %gt3A_2606 = arith.cmpf ogt, %bitcast_convert_type3A_2603, %gt3A_2605 : vector<16xf32>
      %mul3A_2607 = arith.constant 5.000000e-01 : f32
      %mul3A_2608 = vector.broadcast %mul3A_2607 : f32 to vector<16xf32>
      %mul3A_2609 = arith.mulf %bitcast_convert_type3A_2603, %mul3A_2608 : vector<16xf32>
      %select_n3A_2610 = arith.select %gt3A_2606, %mul3A_2609, %bitcast_convert_type3A_2603 : vector<16xi1>, vector<16xf32>
      %add3A_2611 = arith.constant 1 : i32
      %add3A_2612 = vector.broadcast %add3A_2611 : i32 to vector<16xi32>
      %add3A_2613 = arith.addi %sub3A_2596, %add3A_2612 : vector<16xi32>
      %select_n3A_2614 = arith.select %gt3A_2606, %add3A_2613, %sub3A_2596 : vector<16xi1>, vector<16xi32>
      %sub3A_2615 = arith.constant 1.000000e+00 : f32
      %sub3A_2616 = vector.broadcast %sub3A_2615 : f32 to vector<16xf32>
      %sub3A_2617 = arith.subf %select_n3A_2610, %sub3A_2616 : vector<16xf32>
      %add3A_2618 = arith.constant 1.000000e+00 : f32
      %add3A_2619 = vector.broadcast %add3A_2618 : f32 to vector<16xf32>
      %add3A_2620 = arith.addf %select_n3A_2610, %add3A_2619 : vector<16xf32>
      %div3A_2621 = arith.divf %sub3A_2617, %add3A_2620 : vector<16xf32>
      %mul3A_2622 = arith.mulf %div3A_2621, %div3A_2621 : vector<16xf32>
      %mul3A_2623 = arith.constant 0.142857149 : f32
      %mul3A_2624 = vector.broadcast %mul3A_2623 : f32 to vector<16xf32>
      %mul3A_2625 = arith.mulf %mul3A_2622, %mul3A_2624 : vector<16xf32>
      %add3A_2626 = arith.constant 2.000000e-01 : f32
      %add3A_2627 = vector.broadcast %add3A_2626 : f32 to vector<16xf32>
      %add3A_2628 = arith.addf %add3A_2627, %mul3A_2625 : vector<16xf32>
      %mul3A_2629 = arith.mulf %mul3A_2622, %add3A_2628 : vector<16xf32>
      %add3A_2630 = arith.constant 0.333333343 : f32
      %add3A_2631 = vector.broadcast %add3A_2630 : f32 to vector<16xf32>
      %add3A_2632 = arith.addf %add3A_2631, %mul3A_2629 : vector<16xf32>
      %mul3A_2633 = arith.mulf %mul3A_2622, %add3A_2632 : vector<16xf32>
      %add3A_2634 = arith.constant 1.000000e+00 : f32
      %add3A_2635 = vector.broadcast %add3A_2634 : f32 to vector<16xf32>
      %add3A_2636 = arith.addf %add3A_2635, %mul3A_2633 : vector<16xf32>
      %convert_element_type3A_2637 = arith.sitofp %select_n3A_2614 : vector<16xi32> to vector<16xf32>
      %mul3A_2638 = arith.constant 0.693147182 : f32
      %mul3A_2639 = vector.broadcast %mul3A_2638 : f32 to vector<16xf32>
      %mul3A_2640 = arith.mulf %convert_element_type3A_2637, %mul3A_2639 : vector<16xf32>
      %mul3A_2641 = arith.constant 2.000000e+00 : f32
      %mul3A_2642 = vector.broadcast %mul3A_2641 : f32 to vector<16xf32>
      %mul3A_2643 = arith.mulf %mul3A_2642, %div3A_2621 : vector<16xf32>
      %mul3A_2644 = arith.mulf %mul3A_2643, %add3A_2636 : vector<16xf32>
      %add3A_2645 = arith.addf %mul3A_2640, %mul3A_2644 : vector<16xf32>
      %swap3A_2646 = arith.constant 64 : index
      %swap3A_2647 = tpu.vector_load %arg10[%swap3A_2646] {strides = array<i32>} : memref<512xf32, #tpu.memory_space<vmem>>, vector<16xf32>,
      tpu.vector_store %arg10[%swap3A_2646], %add3A_2645 {strides = array<i32>} : memref<512xf32, #tpu.memory_space<vmem>>, vector<16xf32>,
      %get3A_2648 = arith.constant 80 : index
      %get3A_2649 = tpu.vector_load %arg10[%get3A_2648] {strides = array<i32>} : memref<512xf32, #tpu.memory_space<vmem>>, vector<16xf32>,
      %add3A_2650 = arith.constant 9.99999974E-6 : f32
      %add3A_2651 = vector.broadcast %add3A_2650 : f32 to vector<16xf32>
      %add3A_2652 = arith.addf %get3A_2649, %add3A_2651 : vector<16xf32>
      %bitcast_convert_type3A_2653 = tpu.bitcast %add3A_2652 : vector<16xf32> -> vector<16xi32>
      %shift_right_logical3A_2654 = arith.constant 23 : i32
      %shift_right_logical3A_2655 = vector.broadcast %shift_right_logical3A_2654 : i32 to vector<16xi32>
      %shift_right_logical3A_2656 = arith.shrui %bitcast_convert_type3A_2653, %shift_right_logical3A_2655 : vector<16xi32>
      %sub3A_2657 = arith.constant 127 : i32
      %sub3A_2658 = vector.broadcast %sub3A_2657 : i32 to vector<16xi32>
      %sub3A_2659 = arith.subi %shift_right_logical3A_2656, %sub3A_2658 : vector<16xi32>
      %and3A_2660 = arith.constant 8388607 : i32
      %and3A_2661 = vector.broadcast %and3A_2660 : i32 to vector<16xi32>
      %and3A_2662 = arith.andi %bitcast_convert_type3A_2653, %and3A_2661 : vector<16xi32>
      %or3A_2663 = arith.constant 1065353216 : i32
      %or3A_2664 = vector.broadcast %or3A_2663 : i32 to vector<16xi32>
      %or3A_2665 = arith.ori %and3A_2662, %or3A_2664 : vector<16xi32>
      %bitcast_convert_type3A_2666 = tpu.bitcast %or3A_2665 : vector<16xi32> -> vector<16xf32>
      %gt3A_2667 = arith.constant 1.41421354 : f32
      %gt3A_2668 = vector.broadcast %gt3A_2667 : f32 to vector<16xf32>
      %gt3A_2669 = arith.cmpf ogt, %bitcast_convert_type3A_2666, %gt3A_2668 : vector<16xf32>
      %mul3A_2670 = arith.constant 5.000000e-01 : f32
      %mul3A_2671 = vector.broadcast %mul3A_2670 : f32 to vector<16xf32>
      %mul3A_2672 = arith.mulf %bitcast_convert_type3A_2666, %mul3A_2671 : vector<16xf32>
      %select_n3A_2673 = arith.select %gt3A_2669, %mul3A_2672, %bitcast_convert_type3A_2666 : vector<16xi1>, vector<16xf32>
      %add3A_2674 = arith.constant 1 : i32
      %add3A_2675 = vector.broadcast %add3A_2674 : i32 to vector<16xi32>
      %add3A_2676 = arith.addi %sub3A_2659, %add3A_2675 : vector<16xi32>
      %select_n3A_2677 = arith.select %gt3A_2669, %add3A_2676, %sub3A_2659 : vector<16xi1>, vector<16xi32>
      %sub3A_2678 = arith.constant 1.000000e+00 : f32
      %sub3A_2679 = vector.broadcast %sub3A_2678 : f32 to vector<16xf32>
      %sub3A_2680 = arith.subf %select_n3A_2673, %sub3A_2679 : vector<16xf32>
      %add3A_2681 = arith.constant 1.000000e+00 : f32
      %add3A_2682 = vector.broadcast %add3A_2681 : f32 to vector<16xf32>
      %add3A_2683 = arith.addf %select_n3A_2673, %add3A_2682 : vector<16xf32>
      %div3A_2684 = arith.divf %sub3A_2680, %add3A_2683 : vector<16xf32>
      %mul3A_2685 = arith.mulf %div3A_2684, %div3A_2684 : vector<16xf32>
      %mul3A_2686 = arith.constant 0.142857149 : f32
      %mul3A_2687 = vector.broadcast %mul3A_2686 : f32 to vector<16xf32>
      %mul3A_2688 = arith.mulf %mul3A_2685, %mul3A_2687 : vector<16xf32>
      %add3A_2689 = arith.constant 2.000000e-01 : f32
      %add3A_2690 = vector.broadcast %add3A_2689 : f32 to vector<16xf32>
      %add3A_2691 = arith.addf %add3A_2690, %mul3A_2688 : vector<16xf32>
      %mul3A_2692 = arith.mulf %mul3A_2685, %add3A_2691 : vector<16xf32>
      %add3A_2693 = arith.constant 0.333333343 : f32
      %add3A_2694 = vector.broadcast %add3A_2693 : f32 to vector<16xf32>
      %add3A_2695 = arith.addf %add3A_2694, %mul3A_2692 : vector<16xf32>
      %mul3A_2696 = arith.mulf %mul3A_2685, %add3A_2695 : vector<16xf32>
      %add3A_2697 = arith.constant 1.000000e+00 : f32
      %add3A_2698 = vector.broadcast %add3A_2697 : f32 to vector<16xf32>
      %add3A_2699 = arith.addf %add3A_2698, %mul3A_2696 : vector<16xf32>
      %convert_element_type3A_2700 = arith.sitofp %select_n3A_2677 : vector<16xi32> to vector<16xf32>
      %mul3A_2701 = arith.constant 0.693147182 : f32
      %mul3A_2702 = vector.broadcast %mul3A_2701 : f32 to vector<16xf32>
      %mul3A_2703 = arith.mulf %convert_element_type3A_2700, %mul3A_2702 : vector<16xf32>
      %mul3A_2704 = arith.constant 2.000000e+00 : f32
      %mul3A_2705 = vector.broadcast %mul3A_2704 : f32 to vector<16xf32>
      %mul3A_2706 = arith.mulf %mul3A_2705, %div3A_2684 : vector<16xf32>
      %mul3A_2707 = arith.mulf %mul3A_2706, %add3A_2699 : vector<16xf32>
      %add3A_2708 = arith.addf %mul3A_2703, %mul3A_2707 : vector<16xf32>
      %swap3A_2709 = arith.constant 80 : index
      %swap3A_2710 = tpu.vector_load %arg10[%swap3A_2709] {strides = array<i32>} : memref<512xf32, #tpu.memory_space<vmem>>, vector<16xf32>,
      tpu.vector_store %arg10[%swap3A_2709], %add3A_2708 {strides = array<i32>} : memref<512xf32, #tpu.memory_space<vmem>>, vector<16xf32>,
      %get3A_2711 = arith.constant 96 : index
      %get3A_2712 = tpu.vector_load %arg10[%get3A_2711] {strides = array<i32>} : memref<512xf32, #tpu.memory_space<vmem>>, vector<16xf32>,
      %add3A_2713 = arith.constant 9.99999974E-6 : f32
      %add3A_2714 = vector.broadcast %add3A_2713 : f32 to vector<16xf32>
      %add3A_2715 = arith.addf %get3A_2712, %add3A_2714 : vector<16xf32>
      %bitcast_convert_type3A_2716 = tpu.bitcast %add3A_2715 : vector<16xf32> -> vector<16xi32>
      %shift_right_logical3A_2717 = arith.constant 23 : i32
      %shift_right_logical3A_2718 = vector.broadcast %shift_right_logical3A_2717 : i32 to vector<16xi32>
      %shift_right_logical3A_2719 = arith.shrui %bitcast_convert_type3A_2716, %shift_right_logical3A_2718 : vector<16xi32>
      %sub3A_2720 = arith.constant 127 : i32
      %sub3A_2721 = vector.broadcast %sub3A_2720 : i32 to vector<16xi32>
      %sub3A_2722 = arith.subi %shift_right_logical3A_2719, %sub3A_2721 : vector<16xi32>
      %and3A_2723 = arith.constant 8388607 : i32
      %and3A_2724 = vector.broadcast %and3A_2723 : i32 to vector<16xi32>
      %and3A_2725 = arith.andi %bitcast_convert_type3A_2716, %and3A_2724 : vector<16xi32>
      %or3A_2726 = arith.constant 1065353216 : i32
      %or3A_2727 = vector.broadcast %or3A_2726 : i32 to vector<16xi32>
      %or3A_2728 = arith.ori %and3A_2725, %or3A_2727 : vector<16xi32>
      %bitcast_convert_type3A_2729 = tpu.bitcast %or3A_2728 : vector<16xi32> -> vector<16xf32>
      %gt3A_2730 = arith.constant 1.41421354 : f32
      %gt3A_2731 = vector.broadcast %gt3A_2730 : f32 to vector<16xf32>
      %gt3A_2732 = arith.cmpf ogt, %bitcast_convert_type3A_2729, %gt3A_2731 : vector<16xf32>
      %mul3A_2733 = arith.constant 5.000000e-01 : f32
      %mul3A_2734 = vector.broadcast %mul3A_2733 : f32 to vector<16xf32>
      %mul3A_2735 = arith.mulf %bitcast_convert_type3A_2729, %mul3A_2734 : vector<16xf32>
      %select_n3A_2736 = arith.select %gt3A_2732, %mul3A_2735, %bitcast_convert_type3A_2729 : vector<16xi1>, vector<16xf32>
      %add3A_2737 = arith.constant 1 : i32
      %add3A_2738 = vector.broadcast %add3A_2737 : i32 to vector<16xi32>
      %add3A_2739 = arith.addi %sub3A_2722, %add3A_2738 : vector<16xi32>
      %select_n3A_2740 = arith.select %gt3A_2732, %add3A_2739, %sub3A_2722 : vector<16xi1>, vector<16xi32>
      %sub3A_2741 = arith.constant 1.000000e+00 : f32
      %sub3A_2742 = vector.broadcast %sub3A_2741 : f32 to vector<16xf32>
      %sub3A_2743 = arith.subf %select_n3A_2736, %sub3A_2742 : vector<16xf32>
      %add3A_2744 = arith.constant 1.000000e+00 : f32
      %add3A_2745 = vector.broadcast %add3A_2744 : f32 to vector<16xf32>
      %add3A_2746 = arith.addf %select_n3A_2736, %add3A_2745 : vector<16xf32>
      %div3A_2747 = arith.divf %sub3A_2743, %add3A_2746 : vector<16xf32>
      %mul3A_2748 = arith.mulf %div3A_2747, %div3A_2747 : vector<16xf32>
      %mul3A_2749 = arith.constant 0.142857149 : f32
      %mul3A_2750 = vector.broadcast %mul3A_2749 : f32 to vector<16xf32>
      %mul3A_2751 = arith.mulf %mul3A_2748, %mul3A_2750 : vector<16xf32>
      %add3A_2752 = arith.constant 2.000000e-01 : f32
      %add3A_2753 = vector.broadcast %add3A_2752 : f32 to vector<16xf32>
      %add3A_2754 = arith.addf %add3A_2753, %mul3A_2751 : vector<16xf32>
      %mul3A_2755 = arith.mulf %mul3A_2748, %add3A_2754 : vector<16xf32>
      %add3A_2756 = arith.constant 0.333333343 : f32
      %add3A_2757 = vector.broadcast %add3A_2756 : f32 to vector<16xf32>
      %add3A_2758 = arith.addf %add3A_2757, %mul3A_2755 : vector<16xf32>
      %mul3A_2759 = arith.mulf %mul3A_2748, %add3A_2758 : vector<16xf32>
      %add3A_2760 = arith.constant 1.000000e+00 : f32
      %add3A_2761 = vector.broadcast %add3A_2760 : f32 to vector<16xf32>
      %add3A_2762 = arith.addf %add3A_2761, %mul3A_2759 : vector<16xf32>
      %convert_element_type3A_2763 = arith.sitofp %select_n3A_2740 : vector<16xi32> to vector<16xf32>
      %mul3A_2764 = arith.constant 0.693147182 : f32
      %mul3A_2765 = vector.broadcast %mul3A_2764 : f32 to vector<16xf32>
      %mul3A_2766 = arith.mulf %convert_element_type3A_2763, %mul3A_2765 : vector<16xf32>
      %mul3A_2767 = arith.constant 2.000000e+00 : f32
      %mul3A_2768 = vector.broadcast %mul3A_2767 : f32 to vector<16xf32>
      %mul3A_2769 = arith.mulf %mul3A_2768, %div3A_2747 : vector<16xf32>
      %mul3A_2770 = arith.mulf %mul3A_2769, %add3A_2762 : vector<16xf32>
      %add3A_2771 = arith.addf %mul3A_2766, %mul3A_2770 : vector<16xf32>
      %swap3A_2772 = arith.constant 96 : index
      %swap3A_2773 = tpu.vector_load %arg10[%swap3A_2772] {strides = array<i32>} : memref<512xf32, #tpu.memory_space<vmem>>, vector<16xf32>,
      tpu.vector_store %arg10[%swap3A_2772], %add3A_2771 {strides = array<i32>} : memref<512xf32, #tpu.memory_space<vmem>>, vector<16xf32>,
      %get3A_2774 = arith.constant 112 : index
      %get3A_2775 = tpu.vector_load %arg10[%get3A_2774] {strides = array<i32>} : memref<512xf32, #tpu.memory_space<vmem>>, vector<16xf32>,
      %add3A_2776 = arith.constant 9.99999974E-6 : f32
      %add3A_2777 = vector.broadcast %add3A_2776 : f32 to vector<16xf32>
      %add3A_2778 = arith.addf %get3A_2775, %add3A_2777 : vector<16xf32>
      %bitcast_convert_type3A_2779 = tpu.bitcast %add3A_2778 : vector<16xf32> -> vector<16xi32>
      %shift_right_logical3A_2780 = arith.constant 23 : i32
      %shift_right_logical3A_2781 = vector.broadcast %shift_right_logical3A_2780 : i32 to vector<16xi32>
      %shift_right_logical3A_2782 = arith.shrui %bitcast_convert_type3A_2779, %shift_right_logical3A_2781 : vector<16xi32>
      %sub3A_2783 = arith.constant 127 : i32
      %sub3A_2784 = vector.broadcast %sub3A_2783 : i32 to vector<16xi32>
      %sub3A_2785 = arith.subi %shift_right_logical3A_2782, %sub3A_2784 : vector<16xi32>
      %and3A_2786 = arith.constant 8388607 : i32
      %and3A_2787 = vector.broadcast %and3A_2786 : i32 to vector<16xi32>
      %and3A_2788 = arith.andi %bitcast_convert_type3A_2779, %and3A_2787 : vector<16xi32>
      %or3A_2789 = arith.constant 1065353216 : i32
      %or3A_2790 = vector.broadcast %or3A_2789 : i32 to vector<16xi32>
      %or3A_2791 = arith.ori %and3A_2788, %or3A_2790 : vector<16xi32>
      %bitcast_convert_type3A_2792 = tpu.bitcast %or3A_2791 : vector<16xi32> -> vector<16xf32>
      %gt3A_2793 = arith.constant 1.41421354 : f32
      %gt3A_2794 = vector.broadcast %gt3A_2793 : f32 to vector<16xf32>
      %gt3A_2795 = arith.cmpf ogt, %bitcast_convert_type3A_2792, %gt3A_2794 : vector<16xf32>
      %mul3A_2796 = arith.constant 5.000000e-01 : f32
      %mul3A_2797 = vector.broadcast %mul3A_2796 : f32 to vector<16xf32>
      %mul3A_2798 = arith.mulf %bitcast_convert_type3A_2792, %mul3A_2797 : vector<16xf32>
      %select_n3A_2799 = arith.select %gt3A_2795, %mul3A_2798, %bitcast_convert_type3A_2792 : vector<16xi1>, vector<16xf32>
      %add3A_2800 = arith.constant 1 : i32
      %add3A_2801 = vector.broadcast %add3A_2800 : i32 to vector<16xi32>
      %add3A_2802 = arith.addi %sub3A_2785, %add3A_2801 : vector<16xi32>
      %select_n3A_2803 = arith.select %gt3A_2795, %add3A_2802, %sub3A_2785 : vector<16xi1>, vector<16xi32>
      %sub3A_2804 = arith.constant 1.000000e+00 : f32
      %sub3A_2805 = vector.broadcast %sub3A_2804 : f32 to vector<16xf32>
      %sub3A_2806 = arith.subf %select_n3A_2799, %sub3A_2805 : vector<16xf32>
      %add3A_2807 = arith.constant 1.000000e+00 : f32
      %add3A_2808 = vector.broadcast %add3A_2807 : f32 to vector<16xf32>
      %add3A_2809 = arith.addf %select_n3A_2799, %add3A_2808 : vector<16xf32>
      %div3A_2810 = arith.divf %sub3A_2806, %add3A_2809 : vector<16xf32>
      %mul3A_2811 = arith.mulf %div3A_2810, %div3A_2810 : vector<16xf32>
      %mul3A_2812 = arith.constant 0.142857149 : f32
      %mul3A_2813 = vector.broadcast %mul3A_2812 : f32 to vector<16xf32>
      %mul3A_2814 = arith.mulf %mul3A_2811, %mul3A_2813 : vector<16xf32>
      %add3A_2815 = arith.constant 2.000000e-01 : f32
      %add3A_2816 = vector.broadcast %add3A_2815 : f32 to vector<16xf32>
      %add3A_2817 = arith.addf %add3A_2816, %mul3A_2814 : vector<16xf32>
      %mul3A_2818 = arith.mulf %mul3A_2811, %add3A_2817 : vector<16xf32>
      %add3A_2819 = arith.constant 0.333333343 : f32
      %add3A_2820 = vector.broadcast %add3A_2819 : f32 to vector<16xf32>
      %add3A_2821 = arith.addf %add3A_2820, %mul3A_2818 : vector<16xf32>
      %mul3A_2822 = arith.mulf %mul3A_2811, %add3A_2821 : vector<16xf32>
      %add3A_2823 = arith.constant 1.000000e+00 : f32
      %add3A_2824 = vector.broadcast %add3A_2823 : f32 to vector<16xf32>
      %add3A_2825 = arith.addf %add3A_2824, %mul3A_2822 : vector<16xf32>
      %convert_element_type3A_2826 = arith.sitofp %select_n3A_2803 : vector<16xi32> to vector<16xf32>
      %mul3A_2827 = arith.constant 0.693147182 : f32
      %mul3A_2828 = vector.broadcast %mul3A_2827 : f32 to vector<16xf32>
      %mul3A_2829 = arith.mulf %convert_element_type3A_2826, %mul3A_2828 : vector<16xf32>
      %mul3A_2830 = arith.constant 2.000000e+00 : f32
      %mul3A_2831 = vector.broadcast %mul3A_2830 : f32 to vector<16xf32>
      %mul3A_2832 = arith.mulf %mul3A_2831, %div3A_2810 : vector<16xf32>
      %mul3A_2833 = arith.mulf %mul3A_2832, %add3A_2825 : vector<16xf32>
      %add3A_2834 = arith.addf %mul3A_2829, %mul3A_2833 : vector<16xf32>
      %swap3A_2835 = arith.constant 112 : index
      %swap3A_2836 = tpu.vector_load %arg10[%swap3A_2835] {strides = array<i32>} : memref<512xf32, #tpu.memory_space<vmem>>, vector<16xf32>,
      tpu.vector_store %arg10[%swap3A_2835], %add3A_2834 {strides = array<i32>} : memref<512xf32, #tpu.memory_space<vmem>>, vector<16xf32>,
      %get3A_2837 = arith.constant 128 : index
      %get3A_2838 = tpu.vector_load %arg10[%get3A_2837] {strides = array<i32>} : memref<512xf32, #tpu.memory_space<vmem>>, vector<16xf32>,
      %add3A_2839 = arith.constant 9.99999974E-6 : f32
      %add3A_2840 = vector.broadcast %add3A_2839 : f32 to vector<16xf32>
      %add3A_2841 = arith.addf %get3A_2838, %add3A_2840 : vector<16xf32>
      %bitcast_convert_type3A_2842 = tpu.bitcast %add3A_2841 : vector<16xf32> -> vector<16xi32>
      %shift_right_logical3A_2843 = arith.constant 23 : i32
      %shift_right_logical3A_2844 = vector.broadcast %shift_right_logical3A_2843 : i32 to vector<16xi32>
      %shift_right_logical3A_2845 = arith.shrui %bitcast_convert_type3A_2842, %shift_right_logical3A_2844 : vector<16xi32>
      %sub3A_2846 = arith.constant 127 : i32
      %sub3A_2847 = vector.broadcast %sub3A_2846 : i32 to vector<16xi32>
      %sub3A_2848 = arith.subi %shift_right_logical3A_2845, %sub3A_2847 : vector<16xi32>
      %and3A_2849 = arith.constant 8388607 : i32
      %and3A_2850 = vector.broadcast %and3A_2849 : i32 to vector<16xi32>
      %and3A_2851 = arith.andi %bitcast_convert_type3A_2842, %and3A_2850 : vector<16xi32>
      %or3A_2852 = arith.constant 1065353216 : i32
      %or3A_2853 = vector.broadcast %or3A_2852 : i32 to vector<16xi32>
      %or3A_2854 = arith.ori %and3A_2851, %or3A_2853 : vector<16xi32>
      %bitcast_convert_type3A_2855 = tpu.bitcast %or3A_2854 : vector<16xi32> -> vector<16xf32>
      %gt3A_2856 = arith.constant 1.41421354 : f32
      %gt3A_2857 = vector.broadcast %gt3A_2856 : f32 to vector<16xf32>
      %gt3A_2858 = arith.cmpf ogt, %bitcast_convert_type3A_2855, %gt3A_2857 : vector<16xf32>
      %mul3A_2859 = arith.constant 5.000000e-01 : f32
      %mul3A_2860 = vector.broadcast %mul3A_2859 : f32 to vector<16xf32>
      %mul3A_2861 = arith.mulf %bitcast_convert_type3A_2855, %mul3A_2860 : vector<16xf32>
      %select_n3A_2862 = arith.select %gt3A_2858, %mul3A_2861, %bitcast_convert_type3A_2855 : vector<16xi1>, vector<16xf32>
      %add3A_2863 = arith.constant 1 : i32
      %add3A_2864 = vector.broadcast %add3A_2863 : i32 to vector<16xi32>
      %add3A_2865 = arith.addi %sub3A_2848, %add3A_2864 : vector<16xi32>
      %select_n3A_2866 = arith.select %gt3A_2858, %add3A_2865, %sub3A_2848 : vector<16xi1>, vector<16xi32>
      %sub3A_2867 = arith.constant 1.000000e+00 : f32
      %sub3A_2868 = vector.broadcast %sub3A_2867 : f32 to vector<16xf32>
      %sub3A_2869 = arith.subf %select_n3A_2862, %sub3A_2868 : vector<16xf32>
      %add3A_2870 = arith.constant 1.000000e+00 : f32
      %add3A_2871 = vector.broadcast %add3A_2870 : f32 to vector<16xf32>
      %add3A_2872 = arith.addf %select_n3A_2862, %add3A_2871 : vector<16xf32>
      %div3A_2873 = arith.divf %sub3A_2869, %add3A_2872 : vector<16xf32>
      %mul3A_2874 = arith.mulf %div3A_2873, %div3A_2873 : vector<16xf32>
      %mul3A_2875 = arith.constant 0.142857149 : f32
      %mul3A_2876 = vector.broadcast %mul3A_2875 : f32 to vector<16xf32>
      %mul3A_2877 = arith.mulf %mul3A_2874, %mul3A_2876 : vector<16xf32>
      %add3A_2878 = arith.constant 2.000000e-01 : f32
      %add3A_2879 = vector.broadcast %add3A_2878 : f32 to vector<16xf32>
      %add3A_2880 = arith.addf %add3A_2879, %mul3A_2877 : vector<16xf32>
      %mul3A_2881 = arith.mulf %mul3A_2874, %add3A_2880 : vector<16xf32>
      %add3A_2882 = arith.constant 0.333333343 : f32
      %add3A_2883 = vector.broadcast %add3A_2882 : f32 to vector<16xf32>
      %add3A_2884 = arith.addf %add3A_2883, %mul3A_2881 : vector<16xf32>
      %mul3A_2885 = arith.mulf %mul3A_2874, %add3A_2884 : vector<16xf32>
      %add3A_2886 = arith.constant 1.000000e+00 : f32
      %add3A_2887 = vector.broadcast %add3A_2886 : f32 to vector<16xf32>
      %add3A_2888 = arith.addf %add3A_2887, %mul3A_2885 : vector<16xf32>
      %convert_element_type3A_2889 = arith.sitofp %select_n3A_2866 : vector<16xi32> to vector<16xf32>
      %mul3A_2890 = arith.constant 0.693147182 : f32
      %mul3A_2891 = vector.broadcast %mul3A_2890 : f32 to vector<16xf32>
      %mul3A_2892 = arith.mulf %convert_element_type3A_2889, %mul3A_2891 : vector<16xf32>
      %mul3A_2893 = arith.constant 2.000000e+00 : f32
      %mul3A_2894 = vector.broadcast %mul3A_2893 : f32 to vector<16xf32>
      %mul3A_2895 = arith.mulf %mul3A_2894, %div3A_2873 : vector<16xf32>
      %mul3A_2896 = arith.mulf %mul3A_2895, %add3A_2888 : vector<16xf32>
      %add3A_2897 = arith.addf %mul3A_2892, %mul3A_2896 : vector<16xf32>
      %swap3A_2898 = arith.constant 128 : index
      %swap3A_2899 = tpu.vector_load %arg10[%swap3A_2898] {strides = array<i32>} : memref<512xf32, #tpu.memory_space<vmem>>, vector<16xf32>,
      tpu.vector_store %arg10[%swap3A_2898], %add3A_2897 {strides = array<i32>} : memref<512xf32, #tpu.memory_space<vmem>>, vector<16xf32>,
      %get3A_2900 = arith.constant 144 : index
      %get3A_2901 = tpu.vector_load %arg10[%get3A_2900] {strides = array<i32>} : memref<512xf32, #tpu.memory_space<vmem>>, vector<16xf32>,
      %add3A_2902 = arith.constant 9.99999974E-6 : f32
      %add3A_2903 = vector.broadcast %add3A_2902 : f32 to vector<16xf32>
      %add3A_2904 = arith.addf %get3A_2901, %add3A_2903 : vector<16xf32>
      %bitcast_convert_type3A_2905 = tpu.bitcast %add3A_2904 : vector<16xf32> -> vector<16xi32>
      %shift_right_logical3A_2906 = arith.constant 23 : i32
      %shift_right_logical3A_2907 = vector.broadcast %shift_right_logical3A_2906 : i32 to vector<16xi32>
      %shift_right_logical3A_2908 = arith.shrui %bitcast_convert_type3A_2905, %shift_right_logical3A_2907 : vector<16xi32>
      %sub3A_2909 = arith.constant 127 : i32
      %sub3A_2910 = vector.broadcast %sub3A_2909 : i32 to vector<16xi32>
      %sub3A_2911 = arith.subi %shift_right_logical3A_2908, %sub3A_2910 : vector<16xi32>
      %and3A_2912 = arith.constant 8388607 : i32
      %and3A_2913 = vector.broadcast %and3A_2912 : i32 to vector<16xi32>
      %and3A_2914 = arith.andi %bitcast_convert_type3A_2905, %and3A_2913 : vector<16xi32>
      %or3A_2915 = arith.constant 1065353216 : i32
      %or3A_2916 = vector.broadcast %or3A_2915 : i32 to vector<16xi32>
      %or3A_2917 = arith.ori %and3A_2914, %or3A_2916 : vector<16xi32>
      %bitcast_convert_type3A_2918 = tpu.bitcast %or3A_2917 : vector<16xi32> -> vector<16xf32>
      %gt3A_2919 = arith.constant 1.41421354 : f32
      %gt3A_2920 = vector.broadcast %gt3A_2919 : f32 to vector<16xf32>
      %gt3A_2921 = arith.cmpf ogt, %bitcast_convert_type3A_2918, %gt3A_2920 : vector<16xf32>
      %mul3A_2922 = arith.constant 5.000000e-01 : f32
      %mul3A_2923 = vector.broadcast %mul3A_2922 : f32 to vector<16xf32>
      %mul3A_2924 = arith.mulf %bitcast_convert_type3A_2918, %mul3A_2923 : vector<16xf32>
      %select_n3A_2925 = arith.select %gt3A_2921, %mul3A_2924, %bitcast_convert_type3A_2918 : vector<16xi1>, vector<16xf32>
      %add3A_2926 = arith.constant 1 : i32
      %add3A_2927 = vector.broadcast %add3A_2926 : i32 to vector<16xi32>
      %add3A_2928 = arith.addi %sub3A_2911, %add3A_2927 : vector<16xi32>
      %select_n3A_2929 = arith.select %gt3A_2921, %add3A_2928, %sub3A_2911 : vector<16xi1>, vector<16xi32>
      %sub3A_2930 = arith.constant 1.000000e+00 : f32
      %sub3A_2931 = vector.broadcast %sub3A_2930 : f32 to vector<16xf32>
      %sub3A_2932 = arith.subf %select_n3A_2925, %sub3A_2931 : vector<16xf32>
      %add3A_2933 = arith.constant 1.000000e+00 : f32
      %add3A_2934 = vector.broadcast %add3A_2933 : f32 to vector<16xf32>
      %add3A_2935 = arith.addf %select_n3A_2925, %add3A_2934 : vector<16xf32>
      %div3A_2936 = arith.divf %sub3A_2932, %add3A_2935 : vector<16xf32>
      %mul3A_2937 = arith.mulf %div3A_2936, %div3A_2936 : vector<16xf32>
      %mul3A_2938 = arith.constant 0.142857149 : f32
      %mul3A_2939 = vector.broadcast %mul3A_2938 : f32 to vector<16xf32>
      %mul3A_2940 = arith.mulf %mul3A_2937, %mul3A_2939 : vector<16xf32>
      %add3A_2941 = arith.constant 2.000000e-01 : f32
      %add3A_2942 = vector.broadcast %add3A_2941 : f32 to vector<16xf32>
      %add3A_2943 = arith.addf %add3A_2942, %mul3A_2940 : vector<16xf32>
      %mul3A_2944 = arith.mulf %mul3A_2937, %add3A_2943 : vector<16xf32>
      %add3A_2945 = arith.constant 0.333333343 : f32
      %add3A_2946 = vector.broadcast %add3A_2945 : f32 to vector<16xf32>
      %add3A_2947 = arith.addf %add3A_2946, %mul3A_2944 : vector<16xf32>
      %mul3A_2948 = arith.mulf %mul3A_2937, %add3A_2947 : vector<16xf32>
      %add3A_2949 = arith.constant 1.000000e+00 : f32
      %add3A_2950 = vector.broadcast %add3A_2949 : f32 to vector<16xf32>
      %add3A_2951 = arith.addf %add3A_2950, %mul3A_2948 : vector<16xf32>
      %convert_element_type3A_2952 = arith.sitofp %select_n3A_2929 : vector<16xi32> to vector<16xf32>
      %mul3A_2953 = arith.constant 0.693147182 : f32
      %mul3A_2954 = vector.broadcast %mul3A_2953 : f32 to vector<16xf32>
      %mul3A_2955 = arith.mulf %convert_element_type3A_2952, %mul3A_2954 : vector<16xf32>
      %mul3A_2956 = arith.constant 2.000000e+00 : f32
      %mul3A_2957 = vector.broadcast %mul3A_2956 : f32 to vector<16xf32>
      %mul3A_2958 = arith.mulf %mul3A_2957, %div3A_2936 : vector<16xf32>
      %mul3A_2959 = arith.mulf %mul3A_2958, %add3A_2951 : vector<16xf32>
      %add3A_2960 = arith.addf %mul3A_2955, %mul3A_2959 : vector<16xf32>
      %swap3A_2961 = arith.constant 144 : index
      %swap3A_2962 = tpu.vector_load %arg10[%swap3A_2961] {strides = array<i32>} : memref<512xf32, #tpu.memory_space<vmem>>, vector<16xf32>,
      tpu.vector_store %arg10[%swap3A_2961], %add3A_2960 {strides = array<i32>} : memref<512xf32, #tpu.memory_space<vmem>>, vector<16xf32>,
      %get3A_2963 = arith.constant 160 : index
      %get3A_2964 = tpu.vector_load %arg10[%get3A_2963] {strides = array<i32>} : memref<512xf32, #tpu.memory_space<vmem>>, vector<16xf32>,
      %add3A_2965 = arith.constant 9.99999974E-6 : f32
      %add3A_2966 = vector.broadcast %add3A_2965 : f32 to vector<16xf32>
      %add3A_2967 = arith.addf %get3A_2964, %add3A_2966 : vector<16xf32>
      %bitcast_convert_type3A_2968 = tpu.bitcast %add3A_2967 : vector<16xf32> -> vector<16xi32>
      %shift_right_logical3A_2969 = arith.constant 23 : i32
      %shift_right_logical3A_2970 = vector.broadcast %shift_right_logical3A_2969 : i32 to vector<16xi32>
      %shift_right_logical3A_2971 = arith.shrui %bitcast_convert_type3A_2968, %shift_right_logical3A_2970 : vector<16xi32>
      %sub3A_2972 = arith.constant 127 : i32
      %sub3A_2973 = vector.broadcast %sub3A_2972 : i32 to vector<16xi32>
      %sub3A_2974 = arith.subi %shift_right_logical3A_2971, %sub3A_2973 : vector<16xi32>
      %and3A_2975 = arith.constant 8388607 : i32
      %and3A_2976 = vector.broadcast %and3A_2975 : i32 to vector<16xi32>
      %and3A_2977 = arith.andi %bitcast_convert_type3A_2968, %and3A_2976 : vector<16xi32>
      %or3A_2978 = arith.constant 1065353216 : i32
      %or3A_2979 = vector.broadcast %or3A_2978 : i32 to vector<16xi32>
      %or3A_2980 = arith.ori %and3A_2977, %or3A_2979 : vector<16xi32>
      %bitcast_convert_type3A_2981 = tpu.bitcast %or3A_2980 : vector<16xi32> -> vector<16xf32>
      %gt3A_2982 = arith.constant 1.41421354 : f32
      %gt3A_2983 = vector.broadcast %gt3A_2982 : f32 to vector<16xf32>
      %gt3A_2984 = arith.cmpf ogt, %bitcast_convert_type3A_2981, %gt3A_2983 : vector<16xf32>
      %mul3A_2985 = arith.constant 5.000000e-01 : f32
      %mul3A_2986 = vector.broadcast %mul3A_2985 : f32 to vector<16xf32>
      %mul3A_2987 = arith.mulf %bitcast_convert_type3A_2981, %mul3A_2986 : vector<16xf32>
      %select_n3A_2988 = arith.select %gt3A_2984, %mul3A_2987, %bitcast_convert_type3A_2981 : vector<16xi1>, vector<16xf32>
      %add3A_2989 = arith.constant 1 : i32
      %add3A_2990 = vector.broadcast %add3A_2989 : i32 to vector<16xi32>
      %add3A_2991 = arith.addi %sub3A_2974, %add3A_2990 : vector<16xi32>
      %select_n3A_2992 = arith.select %gt3A_2984, %add3A_2991, %sub3A_2974 : vector<16xi1>, vector<16xi32>
      %sub3A_2993 = arith.constant 1.000000e+00 : f32
      %sub3A_2994 = vector.broadcast %sub3A_2993 : f32 to vector<16xf32>
      %sub3A_2995 = arith.subf %select_n3A_2988, %sub3A_2994 : vector<16xf32>
      %add3A_2996 = arith.constant 1.000000e+00 : f32
      %add3A_2997 = vector.broadcast %add3A_2996 : f32 to vector<16xf32>
      %add3A_2998 = arith.addf %select_n3A_2988, %add3A_2997 : vector<16xf32>
      %div3A_2999 = arith.divf %sub3A_2995, %add3A_2998 : vector<16xf32>
      %mul3A_3000 = arith.mulf %div3A_2999, %div3A_2999 : vector<16xf32>
      %mul3A_3001 = arith.constant 0.142857149 : f32
      %mul3A_3002 = vector.broadcast %mul3A_3001 : f32 to vector<16xf32>
      %mul3A_3003 = arith.mulf %mul3A_3000, %mul3A_3002 : vector<16xf32>
      %add3A_3004 = arith.constant 2.000000e-01 : f32
      %add3A_3005 = vector.broadcast %add3A_3004 : f32 to vector<16xf32>
      %add3A_3006 = arith.addf %add3A_3005, %mul3A_3003 : vector<16xf32>
      %mul3A_3007 = arith.mulf %mul3A_3000, %add3A_3006 : vector<16xf32>
      %add3A_3008 = arith.constant 0.333333343 : f32
      %add3A_3009 = vector.broadcast %add3A_3008 : f32 to vector<16xf32>
      %add3A_3010 = arith.addf %add3A_3009, %mul3A_3007 : vector<16xf32>
      %mul3A_3011 = arith.mulf %mul3A_3000, %add3A_3010 : vector<16xf32>
      %add3A_3012 = arith.constant 1.000000e+00 : f32
      %add3A_3013 = vector.broadcast %add3A_3012 : f32 to vector<16xf32>
      %add3A_3014 = arith.addf %add3A_3013, %mul3A_3011 : vector<16xf32>
      %convert_element_type3A_3015 = arith.sitofp %select_n3A_2992 : vector<16xi32> to vector<16xf32>
      %mul3A_3016 = arith.constant 0.693147182 : f32
      %mul3A_3017 = vector.broadcast %mul3A_3016 : f32 to vector<16xf32>
      %mul3A_3018 = arith.mulf %convert_element_type3A_3015, %mul3A_3017 : vector<16xf32>
      %mul3A_3019 = arith.constant 2.000000e+00 : f32
      %mul3A_3020 = vector.broadcast %mul3A_3019 : f32 to vector<16xf32>
      %mul3A_3021 = arith.mulf %mul3A_3020, %div3A_2999 : vector<16xf32>
      %mul3A_3022 = arith.mulf %mul3A_3021, %add3A_3014 : vector<16xf32>
      %add3A_3023 = arith.addf %mul3A_3018, %mul3A_3022 : vector<16xf32>
      %swap3A_3024 = arith.constant 160 : index
      %swap3A_3025 = tpu.vector_load %arg10[%swap3A_3024] {strides = array<i32>} : memref<512xf32, #tpu.memory_space<vmem>>, vector<16xf32>,
      tpu.vector_store %arg10[%swap3A_3024], %add3A_3023 {strides = array<i32>} : memref<512xf32, #tpu.memory_space<vmem>>, vector<16xf32>,
      %get3A_3026 = arith.constant 176 : index
      %get3A_3027 = tpu.vector_load %arg10[%get3A_3026] {strides = array<i32>} : memref<512xf32, #tpu.memory_space<vmem>>, vector<16xf32>,
      %add3A_3028 = arith.constant 9.99999974E-6 : f32
      %add3A_3029 = vector.broadcast %add3A_3028 : f32 to vector<16xf32>
      %add3A_3030 = arith.addf %get3A_3027, %add3A_3029 : vector<16xf32>
      %bitcast_convert_type3A_3031 = tpu.bitcast %add3A_3030 : vector<16xf32> -> vector<16xi32>
      %shift_right_logical3A_3032 = arith.constant 23 : i32
      %shift_right_logical3A_3033 = vector.broadcast %shift_right_logical3A_3032 : i32 to vector<16xi32>
      %shift_right_logical3A_3034 = arith.shrui %bitcast_convert_type3A_3031, %shift_right_logical3A_3033 : vector<16xi32>
      %sub3A_3035 = arith.constant 127 : i32
      %sub3A_3036 = vector.broadcast %sub3A_3035 : i32 to vector<16xi32>
      %sub3A_3037 = arith.subi %shift_right_logical3A_3034, %sub3A_3036 : vector<16xi32>
      %and3A_3038 = arith.constant 8388607 : i32
      %and3A_3039 = vector.broadcast %and3A_3038 : i32 to vector<16xi32>
      %and3A_3040 = arith.andi %bitcast_convert_type3A_3031, %and3A_3039 : vector<16xi32>
      %or3A_3041 = arith.constant 1065353216 : i32
      %or3A_3042 = vector.broadcast %or3A_3041 : i32 to vector<16xi32>
      %or3A_3043 = arith.ori %and3A_3040, %or3A_3042 : vector<16xi32>
      %bitcast_convert_type3A_3044 = tpu.bitcast %or3A_3043 : vector<16xi32> -> vector<16xf32>
      %gt3A_3045 = arith.constant 1.41421354 : f32
      %gt3A_3046 = vector.broadcast %gt3A_3045 : f32 to vector<16xf32>
      %gt3A_3047 = arith.cmpf ogt, %bitcast_convert_type3A_3044, %gt3A_3046 : vector<16xf32>
      %mul3A_3048 = arith.constant 5.000000e-01 : f32
      %mul3A_3049 = vector.broadcast %mul3A_3048 : f32 to vector<16xf32>
      %mul3A_3050 = arith.mulf %bitcast_convert_type3A_3044, %mul3A_3049 : vector<16xf32>
      %select_n3A_3051 = arith.select %gt3A_3047, %mul3A_3050, %bitcast_convert_type3A_3044 : vector<16xi1>, vector<16xf32>
      %add3A_3052 = arith.constant 1 : i32
      %add3A_3053 = vector.broadcast %add3A_3052 : i32 to vector<16xi32>
      %add3A_3054 = arith.addi %sub3A_3037, %add3A_3053 : vector<16xi32>
      %select_n3A_3055 = arith.select %gt3A_3047, %add3A_3054, %sub3A_3037 : vector<16xi1>, vector<16xi32>
      %sub3A_3056 = arith.constant 1.000000e+00 : f32
      %sub3A_3057 = vector.broadcast %sub3A_3056 : f32 to vector<16xf32>
      %sub3A_3058 = arith.subf %select_n3A_3051, %sub3A_3057 : vector<16xf32>
      %add3A_3059 = arith.constant 1.000000e+00 : f32
      %add3A_3060 = vector.broadcast %add3A_3059 : f32 to vector<16xf32>
      %add3A_3061 = arith.addf %select_n3A_3051, %add3A_3060 : vector<16xf32>
      %div3A_3062 = arith.divf %sub3A_3058, %add3A_3061 : vector<16xf32>
      %mul3A_3063 = arith.mulf %div3A_3062, %div3A_3062 : vector<16xf32>
      %mul3A_3064 = arith.constant 0.142857149 : f32
      %mul3A_3065 = vector.broadcast %mul3A_3064 : f32 to vector<16xf32>
      %mul3A_3066 = arith.mulf %mul3A_3063, %mul3A_3065 : vector<16xf32>
      %add3A_3067 = arith.constant 2.000000e-01 : f32
      %add3A_3068 = vector.broadcast %add3A_3067 : f32 to vector<16xf32>
      %add3A_3069 = arith.addf %add3A_3068, %mul3A_3066 : vector<16xf32>
      %mul3A_3070 = arith.mulf %mul3A_3063, %add3A_3069 : vector<16xf32>
      %add3A_3071 = arith.constant 0.333333343 : f32
      %add3A_3072 = vector.broadcast %add3A_3071 : f32 to vector<16xf32>
      %add3A_3073 = arith.addf %add3A_3072, %mul3A_3070 : vector<16xf32>
      %mul3A_3074 = arith.mulf %mul3A_3063, %add3A_3073 : vector<16xf32>
      %add3A_3075 = arith.constant 1.000000e+00 : f32
      %add3A_3076 = vector.broadcast %add3A_3075 : f32 to vector<16xf32>
      %add3A_3077 = arith.addf %add3A_3076, %mul3A_3074 : vector<16xf32>
      %convert_element_type3A_3078 = arith.sitofp %select_n3A_3055 : vector<16xi32> to vector<16xf32>
      %mul3A_3079 = arith.constant 0.693147182 : f32
      %mul3A_3080 = vector.broadcast %mul3A_3079 : f32 to vector<16xf32>
      %mul3A_3081 = arith.mulf %convert_element_type3A_3078, %mul3A_3080 : vector<16xf32>
      %mul3A_3082 = arith.constant 2.000000e+00 : f32
      %mul3A_3083 = vector.broadcast %mul3A_3082 : f32 to vector<16xf32>
      %mul3A_3084 = arith.mulf %mul3A_3083, %div3A_3062 : vector<16xf32>
      %mul3A_3085 = arith.mulf %mul3A_3084, %add3A_3077 : vector<16xf32>
      %add3A_3086 = arith.addf %mul3A_3081, %mul3A_3085 : vector<16xf32>
      %swap3A_3087 = arith.constant 176 : index
      %swap3A_3088 = tpu.vector_load %arg10[%swap3A_3087] {strides = array<i32>} : memref<512xf32, #tpu.memory_space<vmem>>, vector<16xf32>,
      tpu.vector_store %arg10[%swap3A_3087], %add3A_3086 {strides = array<i32>} : memref<512xf32, #tpu.memory_space<vmem>>, vector<16xf32>,
      %get3A_3089 = arith.constant 192 : index
      %get3A_3090 = tpu.vector_load %arg10[%get3A_3089] {strides = array<i32>} : memref<512xf32, #tpu.memory_space<vmem>>, vector<16xf32>,
      %add3A_3091 = arith.constant 9.99999974E-6 : f32
      %add3A_3092 = vector.broadcast %add3A_3091 : f32 to vector<16xf32>
      %add3A_3093 = arith.addf %get3A_3090, %add3A_3092 : vector<16xf32>
      %bitcast_convert_type3A_3094 = tpu.bitcast %add3A_3093 : vector<16xf32> -> vector<16xi32>
      %shift_right_logical3A_3095 = arith.constant 23 : i32
      %shift_right_logical3A_3096 = vector.broadcast %shift_right_logical3A_3095 : i32 to vector<16xi32>
      %shift_right_logical3A_3097 = arith.shrui %bitcast_convert_type3A_3094, %shift_right_logical3A_3096 : vector<16xi32>
      %sub3A_3098 = arith.constant 127 : i32
      %sub3A_3099 = vector.broadcast %sub3A_3098 : i32 to vector<16xi32>
      %sub3A_3100 = arith.subi %shift_right_logical3A_3097, %sub3A_3099 : vector<16xi32>
      %and3A_3101 = arith.constant 8388607 : i32
      %and3A_3102 = vector.broadcast %and3A_3101 : i32 to vector<16xi32>
      %and3A_3103 = arith.andi %bitcast_convert_type3A_3094, %and3A_3102 : vector<16xi32>
      %or3A_3104 = arith.constant 1065353216 : i32
      %or3A_3105 = vector.broadcast %or3A_3104 : i32 to vector<16xi32>
      %or3A_3106 = arith.ori %and3A_3103, %or3A_3105 : vector<16xi32>
      %bitcast_convert_type3A_3107 = tpu.bitcast %or3A_3106 : vector<16xi32> -> vector<16xf32>
      %gt3A_3108 = arith.constant 1.41421354 : f32
      %gt3A_3109 = vector.broadcast %gt3A_3108 : f32 to vector<16xf32>
      %gt3A_3110 = arith.cmpf ogt, %bitcast_convert_type3A_3107, %gt3A_3109 : vector<16xf32>
      %mul3A_3111 = arith.constant 5.000000e-01 : f32
      %mul3A_3112 = vector.broadcast %mul3A_3111 : f32 to vector<16xf32>
      %mul3A_3113 = arith.mulf %bitcast_convert_type3A_3107, %mul3A_3112 : vector<16xf32>
      %select_n3A_3114 = arith.select %gt3A_3110, %mul3A_3113, %bitcast_convert_type3A_3107 : vector<16xi1>, vector<16xf32>
      %add3A_3115 = arith.constant 1 : i32
      %add3A_3116 = vector.broadcast %add3A_3115 : i32 to vector<16xi32>
      %add3A_3117 = arith.addi %sub3A_3100, %add3A_3116 : vector<16xi32>
      %select_n3A_3118 = arith.select %gt3A_3110, %add3A_3117, %sub3A_3100 : vector<16xi1>, vector<16xi32>
      %sub3A_3119 = arith.constant 1.000000e+00 : f32
      %sub3A_3120 = vector.broadcast %sub3A_3119 : f32 to vector<16xf32>
      %sub3A_3121 = arith.subf %select_n3A_3114, %sub3A_3120 : vector<16xf32>
      %add3A_3122 = arith.constant 1.000000e+00 : f32
      %add3A_3123 = vector.broadcast %add3A_3122 : f32 to vector<16xf32>
      %add3A_3124 = arith.addf %select_n3A_3114, %add3A_3123 : vector<16xf32>
      %div3A_3125 = arith.divf %sub3A_3121, %add3A_3124 : vector<16xf32>
      %mul3A_3126 = arith.mulf %div3A_3125, %div3A_3125 : vector<16xf32>
      %mul3A_3127 = arith.constant 0.142857149 : f32
      %mul3A_3128 = vector.broadcast %mul3A_3127 : f32 to vector<16xf32>
      %mul3A_3129 = arith.mulf %mul3A_3126, %mul3A_3128 : vector<16xf32>
      %add3A_3130 = arith.constant 2.000000e-01 : f32
      %add3A_3131 = vector.broadcast %add3A_3130 : f32 to vector<16xf32>
      %add3A_3132 = arith.addf %add3A_3131, %mul3A_3129 : vector<16xf32>
      %mul3A_3133 = arith.mulf %mul3A_3126, %add3A_3132 : vector<16xf32>
      %add3A_3134 = arith.constant 0.333333343 : f32
      %add3A_3135 = vector.broadcast %add3A_3134 : f32 to vector<16xf32>
      %add3A_3136 = arith.addf %add3A_3135, %mul3A_3133 : vector<16xf32>
      %mul3A_3137 = arith.mulf %mul3A_3126, %add3A_3136 : vector<16xf32>
      %add3A_3138 = arith.constant 1.000000e+00 : f32
      %add3A_3139 = vector.broadcast %add3A_3138 : f32 to vector<16xf32>
      %add3A_3140 = arith.addf %add3A_3139, %mul3A_3137 : vector<16xf32>
      %convert_element_type3A_3141 = arith.sitofp %select_n3A_3118 : vector<16xi32> to vector<16xf32>
      %mul3A_3142 = arith.constant 0.693147182 : f32
      %mul3A_3143 = vector.broadcast %mul3A_3142 : f32 to vector<16xf32>
      %mul3A_3144 = arith.mulf %convert_element_type3A_3141, %mul3A_3143 : vector<16xf32>
      %mul3A_3145 = arith.constant 2.000000e+00 : f32
      %mul3A_3146 = vector.broadcast %mul3A_3145 : f32 to vector<16xf32>
      %mul3A_3147 = arith.mulf %mul3A_3146, %div3A_3125 : vector<16xf32>
      %mul3A_3148 = arith.mulf %mul3A_3147, %add3A_3140 : vector<16xf32>
      %add3A_3149 = arith.addf %mul3A_3144, %mul3A_3148 : vector<16xf32>
      %swap3A_3150 = arith.constant 192 : index
      %swap3A_3151 = tpu.vector_load %arg10[%swap3A_3150] {strides = array<i32>} : memref<512xf32, #tpu.memory_space<vmem>>, vector<16xf32>,
      tpu.vector_store %arg10[%swap3A_3150], %add3A_3149 {strides = array<i32>} : memref<512xf32, #tpu.memory_space<vmem>>, vector<16xf32>,
      %get3A_3152 = arith.constant 208 : index
      %get3A_3153 = tpu.vector_load %arg10[%get3A_3152] {strides = array<i32>} : memref<512xf32, #tpu.memory_space<vmem>>, vector<16xf32>,
      %add3A_3154 = arith.constant 9.99999974E-6 : f32
      %add3A_3155 = vector.broadcast %add3A_3154 : f32 to vector<16xf32>
      %add3A_3156 = arith.addf %get3A_3153, %add3A_3155 : vector<16xf32>
      %bitcast_convert_type3A_3157 = tpu.bitcast %add3A_3156 : vector<16xf32> -> vector<16xi32>
      %shift_right_logical3A_3158 = arith.constant 23 : i32
      %shift_right_logical3A_3159 = vector.broadcast %shift_right_logical3A_3158 : i32 to vector<16xi32>
      %shift_right_logical3A_3160 = arith.shrui %bitcast_convert_type3A_3157, %shift_right_logical3A_3159 : vector<16xi32>
      %sub3A_3161 = arith.constant 127 : i32
      %sub3A_3162 = vector.broadcast %sub3A_3161 : i32 to vector<16xi32>
      %sub3A_3163 = arith.subi %shift_right_logical3A_3160, %sub3A_3162 : vector<16xi32>
      %and3A_3164 = arith.constant 8388607 : i32
      %and3A_3165 = vector.broadcast %and3A_3164 : i32 to vector<16xi32>
      %and3A_3166 = arith.andi %bitcast_convert_type3A_3157, %and3A_3165 : vector<16xi32>
      %or3A_3167 = arith.constant 1065353216 : i32
      %or3A_3168 = vector.broadcast %or3A_3167 : i32 to vector<16xi32>
      %or3A_3169 = arith.ori %and3A_3166, %or3A_3168 : vector<16xi32>
      %bitcast_convert_type3A_3170 = tpu.bitcast %or3A_3169 : vector<16xi32> -> vector<16xf32>
      %gt3A_3171 = arith.constant 1.41421354 : f32
      %gt3A_3172 = vector.broadcast %gt3A_3171 : f32 to vector<16xf32>
      %gt3A_3173 = arith.cmpf ogt, %bitcast_convert_type3A_3170, %gt3A_3172 : vector<16xf32>
      %mul3A_3174 = arith.constant 5.000000e-01 : f32
      %mul3A_3175 = vector.broadcast %mul3A_3174 : f32 to vector<16xf32>
      %mul3A_3176 = arith.mulf %bitcast_convert_type3A_3170, %mul3A_3175 : vector<16xf32>
      %select_n3A_3177 = arith.select %gt3A_3173, %mul3A_3176, %bitcast_convert_type3A_3170 : vector<16xi1>, vector<16xf32>
      %add3A_3178 = arith.constant 1 : i32
      %add3A_3179 = vector.broadcast %add3A_3178 : i32 to vector<16xi32>
      %add3A_3180 = arith.addi %sub3A_3163, %add3A_3179 : vector<16xi32>
      %select_n3A_3181 = arith.select %gt3A_3173, %add3A_3180, %sub3A_3163 : vector<16xi1>, vector<16xi32>
      %sub3A_3182 = arith.constant 1.000000e+00 : f32
      %sub3A_3183 = vector.broadcast %sub3A_3182 : f32 to vector<16xf32>
      %sub3A_3184 = arith.subf %select_n3A_3177, %sub3A_3183 : vector<16xf32>
      %add3A_3185 = arith.constant 1.000000e+00 : f32
      %add3A_3186 = vector.broadcast %add3A_3185 : f32 to vector<16xf32>
      %add3A_3187 = arith.addf %select_n3A_3177, %add3A_3186 : vector<16xf32>
      %div3A_3188 = arith.divf %sub3A_3184, %add3A_3187 : vector<16xf32>
      %mul3A_3189 = arith.mulf %div3A_3188, %div3A_3188 : vector<16xf32>
      %mul3A_3190 = arith.constant 0.142857149 : f32
      %mul3A_3191 = vector.broadcast %mul3A_3190 : f32 to vector<16xf32>
      %mul3A_3192 = arith.mulf %mul3A_3189, %mul3A_3191 : vector<16xf32>
      %add3A_3193 = arith.constant 2.000000e-01 : f32
      %add3A_3194 = vector.broadcast %add3A_3193 : f32 to vector<16xf32>
      %add3A_3195 = arith.addf %add3A_3194, %mul3A_3192 : vector<16xf32>
      %mul3A_3196 = arith.mulf %mul3A_3189, %add3A_3195 : vector<16xf32>
      %add3A_3197 = arith.constant 0.333333343 : f32
      %add3A_3198 = vector.broadcast %add3A_3197 : f32 to vector<16xf32>
      %add3A_3199 = arith.addf %add3A_3198, %mul3A_3196 : vector<16xf32>
      %mul3A_3200 = arith.mulf %mul3A_3189, %add3A_3199 : vector<16xf32>
      %add3A_3201 = arith.constant 1.000000e+00 : f32
      %add3A_3202 = vector.broadcast %add3A_3201 : f32 to vector<16xf32>
      %add3A_3203 = arith.addf %add3A_3202, %mul3A_3200 : vector<16xf32>
      %convert_element_type3A_3204 = arith.sitofp %select_n3A_3181 : vector<16xi32> to vector<16xf32>
      %mul3A_3205 = arith.constant 0.693147182 : f32
      %mul3A_3206 = vector.broadcast %mul3A_3205 : f32 to vector<16xf32>
      %mul3A_3207 = arith.mulf %convert_element_type3A_3204, %mul3A_3206 : vector<16xf32>
      %mul3A_3208 = arith.constant 2.000000e+00 : f32
      %mul3A_3209 = vector.broadcast %mul3A_3208 : f32 to vector<16xf32>
      %mul3A_3210 = arith.mulf %mul3A_3209, %div3A_3188 : vector<16xf32>
      %mul3A_3211 = arith.mulf %mul3A_3210, %add3A_3203 : vector<16xf32>
      %add3A_3212 = arith.addf %mul3A_3207, %mul3A_3211 : vector<16xf32>
      %swap3A_3213 = arith.constant 208 : index
      %swap3A_3214 = tpu.vector_load %arg10[%swap3A_3213] {strides = array<i32>} : memref<512xf32, #tpu.memory_space<vmem>>, vector<16xf32>,
      tpu.vector_store %arg10[%swap3A_3213], %add3A_3212 {strides = array<i32>} : memref<512xf32, #tpu.memory_space<vmem>>, vector<16xf32>,
      %get3A_3215 = arith.constant 224 : index
      %get3A_3216 = tpu.vector_load %arg10[%get3A_3215] {strides = array<i32>} : memref<512xf32, #tpu.memory_space<vmem>>, vector<16xf32>,
      %add3A_3217 = arith.constant 9.99999974E-6 : f32
      %add3A_3218 = vector.broadcast %add3A_3217 : f32 to vector<16xf32>
      %add3A_3219 = arith.addf %get3A_3216, %add3A_3218 : vector<16xf32>
      %bitcast_convert_type3A_3220 = tpu.bitcast %add3A_3219 : vector<16xf32> -> vector<16xi32>
      %shift_right_logical3A_3221 = arith.constant 23 : i32
      %shift_right_logical3A_3222 = vector.broadcast %shift_right_logical3A_3221 : i32 to vector<16xi32>
      %shift_right_logical3A_3223 = arith.shrui %bitcast_convert_type3A_3220, %shift_right_logical3A_3222 : vector<16xi32>
      %sub3A_3224 = arith.constant 127 : i32
      %sub3A_3225 = vector.broadcast %sub3A_3224 : i32 to vector<16xi32>
      %sub3A_3226 = arith.subi %shift_right_logical3A_3223, %sub3A_3225 : vector<16xi32>
      %and3A_3227 = arith.constant 8388607 : i32
      %and3A_3228 = vector.broadcast %and3A_3227 : i32 to vector<16xi32>
      %and3A_3229 = arith.andi %bitcast_convert_type3A_3220, %and3A_3228 : vector<16xi32>
      %or3A_3230 = arith.constant 1065353216 : i32
      %or3A_3231 = vector.broadcast %or3A_3230 : i32 to vector<16xi32>
      %or3A_3232 = arith.ori %and3A_3229, %or3A_3231 : vector<16xi32>
      %bitcast_convert_type3A_3233 = tpu.bitcast %or3A_3232 : vector<16xi32> -> vector<16xf32>
      %gt3A_3234 = arith.constant 1.41421354 : f32
      %gt3A_3235 = vector.broadcast %gt3A_3234 : f32 to vector<16xf32>
      %gt3A_3236 = arith.cmpf ogt, %bitcast_convert_type3A_3233, %gt3A_3235 : vector<16xf32>
      %mul3A_3237 = arith.constant 5.000000e-01 : f32
      %mul3A_3238 = vector.broadcast %mul3A_3237 : f32 to vector<16xf32>
      %mul3A_3239 = arith.mulf %bitcast_convert_type3A_3233, %mul3A_3238 : vector<16xf32>
      %select_n3A_3240 = arith.select %gt3A_3236, %mul3A_3239, %bitcast_convert_type3A_3233 : vector<16xi1>, vector<16xf32>
      %add3A_3241 = arith.constant 1 : i32
      %add3A_3242 = vector.broadcast %add3A_3241 : i32 to vector<16xi32>
      %add3A_3243 = arith.addi %sub3A_3226, %add3A_3242 : vector<16xi32>
      %select_n3A_3244 = arith.select %gt3A_3236, %add3A_3243, %sub3A_3226 : vector<16xi1>, vector<16xi32>
      %sub3A_3245 = arith.constant 1.000000e+00 : f32
      %sub3A_3246 = vector.broadcast %sub3A_3245 : f32 to vector<16xf32>
      %sub3A_3247 = arith.subf %select_n3A_3240, %sub3A_3246 : vector<16xf32>
      %add3A_3248 = arith.constant 1.000000e+00 : f32
      %add3A_3249 = vector.broadcast %add3A_3248 : f32 to vector<16xf32>
      %add3A_3250 = arith.addf %select_n3A_3240, %add3A_3249 : vector<16xf32>
      %div3A_3251 = arith.divf %sub3A_3247, %add3A_3250 : vector<16xf32>
      %mul3A_3252 = arith.mulf %div3A_3251, %div3A_3251 : vector<16xf32>
      %mul3A_3253 = arith.constant 0.142857149 : f32
      %mul3A_3254 = vector.broadcast %mul3A_3253 : f32 to vector<16xf32>
      %mul3A_3255 = arith.mulf %mul3A_3252, %mul3A_3254 : vector<16xf32>
      %add3A_3256 = arith.constant 2.000000e-01 : f32
      %add3A_3257 = vector.broadcast %add3A_3256 : f32 to vector<16xf32>
      %add3A_3258 = arith.addf %add3A_3257, %mul3A_3255 : vector<16xf32>
      %mul3A_3259 = arith.mulf %mul3A_3252, %add3A_3258 : vector<16xf32>
      %add3A_3260 = arith.constant 0.333333343 : f32
      %add3A_3261 = vector.broadcast %add3A_3260 : f32 to vector<16xf32>
      %add3A_3262 = arith.addf %add3A_3261, %mul3A_3259 : vector<16xf32>
      %mul3A_3263 = arith.mulf %mul3A_3252, %add3A_3262 : vector<16xf32>
      %add3A_3264 = arith.constant 1.000000e+00 : f32
      %add3A_3265 = vector.broadcast %add3A_3264 : f32 to vector<16xf32>
      %add3A_3266 = arith.addf %add3A_3265, %mul3A_3263 : vector<16xf32>
      %convert_element_type3A_3267 = arith.sitofp %select_n3A_3244 : vector<16xi32> to vector<16xf32>
      %mul3A_3268 = arith.constant 0.693147182 : f32
      %mul3A_3269 = vector.broadcast %mul3A_3268 : f32 to vector<16xf32>
      %mul3A_3270 = arith.mulf %convert_element_type3A_3267, %mul3A_3269 : vector<16xf32>
      %mul3A_3271 = arith.constant 2.000000e+00 : f32
      %mul3A_3272 = vector.broadcast %mul3A_3271 : f32 to vector<16xf32>
      %mul3A_3273 = arith.mulf %mul3A_3272, %div3A_3251 : vector<16xf32>
      %mul3A_3274 = arith.mulf %mul3A_3273, %add3A_3266 : vector<16xf32>
      %add3A_3275 = arith.addf %mul3A_3270, %mul3A_3274 : vector<16xf32>
      %swap3A_3276 = arith.constant 224 : index
      %swap3A_3277 = tpu.vector_load %arg10[%swap3A_3276] {strides = array<i32>} : memref<512xf32, #tpu.memory_space<vmem>>, vector<16xf32>,
      tpu.vector_store %arg10[%swap3A_3276], %add3A_3275 {strides = array<i32>} : memref<512xf32, #tpu.memory_space<vmem>>, vector<16xf32>,
      %get3A_3278 = arith.constant 240 : index
      %get3A_3279 = tpu.vector_load %arg10[%get3A_3278] {strides = array<i32>} : memref<512xf32, #tpu.memory_space<vmem>>, vector<16xf32>,
      %add3A_3280 = arith.constant 9.99999974E-6 : f32
      %add3A_3281 = vector.broadcast %add3A_3280 : f32 to vector<16xf32>
      %add3A_3282 = arith.addf %get3A_3279, %add3A_3281 : vector<16xf32>
      %bitcast_convert_type3A_3283 = tpu.bitcast %add3A_3282 : vector<16xf32> -> vector<16xi32>
      %shift_right_logical3A_3284 = arith.constant 23 : i32
      %shift_right_logical3A_3285 = vector.broadcast %shift_right_logical3A_3284 : i32 to vector<16xi32>
      %shift_right_logical3A_3286 = arith.shrui %bitcast_convert_type3A_3283, %shift_right_logical3A_3285 : vector<16xi32>
      %sub3A_3287 = arith.constant 127 : i32
      %sub3A_3288 = vector.broadcast %sub3A_3287 : i32 to vector<16xi32>
      %sub3A_3289 = arith.subi %shift_right_logical3A_3286, %sub3A_3288 : vector<16xi32>
      %and3A_3290 = arith.constant 8388607 : i32
      %and3A_3291 = vector.broadcast %and3A_3290 : i32 to vector<16xi32>
      %and3A_3292 = arith.andi %bitcast_convert_type3A_3283, %and3A_3291 : vector<16xi32>
      %or3A_3293 = arith.constant 1065353216 : i32
      %or3A_3294 = vector.broadcast %or3A_3293 : i32 to vector<16xi32>
      %or3A_3295 = arith.ori %and3A_3292, %or3A_3294 : vector<16xi32>
      %bitcast_convert_type3A_3296 = tpu.bitcast %or3A_3295 : vector<16xi32> -> vector<16xf32>
      %gt3A_3297 = arith.constant 1.41421354 : f32
      %gt3A_3298 = vector.broadcast %gt3A_3297 : f32 to vector<16xf32>
      %gt3A_3299 = arith.cmpf ogt, %bitcast_convert_type3A_3296, %gt3A_3298 : vector<16xf32>
      %mul3A_3300 = arith.constant 5.000000e-01 : f32
      %mul3A_3301 = vector.broadcast %mul3A_3300 : f32 to vector<16xf32>
      %mul3A_3302 = arith.mulf %bitcast_convert_type3A_3296, %mul3A_3301 : vector<16xf32>
      %select_n3A_3303 = arith.select %gt3A_3299, %mul3A_3302, %bitcast_convert_type3A_3296 : vector<16xi1>, vector<16xf32>
      %add3A_3304 = arith.constant 1 : i32
      %add3A_3305 = vector.broadcast %add3A_3304 : i32 to vector<16xi32>
      %add3A_3306 = arith.addi %sub3A_3289, %add3A_3305 : vector<16xi32>
      %select_n3A_3307 = arith.select %gt3A_3299, %add3A_3306, %sub3A_3289 : vector<16xi1>, vector<16xi32>
      %sub3A_3308 = arith.constant 1.000000e+00 : f32
      %sub3A_3309 = vector.broadcast %sub3A_3308 : f32 to vector<16xf32>
      %sub3A_3310 = arith.subf %select_n3A_3303, %sub3A_3309 : vector<16xf32>
      %add3A_3311 = arith.constant 1.000000e+00 : f32
      %add3A_3312 = vector.broadcast %add3A_3311 : f32 to vector<16xf32>
      %add3A_3313 = arith.addf %select_n3A_3303, %add3A_3312 : vector<16xf32>
      %div3A_3314 = arith.divf %sub3A_3310, %add3A_3313 : vector<16xf32>
      %mul3A_3315 = arith.mulf %div3A_3314, %div3A_3314 : vector<16xf32>
      %mul3A_3316 = arith.constant 0.142857149 : f32
      %mul3A_3317 = vector.broadcast %mul3A_3316 : f32 to vector<16xf32>
      %mul3A_3318 = arith.mulf %mul3A_3315, %mul3A_3317 : vector<16xf32>
      %add3A_3319 = arith.constant 2.000000e-01 : f32
      %add3A_3320 = vector.broadcast %add3A_3319 : f32 to vector<16xf32>
      %add3A_3321 = arith.addf %add3A_3320, %mul3A_3318 : vector<16xf32>
      %mul3A_3322 = arith.mulf %mul3A_3315, %add3A_3321 : vector<16xf32>
      %add3A_3323 = arith.constant 0.333333343 : f32
      %add3A_3324 = vector.broadcast %add3A_3323 : f32 to vector<16xf32>
      %add3A_3325 = arith.addf %add3A_3324, %mul3A_3322 : vector<16xf32>
      %mul3A_3326 = arith.mulf %mul3A_3315, %add3A_3325 : vector<16xf32>
      %add3A_3327 = arith.constant 1.000000e+00 : f32
      %add3A_3328 = vector.broadcast %add3A_3327 : f32 to vector<16xf32>
      %add3A_3329 = arith.addf %add3A_3328, %mul3A_3326 : vector<16xf32>
      %convert_element_type3A_3330 = arith.sitofp %select_n3A_3307 : vector<16xi32> to vector<16xf32>
      %mul3A_3331 = arith.constant 0.693147182 : f32
      %mul3A_3332 = vector.broadcast %mul3A_3331 : f32 to vector<16xf32>
      %mul3A_3333 = arith.mulf %convert_element_type3A_3330, %mul3A_3332 : vector<16xf32>
      %mul3A_3334 = arith.constant 2.000000e+00 : f32
      %mul3A_3335 = vector.broadcast %mul3A_3334 : f32 to vector<16xf32>
      %mul3A_3336 = arith.mulf %mul3A_3335, %div3A_3314 : vector<16xf32>
      %mul3A_3337 = arith.mulf %mul3A_3336, %add3A_3329 : vector<16xf32>
      %add3A_3338 = arith.addf %mul3A_3333, %mul3A_3337 : vector<16xf32>
      %swap3A_3339 = arith.constant 240 : index
      %swap3A_3340 = tpu.vector_load %arg10[%swap3A_3339] {strides = array<i32>} : memref<512xf32, #tpu.memory_space<vmem>>, vector<16xf32>,
      tpu.vector_store %arg10[%swap3A_3339], %add3A_3338 {strides = array<i32>} : memref<512xf32, #tpu.memory_space<vmem>>, vector<16xf32>,
      %get3A_3341 = arith.constant 256 : index
      %get3A_3342 = tpu.vector_load %arg10[%get3A_3341] {strides = array<i32>} : memref<512xf32, #tpu.memory_space<vmem>>, vector<16xf32>,
      %add3A_3343 = arith.constant 9.99999974E-6 : f32
      %add3A_3344 = vector.broadcast %add3A_3343 : f32 to vector<16xf32>
      %add3A_3345 = arith.addf %get3A_3342, %add3A_3344 : vector<16xf32>
      %bitcast_convert_type3A_3346 = tpu.bitcast %add3A_3345 : vector<16xf32> -> vector<16xi32>
      %shift_right_logical3A_3347 = arith.constant 23 : i32
      %shift_right_logical3A_3348 = vector.broadcast %shift_right_logical3A_3347 : i32 to vector<16xi32>
      %shift_right_logical3A_3349 = arith.shrui %bitcast_convert_type3A_3346, %shift_right_logical3A_3348 : vector<16xi32>
      %sub3A_3350 = arith.constant 127 : i32
      %sub3A_3351 = vector.broadcast %sub3A_3350 : i32 to vector<16xi32>
      %sub3A_3352 = arith.subi %shift_right_logical3A_3349, %sub3A_3351 : vector<16xi32>
      %and3A_3353 = arith.constant 8388607 : i32
      %and3A_3354 = vector.broadcast %and3A_3353 : i32 to vector<16xi32>
      %and3A_3355 = arith.andi %bitcast_convert_type3A_3346, %and3A_3354 : vector<16xi32>
      %or3A_3356 = arith.constant 1065353216 : i32
      %or3A_3357 = vector.broadcast %or3A_3356 : i32 to vector<16xi32>
      %or3A_3358 = arith.ori %and3A_3355, %or3A_3357 : vector<16xi32>
      %bitcast_convert_type3A_3359 = tpu.bitcast %or3A_3358 : vector<16xi32> -> vector<16xf32>
      %gt3A_3360 = arith.constant 1.41421354 : f32
      %gt3A_3361 = vector.broadcast %gt3A_3360 : f32 to vector<16xf32>
      %gt3A_3362 = arith.cmpf ogt, %bitcast_convert_type3A_3359, %gt3A_3361 : vector<16xf32>
      %mul3A_3363 = arith.constant 5.000000e-01 : f32
      %mul3A_3364 = vector.broadcast %mul3A_3363 : f32 to vector<16xf32>
      %mul3A_3365 = arith.mulf %bitcast_convert_type3A_3359, %mul3A_3364 : vector<16xf32>
      %select_n3A_3366 = arith.select %gt3A_3362, %mul3A_3365, %bitcast_convert_type3A_3359 : vector<16xi1>, vector<16xf32>
      %add3A_3367 = arith.constant 1 : i32
      %add3A_3368 = vector.broadcast %add3A_3367 : i32 to vector<16xi32>
      %add3A_3369 = arith.addi %sub3A_3352, %add3A_3368 : vector<16xi32>
      %select_n3A_3370 = arith.select %gt3A_3362, %add3A_3369, %sub3A_3352 : vector<16xi1>, vector<16xi32>
      %sub3A_3371 = arith.constant 1.000000e+00 : f32
      %sub3A_3372 = vector.broadcast %sub3A_3371 : f32 to vector<16xf32>
      %sub3A_3373 = arith.subf %select_n3A_3366, %sub3A_3372 : vector<16xf32>
      %add3A_3374 = arith.constant 1.000000e+00 : f32
      %add3A_3375 = vector.broadcast %add3A_3374 : f32 to vector<16xf32>
      %add3A_3376 = arith.addf %select_n3A_3366, %add3A_3375 : vector<16xf32>
      %div3A_3377 = arith.divf %sub3A_3373, %add3A_3376 : vector<16xf32>
      %mul3A_3378 = arith.mulf %div3A_3377, %div3A_3377 : vector<16xf32>
      %mul3A_3379 = arith.constant 0.142857149 : f32
      %mul3A_3380 = vector.broadcast %mul3A_3379 : f32 to vector<16xf32>
      %mul3A_3381 = arith.mulf %mul3A_3378, %mul3A_3380 : vector<16xf32>
      %add3A_3382 = arith.constant 2.000000e-01 : f32
      %add3A_3383 = vector.broadcast %add3A_3382 : f32 to vector<16xf32>
      %add3A_3384 = arith.addf %add3A_3383, %mul3A_3381 : vector<16xf32>
      %mul3A_3385 = arith.mulf %mul3A_3378, %add3A_3384 : vector<16xf32>
      %add3A_3386 = arith.constant 0.333333343 : f32
      %add3A_3387 = vector.broadcast %add3A_3386 : f32 to vector<16xf32>
      %add3A_3388 = arith.addf %add3A_3387, %mul3A_3385 : vector<16xf32>
      %mul3A_3389 = arith.mulf %mul3A_3378, %add3A_3388 : vector<16xf32>
      %add3A_3390 = arith.constant 1.000000e+00 : f32
      %add3A_3391 = vector.broadcast %add3A_3390 : f32 to vector<16xf32>
      %add3A_3392 = arith.addf %add3A_3391, %mul3A_3389 : vector<16xf32>
      %convert_element_type3A_3393 = arith.sitofp %select_n3A_3370 : vector<16xi32> to vector<16xf32>
      %mul3A_3394 = arith.constant 0.693147182 : f32
      %mul3A_3395 = vector.broadcast %mul3A_3394 : f32 to vector<16xf32>
      %mul3A_3396 = arith.mulf %convert_element_type3A_3393, %mul3A_3395 : vector<16xf32>
      %mul3A_3397 = arith.constant 2.000000e+00 : f32
      %mul3A_3398 = vector.broadcast %mul3A_3397 : f32 to vector<16xf32>
      %mul3A_3399 = arith.mulf %mul3A_3398, %div3A_3377 : vector<16xf32>
      %mul3A_3400 = arith.mulf %mul3A_3399, %add3A_3392 : vector<16xf32>
      %add3A_3401 = arith.addf %mul3A_3396, %mul3A_3400 : vector<16xf32>
      %swap3A_3402 = arith.constant 256 : index
      %swap3A_3403 = tpu.vector_load %arg10[%swap3A_3402] {strides = array<i32>} : memref<512xf32, #tpu.memory_space<vmem>>, vector<16xf32>,
      tpu.vector_store %arg10[%swap3A_3402], %add3A_3401 {strides = array<i32>} : memref<512xf32, #tpu.memory_space<vmem>>, vector<16xf32>,
      %get3A_3404 = arith.constant 272 : index
      %get3A_3405 = tpu.vector_load %arg10[%get3A_3404] {strides = array<i32>} : memref<512xf32, #tpu.memory_space<vmem>>, vector<16xf32>,
      %add3A_3406 = arith.constant 9.99999974E-6 : f32
      %add3A_3407 = vector.broadcast %add3A_3406 : f32 to vector<16xf32>
      %add3A_3408 = arith.addf %get3A_3405, %add3A_3407 : vector<16xf32>
      %bitcast_convert_type3A_3409 = tpu.bitcast %add3A_3408 : vector<16xf32> -> vector<16xi32>
      %shift_right_logical3A_3410 = arith.constant 23 : i32
      %shift_right_logical3A_3411 = vector.broadcast %shift_right_logical3A_3410 : i32 to vector<16xi32>
      %shift_right_logical3A_3412 = arith.shrui %bitcast_convert_type3A_3409, %shift_right_logical3A_3411 : vector<16xi32>
      %sub3A_3413 = arith.constant 127 : i32
      %sub3A_3414 = vector.broadcast %sub3A_3413 : i32 to vector<16xi32>
      %sub3A_3415 = arith.subi %shift_right_logical3A_3412, %sub3A_3414 : vector<16xi32>
      %and3A_3416 = arith.constant 8388607 : i32
      %and3A_3417 = vector.broadcast %and3A_3416 : i32 to vector<16xi32>
      %and3A_3418 = arith.andi %bitcast_convert_type3A_3409, %and3A_3417 : vector<16xi32>
      %or3A_3419 = arith.constant 1065353216 : i32
      %or3A_3420 = vector.broadcast %or3A_3419 : i32 to vector<16xi32>
      %or3A_3421 = arith.ori %and3A_3418, %or3A_3420 : vector<16xi32>
      %bitcast_convert_type3A_3422 = tpu.bitcast %or3A_3421 : vector<16xi32> -> vector<16xf32>
      %gt3A_3423 = arith.constant 1.41421354 : f32
      %gt3A_3424 = vector.broadcast %gt3A_3423 : f32 to vector<16xf32>
      %gt3A_3425 = arith.cmpf ogt, %bitcast_convert_type3A_3422, %gt3A_3424 : vector<16xf32>
      %mul3A_3426 = arith.constant 5.000000e-01 : f32
      %mul3A_3427 = vector.broadcast %mul3A_3426 : f32 to vector<16xf32>
      %mul3A_3428 = arith.mulf %bitcast_convert_type3A_3422, %mul3A_3427 : vector<16xf32>
      %select_n3A_3429 = arith.select %gt3A_3425, %mul3A_3428, %bitcast_convert_type3A_3422 : vector<16xi1>, vector<16xf32>
      %add3A_3430 = arith.constant 1 : i32
      %add3A_3431 = vector.broadcast %add3A_3430 : i32 to vector<16xi32>
      %add3A_3432 = arith.addi %sub3A_3415, %add3A_3431 : vector<16xi32>
      %select_n3A_3433 = arith.select %gt3A_3425, %add3A_3432, %sub3A_3415 : vector<16xi1>, vector<16xi32>
      %sub3A_3434 = arith.constant 1.000000e+00 : f32
      %sub3A_3435 = vector.broadcast %sub3A_3434 : f32 to vector<16xf32>
      %sub3A_3436 = arith.subf %select_n3A_3429, %sub3A_3435 : vector<16xf32>
      %add3A_3437 = arith.constant 1.000000e+00 : f32
      %add3A_3438 = vector.broadcast %add3A_3437 : f32 to vector<16xf32>
      %add3A_3439 = arith.addf %select_n3A_3429, %add3A_3438 : vector<16xf32>
      %div3A_3440 = arith.divf %sub3A_3436, %add3A_3439 : vector<16xf32>
      %mul3A_3441 = arith.mulf %div3A_3440, %div3A_3440 : vector<16xf32>
      %mul3A_3442 = arith.constant 0.142857149 : f32
      %mul3A_3443 = vector.broadcast %mul3A_3442 : f32 to vector<16xf32>
      %mul3A_3444 = arith.mulf %mul3A_3441, %mul3A_3443 : vector<16xf32>
      %add3A_3445 = arith.constant 2.000000e-01 : f32
      %add3A_3446 = vector.broadcast %add3A_3445 : f32 to vector<16xf32>
      %add3A_3447 = arith.addf %add3A_3446, %mul3A_3444 : vector<16xf32>
      %mul3A_3448 = arith.mulf %mul3A_3441, %add3A_3447 : vector<16xf32>
      %add3A_3449 = arith.constant 0.333333343 : f32
      %add3A_3450 = vector.broadcast %add3A_3449 : f32 to vector<16xf32>
      %add3A_3451 = arith.addf %add3A_3450, %mul3A_3448 : vector<16xf32>
      %mul3A_3452 = arith.mulf %mul3A_3441, %add3A_3451 : vector<16xf32>
      %add3A_3453 = arith.constant 1.000000e+00 : f32
      %add3A_3454 = vector.broadcast %add3A_3453 : f32 to vector<16xf32>
      %add3A_3455 = arith.addf %add3A_3454, %mul3A_3452 : vector<16xf32>
      %convert_element_type3A_3456 = arith.sitofp %select_n3A_3433 : vector<16xi32> to vector<16xf32>
      %mul3A_3457 = arith.constant 0.693147182 : f32
      %mul3A_3458 = vector.broadcast %mul3A_3457 : f32 to vector<16xf32>
      %mul3A_3459 = arith.mulf %convert_element_type3A_3456, %mul3A_3458 : vector<16xf32>
      %mul3A_3460 = arith.constant 2.000000e+00 : f32
      %mul3A_3461 = vector.broadcast %mul3A_3460 : f32 to vector<16xf32>
      %mul3A_3462 = arith.mulf %mul3A_3461, %div3A_3440 : vector<16xf32>
      %mul3A_3463 = arith.mulf %mul3A_3462, %add3A_3455 : vector<16xf32>
      %add3A_3464 = arith.addf %mul3A_3459, %mul3A_3463 : vector<16xf32>
      %swap3A_3465 = arith.constant 272 : index
      %swap3A_3466 = tpu.vector_load %arg10[%swap3A_3465] {strides = array<i32>} : memref<512xf32, #tpu.memory_space<vmem>>, vector<16xf32>,
      tpu.vector_store %arg10[%swap3A_3465], %add3A_3464 {strides = array<i32>} : memref<512xf32, #tpu.memory_space<vmem>>, vector<16xf32>,
      %get3A_3467 = arith.constant 288 : index
      %get3A_3468 = tpu.vector_load %arg10[%get3A_3467] {strides = array<i32>} : memref<512xf32, #tpu.memory_space<vmem>>, vector<16xf32>,
      %add3A_3469 = arith.constant 9.99999974E-6 : f32
      %add3A_3470 = vector.broadcast %add3A_3469 : f32 to vector<16xf32>
      %add3A_3471 = arith.addf %get3A_3468, %add3A_3470 : vector<16xf32>
      %bitcast_convert_type3A_3472 = tpu.bitcast %add3A_3471 : vector<16xf32> -> vector<16xi32>
      %shift_right_logical3A_3473 = arith.constant 23 : i32
      %shift_right_logical3A_3474 = vector.broadcast %shift_right_logical3A_3473 : i32 to vector<16xi32>
      %shift_right_logical3A_3475 = arith.shrui %bitcast_convert_type3A_3472, %shift_right_logical3A_3474 : vector<16xi32>
      %sub3A_3476 = arith.constant 127 : i32
      %sub3A_3477 = vector.broadcast %sub3A_3476 : i32 to vector<16xi32>
      %sub3A_3478 = arith.subi %shift_right_logical3A_3475, %sub3A_3477 : vector<16xi32>
      %and3A_3479 = arith.constant 8388607 : i32
      %and3A_3480 = vector.broadcast %and3A_3479 : i32 to vector<16xi32>
      %and3A_3481 = arith.andi %bitcast_convert_type3A_3472, %and3A_3480 : vector<16xi32>
      %or3A_3482 = arith.constant 1065353216 : i32
      %or3A_3483 = vector.broadcast %or3A_3482 : i32 to vector<16xi32>
      %or3A_3484 = arith.ori %and3A_3481, %or3A_3483 : vector<16xi32>
      %bitcast_convert_type3A_3485 = tpu.bitcast %or3A_3484 : vector<16xi32> -> vector<16xf32>
      %gt3A_3486 = arith.constant 1.41421354 : f32
      %gt3A_3487 = vector.broadcast %gt3A_3486 : f32 to vector<16xf32>
      %gt3A_3488 = arith.cmpf ogt, %bitcast_convert_type3A_3485, %gt3A_3487 : vector<16xf32>
      %mul3A_3489 = arith.constant 5.000000e-01 : f32
      %mul3A_3490 = vector.broadcast %mul3A_3489 : f32 to vector<16xf32>
      %mul3A_3491 = arith.mulf %bitcast_convert_type3A_3485, %mul3A_3490 : vector<16xf32>
      %select_n3A_3492 = arith.select %gt3A_3488, %mul3A_3491, %bitcast_convert_type3A_3485 : vector<16xi1>, vector<16xf32>
      %add3A_3493 = arith.constant 1 : i32
      %add3A_3494 = vector.broadcast %add3A_3493 : i32 to vector<16xi32>
      %add3A_3495 = arith.addi %sub3A_3478, %add3A_3494 : vector<16xi32>
      %select_n3A_3496 = arith.select %gt3A_3488, %add3A_3495, %sub3A_3478 : vector<16xi1>, vector<16xi32>
      %sub3A_3497 = arith.constant 1.000000e+00 : f32
      %sub3A_3498 = vector.broadcast %sub3A_3497 : f32 to vector<16xf32>
      %sub3A_3499 = arith.subf %select_n3A_3492, %sub3A_3498 : vector<16xf32>
      %add3A_3500 = arith.constant 1.000000e+00 : f32
      %add3A_3501 = vector.broadcast %add3A_3500 : f32 to vector<16xf32>
      %add3A_3502 = arith.addf %select_n3A_3492, %add3A_3501 : vector<16xf32>
      %div3A_3503 = arith.divf %sub3A_3499, %add3A_3502 : vector<16xf32>
      %mul3A_3504 = arith.mulf %div3A_3503, %div3A_3503 : vector<16xf32>
      %mul3A_3505 = arith.constant 0.142857149 : f32
      %mul3A_3506 = vector.broadcast %mul3A_3505 : f32 to vector<16xf32>
      %mul3A_3507 = arith.mulf %mul3A_3504, %mul3A_3506 : vector<16xf32>
      %add3A_3508 = arith.constant 2.000000e-01 : f32
      %add3A_3509 = vector.broadcast %add3A_3508 : f32 to vector<16xf32>
      %add3A_3510 = arith.addf %add3A_3509, %mul3A_3507 : vector<16xf32>
      %mul3A_3511 = arith.mulf %mul3A_3504, %add3A_3510 : vector<16xf32>
      %add3A_3512 = arith.constant 0.333333343 : f32
      %add3A_3513 = vector.broadcast %add3A_3512 : f32 to vector<16xf32>
      %add3A_3514 = arith.addf %add3A_3513, %mul3A_3511 : vector<16xf32>
      %mul3A_3515 = arith.mulf %mul3A_3504, %add3A_3514 : vector<16xf32>
      %add3A_3516 = arith.constant 1.000000e+00 : f32
      %add3A_3517 = vector.broadcast %add3A_3516 : f32 to vector<16xf32>
      %add3A_3518 = arith.addf %add3A_3517, %mul3A_3515 : vector<16xf32>
      %convert_element_type3A_3519 = arith.sitofp %select_n3A_3496 : vector<16xi32> to vector<16xf32>
      %mul3A_3520 = arith.constant 0.693147182 : f32
      %mul3A_3521 = vector.broadcast %mul3A_3520 : f32 to vector<16xf32>
      %mul3A_3522 = arith.mulf %convert_element_type3A_3519, %mul3A_3521 : vector<16xf32>
      %mul3A_3523 = arith.constant 2.000000e+00 : f32
      %mul3A_3524 = vector.broadcast %mul3A_3523 : f32 to vector<16xf32>
      %mul3A_3525 = arith.mulf %mul3A_3524, %div3A_3503 : vector<16xf32>
      %mul3A_3526 = arith.mulf %mul3A_3525, %add3A_3518 : vector<16xf32>
      %add3A_3527 = arith.addf %mul3A_3522, %mul3A_3526 : vector<16xf32>
      %swap3A_3528 = arith.constant 288 : index
      %swap3A_3529 = tpu.vector_load %arg10[%swap3A_3528] {strides = array<i32>} : memref<512xf32, #tpu.memory_space<vmem>>, vector<16xf32>,
      tpu.vector_store %arg10[%swap3A_3528], %add3A_3527 {strides = array<i32>} : memref<512xf32, #tpu.memory_space<vmem>>, vector<16xf32>,
      %get3A_3530 = arith.constant 304 : index
      %get3A_3531 = tpu.vector_load %arg10[%get3A_3530] {strides = array<i32>} : memref<512xf32, #tpu.memory_space<vmem>>, vector<16xf32>,
      %add3A_3532 = arith.constant 9.99999974E-6 : f32
      %add3A_3533 = vector.broadcast %add3A_3532 : f32 to vector<16xf32>
      %add3A_3534 = arith.addf %get3A_3531, %add3A_3533 : vector<16xf32>
      %bitcast_convert_type3A_3535 = tpu.bitcast %add3A_3534 : vector<16xf32> -> vector<16xi32>
      %shift_right_logical3A_3536 = arith.constant 23 : i32
      %shift_right_logical3A_3537 = vector.broadcast %shift_right_logical3A_3536 : i32 to vector<16xi32>
      %shift_right_logical3A_3538 = arith.shrui %bitcast_convert_type3A_3535, %shift_right_logical3A_3537 : vector<16xi32>
      %sub3A_3539 = arith.constant 127 : i32
      %sub3A_3540 = vector.broadcast %sub3A_3539 : i32 to vector<16xi32>
      %sub3A_3541 = arith.subi %shift_right_logical3A_3538, %sub3A_3540 : vector<16xi32>
      %and3A_3542 = arith.constant 8388607 : i32
      %and3A_3543 = vector.broadcast %and3A_3542 : i32 to vector<16xi32>
      %and3A_3544 = arith.andi %bitcast_convert_type3A_3535, %and3A_3543 : vector<16xi32>
      %or3A_3545 = arith.constant 1065353216 : i32
      %or3A_3546 = vector.broadcast %or3A_3545 : i32 to vector<16xi32>
      %or3A_3547 = arith.ori %and3A_3544, %or3A_3546 : vector<16xi32>
      %bitcast_convert_type3A_3548 = tpu.bitcast %or3A_3547 : vector<16xi32> -> vector<16xf32>
      %gt3A_3549 = arith.constant 1.41421354 : f32
      %gt3A_3550 = vector.broadcast %gt3A_3549 : f32 to vector<16xf32>
      %gt3A_3551 = arith.cmpf ogt, %bitcast_convert_type3A_3548, %gt3A_3550 : vector<16xf32>
      %mul3A_3552 = arith.constant 5.000000e-01 : f32
      %mul3A_3553 = vector.broadcast %mul3A_3552 : f32 to vector<16xf32>
      %mul3A_3554 = arith.mulf %bitcast_convert_type3A_3548, %mul3A_3553 : vector<16xf32>
      %select_n3A_3555 = arith.select %gt3A_3551, %mul3A_3554, %bitcast_convert_type3A_3548 : vector<16xi1>, vector<16xf32>
      %add3A_3556 = arith.constant 1 : i32
      %add3A_3557 = vector.broadcast %add3A_3556 : i32 to vector<16xi32>
      %add3A_3558 = arith.addi %sub3A_3541, %add3A_3557 : vector<16xi32>
      %select_n3A_3559 = arith.select %gt3A_3551, %add3A_3558, %sub3A_3541 : vector<16xi1>, vector<16xi32>
      %sub3A_3560 = arith.constant 1.000000e+00 : f32
      %sub3A_3561 = vector.broadcast %sub3A_3560 : f32 to vector<16xf32>
      %sub3A_3562 = arith.subf %select_n3A_3555, %sub3A_3561 : vector<16xf32>
      %add3A_3563 = arith.constant 1.000000e+00 : f32
      %add3A_3564 = vector.broadcast %add3A_3563 : f32 to vector<16xf32>
      %add3A_3565 = arith.addf %select_n3A_3555, %add3A_3564 : vector<16xf32>
      %div3A_3566 = arith.divf %sub3A_3562, %add3A_3565 : vector<16xf32>
      %mul3A_3567 = arith.mulf %div3A_3566, %div3A_3566 : vector<16xf32>
      %mul3A_3568 = arith.constant 0.142857149 : f32
      %mul3A_3569 = vector.broadcast %mul3A_3568 : f32 to vector<16xf32>
      %mul3A_3570 = arith.mulf %mul3A_3567, %mul3A_3569 : vector<16xf32>
      %add3A_3571 = arith.constant 2.000000e-01 : f32
      %add3A_3572 = vector.broadcast %add3A_3571 : f32 to vector<16xf32>
      %add3A_3573 = arith.addf %add3A_3572, %mul3A_3570 : vector<16xf32>
      %mul3A_3574 = arith.mulf %mul3A_3567, %add3A_3573 : vector<16xf32>
      %add3A_3575 = arith.constant 0.333333343 : f32
      %add3A_3576 = vector.broadcast %add3A_3575 : f32 to vector<16xf32>
      %add3A_3577 = arith.addf %add3A_3576, %mul3A_3574 : vector<16xf32>
      %mul3A_3578 = arith.mulf %mul3A_3567, %add3A_3577 : vector<16xf32>
      %add3A_3579 = arith.constant 1.000000e+00 : f32
      %add3A_3580 = vector.broadcast %add3A_3579 : f32 to vector<16xf32>
      %add3A_3581 = arith.addf %add3A_3580, %mul3A_3578 : vector<16xf32>
      %convert_element_type3A_3582 = arith.sitofp %select_n3A_3559 : vector<16xi32> to vector<16xf32>
      %mul3A_3583 = arith.constant 0.693147182 : f32
      %mul3A_3584 = vector.broadcast %mul3A_3583 : f32 to vector<16xf32>
      %mul3A_3585 = arith.mulf %convert_element_type3A_3582, %mul3A_3584 : vector<16xf32>
      %mul3A_3586 = arith.constant 2.000000e+00 : f32
      %mul3A_3587 = vector.broadcast %mul3A_3586 : f32 to vector<16xf32>
      %mul3A_3588 = arith.mulf %mul3A_3587, %div3A_3566 : vector<16xf32>
      %mul3A_3589 = arith.mulf %mul3A_3588, %add3A_3581 : vector<16xf32>
      %add3A_3590 = arith.addf %mul3A_3585, %mul3A_3589 : vector<16xf32>
      %swap3A_3591 = arith.constant 304 : index
      %swap3A_3592 = tpu.vector_load %arg10[%swap3A_3591] {strides = array<i32>} : memref<512xf32, #tpu.memory_space<vmem>>, vector<16xf32>,
      tpu.vector_store %arg10[%swap3A_3591], %add3A_3590 {strides = array<i32>} : memref<512xf32, #tpu.memory_space<vmem>>, vector<16xf32>,
      %get3A_3593 = arith.constant 320 : index
      %get3A_3594 = tpu.vector_load %arg10[%get3A_3593] {strides = array<i32>} : memref<512xf32, #tpu.memory_space<vmem>>, vector<16xf32>,
      %add3A_3595 = arith.constant 9.99999974E-6 : f32
      %add3A_3596 = vector.broadcast %add3A_3595 : f32 to vector<16xf32>
      %add3A_3597 = arith.addf %get3A_3594, %add3A_3596 : vector<16xf32>
      %bitcast_convert_type3A_3598 = tpu.bitcast %add3A_3597 : vector<16xf32> -> vector<16xi32>
      %shift_right_logical3A_3599 = arith.constant 23 : i32
      %shift_right_logical3A_3600 = vector.broadcast %shift_right_logical3A_3599 : i32 to vector<16xi32>
      %shift_right_logical3A_3601 = arith.shrui %bitcast_convert_type3A_3598, %shift_right_logical3A_3600 : vector<16xi32>
      %sub3A_3602 = arith.constant 127 : i32
      %sub3A_3603 = vector.broadcast %sub3A_3602 : i32 to vector<16xi32>
      %sub3A_3604 = arith.subi %shift_right_logical3A_3601, %sub3A_3603 : vector<16xi32>
      %and3A_3605 = arith.constant 8388607 : i32
      %and3A_3606 = vector.broadcast %and3A_3605 : i32 to vector<16xi32>
      %and3A_3607 = arith.andi %bitcast_convert_type3A_3598, %and3A_3606 : vector<16xi32>
      %or3A_3608 = arith.constant 1065353216 : i32
      %or3A_3609 = vector.broadcast %or3A_3608 : i32 to vector<16xi32>
      %or3A_3610 = arith.ori %and3A_3607, %or3A_3609 : vector<16xi32>
      %bitcast_convert_type3A_3611 = tpu.bitcast %or3A_3610 : vector<16xi32> -> vector<16xf32>
      %gt3A_3612 = arith.constant 1.41421354 : f32
      %gt3A_3613 = vector.broadcast %gt3A_3612 : f32 to vector<16xf32>
      %gt3A_3614 = arith.cmpf ogt, %bitcast_convert_type3A_3611, %gt3A_3613 : vector<16xf32>
      %mul3A_3615 = arith.constant 5.000000e-01 : f32
      %mul3A_3616 = vector.broadcast %mul3A_3615 : f32 to vector<16xf32>
      %mul3A_3617 = arith.mulf %bitcast_convert_type3A_3611, %mul3A_3616 : vector<16xf32>
      %select_n3A_3618 = arith.select %gt3A_3614, %mul3A_3617, %bitcast_convert_type3A_3611 : vector<16xi1>, vector<16xf32>
      %add3A_3619 = arith.constant 1 : i32
      %add3A_3620 = vector.broadcast %add3A_3619 : i32 to vector<16xi32>
      %add3A_3621 = arith.addi %sub3A_3604, %add3A_3620 : vector<16xi32>
      %select_n3A_3622 = arith.select %gt3A_3614, %add3A_3621, %sub3A_3604 : vector<16xi1>, vector<16xi32>
      %sub3A_3623 = arith.constant 1.000000e+00 : f32
      %sub3A_3624 = vector.broadcast %sub3A_3623 : f32 to vector<16xf32>
      %sub3A_3625 = arith.subf %select_n3A_3618, %sub3A_3624 : vector<16xf32>
      %add3A_3626 = arith.constant 1.000000e+00 : f32
      %add3A_3627 = vector.broadcast %add3A_3626 : f32 to vector<16xf32>
      %add3A_3628 = arith.addf %select_n3A_3618, %add3A_3627 : vector<16xf32>
      %div3A_3629 = arith.divf %sub3A_3625, %add3A_3628 : vector<16xf32>
      %mul3A_3630 = arith.mulf %div3A_3629, %div3A_3629 : vector<16xf32>
      %mul3A_3631 = arith.constant 0.142857149 : f32
      %mul3A_3632 = vector.broadcast %mul3A_3631 : f32 to vector<16xf32>
      %mul3A_3633 = arith.mulf %mul3A_3630, %mul3A_3632 : vector<16xf32>
      %add3A_3634 = arith.constant 2.000000e-01 : f32
      %add3A_3635 = vector.broadcast %add3A_3634 : f32 to vector<16xf32>
      %add3A_3636 = arith.addf %add3A_3635, %mul3A_3633 : vector<16xf32>
      %mul3A_3637 = arith.mulf %mul3A_3630, %add3A_3636 : vector<16xf32>
      %add3A_3638 = arith.constant 0.333333343 : f32
      %add3A_3639 = vector.broadcast %add3A_3638 : f32 to vector<16xf32>
      %add3A_3640 = arith.addf %add3A_3639, %mul3A_3637 : vector<16xf32>
      %mul3A_3641 = arith.mulf %mul3A_3630, %add3A_3640 : vector<16xf32>
      %add3A_3642 = arith.constant 1.000000e+00 : f32
      %add3A_3643 = vector.broadcast %add3A_3642 : f32 to vector<16xf32>
      %add3A_3644 = arith.addf %add3A_3643, %mul3A_3641 : vector<16xf32>
      %convert_element_type3A_3645 = arith.sitofp %select_n3A_3622 : vector<16xi32> to vector<16xf32>
      %mul3A_3646 = arith.constant 0.693147182 : f32
      %mul3A_3647 = vector.broadcast %mul3A_3646 : f32 to vector<16xf32>
      %mul3A_3648 = arith.mulf %convert_element_type3A_3645, %mul3A_3647 : vector<16xf32>
      %mul3A_3649 = arith.constant 2.000000e+00 : f32
      %mul3A_3650 = vector.broadcast %mul3A_3649 : f32 to vector<16xf32>
      %mul3A_3651 = arith.mulf %mul3A_3650, %div3A_3629 : vector<16xf32>
      %mul3A_3652 = arith.mulf %mul3A_3651, %add3A_3644 : vector<16xf32>
      %add3A_3653 = arith.addf %mul3A_3648, %mul3A_3652 : vector<16xf32>
      %swap3A_3654 = arith.constant 320 : index
      %swap3A_3655 = tpu.vector_load %arg10[%swap3A_3654] {strides = array<i32>} : memref<512xf32, #tpu.memory_space<vmem>>, vector<16xf32>,
      tpu.vector_store %arg10[%swap3A_3654], %add3A_3653 {strides = array<i32>} : memref<512xf32, #tpu.memory_space<vmem>>, vector<16xf32>,
      %get3A_3656 = arith.constant 336 : index
      %get3A_3657 = tpu.vector_load %arg10[%get3A_3656] {strides = array<i32>} : memref<512xf32, #tpu.memory_space<vmem>>, vector<16xf32>,
      %add3A_3658 = arith.constant 9.99999974E-6 : f32
      %add3A_3659 = vector.broadcast %add3A_3658 : f32 to vector<16xf32>
      %add3A_3660 = arith.addf %get3A_3657, %add3A_3659 : vector<16xf32>
      %bitcast_convert_type3A_3661 = tpu.bitcast %add3A_3660 : vector<16xf32> -> vector<16xi32>
      %shift_right_logical3A_3662 = arith.constant 23 : i32
      %shift_right_logical3A_3663 = vector.broadcast %shift_right_logical3A_3662 : i32 to vector<16xi32>
      %shift_right_logical3A_3664 = arith.shrui %bitcast_convert_type3A_3661, %shift_right_logical3A_3663 : vector<16xi32>
      %sub3A_3665 = arith.constant 127 : i32
      %sub3A_3666 = vector.broadcast %sub3A_3665 : i32 to vector<16xi32>
      %sub3A_3667 = arith.subi %shift_right_logical3A_3664, %sub3A_3666 : vector<16xi32>
      %and3A_3668 = arith.constant 8388607 : i32
      %and3A_3669 = vector.broadcast %and3A_3668 : i32 to vector<16xi32>
      %and3A_3670 = arith.andi %bitcast_convert_type3A_3661, %and3A_3669 : vector<16xi32>
      %or3A_3671 = arith.constant 1065353216 : i32
      %or3A_3672 = vector.broadcast %or3A_3671 : i32 to vector<16xi32>
      %or3A_3673 = arith.ori %and3A_3670, %or3A_3672 : vector<16xi32>
      %bitcast_convert_type3A_3674 = tpu.bitcast %or3A_3673 : vector<16xi32> -> vector<16xf32>
      %gt3A_3675 = arith.constant 1.41421354 : f32
      %gt3A_3676 = vector.broadcast %gt3A_3675 : f32 to vector<16xf32>
      %gt3A_3677 = arith.cmpf ogt, %bitcast_convert_type3A_3674, %gt3A_3676 : vector<16xf32>
      %mul3A_3678 = arith.constant 5.000000e-01 : f32
      %mul3A_3679 = vector.broadcast %mul3A_3678 : f32 to vector<16xf32>
      %mul3A_3680 = arith.mulf %bitcast_convert_type3A_3674, %mul3A_3679 : vector<16xf32>
      %select_n3A_3681 = arith.select %gt3A_3677, %mul3A_3680, %bitcast_convert_type3A_3674 : vector<16xi1>, vector<16xf32>
      %add3A_3682 = arith.constant 1 : i32
      %add3A_3683 = vector.broadcast %add3A_3682 : i32 to vector<16xi32>
      %add3A_3684 = arith.addi %sub3A_3667, %add3A_3683 : vector<16xi32>
      %select_n3A_3685 = arith.select %gt3A_3677, %add3A_3684, %sub3A_3667 : vector<16xi1>, vector<16xi32>
      %sub3A_3686 = arith.constant 1.000000e+00 : f32
      %sub3A_3687 = vector.broadcast %sub3A_3686 : f32 to vector<16xf32>
      %sub3A_3688 = arith.subf %select_n3A_3681, %sub3A_3687 : vector<16xf32>
      %add3A_3689 = arith.constant 1.000000e+00 : f32
      %add3A_3690 = vector.broadcast %add3A_3689 : f32 to vector<16xf32>
      %add3A_3691 = arith.addf %select_n3A_3681, %add3A_3690 : vector<16xf32>
      %div3A_3692 = arith.divf %sub3A_3688, %add3A_3691 : vector<16xf32>
      %mul3A_3693 = arith.mulf %div3A_3692, %div3A_3692 : vector<16xf32>
      %mul3A_3694 = arith.constant 0.142857149 : f32
      %mul3A_3695 = vector.broadcast %mul3A_3694 : f32 to vector<16xf32>
      %mul3A_3696 = arith.mulf %mul3A_3693, %mul3A_3695 : vector<16xf32>
      %add3A_3697 = arith.constant 2.000000e-01 : f32
      %add3A_3698 = vector.broadcast %add3A_3697 : f32 to vector<16xf32>
      %add3A_3699 = arith.addf %add3A_3698, %mul3A_3696 : vector<16xf32>
      %mul3A_3700 = arith.mulf %mul3A_3693, %add3A_3699 : vector<16xf32>
      %add3A_3701 = arith.constant 0.333333343 : f32
      %add3A_3702 = vector.broadcast %add3A_3701 : f32 to vector<16xf32>
      %add3A_3703 = arith.addf %add3A_3702, %mul3A_3700 : vector<16xf32>
      %mul3A_3704 = arith.mulf %mul3A_3693, %add3A_3703 : vector<16xf32>
      %add3A_3705 = arith.constant 1.000000e+00 : f32
      %add3A_3706 = vector.broadcast %add3A_3705 : f32 to vector<16xf32>
      %add3A_3707 = arith.addf %add3A_3706, %mul3A_3704 : vector<16xf32>
      %convert_element_type3A_3708 = arith.sitofp %select_n3A_3685 : vector<16xi32> to vector<16xf32>
      %mul3A_3709 = arith.constant 0.693147182 : f32
      %mul3A_3710 = vector.broadcast %mul3A_3709 : f32 to vector<16xf32>
      %mul3A_3711 = arith.mulf %convert_element_type3A_3708, %mul3A_3710 : vector<16xf32>
      %mul3A_3712 = arith.constant 2.000000e+00 : f32
      %mul3A_3713 = vector.broadcast %mul3A_3712 : f32 to vector<16xf32>
      %mul3A_3714 = arith.mulf %mul3A_3713, %div3A_3692 : vector<16xf32>
      %mul3A_3715 = arith.mulf %mul3A_3714, %add3A_3707 : vector<16xf32>
      %add3A_3716 = arith.addf %mul3A_3711, %mul3A_3715 : vector<16xf32>
      %swap3A_3717 = arith.constant 336 : index
      %swap3A_3718 = tpu.vector_load %arg10[%swap3A_3717] {strides = array<i32>} : memref<512xf32, #tpu.memory_space<vmem>>, vector<16xf32>,
      tpu.vector_store %arg10[%swap3A_3717], %add3A_3716 {strides = array<i32>} : memref<512xf32, #tpu.memory_space<vmem>>, vector<16xf32>,
      %get3A_3719 = arith.constant 352 : index
      %get3A_3720 = tpu.vector_load %arg10[%get3A_3719] {strides = array<i32>} : memref<512xf32, #tpu.memory_space<vmem>>, vector<16xf32>,
      %add3A_3721 = arith.constant 9.99999974E-6 : f32
      %add3A_3722 = vector.broadcast %add3A_3721 : f32 to vector<16xf32>
      %add3A_3723 = arith.addf %get3A_3720, %add3A_3722 : vector<16xf32>
      %bitcast_convert_type3A_3724 = tpu.bitcast %add3A_3723 : vector<16xf32> -> vector<16xi32>
      %shift_right_logical3A_3725 = arith.constant 23 : i32
      %shift_right_logical3A_3726 = vector.broadcast %shift_right_logical3A_3725 : i32 to vector<16xi32>
      %shift_right_logical3A_3727 = arith.shrui %bitcast_convert_type3A_3724, %shift_right_logical3A_3726 : vector<16xi32>
      %sub3A_3728 = arith.constant 127 : i32
      %sub3A_3729 = vector.broadcast %sub3A_3728 : i32 to vector<16xi32>
      %sub3A_3730 = arith.subi %shift_right_logical3A_3727, %sub3A_3729 : vector<16xi32>
      %and3A_3731 = arith.constant 8388607 : i32
      %and3A_3732 = vector.broadcast %and3A_3731 : i32 to vector<16xi32>
      %and3A_3733 = arith.andi %bitcast_convert_type3A_3724, %and3A_3732 : vector<16xi32>
      %or3A_3734 = arith.constant 1065353216 : i32
      %or3A_3735 = vector.broadcast %or3A_3734 : i32 to vector<16xi32>
      %or3A_3736 = arith.ori %and3A_3733, %or3A_3735 : vector<16xi32>
      %bitcast_convert_type3A_3737 = tpu.bitcast %or3A_3736 : vector<16xi32> -> vector<16xf32>
      %gt3A_3738 = arith.constant 1.41421354 : f32
      %gt3A_3739 = vector.broadcast %gt3A_3738 : f32 to vector<16xf32>
      %gt3A_3740 = arith.cmpf ogt, %bitcast_convert_type3A_3737, %gt3A_3739 : vector<16xf32>
      %mul3A_3741 = arith.constant 5.000000e-01 : f32
      %mul3A_3742 = vector.broadcast %mul3A_3741 : f32 to vector<16xf32>
      %mul3A_3743 = arith.mulf %bitcast_convert_type3A_3737, %mul3A_3742 : vector<16xf32>
      %select_n3A_3744 = arith.select %gt3A_3740, %mul3A_3743, %bitcast_convert_type3A_3737 : vector<16xi1>, vector<16xf32>
      %add3A_3745 = arith.constant 1 : i32
      %add3A_3746 = vector.broadcast %add3A_3745 : i32 to vector<16xi32>
      %add3A_3747 = arith.addi %sub3A_3730, %add3A_3746 : vector<16xi32>
      %select_n3A_3748 = arith.select %gt3A_3740, %add3A_3747, %sub3A_3730 : vector<16xi1>, vector<16xi32>
      %sub3A_3749 = arith.constant 1.000000e+00 : f32
      %sub3A_3750 = vector.broadcast %sub3A_3749 : f32 to vector<16xf32>
      %sub3A_3751 = arith.subf %select_n3A_3744, %sub3A_3750 : vector<16xf32>
      %add3A_3752 = arith.constant 1.000000e+00 : f32
      %add3A_3753 = vector.broadcast %add3A_3752 : f32 to vector<16xf32>
      %add3A_3754 = arith.addf %select_n3A_3744, %add3A_3753 : vector<16xf32>
      %div3A_3755 = arith.divf %sub3A_3751, %add3A_3754 : vector<16xf32>
      %mul3A_3756 = arith.mulf %div3A_3755, %div3A_3755 : vector<16xf32>
      %mul3A_3757 = arith.constant 0.142857149 : f32
      %mul3A_3758 = vector.broadcast %mul3A_3757 : f32 to vector<16xf32>
      %mul3A_3759 = arith.mulf %mul3A_3756, %mul3A_3758 : vector<16xf32>
      %add3A_3760 = arith.constant 2.000000e-01 : f32
      %add3A_3761 = vector.broadcast %add3A_3760 : f32 to vector<16xf32>
      %add3A_3762 = arith.addf %add3A_3761, %mul3A_3759 : vector<16xf32>
      %mul3A_3763 = arith.mulf %mul3A_3756, %add3A_3762 : vector<16xf32>
      %add3A_3764 = arith.constant 0.333333343 : f32
      %add3A_3765 = vector.broadcast %add3A_3764 : f32 to vector<16xf32>
      %add3A_3766 = arith.addf %add3A_3765, %mul3A_3763 : vector<16xf32>
      %mul3A_3767 = arith.mulf %mul3A_3756, %add3A_3766 : vector<16xf32>
      %add3A_3768 = arith.constant 1.000000e+00 : f32
      %add3A_3769 = vector.broadcast %add3A_3768 : f32 to vector<16xf32>
      %add3A_3770 = arith.addf %add3A_3769, %mul3A_3767 : vector<16xf32>
      %convert_element_type3A_3771 = arith.sitofp %select_n3A_3748 : vector<16xi32> to vector<16xf32>
      %mul3A_3772 = arith.constant 0.693147182 : f32
      %mul3A_3773 = vector.broadcast %mul3A_3772 : f32 to vector<16xf32>
      %mul3A_3774 = arith.mulf %convert_element_type3A_3771, %mul3A_3773 : vector<16xf32>
      %mul3A_3775 = arith.constant 2.000000e+00 : f32
      %mul3A_3776 = vector.broadcast %mul3A_3775 : f32 to vector<16xf32>
      %mul3A_3777 = arith.mulf %mul3A_3776, %div3A_3755 : vector<16xf32>
      %mul3A_3778 = arith.mulf %mul3A_3777, %add3A_3770 : vector<16xf32>
      %add3A_3779 = arith.addf %mul3A_3774, %mul3A_3778 : vector<16xf32>
      %swap3A_3780 = arith.constant 352 : index
      %swap3A_3781 = tpu.vector_load %arg10[%swap3A_3780] {strides = array<i32>} : memref<512xf32, #tpu.memory_space<vmem>>, vector<16xf32>,
      tpu.vector_store %arg10[%swap3A_3780], %add3A_3779 {strides = array<i32>} : memref<512xf32, #tpu.memory_space<vmem>>, vector<16xf32>,
      %get3A_3782 = arith.constant 368 : index
      %get3A_3783 = tpu.vector_load %arg10[%get3A_3782] {strides = array<i32>} : memref<512xf32, #tpu.memory_space<vmem>>, vector<16xf32>,
      %add3A_3784 = arith.constant 9.99999974E-6 : f32
      %add3A_3785 = vector.broadcast %add3A_3784 : f32 to vector<16xf32>
      %add3A_3786 = arith.addf %get3A_3783, %add3A_3785 : vector<16xf32>
      %bitcast_convert_type3A_3787 = tpu.bitcast %add3A_3786 : vector<16xf32> -> vector<16xi32>
      %shift_right_logical3A_3788 = arith.constant 23 : i32
      %shift_right_logical3A_3789 = vector.broadcast %shift_right_logical3A_3788 : i32 to vector<16xi32>
      %shift_right_logical3A_3790 = arith.shrui %bitcast_convert_type3A_3787, %shift_right_logical3A_3789 : vector<16xi32>
      %sub3A_3791 = arith.constant 127 : i32
      %sub3A_3792 = vector.broadcast %sub3A_3791 : i32 to vector<16xi32>
      %sub3A_3793 = arith.subi %shift_right_logical3A_3790, %sub3A_3792 : vector<16xi32>
      %and3A_3794 = arith.constant 8388607 : i32
      %and3A_3795 = vector.broadcast %and3A_3794 : i32 to vector<16xi32>
      %and3A_3796 = arith.andi %bitcast_convert_type3A_3787, %and3A_3795 : vector<16xi32>
      %or3A_3797 = arith.constant 1065353216 : i32
      %or3A_3798 = vector.broadcast %or3A_3797 : i32 to vector<16xi32>
      %or3A_3799 = arith.ori %and3A_3796, %or3A_3798 : vector<16xi32>
      %bitcast_convert_type3A_3800 = tpu.bitcast %or3A_3799 : vector<16xi32> -> vector<16xf32>
      %gt3A_3801 = arith.constant 1.41421354 : f32
      %gt3A_3802 = vector.broadcast %gt3A_3801 : f32 to vector<16xf32>
      %gt3A_3803 = arith.cmpf ogt, %bitcast_convert_type3A_3800, %gt3A_3802 : vector<16xf32>
      %mul3A_3804 = arith.constant 5.000000e-01 : f32
      %mul3A_3805 = vector.broadcast %mul3A_3804 : f32 to vector<16xf32>
      %mul3A_3806 = arith.mulf %bitcast_convert_type3A_3800, %mul3A_3805 : vector<16xf32>
      %select_n3A_3807 = arith.select %gt3A_3803, %mul3A_3806, %bitcast_convert_type3A_3800 : vector<16xi1>, vector<16xf32>
      %add3A_3808 = arith.constant 1 : i32
      %add3A_3809 = vector.broadcast %add3A_3808 : i32 to vector<16xi32>
      %add3A_3810 = arith.addi %sub3A_3793, %add3A_3809 : vector<16xi32>
      %select_n3A_3811 = arith.select %gt3A_3803, %add3A_3810, %sub3A_3793 : vector<16xi1>, vector<16xi32>
      %sub3A_3812 = arith.constant 1.000000e+00 : f32
      %sub3A_3813 = vector.broadcast %sub3A_3812 : f32 to vector<16xf32>
      %sub3A_3814 = arith.subf %select_n3A_3807, %sub3A_3813 : vector<16xf32>
      %add3A_3815 = arith.constant 1.000000e+00 : f32
      %add3A_3816 = vector.broadcast %add3A_3815 : f32 to vector<16xf32>
      %add3A_3817 = arith.addf %select_n3A_3807, %add3A_3816 : vector<16xf32>
      %div3A_3818 = arith.divf %sub3A_3814, %add3A_3817 : vector<16xf32>
      %mul3A_3819 = arith.mulf %div3A_3818, %div3A_3818 : vector<16xf32>
      %mul3A_3820 = arith.constant 0.142857149 : f32
      %mul3A_3821 = vector.broadcast %mul3A_3820 : f32 to vector<16xf32>
      %mul3A_3822 = arith.mulf %mul3A_3819, %mul3A_3821 : vector<16xf32>
      %add3A_3823 = arith.constant 2.000000e-01 : f32
      %add3A_3824 = vector.broadcast %add3A_3823 : f32 to vector<16xf32>
      %add3A_3825 = arith.addf %add3A_3824, %mul3A_3822 : vector<16xf32>
      %mul3A_3826 = arith.mulf %mul3A_3819, %add3A_3825 : vector<16xf32>
      %add3A_3827 = arith.constant 0.333333343 : f32
      %add3A_3828 = vector.broadcast %add3A_3827 : f32 to vector<16xf32>
      %add3A_3829 = arith.addf %add3A_3828, %mul3A_3826 : vector<16xf32>
      %mul3A_3830 = arith.mulf %mul3A_3819, %add3A_3829 : vector<16xf32>
      %add3A_3831 = arith.constant 1.000000e+00 : f32
      %add3A_3832 = vector.broadcast %add3A_3831 : f32 to vector<16xf32>
      %add3A_3833 = arith.addf %add3A_3832, %mul3A_3830 : vector<16xf32>
      %convert_element_type3A_3834 = arith.sitofp %select_n3A_3811 : vector<16xi32> to vector<16xf32>
      %mul3A_3835 = arith.constant 0.693147182 : f32
      %mul3A_3836 = vector.broadcast %mul3A_3835 : f32 to vector<16xf32>
      %mul3A_3837 = arith.mulf %convert_element_type3A_3834, %mul3A_3836 : vector<16xf32>
      %mul3A_3838 = arith.constant 2.000000e+00 : f32
      %mul3A_3839 = vector.broadcast %mul3A_3838 : f32 to vector<16xf32>
      %mul3A_3840 = arith.mulf %mul3A_3839, %div3A_3818 : vector<16xf32>
      %mul3A_3841 = arith.mulf %mul3A_3840, %add3A_3833 : vector<16xf32>
      %add3A_3842 = arith.addf %mul3A_3837, %mul3A_3841 : vector<16xf32>
      %swap3A_3843 = arith.constant 368 : index
      %swap3A_3844 = tpu.vector_load %arg10[%swap3A_3843] {strides = array<i32>} : memref<512xf32, #tpu.memory_space<vmem>>, vector<16xf32>,
      tpu.vector_store %arg10[%swap3A_3843], %add3A_3842 {strides = array<i32>} : memref<512xf32, #tpu.memory_space<vmem>>, vector<16xf32>,
      %get3A_3845 = arith.constant 384 : index
      %get3A_3846 = tpu.vector_load %arg10[%get3A_3845] {strides = array<i32>} : memref<512xf32, #tpu.memory_space<vmem>>, vector<16xf32>,
      %add3A_3847 = arith.constant 9.99999974E-6 : f32
      %add3A_3848 = vector.broadcast %add3A_3847 : f32 to vector<16xf32>
      %add3A_3849 = arith.addf %get3A_3846, %add3A_3848 : vector<16xf32>
      %bitcast_convert_type3A_3850 = tpu.bitcast %add3A_3849 : vector<16xf32> -> vector<16xi32>
      %shift_right_logical3A_3851 = arith.constant 23 : i32
      %shift_right_logical3A_3852 = vector.broadcast %shift_right_logical3A_3851 : i32 to vector<16xi32>
      %shift_right_logical3A_3853 = arith.shrui %bitcast_convert_type3A_3850, %shift_right_logical3A_3852 : vector<16xi32>
      %sub3A_3854 = arith.constant 127 : i32
      %sub3A_3855 = vector.broadcast %sub3A_3854 : i32 to vector<16xi32>
      %sub3A_3856 = arith.subi %shift_right_logical3A_3853, %sub3A_3855 : vector<16xi32>
      %and3A_3857 = arith.constant 8388607 : i32
      %and3A_3858 = vector.broadcast %and3A_3857 : i32 to vector<16xi32>
      %and3A_3859 = arith.andi %bitcast_convert_type3A_3850, %and3A_3858 : vector<16xi32>
      %or3A_3860 = arith.constant 1065353216 : i32
      %or3A_3861 = vector.broadcast %or3A_3860 : i32 to vector<16xi32>
      %or3A_3862 = arith.ori %and3A_3859, %or3A_3861 : vector<16xi32>
      %bitcast_convert_type3A_3863 = tpu.bitcast %or3A_3862 : vector<16xi32> -> vector<16xf32>
      %gt3A_3864 = arith.constant 1.41421354 : f32
      %gt3A_3865 = vector.broadcast %gt3A_3864 : f32 to vector<16xf32>
      %gt3A_3866 = arith.cmpf ogt, %bitcast_convert_type3A_3863, %gt3A_3865 : vector<16xf32>
      %mul3A_3867 = arith.constant 5.000000e-01 : f32
      %mul3A_3868 = vector.broadcast %mul3A_3867 : f32 to vector<16xf32>
      %mul3A_3869 = arith.mulf %bitcast_convert_type3A_3863, %mul3A_3868 : vector<16xf32>
      %select_n3A_3870 = arith.select %gt3A_3866, %mul3A_3869, %bitcast_convert_type3A_3863 : vector<16xi1>, vector<16xf32>
      %add3A_3871 = arith.constant 1 : i32
      %add3A_3872 = vector.broadcast %add3A_3871 : i32 to vector<16xi32>
      %add3A_3873 = arith.addi %sub3A_3856, %add3A_3872 : vector<16xi32>
      %select_n3A_3874 = arith.select %gt3A_3866, %add3A_3873, %sub3A_3856 : vector<16xi1>, vector<16xi32>
      %sub3A_3875 = arith.constant 1.000000e+00 : f32
      %sub3A_3876 = vector.broadcast %sub3A_3875 : f32 to vector<16xf32>
      %sub3A_3877 = arith.subf %select_n3A_3870, %sub3A_3876 : vector<16xf32>
      %add3A_3878 = arith.constant 1.000000e+00 : f32
      %add3A_3879 = vector.broadcast %add3A_3878 : f32 to vector<16xf32>
      %add3A_3880 = arith.addf %select_n3A_3870, %add3A_3879 : vector<16xf32>
      %div3A_3881 = arith.divf %sub3A_3877, %add3A_3880 : vector<16xf32>
      %mul3A_3882 = arith.mulf %div3A_3881, %div3A_3881 : vector<16xf32>
      %mul3A_3883 = arith.constant 0.142857149 : f32
      %mul3A_3884 = vector.broadcast %mul3A_3883 : f32 to vector<16xf32>
      %mul3A_3885 = arith.mulf %mul3A_3882, %mul3A_3884 : vector<16xf32>
      %add3A_3886 = arith.constant 2.000000e-01 : f32
      %add3A_3887 = vector.broadcast %add3A_3886 : f32 to vector<16xf32>
      %add3A_3888 = arith.addf %add3A_3887, %mul3A_3885 : vector<16xf32>
      %mul3A_3889 = arith.mulf %mul3A_3882, %add3A_3888 : vector<16xf32>
      %add3A_3890 = arith.constant 0.333333343 : f32
      %add3A_3891 = vector.broadcast %add3A_3890 : f32 to vector<16xf32>
      %add3A_3892 = arith.addf %add3A_3891, %mul3A_3889 : vector<16xf32>
      %mul3A_3893 = arith.mulf %mul3A_3882, %add3A_3892 : vector<16xf32>
      %add3A_3894 = arith.constant 1.000000e+00 : f32
      %add3A_3895 = vector.broadcast %add3A_3894 : f32 to vector<16xf32>
      %add3A_3896 = arith.addf %add3A_3895, %mul3A_3893 : vector<16xf32>
      %convert_element_type3A_3897 = arith.sitofp %select_n3A_3874 : vector<16xi32> to vector<16xf32>
      %mul3A_3898 = arith.constant 0.693147182 : f32
      %mul3A_3899 = vector.broadcast %mul3A_3898 : f32 to vector<16xf32>
      %mul3A_3900 = arith.mulf %convert_element_type3A_3897, %mul3A_3899 : vector<16xf32>
      %mul3A_3901 = arith.constant 2.000000e+00 : f32
      %mul3A_3902 = vector.broadcast %mul3A_3901 : f32 to vector<16xf32>
      %mul3A_3903 = arith.mulf %mul3A_3902, %div3A_3881 : vector<16xf32>
      %mul3A_3904 = arith.mulf %mul3A_3903, %add3A_3896 : vector<16xf32>
      %add3A_3905 = arith.addf %mul3A_3900, %mul3A_3904 : vector<16xf32>
      %swap3A_3906 = arith.constant 384 : index
      %swap3A_3907 = tpu.vector_load %arg10[%swap3A_3906] {strides = array<i32>} : memref<512xf32, #tpu.memory_space<vmem>>, vector<16xf32>,
      tpu.vector_store %arg10[%swap3A_3906], %add3A_3905 {strides = array<i32>} : memref<512xf32, #tpu.memory_space<vmem>>, vector<16xf32>,
      %get3A_3908 = arith.constant 400 : index
      %get3A_3909 = tpu.vector_load %arg10[%get3A_3908] {strides = array<i32>} : memref<512xf32, #tpu.memory_space<vmem>>, vector<16xf32>,
      %add3A_3910 = arith.constant 9.99999974E-6 : f32
      %add3A_3911 = vector.broadcast %add3A_3910 : f32 to vector<16xf32>
      %add3A_3912 = arith.addf %get3A_3909, %add3A_3911 : vector<16xf32>
      %bitcast_convert_type3A_3913 = tpu.bitcast %add3A_3912 : vector<16xf32> -> vector<16xi32>
      %shift_right_logical3A_3914 = arith.constant 23 : i32
      %shift_right_logical3A_3915 = vector.broadcast %shift_right_logical3A_3914 : i32 to vector<16xi32>
      %shift_right_logical3A_3916 = arith.shrui %bitcast_convert_type3A_3913, %shift_right_logical3A_3915 : vector<16xi32>
      %sub3A_3917 = arith.constant 127 : i32
      %sub3A_3918 = vector.broadcast %sub3A_3917 : i32 to vector<16xi32>
      %sub3A_3919 = arith.subi %shift_right_logical3A_3916, %sub3A_3918 : vector<16xi32>
      %and3A_3920 = arith.constant 8388607 : i32
      %and3A_3921 = vector.broadcast %and3A_3920 : i32 to vector<16xi32>
      %and3A_3922 = arith.andi %bitcast_convert_type3A_3913, %and3A_3921 : vector<16xi32>
      %or3A_3923 = arith.constant 1065353216 : i32
      %or3A_3924 = vector.broadcast %or3A_3923 : i32 to vector<16xi32>
      %or3A_3925 = arith.ori %and3A_3922, %or3A_3924 : vector<16xi32>
      %bitcast_convert_type3A_3926 = tpu.bitcast %or3A_3925 : vector<16xi32> -> vector<16xf32>
      %gt3A_3927 = arith.constant 1.41421354 : f32
      %gt3A_3928 = vector.broadcast %gt3A_3927 : f32 to vector<16xf32>
      %gt3A_3929 = arith.cmpf ogt, %bitcast_convert_type3A_3926, %gt3A_3928 : vector<16xf32>
      %mul3A_3930 = arith.constant 5.000000e-01 : f32
      %mul3A_3931 = vector.broadcast %mul3A_3930 : f32 to vector<16xf32>
      %mul3A_3932 = arith.mulf %bitcast_convert_type3A_3926, %mul3A_3931 : vector<16xf32>
      %select_n3A_3933 = arith.select %gt3A_3929, %mul3A_3932, %bitcast_convert_type3A_3926 : vector<16xi1>, vector<16xf32>
      %add3A_3934 = arith.constant 1 : i32
      %add3A_3935 = vector.broadcast %add3A_3934 : i32 to vector<16xi32>
      %add3A_3936 = arith.addi %sub3A_3919, %add3A_3935 : vector<16xi32>
      %select_n3A_3937 = arith.select %gt3A_3929, %add3A_3936, %sub3A_3919 : vector<16xi1>, vector<16xi32>
      %sub3A_3938 = arith.constant 1.000000e+00 : f32
      %sub3A_3939 = vector.broadcast %sub3A_3938 : f32 to vector<16xf32>
      %sub3A_3940 = arith.subf %select_n3A_3933, %sub3A_3939 : vector<16xf32>
      %add3A_3941 = arith.constant 1.000000e+00 : f32
      %add3A_3942 = vector.broadcast %add3A_3941 : f32 to vector<16xf32>
      %add3A_3943 = arith.addf %select_n3A_3933, %add3A_3942 : vector<16xf32>
      %div3A_3944 = arith.divf %sub3A_3940, %add3A_3943 : vector<16xf32>
      %mul3A_3945 = arith.mulf %div3A_3944, %div3A_3944 : vector<16xf32>
      %mul3A_3946 = arith.constant 0.142857149 : f32
      %mul3A_3947 = vector.broadcast %mul3A_3946 : f32 to vector<16xf32>
      %mul3A_3948 = arith.mulf %mul3A_3945, %mul3A_3947 : vector<16xf32>
      %add3A_3949 = arith.constant 2.000000e-01 : f32
      %add3A_3950 = vector.broadcast %add3A_3949 : f32 to vector<16xf32>
      %add3A_3951 = arith.addf %add3A_3950, %mul3A_3948 : vector<16xf32>
      %mul3A_3952 = arith.mulf %mul3A_3945, %add3A_3951 : vector<16xf32>
      %add3A_3953 = arith.constant 0.333333343 : f32
      %add3A_3954 = vector.broadcast %add3A_3953 : f32 to vector<16xf32>
      %add3A_3955 = arith.addf %add3A_3954, %mul3A_3952 : vector<16xf32>
      %mul3A_3956 = arith.mulf %mul3A_3945, %add3A_3955 : vector<16xf32>
      %add3A_3957 = arith.constant 1.000000e+00 : f32
      %add3A_3958 = vector.broadcast %add3A_3957 : f32 to vector<16xf32>
      %add3A_3959 = arith.addf %add3A_3958, %mul3A_3956 : vector<16xf32>
      %convert_element_type3A_3960 = arith.sitofp %select_n3A_3937 : vector<16xi32> to vector<16xf32>
      %mul3A_3961 = arith.constant 0.693147182 : f32
      %mul3A_3962 = vector.broadcast %mul3A_3961 : f32 to vector<16xf32>
      %mul3A_3963 = arith.mulf %convert_element_type3A_3960, %mul3A_3962 : vector<16xf32>
      %mul3A_3964 = arith.constant 2.000000e+00 : f32
      %mul3A_3965 = vector.broadcast %mul3A_3964 : f32 to vector<16xf32>
      %mul3A_3966 = arith.mulf %mul3A_3965, %div3A_3944 : vector<16xf32>
      %mul3A_3967 = arith.mulf %mul3A_3966, %add3A_3959 : vector<16xf32>
      %add3A_3968 = arith.addf %mul3A_3963, %mul3A_3967 : vector<16xf32>
      %swap3A_3969 = arith.constant 400 : index
      %swap3A_3970 = tpu.vector_load %arg10[%swap3A_3969] {strides = array<i32>} : memref<512xf32, #tpu.memory_space<vmem>>, vector<16xf32>,
      tpu.vector_store %arg10[%swap3A_3969], %add3A_3968 {strides = array<i32>} : memref<512xf32, #tpu.memory_space<vmem>>, vector<16xf32>,
      %get3A_3971 = arith.constant 416 : index
      %get3A_3972 = tpu.vector_load %arg10[%get3A_3971] {strides = array<i32>} : memref<512xf32, #tpu.memory_space<vmem>>, vector<16xf32>,
      %add3A_3973 = arith.constant 9.99999974E-6 : f32
      %add3A_3974 = vector.broadcast %add3A_3973 : f32 to vector<16xf32>
      %add3A_3975 = arith.addf %get3A_3972, %add3A_3974 : vector<16xf32>
      %bitcast_convert_type3A_3976 = tpu.bitcast %add3A_3975 : vector<16xf32> -> vector<16xi32>
      %shift_right_logical3A_3977 = arith.constant 23 : i32
      %shift_right_logical3A_3978 = vector.broadcast %shift_right_logical3A_3977 : i32 to vector<16xi32>
      %shift_right_logical3A_3979 = arith.shrui %bitcast_convert_type3A_3976, %shift_right_logical3A_3978 : vector<16xi32>
      %sub3A_3980 = arith.constant 127 : i32
      %sub3A_3981 = vector.broadcast %sub3A_3980 : i32 to vector<16xi32>
      %sub3A_3982 = arith.subi %shift_right_logical3A_3979, %sub3A_3981 : vector<16xi32>
      %and3A_3983 = arith.constant 8388607 : i32
      %and3A_3984 = vector.broadcast %and3A_3983 : i32 to vector<16xi32>
      %and3A_3985 = arith.andi %bitcast_convert_type3A_3976, %and3A_3984 : vector<16xi32>
      %or3A_3986 = arith.constant 1065353216 : i32
      %or3A_3987 = vector.broadcast %or3A_3986 : i32 to vector<16xi32>
      %or3A_3988 = arith.ori %and3A_3985, %or3A_3987 : vector<16xi32>
      %bitcast_convert_type3A_3989 = tpu.bitcast %or3A_3988 : vector<16xi32> -> vector<16xf32>
      %gt3A_3990 = arith.constant 1.41421354 : f32
      %gt3A_3991 = vector.broadcast %gt3A_3990 : f32 to vector<16xf32>
      %gt3A_3992 = arith.cmpf ogt, %bitcast_convert_type3A_3989, %gt3A_3991 : vector<16xf32>
      %mul3A_3993 = arith.constant 5.000000e-01 : f32
      %mul3A_3994 = vector.broadcast %mul3A_3993 : f32 to vector<16xf32>
      %mul3A_3995 = arith.mulf %bitcast_convert_type3A_3989, %mul3A_3994 : vector<16xf32>
      %select_n3A_3996 = arith.select %gt3A_3992, %mul3A_3995, %bitcast_convert_type3A_3989 : vector<16xi1>, vector<16xf32>
      %add3A_3997 = arith.constant 1 : i32
      %add3A_3998 = vector.broadcast %add3A_3997 : i32 to vector<16xi32>
      %add3A_3999 = arith.addi %sub3A_3982, %add3A_3998 : vector<16xi32>
      %select_n3A_4000 = arith.select %gt3A_3992, %add3A_3999, %sub3A_3982 : vector<16xi1>, vector<16xi32>
      %sub3A_4001 = arith.constant 1.000000e+00 : f32
      %sub3A_4002 = vector.broadcast %sub3A_4001 : f32 to vector<16xf32>
      %sub3A_4003 = arith.subf %select_n3A_3996, %sub3A_4002 : vector<16xf32>
      %add3A_4004 = arith.constant 1.000000e+00 : f32
      %add3A_4005 = vector.broadcast %add3A_4004 : f32 to vector<16xf32>
      %add3A_4006 = arith.addf %select_n3A_3996, %add3A_4005 : vector<16xf32>
      %div3A_4007 = arith.divf %sub3A_4003, %add3A_4006 : vector<16xf32>
      %mul3A_4008 = arith.mulf %div3A_4007, %div3A_4007 : vector<16xf32>
      %mul3A_4009 = arith.constant 0.142857149 : f32
      %mul3A_4010 = vector.broadcast %mul3A_4009 : f32 to vector<16xf32>
      %mul3A_4011 = arith.mulf %mul3A_4008, %mul3A_4010 : vector<16xf32>
      %add3A_4012 = arith.constant 2.000000e-01 : f32
      %add3A_4013 = vector.broadcast %add3A_4012 : f32 to vector<16xf32>
      %add3A_4014 = arith.addf %add3A_4013, %mul3A_4011 : vector<16xf32>
      %mul3A_4015 = arith.mulf %mul3A_4008, %add3A_4014 : vector<16xf32>
      %add3A_4016 = arith.constant 0.333333343 : f32
      %add3A_4017 = vector.broadcast %add3A_4016 : f32 to vector<16xf32>
      %add3A_4018 = arith.addf %add3A_4017, %mul3A_4015 : vector<16xf32>
      %mul3A_4019 = arith.mulf %mul3A_4008, %add3A_4018 : vector<16xf32>
      %add3A_4020 = arith.constant 1.000000e+00 : f32
      %add3A_4021 = vector.broadcast %add3A_4020 : f32 to vector<16xf32>
      %add3A_4022 = arith.addf %add3A_4021, %mul3A_4019 : vector<16xf32>
      %convert_element_type3A_4023 = arith.sitofp %select_n3A_4000 : vector<16xi32> to vector<16xf32>
      %mul3A_4024 = arith.constant 0.693147182 : f32
      %mul3A_4025 = vector.broadcast %mul3A_4024 : f32 to vector<16xf32>
      %mul3A_4026 = arith.mulf %convert_element_type3A_4023, %mul3A_4025 : vector<16xf32>
      %mul3A_4027 = arith.constant 2.000000e+00 : f32
      %mul3A_4028 = vector.broadcast %mul3A_4027 : f32 to vector<16xf32>
      %mul3A_4029 = arith.mulf %mul3A_4028, %div3A_4007 : vector<16xf32>
      %mul3A_4030 = arith.mulf %mul3A_4029, %add3A_4022 : vector<16xf32>
      %add3A_4031 = arith.addf %mul3A_4026, %mul3A_4030 : vector<16xf32>
      %swap3A_4032 = arith.constant 416 : index
      %swap3A_4033 = tpu.vector_load %arg10[%swap3A_4032] {strides = array<i32>} : memref<512xf32, #tpu.memory_space<vmem>>, vector<16xf32>,
      tpu.vector_store %arg10[%swap3A_4032], %add3A_4031 {strides = array<i32>} : memref<512xf32, #tpu.memory_space<vmem>>, vector<16xf32>,
      %get3A_4034 = arith.constant 432 : index
      %get3A_4035 = tpu.vector_load %arg10[%get3A_4034] {strides = array<i32>} : memref<512xf32, #tpu.memory_space<vmem>>, vector<16xf32>,
      %add3A_4036 = arith.constant 9.99999974E-6 : f32
      %add3A_4037 = vector.broadcast %add3A_4036 : f32 to vector<16xf32>
      %add3A_4038 = arith.addf %get3A_4035, %add3A_4037 : vector<16xf32>
      %bitcast_convert_type3A_4039 = tpu.bitcast %add3A_4038 : vector<16xf32> -> vector<16xi32>
      %shift_right_logical3A_4040 = arith.constant 23 : i32
      %shift_right_logical3A_4041 = vector.broadcast %shift_right_logical3A_4040 : i32 to vector<16xi32>
      %shift_right_logical3A_4042 = arith.shrui %bitcast_convert_type3A_4039, %shift_right_logical3A_4041 : vector<16xi32>
      %sub3A_4043 = arith.constant 127 : i32
      %sub3A_4044 = vector.broadcast %sub3A_4043 : i32 to vector<16xi32>
      %sub3A_4045 = arith.subi %shift_right_logical3A_4042, %sub3A_4044 : vector<16xi32>
      %and3A_4046 = arith.constant 8388607 : i32
      %and3A_4047 = vector.broadcast %and3A_4046 : i32 to vector<16xi32>
      %and3A_4048 = arith.andi %bitcast_convert_type3A_4039, %and3A_4047 : vector<16xi32>
      %or3A_4049 = arith.constant 1065353216 : i32
      %or3A_4050 = vector.broadcast %or3A_4049 : i32 to vector<16xi32>
      %or3A_4051 = arith.ori %and3A_4048, %or3A_4050 : vector<16xi32>
      %bitcast_convert_type3A_4052 = tpu.bitcast %or3A_4051 : vector<16xi32> -> vector<16xf32>
      %gt3A_4053 = arith.constant 1.41421354 : f32
      %gt3A_4054 = vector.broadcast %gt3A_4053 : f32 to vector<16xf32>
      %gt3A_4055 = arith.cmpf ogt, %bitcast_convert_type3A_4052, %gt3A_4054 : vector<16xf32>
      %mul3A_4056 = arith.constant 5.000000e-01 : f32
      %mul3A_4057 = vector.broadcast %mul3A_4056 : f32 to vector<16xf32>
      %mul3A_4058 = arith.mulf %bitcast_convert_type3A_4052, %mul3A_4057 : vector<16xf32>
      %select_n3A_4059 = arith.select %gt3A_4055, %mul3A_4058, %bitcast_convert_type3A_4052 : vector<16xi1>, vector<16xf32>
      %add3A_4060 = arith.constant 1 : i32
      %add3A_4061 = vector.broadcast %add3A_4060 : i32 to vector<16xi32>
      %add3A_4062 = arith.addi %sub3A_4045, %add3A_4061 : vector<16xi32>
      %select_n3A_4063 = arith.select %gt3A_4055, %add3A_4062, %sub3A_4045 : vector<16xi1>, vector<16xi32>
      %sub3A_4064 = arith.constant 1.000000e+00 : f32
      %sub3A_4065 = vector.broadcast %sub3A_4064 : f32 to vector<16xf32>
      %sub3A_4066 = arith.subf %select_n3A_4059, %sub3A_4065 : vector<16xf32>
      %add3A_4067 = arith.constant 1.000000e+00 : f32
      %add3A_4068 = vector.broadcast %add3A_4067 : f32 to vector<16xf32>
      %add3A_4069 = arith.addf %select_n3A_4059, %add3A_4068 : vector<16xf32>
      %div3A_4070 = arith.divf %sub3A_4066, %add3A_4069 : vector<16xf32>
      %mul3A_4071 = arith.mulf %div3A_4070, %div3A_4070 : vector<16xf32>
      %mul3A_4072 = arith.constant 0.142857149 : f32
      %mul3A_4073 = vector.broadcast %mul3A_4072 : f32 to vector<16xf32>
      %mul3A_4074 = arith.mulf %mul3A_4071, %mul3A_4073 : vector<16xf32>
      %add3A_4075 = arith.constant 2.000000e-01 : f32
      %add3A_4076 = vector.broadcast %add3A_4075 : f32 to vector<16xf32>
      %add3A_4077 = arith.addf %add3A_4076, %mul3A_4074 : vector<16xf32>
      %mul3A_4078 = arith.mulf %mul3A_4071, %add3A_4077 : vector<16xf32>
      %add3A_4079 = arith.constant 0.333333343 : f32
      %add3A_4080 = vector.broadcast %add3A_4079 : f32 to vector<16xf32>
      %add3A_4081 = arith.addf %add3A_4080, %mul3A_4078 : vector<16xf32>
      %mul3A_4082 = arith.mulf %mul3A_4071, %add3A_4081 : vector<16xf32>
      %add3A_4083 = arith.constant 1.000000e+00 : f32
      %add3A_4084 = vector.broadcast %add3A_4083 : f32 to vector<16xf32>
      %add3A_4085 = arith.addf %add3A_4084, %mul3A_4082 : vector<16xf32>
      %convert_element_type3A_4086 = arith.sitofp %select_n3A_4063 : vector<16xi32> to vector<16xf32>
      %mul3A_4087 = arith.constant 0.693147182 : f32
      %mul3A_4088 = vector.broadcast %mul3A_4087 : f32 to vector<16xf32>
      %mul3A_4089 = arith.mulf %convert_element_type3A_4086, %mul3A_4088 : vector<16xf32>
      %mul3A_4090 = arith.constant 2.000000e+00 : f32
      %mul3A_4091 = vector.broadcast %mul3A_4090 : f32 to vector<16xf32>
      %mul3A_4092 = arith.mulf %mul3A_4091, %div3A_4070 : vector<16xf32>
      %mul3A_4093 = arith.mulf %mul3A_4092, %add3A_4085 : vector<16xf32>
      %add3A_4094 = arith.addf %mul3A_4089, %mul3A_4093 : vector<16xf32>
      %swap3A_4095 = arith.constant 432 : index
      %swap3A_4096 = tpu.vector_load %arg10[%swap3A_4095] {strides = array<i32>} : memref<512xf32, #tpu.memory_space<vmem>>, vector<16xf32>,
      tpu.vector_store %arg10[%swap3A_4095], %add3A_4094 {strides = array<i32>} : memref<512xf32, #tpu.memory_space<vmem>>, vector<16xf32>,
      %get3A_4097 = arith.constant 448 : index
      %get3A_4098 = tpu.vector_load %arg10[%get3A_4097] {strides = array<i32>} : memref<512xf32, #tpu.memory_space<vmem>>, vector<16xf32>,
      %add3A_4099 = arith.constant 9.99999974E-6 : f32
      %add3A_4100 = vector.broadcast %add3A_4099 : f32 to vector<16xf32>
      %add3A_4101 = arith.addf %get3A_4098, %add3A_4100 : vector<16xf32>
      %bitcast_convert_type3A_4102 = tpu.bitcast %add3A_4101 : vector<16xf32> -> vector<16xi32>
      %shift_right_logical3A_4103 = arith.constant 23 : i32
      %shift_right_logical3A_4104 = vector.broadcast %shift_right_logical3A_4103 : i32 to vector<16xi32>
      %shift_right_logical3A_4105 = arith.shrui %bitcast_convert_type3A_4102, %shift_right_logical3A_4104 : vector<16xi32>
      %sub3A_4106 = arith.constant 127 : i32
      %sub3A_4107 = vector.broadcast %sub3A_4106 : i32 to vector<16xi32>
      %sub3A_4108 = arith.subi %shift_right_logical3A_4105, %sub3A_4107 : vector<16xi32>
      %and3A_4109 = arith.constant 8388607 : i32
      %and3A_4110 = vector.broadcast %and3A_4109 : i32 to vector<16xi32>
      %and3A_4111 = arith.andi %bitcast_convert_type3A_4102, %and3A_4110 : vector<16xi32>
      %or3A_4112 = arith.constant 1065353216 : i32
      %or3A_4113 = vector.broadcast %or3A_4112 : i32 to vector<16xi32>
      %or3A_4114 = arith.ori %and3A_4111, %or3A_4113 : vector<16xi32>
      %bitcast_convert_type3A_4115 = tpu.bitcast %or3A_4114 : vector<16xi32> -> vector<16xf32>
      %gt3A_4116 = arith.constant 1.41421354 : f32
      %gt3A_4117 = vector.broadcast %gt3A_4116 : f32 to vector<16xf32>
      %gt3A_4118 = arith.cmpf ogt, %bitcast_convert_type3A_4115, %gt3A_4117 : vector<16xf32>
      %mul3A_4119 = arith.constant 5.000000e-01 : f32
      %mul3A_4120 = vector.broadcast %mul3A_4119 : f32 to vector<16xf32>
      %mul3A_4121 = arith.mulf %bitcast_convert_type3A_4115, %mul3A_4120 : vector<16xf32>
      %select_n3A_4122 = arith.select %gt3A_4118, %mul3A_4121, %bitcast_convert_type3A_4115 : vector<16xi1>, vector<16xf32>
      %add3A_4123 = arith.constant 1 : i32
      %add3A_4124 = vector.broadcast %add3A_4123 : i32 to vector<16xi32>
      %add3A_4125 = arith.addi %sub3A_4108, %add3A_4124 : vector<16xi32>
      %select_n3A_4126 = arith.select %gt3A_4118, %add3A_4125, %sub3A_4108 : vector<16xi1>, vector<16xi32>
      %sub3A_4127 = arith.constant 1.000000e+00 : f32
      %sub3A_4128 = vector.broadcast %sub3A_4127 : f32 to vector<16xf32>
      %sub3A_4129 = arith.subf %select_n3A_4122, %sub3A_4128 : vector<16xf32>
      %add3A_4130 = arith.constant 1.000000e+00 : f32
      %add3A_4131 = vector.broadcast %add3A_4130 : f32 to vector<16xf32>
      %add3A_4132 = arith.addf %select_n3A_4122, %add3A_4131 : vector<16xf32>
      %div3A_4133 = arith.divf %sub3A_4129, %add3A_4132 : vector<16xf32>
      %mul3A_4134 = arith.mulf %div3A_4133, %div3A_4133 : vector<16xf32>
      %mul3A_4135 = arith.constant 0.142857149 : f32
      %mul3A_4136 = vector.broadcast %mul3A_4135 : f32 to vector<16xf32>
      %mul3A_4137 = arith.mulf %mul3A_4134, %mul3A_4136 : vector<16xf32>
      %add3A_4138 = arith.constant 2.000000e-01 : f32
      %add3A_4139 = vector.broadcast %add3A_4138 : f32 to vector<16xf32>
      %add3A_4140 = arith.addf %add3A_4139, %mul3A_4137 : vector<16xf32>
      %mul3A_4141 = arith.mulf %mul3A_4134, %add3A_4140 : vector<16xf32>
      %add3A_4142 = arith.constant 0.333333343 : f32
      %add3A_4143 = vector.broadcast %add3A_4142 : f32 to vector<16xf32>
      %add3A_4144 = arith.addf %add3A_4143, %mul3A_4141 : vector<16xf32>
      %mul3A_4145 = arith.mulf %mul3A_4134, %add3A_4144 : vector<16xf32>
      %add3A_4146 = arith.constant 1.000000e+00 : f32
      %add3A_4147 = vector.broadcast %add3A_4146 : f32 to vector<16xf32>
      %add3A_4148 = arith.addf %add3A_4147, %mul3A_4145 : vector<16xf32>
      %convert_element_type3A_4149 = arith.sitofp %select_n3A_4126 : vector<16xi32> to vector<16xf32>
      %mul3A_4150 = arith.constant 0.693147182 : f32
      %mul3A_4151 = vector.broadcast %mul3A_4150 : f32 to vector<16xf32>
      %mul3A_4152 = arith.mulf %convert_element_type3A_4149, %mul3A_4151 : vector<16xf32>
      %mul3A_4153 = arith.constant 2.000000e+00 : f32
      %mul3A_4154 = vector.broadcast %mul3A_4153 : f32 to vector<16xf32>
      %mul3A_4155 = arith.mulf %mul3A_4154, %div3A_4133 : vector<16xf32>
      %mul3A_4156 = arith.mulf %mul3A_4155, %add3A_4148 : vector<16xf32>
      %add3A_4157 = arith.addf %mul3A_4152, %mul3A_4156 : vector<16xf32>
      %swap3A_4158 = arith.constant 448 : index
      %swap3A_4159 = tpu.vector_load %arg10[%swap3A_4158] {strides = array<i32>} : memref<512xf32, #tpu.memory_space<vmem>>, vector<16xf32>,
      tpu.vector_store %arg10[%swap3A_4158], %add3A_4157 {strides = array<i32>} : memref<512xf32, #tpu.memory_space<vmem>>, vector<16xf32>,
      %get3A_4160 = arith.constant 464 : index
      %get3A_4161 = tpu.vector_load %arg10[%get3A_4160] {strides = array<i32>} : memref<512xf32, #tpu.memory_space<vmem>>, vector<16xf32>,
      %add3A_4162 = arith.constant 9.99999974E-6 : f32
      %add3A_4163 = vector.broadcast %add3A_4162 : f32 to vector<16xf32>
      %add3A_4164 = arith.addf %get3A_4161, %add3A_4163 : vector<16xf32>
      %bitcast_convert_type3A_4165 = tpu.bitcast %add3A_4164 : vector<16xf32> -> vector<16xi32>
      %shift_right_logical3A_4166 = arith.constant 23 : i32
      %shift_right_logical3A_4167 = vector.broadcast %shift_right_logical3A_4166 : i32 to vector<16xi32>
      %shift_right_logical3A_4168 = arith.shrui %bitcast_convert_type3A_4165, %shift_right_logical3A_4167 : vector<16xi32>
      %sub3A_4169 = arith.constant 127 : i32
      %sub3A_4170 = vector.broadcast %sub3A_4169 : i32 to vector<16xi32>
      %sub3A_4171 = arith.subi %shift_right_logical3A_4168, %sub3A_4170 : vector<16xi32>
      %and3A_4172 = arith.constant 8388607 : i32
      %and3A_4173 = vector.broadcast %and3A_4172 : i32 to vector<16xi32>
      %and3A_4174 = arith.andi %bitcast_convert_type3A_4165, %and3A_4173 : vector<16xi32>
      %or3A_4175 = arith.constant 1065353216 : i32
      %or3A_4176 = vector.broadcast %or3A_4175 : i32 to vector<16xi32>
      %or3A_4177 = arith.ori %and3A_4174, %or3A_4176 : vector<16xi32>
      %bitcast_convert_type3A_4178 = tpu.bitcast %or3A_4177 : vector<16xi32> -> vector<16xf32>
      %gt3A_4179 = arith.constant 1.41421354 : f32
      %gt3A_4180 = vector.broadcast %gt3A_4179 : f32 to vector<16xf32>
      %gt3A_4181 = arith.cmpf ogt, %bitcast_convert_type3A_4178, %gt3A_4180 : vector<16xf32>
      %mul3A_4182 = arith.constant 5.000000e-01 : f32
      %mul3A_4183 = vector.broadcast %mul3A_4182 : f32 to vector<16xf32>
      %mul3A_4184 = arith.mulf %bitcast_convert_type3A_4178, %mul3A_4183 : vector<16xf32>
      %select_n3A_4185 = arith.select %gt3A_4181, %mul3A_4184, %bitcast_convert_type3A_4178 : vector<16xi1>, vector<16xf32>
      %add3A_4186 = arith.constant 1 : i32
      %add3A_4187 = vector.broadcast %add3A_4186 : i32 to vector<16xi32>
      %add3A_4188 = arith.addi %sub3A_4171, %add3A_4187 : vector<16xi32>
      %select_n3A_4189 = arith.select %gt3A_4181, %add3A_4188, %sub3A_4171 : vector<16xi1>, vector<16xi32>
      %sub3A_4190 = arith.constant 1.000000e+00 : f32
      %sub3A_4191 = vector.broadcast %sub3A_4190 : f32 to vector<16xf32>
      %sub3A_4192 = arith.subf %select_n3A_4185, %sub3A_4191 : vector<16xf32>
      %add3A_4193 = arith.constant 1.000000e+00 : f32
      %add3A_4194 = vector.broadcast %add3A_4193 : f32 to vector<16xf32>
      %add3A_4195 = arith.addf %select_n3A_4185, %add3A_4194 : vector<16xf32>
      %div3A_4196 = arith.divf %sub3A_4192, %add3A_4195 : vector<16xf32>
      %mul3A_4197 = arith.mulf %div3A_4196, %div3A_4196 : vector<16xf32>
      %mul3A_4198 = arith.constant 0.142857149 : f32
      %mul3A_4199 = vector.broadcast %mul3A_4198 : f32 to vector<16xf32>
      %mul3A_4200 = arith.mulf %mul3A_4197, %mul3A_4199 : vector<16xf32>
      %add3A_4201 = arith.constant 2.000000e-01 : f32
      %add3A_4202 = vector.broadcast %add3A_4201 : f32 to vector<16xf32>
      %add3A_4203 = arith.addf %add3A_4202, %mul3A_4200 : vector<16xf32>
      %mul3A_4204 = arith.mulf %mul3A_4197, %add3A_4203 : vector<16xf32>
      %add3A_4205 = arith.constant 0.333333343 : f32
      %add3A_4206 = vector.broadcast %add3A_4205 : f32 to vector<16xf32>
      %add3A_4207 = arith.addf %add3A_4206, %mul3A_4204 : vector<16xf32>
      %mul3A_4208 = arith.mulf %mul3A_4197, %add3A_4207 : vector<16xf32>
      %add3A_4209 = arith.constant 1.000000e+00 : f32
      %add3A_4210 = vector.broadcast %add3A_4209 : f32 to vector<16xf32>
      %add3A_4211 = arith.addf %add3A_4210, %mul3A_4208 : vector<16xf32>
      %convert_element_type3A_4212 = arith.sitofp %select_n3A_4189 : vector<16xi32> to vector<16xf32>
      %mul3A_4213 = arith.constant 0.693147182 : f32
      %mul3A_4214 = vector.broadcast %mul3A_4213 : f32 to vector<16xf32>
      %mul3A_4215 = arith.mulf %convert_element_type3A_4212, %mul3A_4214 : vector<16xf32>
      %mul3A_4216 = arith.constant 2.000000e+00 : f32
      %mul3A_4217 = vector.broadcast %mul3A_4216 : f32 to vector<16xf32>
      %mul3A_4218 = arith.mulf %mul3A_4217, %div3A_4196 : vector<16xf32>
      %mul3A_4219 = arith.mulf %mul3A_4218, %add3A_4211 : vector<16xf32>
      %add3A_4220 = arith.addf %mul3A_4215, %mul3A_4219 : vector<16xf32>
      %swap3A_4221 = arith.constant 464 : index
      %swap3A_4222 = tpu.vector_load %arg10[%swap3A_4221] {strides = array<i32>} : memref<512xf32, #tpu.memory_space<vmem>>, vector<16xf32>,
      tpu.vector_store %arg10[%swap3A_4221], %add3A_4220 {strides = array<i32>} : memref<512xf32, #tpu.memory_space<vmem>>, vector<16xf32>,
      %get3A_4223 = arith.constant 480 : index
      %get3A_4224 = tpu.vector_load %arg10[%get3A_4223] {strides = array<i32>} : memref<512xf32, #tpu.memory_space<vmem>>, vector<16xf32>,
      %add3A_4225 = arith.constant 9.99999974E-6 : f32
      %add3A_4226 = vector.broadcast %add3A_4225 : f32 to vector<16xf32>
      %add3A_4227 = arith.addf %get3A_4224, %add3A_4226 : vector<16xf32>
      %bitcast_convert_type3A_4228 = tpu.bitcast %add3A_4227 : vector<16xf32> -> vector<16xi32>
      %shift_right_logical3A_4229 = arith.constant 23 : i32
      %shift_right_logical3A_4230 = vector.broadcast %shift_right_logical3A_4229 : i32 to vector<16xi32>
      %shift_right_logical3A_4231 = arith.shrui %bitcast_convert_type3A_4228, %shift_right_logical3A_4230 : vector<16xi32>
      %sub3A_4232 = arith.constant 127 : i32
      %sub3A_4233 = vector.broadcast %sub3A_4232 : i32 to vector<16xi32>
      %sub3A_4234 = arith.subi %shift_right_logical3A_4231, %sub3A_4233 : vector<16xi32>
      %and3A_4235 = arith.constant 8388607 : i32
      %and3A_4236 = vector.broadcast %and3A_4235 : i32 to vector<16xi32>
      %and3A_4237 = arith.andi %bitcast_convert_type3A_4228, %and3A_4236 : vector<16xi32>
      %or3A_4238 = arith.constant 1065353216 : i32
      %or3A_4239 = vector.broadcast %or3A_4238 : i32 to vector<16xi32>
      %or3A_4240 = arith.ori %and3A_4237, %or3A_4239 : vector<16xi32>
      %bitcast_convert_type3A_4241 = tpu.bitcast %or3A_4240 : vector<16xi32> -> vector<16xf32>
      %gt3A_4242 = arith.constant 1.41421354 : f32
      %gt3A_4243 = vector.broadcast %gt3A_4242 : f32 to vector<16xf32>
      %gt3A_4244 = arith.cmpf ogt, %bitcast_convert_type3A_4241, %gt3A_4243 : vector<16xf32>
      %mul3A_4245 = arith.constant 5.000000e-01 : f32
      %mul3A_4246 = vector.broadcast %mul3A_4245 : f32 to vector<16xf32>
      %mul3A_4247 = arith.mulf %bitcast_convert_type3A_4241, %mul3A_4246 : vector<16xf32>
      %select_n3A_4248 = arith.select %gt3A_4244, %mul3A_4247, %bitcast_convert_type3A_4241 : vector<16xi1>, vector<16xf32>
      %add3A_4249 = arith.constant 1 : i32
      %add3A_4250 = vector.broadcast %add3A_4249 : i32 to vector<16xi32>
      %add3A_4251 = arith.addi %sub3A_4234, %add3A_4250 : vector<16xi32>
      %select_n3A_4252 = arith.select %gt3A_4244, %add3A_4251, %sub3A_4234 : vector<16xi1>, vector<16xi32>
      %sub3A_4253 = arith.constant 1.000000e+00 : f32
      %sub3A_4254 = vector.broadcast %sub3A_4253 : f32 to vector<16xf32>
      %sub3A_4255 = arith.subf %select_n3A_4248, %sub3A_4254 : vector<16xf32>
      %add3A_4256 = arith.constant 1.000000e+00 : f32
      %add3A_4257 = vector.broadcast %add3A_4256 : f32 to vector<16xf32>
      %add3A_4258 = arith.addf %select_n3A_4248, %add3A_4257 : vector<16xf32>
      %div3A_4259 = arith.divf %sub3A_4255, %add3A_4258 : vector<16xf32>
      %mul3A_4260 = arith.mulf %div3A_4259, %div3A_4259 : vector<16xf32>
      %mul3A_4261 = arith.constant 0.142857149 : f32
      %mul3A_4262 = vector.broadcast %mul3A_4261 : f32 to vector<16xf32>
      %mul3A_4263 = arith.mulf %mul3A_4260, %mul3A_4262 : vector<16xf32>
      %add3A_4264 = arith.constant 2.000000e-01 : f32
      %add3A_4265 = vector.broadcast %add3A_4264 : f32 to vector<16xf32>
      %add3A_4266 = arith.addf %add3A_4265, %mul3A_4263 : vector<16xf32>
      %mul3A_4267 = arith.mulf %mul3A_4260, %add3A_4266 : vector<16xf32>
      %add3A_4268 = arith.constant 0.333333343 : f32
      %add3A_4269 = vector.broadcast %add3A_4268 : f32 to vector<16xf32>
      %add3A_4270 = arith.addf %add3A_4269, %mul3A_4267 : vector<16xf32>
      %mul3A_4271 = arith.mulf %mul3A_4260, %add3A_4270 : vector<16xf32>
      %add3A_4272 = arith.constant 1.000000e+00 : f32
      %add3A_4273 = vector.broadcast %add3A_4272 : f32 to vector<16xf32>
      %add3A_4274 = arith.addf %add3A_4273, %mul3A_4271 : vector<16xf32>
      %convert_element_type3A_4275 = arith.sitofp %select_n3A_4252 : vector<16xi32> to vector<16xf32>
      %mul3A_4276 = arith.constant 0.693147182 : f32
      %mul3A_4277 = vector.broadcast %mul3A_4276 : f32 to vector<16xf32>
      %mul3A_4278 = arith.mulf %convert_element_type3A_4275, %mul3A_4277 : vector<16xf32>
      %mul3A_4279 = arith.constant 2.000000e+00 : f32
      %mul3A_4280 = vector.broadcast %mul3A_4279 : f32 to vector<16xf32>
      %mul3A_4281 = arith.mulf %mul3A_4280, %div3A_4259 : vector<16xf32>
      %mul3A_4282 = arith.mulf %mul3A_4281, %add3A_4274 : vector<16xf32>
      %add3A_4283 = arith.addf %mul3A_4278, %mul3A_4282 : vector<16xf32>
      %swap3A_4284 = arith.constant 480 : index
      %swap3A_4285 = tpu.vector_load %arg10[%swap3A_4284] {strides = array<i32>} : memref<512xf32, #tpu.memory_space<vmem>>, vector<16xf32>,
      tpu.vector_store %arg10[%swap3A_4284], %add3A_4283 {strides = array<i32>} : memref<512xf32, #tpu.memory_space<vmem>>, vector<16xf32>,
      %get3A_4286 = arith.constant 496 : index
      %get3A_4287 = tpu.vector_load %arg10[%get3A_4286] {strides = array<i32>} : memref<512xf32, #tpu.memory_space<vmem>>, vector<16xf32>,
      %add3A_4288 = arith.constant 9.99999974E-6 : f32
      %add3A_4289 = vector.broadcast %add3A_4288 : f32 to vector<16xf32>
      %add3A_4290 = arith.addf %get3A_4287, %add3A_4289 : vector<16xf32>
      %bitcast_convert_type3A_4291 = tpu.bitcast %add3A_4290 : vector<16xf32> -> vector<16xi32>
      %shift_right_logical3A_4292 = arith.constant 23 : i32
      %shift_right_logical3A_4293 = vector.broadcast %shift_right_logical3A_4292 : i32 to vector<16xi32>
      %shift_right_logical3A_4294 = arith.shrui %bitcast_convert_type3A_4291, %shift_right_logical3A_4293 : vector<16xi32>
      %sub3A_4295 = arith.constant 127 : i32
      %sub3A_4296 = vector.broadcast %sub3A_4295 : i32 to vector<16xi32>
      %sub3A_4297 = arith.subi %shift_right_logical3A_4294, %sub3A_4296 : vector<16xi32>
      %and3A_4298 = arith.constant 8388607 : i32
      %and3A_4299 = vector.broadcast %and3A_4298 : i32 to vector<16xi32>
      %and3A_4300 = arith.andi %bitcast_convert_type3A_4291, %and3A_4299 : vector<16xi32>
      %or3A_4301 = arith.constant 1065353216 : i32
      %or3A_4302 = vector.broadcast %or3A_4301 : i32 to vector<16xi32>
      %or3A_4303 = arith.ori %and3A_4300, %or3A_4302 : vector<16xi32>
      %bitcast_convert_type3A_4304 = tpu.bitcast %or3A_4303 : vector<16xi32> -> vector<16xf32>
      %gt3A_4305 = arith.constant 1.41421354 : f32
      %gt3A_4306 = vector.broadcast %gt3A_4305 : f32 to vector<16xf32>
      %gt3A_4307 = arith.cmpf ogt, %bitcast_convert_type3A_4304, %gt3A_4306 : vector<16xf32>
      %mul3A_4308 = arith.constant 5.000000e-01 : f32
      %mul3A_4309 = vector.broadcast %mul3A_4308 : f32 to vector<16xf32>
      %mul3A_4310 = arith.mulf %bitcast_convert_type3A_4304, %mul3A_4309 : vector<16xf32>
      %select_n3A_4311 = arith.select %gt3A_4307, %mul3A_4310, %bitcast_convert_type3A_4304 : vector<16xi1>, vector<16xf32>
      %add3A_4312 = arith.constant 1 : i32
      %add3A_4313 = vector.broadcast %add3A_4312 : i32 to vector<16xi32>
      %add3A_4314 = arith.addi %sub3A_4297, %add3A_4313 : vector<16xi32>
      %select_n3A_4315 = arith.select %gt3A_4307, %add3A_4314, %sub3A_4297 : vector<16xi1>, vector<16xi32>
      %sub3A_4316 = arith.constant 1.000000e+00 : f32
      %sub3A_4317 = vector.broadcast %sub3A_4316 : f32 to vector<16xf32>
      %sub3A_4318 = arith.subf %select_n3A_4311, %sub3A_4317 : vector<16xf32>
      %add3A_4319 = arith.constant 1.000000e+00 : f32
      %add3A_4320 = vector.broadcast %add3A_4319 : f32 to vector<16xf32>
      %add3A_4321 = arith.addf %select_n3A_4311, %add3A_4320 : vector<16xf32>
      %div3A_4322 = arith.divf %sub3A_4318, %add3A_4321 : vector<16xf32>
      %mul3A_4323 = arith.mulf %div3A_4322, %div3A_4322 : vector<16xf32>
      %mul3A_4324 = arith.constant 0.142857149 : f32
      %mul3A_4325 = vector.broadcast %mul3A_4324 : f32 to vector<16xf32>
      %mul3A_4326 = arith.mulf %mul3A_4323, %mul3A_4325 : vector<16xf32>
      %add3A_4327 = arith.constant 2.000000e-01 : f32
      %add3A_4328 = vector.broadcast %add3A_4327 : f32 to vector<16xf32>
      %add3A_4329 = arith.addf %add3A_4328, %mul3A_4326 : vector<16xf32>
      %mul3A_4330 = arith.mulf %mul3A_4323, %add3A_4329 : vector<16xf32>
      %add3A_4331 = arith.constant 0.333333343 : f32
      %add3A_4332 = vector.broadcast %add3A_4331 : f32 to vector<16xf32>
      %add3A_4333 = arith.addf %add3A_4332, %mul3A_4330 : vector<16xf32>
      %mul3A_4334 = arith.mulf %mul3A_4323, %add3A_4333 : vector<16xf32>
      %add3A_4335 = arith.constant 1.000000e+00 : f32
      %add3A_4336 = vector.broadcast %add3A_4335 : f32 to vector<16xf32>
      %add3A_4337 = arith.addf %add3A_4336, %mul3A_4334 : vector<16xf32>
      %convert_element_type3A_4338 = arith.sitofp %select_n3A_4315 : vector<16xi32> to vector<16xf32>
      %mul3A_4339 = arith.constant 0.693147182 : f32
      %mul3A_4340 = vector.broadcast %mul3A_4339 : f32 to vector<16xf32>
      %mul3A_4341 = arith.mulf %convert_element_type3A_4338, %mul3A_4340 : vector<16xf32>
      %mul3A_4342 = arith.constant 2.000000e+00 : f32
      %mul3A_4343 = vector.broadcast %mul3A_4342 : f32 to vector<16xf32>
      %mul3A_4344 = arith.mulf %mul3A_4343, %div3A_4322 : vector<16xf32>
      %mul3A_4345 = arith.mulf %mul3A_4344, %add3A_4337 : vector<16xf32>
      %add3A_4346 = arith.addf %mul3A_4341, %mul3A_4345 : vector<16xf32>
      %swap3A_4347 = arith.constant 496 : index
      %swap3A_4348 = tpu.vector_load %arg10[%swap3A_4347] {strides = array<i32>} : memref<512xf32, #tpu.memory_space<vmem>>, vector<16xf32>,
      tpu.vector_store %arg10[%swap3A_4347], %add3A_4346 {strides = array<i32>} : memref<512xf32, #tpu.memory_space<vmem>>, vector<16xf32>,
      %mul3A_4349 = arith.constant 16 : i32
      %mul3A_4350 = arith.muli %add3A_2195, %mul3A_4349 : i32
      %add3A_4351 = arith.addi %mul3A_13, %mul3A_4350 : i32
      %mul3A_4352 = arith.constant 32 : i32
      %mul3A_4353 = arith.muli %add3A_4351, %mul3A_4352 : i32
      "tpu.region"() ({
        %run_scoped3A = tpu.sem_alloc : memref<!tpu.dma_semaphore, #tpu.memory_space<semaphore_mem>>
        %dma_start3A_4354 = tpu.memref_slice %arg5[%mul3A_4353] : memref<262144xf32, #tpu.memory_space<hbm>> -> memref<512xf32, #tpu.memory_space<hbm>>
        %dma_start3A_4355 = tpu.memref_slice %arg5[%mul3A_4353] : memref<262144xf32, #tpu.memory_space<hbm>> -> memref<512xf32, #tpu.memory_space<hbm>>
        tpu.enqueue_dma source(%arg10 : memref<512xf32, #tpu.memory_space<vmem>>) target(%dma_start3A_4355 : memref<512xf32, #tpu.memory_space<hbm>>) target_semaphore(%run_scoped3A : memref<!tpu.dma_semaphore, #tpu.memory_space<semaphore_mem>>)
        %dma_wait3A_4356 = tpu.memref_slice %arg5[%mul3A_4353] : memref<262144xf32, #tpu.memory_space<hbm>> -> memref<512xf32, #tpu.memory_space<hbm>>
        %dma_wait3A_4357 = tpu.memref_slice %arg5[%mul3A_4353] : memref<262144xf32, #tpu.memory_space<hbm>> -> memref<512xf32, #tpu.memory_space<hbm>>
        tpu.wait_dma2 semaphore(%run_scoped3A : memref<!tpu.dma_semaphore, #tpu.memory_space<semaphore_mem>>) src(%arg10 : memref<512xf32, #tpu.memory_space<vmem>>) dst(%dma_wait3A_4357 : memref<512xf32, #tpu.memory_space<hbm>>)
        tpu.yield
      }) : () -> ()
    }
    %scan3A_48 = arith.constant 8 : i32
    return
  }
}

</mosaic_0001>

<sc_bundles>
// kernel: kernel.3.cloned.1.call-start
scs
__scs_entry_jumppad:
0x0: {  	(pc) =	sbr.rel $0x88, $3  }
0x1: {  	(tag) =	ssettag $0x0;
	lr =	simm.s32 $0x1  }
0x2: {  	[smem:$0x3F9E] =	sst lr;
	_ =	strace $0xD0000000  }
0x3: {  	_ = 	snop  }
0x4: {  	_ = 	snop  }
0x5: {  	_ = 	snop  }
0x6: {  	_ = 	snop  }
0x7: {  	_ = 	snop  }
__scs_overlays_trampoline_lowered:
0x8: {  	[smem:$0x3FAD] =	sst s0  }
0x9: {  	[smem:$0x3FAE] =	sst s1  }
0xa: {  	[smem:$0x3FAF] =	sst s2  }
0xb: {  	[smem:$0x3FB0] =	sst s3  }
0xc: {  	[smem:$0x3FB1] =	sst s4  }
0xd: {  	[smem:$0x3FB2] =	sst s5  }
0xe: {  	[smem:$0x3FB3] =	sst s6  }
0xf: {  	[smem:$0x3FB4] =	sst s7  }
0x10: {  	[smem:$0x3FB5] =	sst s8  }
0x11: {  	[smem:$0x3FB6] =	sst s9;
	s0 =	simm.s32 @!p0 $0x0  }
0x12: {  	s1 =	sld [smem:$0x3F9C];
	s0 =	simm.s32 @p0 $0x1  }
0x13: {  	[smem:$0x3FB7] =	sst s0;
	s0 =	simm.s32 @!p1 $0x0  }
0x14: {  	s2 =	sld [smem:$0x3F9B];
	s0 =	simm.s32 @p1 $0x1  }
0x15: {  	[smem:$0x3FB8] =	sst s0;
	s0 =	simm.s32 @!p2 $0x0  }
0x16: {  	s3 =	sld [smem:$0x3FDB];
	s0 =	simm.s32 @p2 $0x1  }
0x17: {  	s4 =	simm.s32 $0x1BF5;
	[smem:$0x3FBA] =	sst s0  }
0x18: {  	s0 =	sld [smem:$0x3F9D];
	_ =	swait.ge [sflag:s4], $0x0  }
0x19: {  	s7 =	sld [smem:$0x3F9E]  }
0x1a: {  	s8 =	sadd.s32 $0xFFFFE003, lr  }
0x1b: {  	s9 =	sadd.s32 $0xFFFFFEF7, lr;
	s5 =	simm.s32 $0xFFFFFFFF;
	p2 =	slt.u32 s8, $0xFFFFF086  }
0x1c: {  	p1 =	slt.u32 s9, $0xF7A;
	s5 =	simm.s32 @!p2 $0x0  }
0x1d: {  	s5 =	simm.s32 @p1 $0x1;
	p0 =	seq.s32 s7, s2  }
0x1e: {  	s7 =	smul.u32 @!p0 $0xF7A, s2;
	p2 =	seq.s32 @!p0 s5, $0x0  }
0x1f: {  	s9 =	smul.u32 $0xF7A, s1;
	s8 =	simm.s32 @!p0 $0x1BF5;
	p2 =	por !p2, p0  }
0x20: {  	[sflag:s8] =	ssyncset.s32 @!p0 $0xFFFFF086;
	s6 =	sadd.s32 @!p0 s3, s7;
	s7 =	simm.s32 @!p0 $0x108  }
0x21: {  	s3 =	sadd.s32 s3, s9;
	s6 =	sadd.s32 @!p0 $0x88, s6;
	s7 =	simm.s32 @p2 $0x1082  }
0x22: {  	[simem:s7], [sflag:s8] =	dma.local @!p0 [hbm:s6], $0xF7A  }
0x23: {  	s9 =	sor.u32 $0xD0000000, s2;
	s6 =	simm.s32 $0x108;
	_ =	swait.ge @!p0 [sflag:s8], $0x0  }
0x24: {  	s3 =	sadd.s32 $0x88, s3;
	s6 =	simm.s32 @!p1 $0x1082;
	[sflag:s4] =	ssyncset.s32 $0xFFFFF086  }
0x25: {  	[simem:s6], [sflag:s4] =	dma.local [hbm:s3], $0xF7A  }
0x26: {  	[smem:$0x3F9E] =	sst s1;
	(tag) =	ssettag s2;
	_ =	strace s9  }
0x27: {  	s1 =	sld [smem:$0x3FAE]  }
0x28: {  	s2 =	sld [smem:$0x3FAF]  }
0x29: {  	s4 =	sld [smem:$0x3FB1]  }
0x2a: {  	p0 =	seq.s32 s5, $0x0;
	s5 =	sld [smem:$0x3FB2]  }
0x2b: {  	s6 =	sld [smem:$0x3FB3]  }
0x2c: {  	s7 =	sld [smem:$0x3FB4]  }
0x2d: {  	s3 =	simm.s32 $0x108;
	s8 =	sld [smem:$0x3FB5]  }
0x2e: {  	s3 =	simm.s32 @!p0 $0x1082;
	s9 =	sld [smem:$0x3FB6]  }
0x2f: {  	lr =	sadd.s32 s0, s3;
	s0 =	sld [smem:$0x3FAD]  }
0x30: {  	s3 =	sld [smem:$0x3FB0]  }
0x31: {  	[smem:$0x3FB9] =	sst s10  }
0x32: {  	s10 =	sld [smem:$0x3FB7];
	_ =	sdelay $0x3  }
0x33: {  	p0 =	seq.s32 s10, $0x1;
	s10 =	sld [smem:$0x3FB9];
	_ =	sdelay $0x3  }
0x34: {  	[smem:$0x3FB9] =	sst s10  }
0x35: {  	s10 =	sld [smem:$0x3FB8];
	_ =	sdelay $0x3  }
0x36: {  	p1 =	seq.s32 s10, $0x1;
	s10 =	sld [smem:$0x3FB9];
	_ =	sdelay $0x3  }
0x37: {  	[smem:$0x3FB9] =	sst s10  }
0x38: {  	s10 =	sld [smem:$0x3FBA]  }
0x39: {  	_ = 	snop;
	(pc) =	sbr.ind lr, $3  }
0x3a: {  	_ = 	snop  }
0x3b: {  	_ = 	snop  }
0x3c: {  	p2 =	seq.s32 s10, $0x1;
	s10 =	sld [smem:$0x3FB9]  }
0x3d: {  	_ =	shalt  }
0x3e: {  	_ =	shalt  }
0x3f: {  	_ =	shalt  }
0x40: {  	_ =	shalt  }
0x41: {  	_ =	shalt  }
0x42: {  	_ =	shalt  }
0x43: {  	_ =	shalt  }
0x44: {  	_ =	shalt  }
0x45: {  	_ =	shalt  }
0x46: {  	_ =	shalt  }
0x47: {  	_ =	shalt  }
0x48: {  	_ =	shalt  }
0x49: {  	_ =	shalt  }
0x4a: {  	_ =	shalt  }
0x4b: {  	_ =	shalt  }
0x4c: {  	_ =	shalt  }
0x4d: {  	_ =	shalt  }
0x4e: {  	_ =	shalt  }
0x4f: {  	_ =	shalt  }
0x50: {  	_ =	shalt  }
0x51: {  	_ =	shalt  }
0x52: {  	_ =	shalt  }
0x53: {  	_ =	shalt  }
0x54: {  	_ =	shalt  }
0x55: {  	_ =	shalt  }
0x56: {  	_ =	shalt  }
0x57: {  	_ =	shalt  }
0x58: {  	_ =	shalt  }
0x59: {  	_ =	shalt  }
0x5a: {  	_ =	shalt  }
0x5b: {  	_ =	shalt  }
0x5c: {  	_ =	shalt  }
0x5d: {  	_ =	shalt  }
0x5e: {  	_ =	shalt  }
0x5f: {  	_ =	shalt  }
0x60: {  	_ =	shalt  }
0x61: {  	_ =	shalt  }
0x62: {  	_ =	shalt  }
0x63: {  	_ =	shalt  }
0x64: {  	_ =	shalt  }
0x65: {  	_ =	shalt  }
0x66: {  	_ =	shalt  }
0x67: {  	_ =	shalt  }
0x68: {  	_ =	shalt  }
0x69: {  	_ =	shalt  }
0x6a: {  	_ =	shalt  }
0x6b: {  	_ =	shalt  }
0x6c: {  	_ =	shalt  }
0x6d: {  	_ =	shalt  }
0x6e: {  	_ =	shalt  }
0x6f: {  	_ =	shalt  }
0x70: {  	_ =	shalt  }
0x71: {  	_ =	shalt  }
0x72: {  	_ =	shalt  }
0x73: {  	_ =	shalt  }
0x74: {  	_ =	shalt  }
0x75: {  	_ =	shalt  }
0x76: {  	_ =	shalt  }
0x77: {  	_ =	shalt  }
0x78: {  	_ =	shalt  }
0x79: {  	_ =	shalt  }
0x7a: {  	_ =	shalt  }
0x7b: {  	_ =	shalt  }
0x7c: {  	_ =	shalt  }
0x7d: {  	_ =	shalt  }
0x7e: {  	_ =	shalt  }
0x7f: {  	_ =	shalt  }
0x80: {  	_ =	shalt  }
0x81: {  	_ =	shalt  }
0x82: {  	_ =	shalt  }
0x83: {  	_ =	shalt  }
0x84: {  	_ =	shalt  }
0x85: {  	_ =	shalt  }
0x86: {  	_ =	shalt  }
0x87: {  	_ =	shalt  }
.Lfunc_end0:
.L_simem_size_0:
called_computation.1_lowered:
.L_overlay_start_0:
0x88: {  	s2 =	sld [smem:$0x3FD9]  }
0x89: {  	s3 =	sld [smem:$0x3FFE];
	_ =	sdelay $0x1  }
0x8a: {  	s1 =	srdreg.scid  }
0x8b: {  	s0 =	sand.u32 $0x1, s1  }
0x8c: {  	s17 =	sshll.u32 s0, $0xA;
	s2 =	sadd.s32 s3, s2  }
0x8d: {  	s2 =	sadd.s32 s2, s17  }
0x8e: {  	[smem:$0x3FC5] =	sst s2  }
0x8f: {  	_ = 	snop  }
0x90: {  	s2 =	sld [smem:$0x3FD0];
	(tm) =	ssettm $0x1  }
0x91: {  	s18 =	sld [smem:$0x3FFB];
	_ =	sdelay $0x3  }
0x92: {  	_ =	strace s18  }
0x93: {  	s3 =	sld [smem:$0x3FFC];
	_ =	sdelay $0x3  }
0x94: {  	_ =	strace s3  }
0x95: {  	s3 =	sld [smem:$0x3FFD];
	_ =	sdelay $0x3  }
0x96: {  	_ =	strace s3  }
0x97: {  	_ =	strace $0x8FFFFFFF  }
0x98: {  	s19 =	sld [smem:$0x3FDB];
	_ =	sdelay $0x1  }
0x99: {  	s4 =	simm.s32 $_scs_section_size  }
0x9a: {  	s5 =	simm.s32 $_size__tile_overlayer_lowered;
	s6 =	simm.s32 $_tile_overlayer_lowered  }
0x9b: {  	s22 =	simm.s32 $0x1BFF;
	s21 =	sshll.u32 s6, $0x1;
	s3 =	sadd.s32 s4, s19  }
0x9c: {  	s7 =	simm.s32 $0x0;
	s20 =	sshll.u32 s5, $0x1;
	s5 =	sadd.s32 s21, s3  }
0x9d: {  	[timem:s7], [sflag:s22] =	dma.local [hbm:s5], s20  }
0x9e: {  	_ =	swait.ge [sflag:s22], s20  }
0x9f: {  	s4 =	ssub.s32 $0x0, s20;
	[sflag:s22] =	ssyncset.done $0x0  }
0xa0: {  	[sflag:s22] =	ssyncadd.s32 s4;
	_ =	sdelay $0x1  }
0xa1: {  	s23 =	simm.s32 $0x1B8B  }
0xa2: {  	_ =	swait.ge [sflag:s23], $0x1  }
0xa3: {  	[sflag:s23] =	ssyncset.done $0x0  }
0xa4: {  	s25 =	simm.s32 $0x1B8E;
	s24 =	sld [smem:$0x3FFE];
	[sflag:s23] =	ssyncadd.s32 $0xFFFFFFFF  }
0xa5: {  	s26 =	simm.s32 $execute0_lowered;
	[smem:$0x3FD2] =	sst s25  }
0xa6: {  	s5 =	sshll.u32 s26, $0x1;
	_ =	strace $0x80000049;
	[dreg:$0x1] =	wrdreg $0xFFFFFFFF  }
0xa7: {  	s28 =	simm.s32 $_size_execute0_lowered;
	s3 =	sadd.s32 s3, s5;
	[dreg:$0x0] =	wrdreg $0x0  }
0xa8: {  	s5 =	sshll.u32 s28, $0x1;
	[dreg:$0x2] =	wrdreg s3  }
0xa9: {  	[dreg:$0x3] =	wrdreg s5  }
0xaa: {  	[dreg:$0x4] =	wrdreg $0xC0  }
0xab: {  	_ =	task [dreg:s7], $0x5FFFF  }
0xac: {  	[dreg:$0x1] =	wrdreg $0xFFFFFFFF  }
0xad: {  	[dreg:$0x0] =	wrdreg $0x60  }
0xae: {  	[dreg:$0x2] =	wrdreg s24  }
0xaf: {  	[dreg:$0x3] =	wrdreg s2  }
0xb0: {  	[dreg:$0x4] =	wrdreg $0x9  }
0xb1: {  	_ =	task.clear_ibuf [dreg:s7], $0x5FFFF;
	_ =	strace $0x90000049  }
0xb2: {  	s29 =	simm.s32 $0x9;
	_ =	strace $0x8000004B  }
0xb3: {  	_ =	swait.ge [sflag:s29], $0x1  }
0xb4: {  	[sflag:s29] =	ssyncadd.s32 $0xFFFFFFFF  }
0xb5: {  	_ =	strace $0x9000004B  }
0xb6: {  	_ =	sfence  }
0xb7: {  	s30 =	sld [smem:$0x0];
	_ =	sdelay $0x2  }
0xb8: {  	s31 =	sshll.u32 s1, $0xD;
	s1 =	sshrl.u32 s1, $0x2  }
0xb9: {  	s3 =	sand.u32 $0x4000, s31;
	s1 =	sadd.s32 s1, s30  }
0xba: {  	s0 =	sor.u32 s3, s0;
	s1 =	sshll.u32 s1, $0x11  }
0xbb: {  	s0 =	sor.u32 s1, s0  }
0xbc: {  	s0 =	sadd.s32 $0x8F2B, s0  }
0xbd: {  	[sflag:s0] =	ssyncadd.remote.s32 $0x1  }
0xbe: {  	_ =	sfence.sel $0xFFFF  }
0xbf: {  	[dreg:$0x0] =	wrdreg $0xFFFFFFFF;
	(pc) =	sbr.abs _section_cstart, $3  }
0xc0: {  	[dreg:$0x1] =	wrdreg $0xFFFFFFFF  }
0xc1: {  	_ =	task.clear_ibuf [dreg:s7], $0x2FFFF;
	_ =	strace $0x9FFFFFFF  }
0xc2: {  	(tm) =	ssettm $0x7FFFFFFF  }
0xc3: {  	_ =	shalt  }
tec
execute0_lowered:
.L_overlay_start_1:
0x0: {  	(tag) =	ssettag $0x1  }
0x1: {  	s3 =	rddreg [dreg:$0x0]  }
0x2: {  	s0 =	srdreg.scid;
	s6 =	rddreg [dreg:$0x1]  }
0x3: {  	s1 =	stileid.u32;
	s2 =	simm.s32 $0x0;
	s12 =	simm.s32 $0x8000  }
0x4: {  	v0 =	vlaneseq.u32;
	s13 =	simm.s32 $0x12100;
	s14 =	simm.s32 $0x11080;
	s15 =	simm.s32 $0x2  }
0x5: {  	s16 =	simm.s32 $0x0;
	s4 =	sand.u32 $0x1, s0;
	s0 =	rddreg [dreg:$0x2];
	v1 =	vmul.u32 $0x800, v0  }
0x6: {  	[smem:$0x7FF] =	sst s2;
	s5 =	sshll.u32 s4, $0x4;
	s4 =	ssub.s32 $0x2, s4  }
0x7: {  	_ =	strace $0x8000004A;
	s5 =	sor.u32 s1, s5;
	s31 =	sshrl.u32 s4, $0x1;
	v3 =	vor.u32 $0x1, v1  }
0x8: {  	v2 =	vimm.s32 $0x0;
	v5 =	vimm.f32 $1.000000000e+00;
	v6 =	vor.u32 $0x2, v1;
	s7 =	sshll.u32 s5, $0x10;
	s8 =	sshll.u32 s5, $0x9;
	s9 =	sshll.u32 s5, $0x3;
	[tilespmem:$0x1FFA0] =	vst v3  }
.Ltmp0:
0x9: {  	v22 =	vimm.s32 $0xFFFFFF81;
	v4 =	vmul.u32 $0x20, v0;
	v7 =	vor.u32 $0x3, v1;
	s10 =	sshll.u32 s5, $0xA;
	s11 =	ssub.s32 s4, s31;
	[tilespmem:$0x1FFB0] =	vst v6;
	(pc) =	sbr.rel .LBB2_1-.Ltmp0, $4  }
0xa: {  	v8 =	vor.u32 $0x4, v1;
	v9 =	vor.u32 $0x5, v1;
	v14 =	vor.u32 $0x9, v1;
	[tilespmem:$0x1FFC0] =	vst v7;
	s7 =	sadd.s32 s7, s3;
	s8 =	sadd.s32 s8, s3;
	s9 =	sadd.s32 s9, s3  }
0xb: {  	v10 =	vor.u32 $0x6, v1;
	v15 =	vor.u32 $0xA, v1;
	v16 =	vor.u32 $0xB, v1;
	[tilespmem:$0x1FFD0] =	vst v8;
	s6 =	sadd.s32 s6, s10;
	s10 =	simm.s32 $0x11000;
	s3 =	sadd.s32 $0x200E00, s8  }
0xc: {  	v12 =	vor.u32 $0x7, v1;
	v13 =	vor.u32 $0x8, v1;
	v17 =	vor.u32 $0xC, v1;
	[tilespmem:$0x1FFE0] =	vst v9;
	s4 =	sadd.s32 $0x200C00, s9;
	s5 =	sadd.s32 $0xC00, s7;
	s7 =	sadd.s32 $0x2C00, s7  }
0xd: {  	v18 =	vor.u32 $0xD, v1;
	v19 =	vor.u32 $0xE, v1;
	v20 =	vor.u32 $0xF, v1;
	[tilespmem:$0x1FFF0] =	vst v10;
	s8 =	smax.u32 s11, $0x1;
	s9 =	simm.s32 $0x3;
	s11 =	simm.s32 $0x1  }
.LBB2_17:
0xe: {  	s16 =	sadd.s32 $0x1, s16  }
0xf: {  	p0 =	sne.s32 s16, s8  }
.Ltmp1:
0x10: {  	_ = 	snop;
	(pc) =	sbr.rel @!p0 .LBB2_18-.Ltmp1, $1  }
0x11: {  	_ =	sdelay $0x3  }
.LBB2_1:
0x12: {  	s17 =	simm.s32 $0x10000  }
0x13: {  	[tilespmem:s17], [sflag:$0x3] =	stream.linear.gather [hbm4b:s3+s2], $0x1000, $0x38;
	[tilespmem:$0x12300] =	vst v63  }
0x14: {  	_ =	swait.ge [sflag:s9], $0x1000  }
0x15: {  	[sflag:s9] =	ssyncset.done $0x0  }
0x16: {  	[sflag:s9] =	ssyncadd.s32 $0xFFFFF000  }
0x17: {  	[tilespmem:s10], [sflag:$0x3] =	stream.linear.gather [hbm4b:s4+s2], $0x40, $0x38;
	[tilespmem:$0x12300] =	vst v63  }
0x18: {  	_ =	swait.ge [sflag:s9], $0x40  }
0x19: {  	[sflag:s9] =	ssyncset.done $0x0  }
0x1a: {  	[sflag:s9] =	ssyncadd.s32 $0xFFFFFFC0  }
0x1b: {  	v23 =	vld [tilespmem:s17+$0x0];
	_ =	sdelay $0x4  }
0x1c: {  	vm0 =	veq.s32 v23, $0xFFFFFFFF  }
0x1d: {  	v23 =	vsel vm0, $0x1, v2  }
0x1e: {  	(xrf0) =	vadd.scan.msk.s32 $0xffff, v23;
	_ =	sdelay $0x5  }
0x1f: {  	v24, _, _ =	vpop (xrf0)  }
0x20: {  	v23 =	vor.u32 s2, v0;
	(v2sf) =	vpush v24, $0xF  }
0x21: {  	s19 =	simm.s32 $0x10010;
	[tilespmem:s2+$0x11080] =	vst.msk vm0, v23  }
0x22: {  	s18 =	simm.s32 $0x10;
	s20 =	simm.s32 $0x20;
	s17 =	simm.s32 $0x0;
	v23 =	vld [tilespmem:s19+$0x0]  }
.LBB2_2:
0x23: {  	p0 =	sne.s32 s20, $0x7F0;
	_ =	sdelay $0x3  }
0x24: {  	vm0 =	veq.s32 v23, $0xFFFFFFFF  }
0x25: {  	v23 =	vsel vm0, $0x1, v2  }
0x26: {  	(xrf0) =	vadd.scan.msk.s32 $0xffff, v23;
	_ =	sdelay $0x4  }
.Ltmp2:
0x27: {  	(pc) =	sbr.rel @p0 .LBB2_2-.Ltmp2, $4  }
0x28: {  	v23, _, _ =	vpop (xrf0);
	s21 =	spop (v2sf)  }
0x29: {  	v24 =	vor.u32 s18, v0;
	s18 =	smov.u32 s20;
	(v2sf) =	vpush v23, $0xF;
	s17 =	sadd.s32 s17, s21  }
0x2a: {  	s19 =	sadd.s32 $0x10, s19;
	[tilespmem:s17+$0x11080] =	vst.msk vm0, v24  }
0x2b: {  	s20 =	sadd.s32 $0x10, s20;
	v23 =	vld [tilespmem:s19+$0x0]  }
0x2c: {  	_ =	sdelay $0x4  }
0x2d: {  	vm0 =	veq.s32 v23, $0xFFFFFFFF  }
0x2e: {  	v23 =	vsel vm0, $0x1, v2  }
0x2f: {  	(xrf0) =	vadd.scan.msk.s32 $0xffff, v23;
	_ =	sdelay $0x4  }
0x30: {  	s19 =	spop (v2sf)  }
0x31: {  	v24 =	vor.u32 s18, v0;
	s18 =	simm.s32 $0x0;
	v23, _, _ =	vpop (xrf0);
	s17 =	sadd.s32 s17, s19  }
0x32: {  	s31 =	sand.u32 $0x7F0, s18;
	(v2sf) =	vpush v23, $0xF;
	[tilespmem:s17+$0x11080] =	vst.msk vm0, v24  }
0x33: {  	v23 =	vld [tilespmem:s31+$0x10800];
	_ =	sdelay $0x4  }
0x34: {  	vm15 =	veq.s32 v23, $0xFFFFFFFF  }
0x35: {  	v23 =	vsel vm15, $0x1, v2  }
0x36: {  	(xrf0) =	vadd.scan.msk.s32 $0xffff, v23;
	_ =	sdelay $0x5  }
0x37: {  	v23, _, _ =	vpop (xrf0)  }
0x38: {  	v63 =	vor.u32 s18, v0;
	s19 =	simm.s32 $0x10;
	s20 =	spop (v2sf);
	(v2sf) =	vpush v23, $0xF  }
0x39: {  	s21 =	sand.u32 $0x7F0, s19;
	[tilespmem:s18+$0x11890] =	vst.msk vm15, v63;
	s17 =	sadd.s32 s17, s20;
	s20 =	simm.s32 $0x20  }
.LBB2_4:
0x3a: {  	p0 =	sne.s32 s20, $0x7F0;
	v23 =	vld [tilespmem:s21+$0x10800];
	_ =	sdelay $0x4  }
0x3b: {  	vm0 =	veq.s32 v23, $0xFFFFFFFF  }
0x3c: {  	v23 =	vsel vm0, $0x1, v2  }
0x3d: {  	(xrf0) =	vadd.scan.msk.s32 $0xffff, v23;
	_ =	sdelay $0x3  }
.Ltmp3:
0x3e: {  	(pc) =	sbr.rel @p0 .LBB2_4-.Ltmp3, $4  }
0x3f: {  	_ = 	snop  }
0x40: {  	v23, _, _ =	vpop (xrf0);
	s21 =	spop (v2sf)  }
0x41: {  	v24 =	vor.u32 s19, v0;
	s19 =	smov.u32 s20;
	(v2sf) =	vpush v23, $0xF;
	s18 =	sadd.s32 s18, s21  }
0x42: {  	s20 =	sadd.s32 $0x10, s20;
	s21 =	sand.u32 $0x7F0, s19;
	[tilespmem:s18+$0x11890] =	vst.msk vm0, v24  }
0x43: {  	v23 =	vld [tilespmem:s21+$0x10800];
	_ =	sdelay $0x4  }
0x44: {  	vm0 =	veq.s32 v23, $0xFFFFFFFF  }
0x45: {  	v23 =	vsel vm0, $0x1, v2  }
0x46: {  	(xrf0) =	vadd.scan.msk.s32 $0xffff, v23;
	_ =	sdelay $0x5  }
0x47: {  	v23, _, _ =	vpop (xrf0)  }
0x48: {  	(v2sf) =	vpush v23, $0xF;
	_ =	sdelay $0xa  }
0x49: {  	s20 =	spop (v2sf)  }
.Ltmp4:
0x4a: {  	v23 =	vor.u32 s19, v0;
	s30 =	sadd.s32 s18, s20;
	(pc) =	sbr.rel .LBB2_6-.Ltmp4, $4  }
0x4b: {  	s18 =	simm.s32 $0x0;
	[tilespmem:s30+$0x11890] =	vst.msk vm0, v23  }
0x4c: {  	[tilespmem:s18], [sflag:$0x1] =	stream.linear.gather [hbm4b:s5+s18], $0x8000, $0x38;
	[tilespmem:$0x12300] =	vst v63  }
0x4d: {  	s31 =	spop (v2sf)  }
0x4e: {  	s20 =	simm.s32 $0x0;
	s19 =	sadd.s32 s30, s31  }
.LBB2_16:
0x4f: {  	v0 =	vld [tilespmem:$0x12100];
	_ =	sdelay $0x4  }
0x50: {  	v0 =	vadd.f32 $9.999999740e-06, v0;
	_ =	sdelay $0x1  }
0x51: {  	v2 =	vld [tilespmem:$0x12110];
	v3 =	vand.u32 $0x7FFFFF, v0  }
0x52: {  	v3 =	vor.u32 $0x3F800000, v3  }
0x53: {  	v6 =	vmul.f32 $5.000000000e-01, v3  }
0x54: {  	vm1 =	vgt.f32 v3, $1.414213540e+00  }
0x55: {  	v3 =	vsel vm1, v6, v3  }
0x56: {  	v2 =	vadd.f32 $9.999999740e-06, v2;
	v6 =	vadd.f32 $1.000000000e+00, v3;
	_ =	sdelay $0x1  }
0x57: {  	v7 =	vand.u32 $0x7FFFFF, v2;
	(erf) = vrcp.f32 v6  }
0x58: {  	v7 =	vor.u32 $0x3F800000, v7  }
0x59: {  	v6 =	vmul.f32 $5.000000000e-01, v7  }
0x5a: {  	vm0 =	vgt.f32 v7, $1.414213540e+00  }
0x5b: {  	v8 =	vld [tilespmem:$0x12120];
	v6 =	vsel vm0, v6, v7  }
0x5c: {  	v7 =	vadd.f32 $1.000000000e+00, v6;
	_ =	sdelay $0x1  }
0x5d: {  	(erf) = vrcp.f32 v7  }
0x5e: {  	v9 =	vld [tilespmem:$0x12130];
	v3 =	vadd.f32 $-1.000000000e+00, v3  }
0x5f: {  	v50 =	vld [tilespmem:$0x12150];
	v7 =	vadd.f32 $9.999999740e-06, v8;
	v8 =	vpop (erf)  }
0x60: {  	v3 =	vmul.f32 v8, v3  }
0x61: {  	v8 =	vand.u32 $0x7FFFFF, v7  }
0x62: {  	v8 =	vor.u32 $0x3F800000, v8;
	v10 =	vmul.f32 v3, v3  }
0x63: {  	v9 =	vadd.f32 $9.999999740e-06, v9;
	v11 =	vmul.f32 $5.000000000e-01, v8  }
0x64: {  	v27 =	vadd.f32 $9.999999740e-06, v50;
	vm2 =	vgt.f32 v8, $1.414213540e+00;
	v21 =	vmul.f32 $1.428571490e-01, v10  }
0x65: {  	v0 =	vshrl.u32 v0, $0x17;
	v6 =	vadd.f32 $-1.000000000e+00, v6;
	v8 =	vsel vm2, v11, v8  }
0x66: {  	v28 =	vand.u32 $0x7FFFFF, v27;
	v23 =	vpop (erf);
	v11 =	vadd.f32 $1.000000000e+00, v8;
	v21 =	vadd.f32 $2.000000030e-01, v21  }
0x67: {  	v2 =	vshrl.u32 v2, $0x17;
	v28 =	vor.u32 $0x3F800000, v28;
	v6 =	vmul.f32 v23, v6  }
0x68: {  	(erf) = vrcp.f32 v11;
	v11 =	vand.u32 $0x7FFFFF, v9;
	v21 =	vmul.f32 v21, v10  }
0x69: {  	v27 =	vshrl.u32 v27, $0x17;
	v54 =	vmul.f32 $5.000000000e-01, v28;
	v11 =	vor.u32 $0x3F800000, v11  }
0x6a: {  	v23 =	vmul.f32 v6, v6;
	v25 =	vmul.f32 $5.000000000e-01, v11;
	v21 =	vadd.f32 $3.333333430e-01, v21  }
0x6b: {  	vm13 =	vgt.f32 v28, $1.414213540e+00;
	v26 =	vsel vm1, $0xFFFFFF82, v22;
	vm11 =	vgt.f32 v11, $1.414213540e+00  }
0x6c: {  	v49 =	vld [tilespmem:$0x12140];
	v24 =	vmul.f32 $1.428571490e-01, v23;
	v11 =	vsel vm11, v25, v11;
	v10 =	vmul.f32 v21, v10  }
0x6d: {  	v51 =	vsel vm0, $0xFFFFFF82, v22;
	v0 =	vadd.s32 v0, v26;
	v21 =	vadd.f32 $1.000000000e+00, v11  }
0x6e: {  	v2 =	vadd.s32 v2, v51;
	v24 =	vadd.f32 $2.000000030e-01, v24;
	v10 =	vadd.f32 $1.000000000e+00, v10  }
0x6f: {  	v26 =	vsel vm13, v54, v28;
	v0 =	vcvt.s32.f32 v0;
	(erf) = vrcp.f32 v21  }
0x70: {  	v56 =	vadd.f32 $1.000000000e+00, v26;
	v3 =	vadd.f32 v3, v3;
	v24 =	vmul.f32 v24, v23  }
0x71: {  	v2 =	vcvt.s32.f32 v2;
	v8 =	vadd.f32 $-1.000000000e+00, v8;
	v25 =	vadd.f32 $9.999999740e-06, v49  }
0x72: {  	v0 =	vmul.f32 $6.931471820e-01, v0;
	v21 =	vadd.f32 $3.333333430e-01, v24;
	v3 =	vmul.f32 v10, v3;
	v10 =	vpop (erf)  }
0x73: {  	v7 =	vshrl.u32 v7, $0x17;
	v8 =	vmul.f32 v10, v8;
	v10 =	vand.u32 $0x7FFFFF, v25  }
0x74: {  	v52 =	vsel vm2, $0xFFFFFF82, v22;
	v21 =	vmul.f32 v21, v23;
	v10 =	vor.u32 $0x3F800000, v10  }
0x75: {  	v7 =	vadd.s32 v7, v52;
	v23 =	vmul.f32 v8, v8;
	v53 =	vmul.f32 $5.000000000e-01, v10  }
0x76: {  	v11 =	vadd.f32 $-1.000000000e+00, v11;
	v24 =	vadd.f32 v3, v0;
	vm12 =	vgt.f32 v10, $1.414213540e+00  }
0x77: {  	v3 =	vcvt.s32.f32 v7;
	v7 =	vld [tilespmem:$0x12170];
	v29 =	vmul.f32 $1.428571490e-01, v23;
	v10 =	vsel vm12, v53, v10  }
0x78: {  	v2 =	vmul.f32 $6.931471820e-01, v2;
	v6 =	vadd.f32 v6, v6;
	v30 =	vpop (erf);
	v31 =	vadd.f32 $1.000000000e+00, v10  }
0x79: {  	v9 =	vshrl.u32 v9, $0x17;
	v11 =	vmul.f32 v30, v11;
	v29 =	vadd.f32 $2.000000030e-01, v29  }
0x7a: {  	v21 =	vadd.f32 $1.000000000e+00, v21;
	v3 =	vmul.f32 $6.931471820e-01, v3;
	(erf) = vrcp.f32 v31  }
0x7b: {  	v57 =	vld [tilespmem:$0x12160];
	v36 =	vshrl.u32 v25, $0x17;
	v30 =	vmul.f32 v11, v11;
	v55 =	vmul.f32 v29, v23  }
0x7c: {  	v6 =	vmul.f32 v21, v6;
	v8 =	vadd.f32 v8, v8;
	v7 =	vadd.f32 $9.999999740e-06, v7  }
0x7d: {  	v33 =	vsel vm12, $0xFFFFFF82, v22;
	v21 =	vmul.f32 $1.428571490e-01, v30;
	v28 =	vadd.f32 $3.333333430e-01, v55  }
0x7e: {  	v10 =	vadd.f32 $-1.000000000e+00, v10;
	v61 =	vand.u32 $0x7FFFFF, v7;
	(erf) = vrcp.f32 v56  }
0x7f: {  	v0 =	vmul.f32 v28, v23;
	v23 =	vadd.f32 v6, v2;
	v2 =	vadd.f32 $2.000000030e-01, v21  }
0x80: {  	v7 =	vshrl.u32 v7, $0x17;
	v6 =	vadd.f32 $9.999999740e-06, v57;
	v21 =	vsel vm11, $0xFFFFFF82, v22  }
0x81: {  	v11 =	vadd.f32 v11, v11;
	v9 =	vadd.s32 v9, v21;
	v2 =	vmul.f32 v2, v30  }
0x82: {  	v45 =	vld [tilespmem:$0x121A0];
	v0 =	vadd.f32 $1.000000000e+00, v0;
	v58 =	vand.u32 $0x7FFFFF, v6;
	v9 =	vcvt.s32.f32 v9  }
0x83: {  	v6 =	vshrl.u32 v6, $0x17;
	v28 =	vor.u32 $0x3F800000, v58;
	v2 =	vadd.f32 $3.333333430e-01, v2  }
0x84: {  	v21 =	vpop (erf);
	v59 =	vmul.f32 $5.000000000e-01, v28;
	vm14 =	vgt.f32 v28, $1.414213540e+00;
	v0 =	vmul.f32 v0, v8  }
0x85: {  	v9 =	vmul.f32 $6.931471820e-01, v9;
	v10 =	vmul.f32 v21, v10;
	v21 =	vadd.f32 $-1.000000000e+00, v26  }
0x86: {  	v43 =	vsel vm14, $0xFFFFFF82, v22;
	v2 =	vmul.f32 v2, v30;
	v28 =	vsel vm14, v59, v28  }
0x87: {  	v29 =	vpop (erf);
	v25 =	vadd.f32 v0, v3;
	v0 =	vadd.s32 v36, v33;
	v33 =	vadd.f32 $9.999999740e-06, v45  }
0x88: {  	v6 =	vadd.s32 v6, v43;
	v60 =	vmul.f32 v10, v10;
	v21 =	vmul.f32 v29, v21  }
0x89: {  	v26 =	vadd.f32 $1.000000000e+00, v28;
	v29 =	vor.u32 $0x3F800000, v61;
	v0 =	vcvt.s32.f32 v0  }
0x8a: {  	v10 =	vadd.f32 v10, v10;
	v6 =	vcvt.s32.f32 v6;
	v63 =	vmul.f32 $5.000000000e-01, v29  }
0x8b: {  	v2 =	vadd.f32 $1.000000000e+00, v2;
	v62 =	vmul.f32 $1.428571490e-01, v60;
	v32 =	vmul.f32 v21, v21  }
0x8c: {  	v59 =	vld [tilespmem:$0x121C0];
	vm15 =	vgt.f32 v29, $1.414213540e+00;
	v51 =	vand.u32 $0x7FFFFF, v33;
	(erf) = vrcp.f32 v26  }
0x8d: {  	v0 =	vmul.f32 $6.931471820e-01, v0;
	v31 =	vadd.f32 $2.000000030e-01, v62;
	v34 =	vmul.f32 $1.428571490e-01, v32  }
0x8e: {  	v52 =	vor.u32 $0x3F800000, v51;
	v29 =	vsel vm15, v63, v29;
	v2 =	vmul.f32 v2, v11  }
0x8f: {  	v26 =	vadd.f32 $1.000000000e+00, v29;
	v8 =	vmul.f32 v31, v60;
	v11 =	vadd.f32 $2.000000030e-01, v34  }
0x90: {  	v21 =	vadd.f32 v21, v21;
	v6 =	vmul.f32 $6.931471820e-01, v6;
	v54 =	vmul.f32 $5.000000000e-01, v52  }
0x91: {  	v38 =	vld [tilespmem:$0x12190];
	(erf) = vrcp.f32 v26;
	v8 =	vadd.f32 $3.333333430e-01, v8;
	v3 =	vmul.f32 v11, v32  }
0x92: {  	vm6 =	vgt.f32 v52, $1.414213540e+00;
	v39 =	vadd.f32 $-1.000000000e+00, v29;
	v62 =	vadd.f32 $9.999999740e-06, v59;
	v11 =	vld [tilespmem:$0x12180]  }
0x93: {  	v26 =	vadd.f32 v2, v9;
	v2 =	vmul.f32 v8, v60;
	v3 =	vadd.f32 $3.333333430e-01, v3  }
0x94: {  	v9 =	vadd.f32 $-1.000000000e+00, v28;
	v34 =	vsel vm6, v54, v52;
	v8 =	vsel vm13, $0xFFFFFF82, v22  }
0x95: {  	v37 =	vpop (erf);
	v8 =	vadd.s32 v27, v8;
	v2 =	vadd.f32 $1.000000000e+00, v2;
	v3 =	vmul.f32 v3, v32  }
0x96: {  	v9 =	vmul.f32 v37, v9;
	v8 =	vcvt.s32.f32 v8;
	v32 =	vadd.f32 $9.999999740e-06, v38  }
0x97: {  	v37 =	vsel vm15, $0xFFFFFF82, v22;
	v2 =	vmul.f32 v2, v10;
	v10 =	vadd.f32 $9.999999740e-06, v11  }
0x98: {  	v7 =	vadd.s32 v7, v37;
	v3 =	vadd.f32 $1.000000000e+00, v3;
	v11 =	vmul.f32 v9, v9  }
0x99: {  	v46 =	vand.u32 $0x7FFFFF, v32;
	v8 =	vmul.f32 $6.931471820e-01, v8;
	v40 =	vand.u32 $0x7FFFFF, v10  }
0x9a: {  	v9 =	vadd.f32 v9, v9;
	v7 =	vcvt.s32.f32 v7;
	v42 =	vpop (erf);
	v28 =	vor.u32 $0x3F800000, v40  }
0x9b: {  	v47 =	vor.u32 $0x3F800000, v46;
	v27 =	vmul.f32 v42, v39;
	v44 =	vmul.f32 $5.000000000e-01, v28  }
0x9c: {  	v41 =	vmul.f32 $1.428571490e-01, v11;
	v36 =	vmul.f32 $5.000000000e-01, v47;
	vm4 =	vgt.f32 v28, $1.414213540e+00  }
0x9d: {  	vm5 =	vgt.f32 v47, $1.414213540e+00;
	v35 =	vmul.f32 v27, v27;
	v28 =	vsel vm4, v44, v28  }
0x9e: {  	v63 =	vld [tilespmem:$0x121D0];
	v3 =	vmul.f32 v3, v21;
	v29 =	vadd.f32 $2.000000030e-01, v41;
	v48 =	vadd.f32 $1.000000000e+00, v28  }
0x9f: {  	v39 =	vsel vm6, $0xFFFFFF82, v22;
	v31 =	vsel vm5, v36, v47;
	v38 =	vmul.f32 $1.428571490e-01, v35  }
0xa0: {  	v30 =	vadd.f32 v3, v8;
	v29 =	vmul.f32 v29, v11;
	(erf) = vrcp.f32 v48  }
0xa1: {  	v60 =	vsel vm5, $0xFFFFFF82, v22;
	v49 =	vadd.f32 $1.000000000e+00, v31;
	v50 =	vadd.f32 $2.000000030e-01, v38  }
0xa2: {  	v8 =	vshrl.u32 v10, $0x17;
	v10 =	vadd.f32 $-1.000000000e+00, v34;
	v29 =	vadd.f32 $3.333333430e-01, v29  }
0xa3: {  	v36 =	vadd.f32 $9.999999740e-06, v63;
	(erf) = vrcp.f32 v49;
	v53 =	vmul.f32 v50, v35  }
0xa4: {  	v41 =	vshrl.u32 v33, $0x17;
	v11 =	vmul.f32 v29, v11;
	v29 =	vadd.f32 $1.000000000e+00, v34  }
0xa5: {  	v58 =	vadd.f32 $-1.000000000e+00, v31;
	v31 =	vand.u32 $0x7FFFFF, v62;
	v21 =	vadd.f32 $3.333333430e-01, v53  }
0xa6: {  	v56 =	vld [tilespmem:$0x121B0];
	v55 =	vsel vm4, $0xFFFFFF82, v22;
	v31 =	vor.u32 $0x3F800000, v31;
	(erf) = vrcp.f32 v29  }
0xa7: {  	v8 =	vadd.s32 v8, v55;
	v11 =	vadd.f32 $1.000000000e+00, v11;
	v21 =	vmul.f32 v21, v35  }
0xa8: {  	v43 =	vand.u32 $0x7FFFFF, v36;
	v28 =	vadd.f32 $-1.000000000e+00, v28;
	vm8 =	vgt.f32 v31, $1.414213540e+00  }
0xa9: {  	v9 =	vmul.f32 v11, v9;
	v11 =	vadd.f32 v27, v27;
	v21 =	vadd.f32 $1.000000000e+00, v21;
	v57 =	vpop (erf)  }
0xaa: {  	v8 =	vcvt.s32.f32 v8;
	v45 =	vor.u32 $0x3F800000, v43;
	v35 =	vmul.f32 v57, v28  }
0xab: {  	vm9 =	vgt.f32 v45, $1.414213540e+00;
	v11 =	vmul.f32 v21, v11;
	v21 =	vadd.f32 $9.999999740e-06, v56  }
0xac: {  	v28 =	vadd.f32 v2, v0;
	v0 =	vmul.f32 $6.931471820e-01, v7;
	v7 =	vpop (erf);
	v2 =	vmul.f32 v35, v35  }
0xad: {  	v29 =	vadd.f32 v9, v6;
	v7 =	vmul.f32 v7, v58;
	v6 =	vand.u32 $0x7FFFFF, v21  }
0xae: {  	v8 =	vmul.f32 $6.931471820e-01, v8;
	v6 =	vor.u32 $0x3F800000, v6;
	v3 =	vmul.f32 $1.428571490e-01, v2  }
0xaf: {  	v27 =	vadd.f32 v11, v0;
	v61 =	vpop (erf);
	v0 =	vmul.f32 v7, v7;
	v11 =	vmul.f32 $5.000000000e-01, v6  }
0xb0: {  	vm7 =	vgt.f32 v6, $1.414213540e+00;
	v10 =	vmul.f32 v61, v10;
	v3 =	vadd.f32 $2.000000030e-01, v3  }
0xb1: {  	v21 =	vshrl.u32 v21, $0x17;
	v9 =	vmul.f32 $1.428571490e-01, v0;
	v6 =	vsel vm7, v11, v6  }
0xb2: {  	v37 =	vmul.f32 v10, v10;
	v11 =	vadd.f32 $1.000000000e+00, v6;
	v3 =	vmul.f32 v3, v2  }
0xb3: {  	v7 =	vadd.f32 v7, v7;
	v61 =	vshrl.u32 v62, $0x17;
	v9 =	vadd.f32 $2.000000030e-01, v9  }
0xb4: {  	v40 =	vmul.f32 $1.428571490e-01, v37;
	(erf) = vrcp.f32 v11;
	v3 =	vadd.f32 $3.333333430e-01, v3  }
0xb5: {  	v47 =	vsel vm7, $0xFFFFFF82, v22;
	v11 =	vmul.f32 $5.000000000e-01, v31;
	v9 =	vmul.f32 v9, v0  }
0xb6: {  	v10 =	vadd.f32 v10, v10;
	v6 =	vadd.f32 $-1.000000000e+00, v6;
	v2 =	vmul.f32 v3, v2  }
0xb7: {  	v3 =	vadd.f32 $3.333333430e-01, v9;
	v9 =	vsel vm8, v11, v31;
	v11 =	vadd.f32 $2.000000030e-01, v40  }
0xb8: {  	v21 =	vadd.s32 v21, v47;
	v40 =	vadd.f32 v35, v35;
	v31 =	vadd.f32 $1.000000000e+00, v9  }
0xb9: {  	v9 =	vadd.f32 $-1.000000000e+00, v9;
	v0 =	vmul.f32 v3, v0;
	v3 =	vshrl.u32 v32, $0x17  }
0xba: {  	v44 =	vld [tilespmem:$0x121E0];
	v11 =	vmul.f32 v11, v37;
	(erf) = vrcp.f32 v31;
	v3 =	vadd.s32 v3, v60  }
0xbb: {  	v54 =	vld [tilespmem:$0x121F0];
	v2 =	vadd.f32 $1.000000000e+00, v2;
	v32 =	vmul.f32 $5.000000000e-01, v45;
	v3 =	vcvt.s32.f32 v3  }
0xbc: {  	v60 =	vsel vm9, $0xFFFFFF82, v22;
	v0 =	vadd.f32 $1.000000000e+00, v0;
	v11 =	vadd.f32 $3.333333430e-01, v11  }
0xbd: {  	v2 =	vmul.f32 v2, v40;
	v50 =	vsel vm9, v32, v45;
	v42 =	vpop (erf);
	v3 =	vmul.f32 $6.931471820e-01, v3  }
0xbe: {  	v59 =	vld [tilespmem:$0x12200];
	v31 =	vadd.f32 $1.000000000e+00, v50;
	v11 =	vmul.f32 v11, v37;
	v6 =	vmul.f32 v42, v6  }
0xbf: {  	v0 =	vmul.f32 v0, v7;
	v7 =	vadd.s32 v41, v39;
	v39 =	vadd.f32 $9.999999740e-06, v44  }
0xc0: {  	v41 =	vsel vm8, $0xFFFFFF82, v22;
	v42 =	vadd.f32 $9.999999740e-06, v54;
	v46 =	vmul.f32 v6, v6  }
0xc1: {  	v7 =	vcvt.s32.f32 v7;
	(erf) = vrcp.f32 v31;
	v31 =	vadd.f32 v2, v8  }
0xc2: {  	v62 =	vadd.s32 v61, v41;
	v53 =	vand.u32 $0x7FFFFF, v39;
	v48 =	vmul.f32 $1.428571490e-01, v46  }
0xc3: {  	v41 =	vadd.f32 $9.999999740e-06, v59;
	v11 =	vadd.f32 $1.000000000e+00, v11;
	v55 =	vor.u32 $0x3F800000, v53;
	v49 =	vpop (erf)  }
0xc4: {  	v8 =	vmul.f32 $5.000000000e-01, v55;
	v51 =	vadd.f32 $2.000000030e-01, v48;
	v9 =	vmul.f32 v49, v9  }
0xc5: {  	v32 =	vadd.f32 v0, v3;
	v10 =	vmul.f32 v11, v10;
	vm10 =	vgt.f32 v55, $1.414213540e+00  }
0xc6: {  	v8 =	vsel vm10, v8, v55;
	v11 =	vmul.f32 v51, v46;
	v52 =	vmul.f32 v9, v9  }
0xc7: {  	v3 =	vcvt.s32.f32 v21;
	v21 =	vadd.f32 $-1.000000000e+00, v50;
	v56 =	vadd.f32 $1.000000000e+00, v8  }
0xc8: {  	v6 =	vadd.f32 v6, v6;
	v11 =	vadd.f32 $3.333333430e-01, v11;
	v2 =	vmul.f32 $1.428571490e-01, v52  }
0xc9: {  	v33 =	vcvt.s32.f32 v62;
	v39 =	vshrl.u32 v39, $0x17;
	(erf) = vrcp.f32 v56  }
0xca: {  	v0 =	vmul.f32 v11, v46;
	v11 =	vand.u32 $0x7FFFFF, v42;
	v2 =	vadd.f32 $2.000000030e-01, v2  }
0xcb: {  	v7 =	vmul.f32 $6.931471820e-01, v7;
	v3 =	vmul.f32 $6.931471820e-01, v3;
	v11 =	vor.u32 $0x3F800000, v11  }
0xcc: {  	v43 =	vsel vm10, $0xFFFFFF82, v22;
	v57 =	vpop (erf);
	v58 =	vmul.f32 $5.000000000e-01, v11;
	v2 =	vmul.f32 v2, v52  }
0xcd: {  	v48 =	vand.u32 $0x7FFFFF, v41;
	v21 =	vmul.f32 v57, v21;
	vm11 =	vgt.f32 v11, $1.414213540e+00  }
0xce: {  	v34 =	vadd.f32 v10, v7;
	v11 =	vsel vm11, v58, v11;
	v2 =	vadd.f32 $3.333333430e-01, v2  }
0xcf: {  	v39 =	vadd.s32 v39, v43;
	v63 =	vmul.f32 v21, v21;
	v44 =	vadd.f32 $1.000000000e+00, v11  }
0xd0: {  	v41 =	vshrl.u32 v41, $0x17;
	v56 =	vld [tilespmem:$0x12230];
	v0 =	vadd.f32 $1.000000000e+00, v0;
	v2 =	vmul.f32 v2, v52  }
0xd1: {  	v8 =	vadd.f32 $-1.000000000e+00, v8;
	v45 =	vmul.f32 $1.428571490e-01, v63;
	(erf) = vrcp.f32 v44  }
0xd2: {  	v0 =	vmul.f32 v0, v6;
	v6 =	vadd.f32 v9, v9;
	v2 =	vadd.f32 $1.000000000e+00, v2  }
0xd3: {  	v39 =	vcvt.s32.f32 v39;
	v21 =	vadd.f32 v21, v21;
	v46 =	vadd.f32 $2.000000030e-01, v45;
	v47 =	vpop (erf)  }
0xd4: {  	v49 =	vld [tilespmem:$0x12210];
	v2 =	vmul.f32 v2, v6;
	v6 =	vmul.f32 v47, v8;
	v8 =	vor.u32 $0x3F800000, v48  }
0xd5: {  	v43 =	vadd.f32 $9.999999740e-06, v56;
	v9 =	vmul.f32 $6.931471820e-01, v33;
	v10 =	vmul.f32 $5.000000000e-01, v8  }
0xd6: {  	v7 =	vmul.f32 v46, v63;
	vm12 =	vgt.f32 v8, $1.414213540e+00;
	v44 =	vmul.f32 v6, v6  }
0xd7: {  	v35 =	vadd.f32 v0, v3;
	v33 =	vadd.f32 v2, v9;
	v0 =	vsel vm12, v10, v8  }
0xd8: {  	v2 =	vadd.f32 $3.333333430e-01, v7;
	v3 =	vmul.f32 $1.428571490e-01, v44;
	v7 =	vadd.f32 $1.000000000e+00, v0  }
0xd9: {  	v39 =	vmul.f32 $6.931471820e-01, v39;
	v9 =	vadd.f32 $-1.000000000e+00, v11;
	v10 =	vadd.f32 $9.999999740e-06, v49  }
0xda: {  	v51 =	vsel vm11, $0xFFFFFF82, v22;
	v11 =	vpop (erf);
	v3 =	vadd.f32 $2.000000030e-01, v3;
	(erf) = vrcp.f32 v7  }
0xdb: {  	v6 =	vadd.f32 v6, v6;
	v7 =	vmul.f32 v11, v9;
	v9 =	vand.u32 $0x7FFFFF, v10  }
0xdc: {  	v58 =	vsel vm12, $0xFFFFFF82, v22;
	v9 =	vor.u32 $0x3F800000, v9;
	v3 =	vmul.f32 v3, v44  }
0xdd: {  	v8 =	vshrl.u32 v36, $0x17;
	v11 =	vmul.f32 v7, v7;
	v50 =	vmul.f32 $5.000000000e-01, v9  }
0xde: {  	v8 =	vadd.s32 v8, v60;
	v2 =	vmul.f32 v2, v63;
	vm13 =	vgt.f32 v9, $1.414213540e+00  }
0xdf: {  	v53 =	vld [tilespmem:$0x12220];
	v3 =	vadd.f32 $3.333333430e-01, v3;
	v52 =	vmul.f32 $1.428571490e-01, v11;
	v9 =	vsel vm13, v50, v9  }
0xe0: {  	v0 =	vadd.f32 $-1.000000000e+00, v0;
	v60 =	vand.u32 $0x7FFFFF, v43;
	v54 =	vadd.f32 $1.000000000e+00, v9  }
0xe1: {  	v8 =	vcvt.s32.f32 v8;
	v3 =	vmul.f32 v3, v44;
	v37 =	vadd.f32 $2.000000030e-01, v52  }
0xe2: {  	v38 =	vor.u32 $0x3F800000, v60;
	v2 =	vadd.f32 $1.000000000e+00, v2;
	(erf) = vrcp.f32 v54  }
0xe3: {  	v8 =	vmul.f32 $6.931471820e-01, v8;
	v3 =	vadd.f32 $1.000000000e+00, v3;
	v37 =	vmul.f32 v37, v11;
	v55 =	vpop (erf)  }
0xe4: {  	v2 =	vmul.f32 v2, v21;
	v21 =	vadd.f32 $9.999999740e-06, v53;
	v0 =	vmul.f32 v55, v0  }
0xe5: {  	v60 =	vshrl.u32 v43, $0x17;
	v3 =	vmul.f32 v3, v6;
	v6 =	vadd.f32 $3.333333430e-01, v37  }
0xe6: {  	v36 =	vadd.f32 v2, v8;
	v8 =	vand.u32 $0x7FFFFF, v21;
	v2 =	vmul.f32 v0, v0  }
0xe7: {  	v37 =	vadd.f32 v3, v39;
	v3 =	vmul.f32 v6, v11;
	v6 =	vor.u32 $0x3F800000, v8  }
0xe8: {  	vm15 =	vgt.f32 v38, $1.414213540e+00;
	v10 =	vshrl.u32 v10, $0x17;
	v57 =	vmul.f32 $5.000000000e-01, v6  }
0xe9: {  	v46 =	vsel vm15, $0xFFFFFF82, v22;
	vm14 =	vgt.f32 v6, $1.414213540e+00;
	v11 =	vmul.f32 $1.428571490e-01, v2  }
0xea: {  	v7 =	vadd.f32 v7, v7;
	v9 =	vadd.f32 $-1.000000000e+00, v9;
	v6 =	vsel vm14, v57, v6  }
0xeb: {  	v8 =	vshrl.u32 v42, $0x17;
	v11 =	vadd.f32 $2.000000030e-01, v11;
	v59 =	vpop (erf);
	v39 =	vadd.f32 $1.000000000e+00, v6  }
0xec: {  	v63 =	vsel vm13, $0xFFFFFF82, v22;
	v8 =	vadd.s32 v8, v51;
	v9 =	vmul.f32 v59, v9  }
0xed: {  	v3 =	vadd.f32 $1.000000000e+00, v3;
	v11 =	vmul.f32 v11, v2;
	(erf) = vrcp.f32 v39  }
0xee: {  	v62 =	vld [tilespmem:$0x12240];
	v10 =	vadd.s32 v10, v63;
	v8 =	vcvt.s32.f32 v8;
	v61 =	vmul.f32 v9, v9  }
0xef: {  	v3 =	vmul.f32 v3, v7;
	v7 =	vadd.f32 $3.333333430e-01, v11;
	v11 =	vmul.f32 $5.000000000e-01, v38  }
0xf0: {  	v21 =	vshrl.u32 v21, $0x17;
	v10 =	vcvt.s32.f32 v10;
	v45 =	vmul.f32 $1.428571490e-01, v61  }
0xf1: {  	v8 =	vmul.f32 $6.931471820e-01, v8;
	v2 =	vmul.f32 v7, v2;
	v7 =	vsel vm15, v11, v38  }
0xf2: {  	v11 =	vadd.s32 v41, v58;
	v48 =	vadd.f32 $2.000000030e-01, v45;
	v49 =	vadd.f32 $1.000000000e+00, v7  }
0xf3: {  	v0 =	vadd.f32 v0, v0;
	v11 =	vcvt.s32.f32 v11;
	v45 =	vadd.f32 $9.999999740e-06, v62  }
0xf4: {  	v51 =	vld [tilespmem:$0x12250];
	v2 =	vadd.f32 $1.000000000e+00, v2;
	v50 =	vmul.f32 v48, v61;
	(erf) = vrcp.f32 v49  }
0xf5: {  	v6 =	vadd.f32 $-1.000000000e+00, v6;
	v38 =	vadd.f32 v3, v8;
	v3 =	vmul.f32 $6.931471820e-01, v11  }
0xf6: {  	v11 =	vand.u32 $0x7FFFFF, v45;
	v0 =	vmul.f32 v2, v0;
	v2 =	vadd.f32 $3.333333430e-01, v50;
	v8 =	vpop (erf)  }
0xf7: {  	v10 =	vmul.f32 $6.931471820e-01, v10;
	v6 =	vmul.f32 v8, v6;
	v8 =	vor.u32 $0x3F800000, v11  }
0xf8: {  	v52 =	vsel vm14, $0xFFFFFF82, v22;
	v2 =	vmul.f32 v2, v61;
	v11 =	vmul.f32 $5.000000000e-01, v8  }
0xf9: {  	v44 =	vadd.f32 $9.999999740e-06, v51;
	vm4 =	vgt.f32 v8, $1.414213540e+00;
	v53 =	vmul.f32 v6, v6  }
0xfa: {  	v9 =	vadd.f32 v9, v9;
	v2 =	vadd.f32 $1.000000000e+00, v2;
	v8 =	vsel vm4, v11, v8  }
0xfb: {  	v56 =	vand.u32 $0x7FFFFF, v44;
	v11 =	vmul.f32 $1.428571490e-01, v53;
	v54 =	vadd.f32 $1.000000000e+00, v8  }
0xfc: {  	v7 =	vadd.f32 $-1.000000000e+00, v7;
	v39 =	vadd.f32 v0, v3;
	v2 =	vmul.f32 v2, v9  }
0xfd: {  	v9 =	vor.u32 $0x3F800000, v56;
	v11 =	vadd.f32 $2.000000030e-01, v11;
	v55 =	vpop (erf);
	(erf) = vrcp.f32 v54  }
0xfe: {  	v6 =	vadd.f32 v6, v6;
	v3 =	vmul.f32 $5.000000000e-01, v9;
	v7 =	vmul.f32 v55, v7  }
0xff: {  	v8 =	vadd.f32 $-1.000000000e+00, v8;
	vm5 =	vgt.f32 v9, $1.414213540e+00;
	v0 =	vmul.f32 v11, v53;
	v11 =	vld [tilespmem:$0x12260]  }
0x100: {  	v40 =	vadd.f32 v2, v10;
	v3 =	vsel vm5, v3, v9;
	v47 =	vmul.f32 v7, v7  }
0x101: {  	v9 =	vadd.s32 v21, v52;
	v57 =	vadd.f32 $1.000000000e+00, v3;
	v0 =	vadd.f32 $3.333333430e-01, v0  }
0x102: {  	v2 =	vcvt.s32.f32 v9;
	v3 =	vadd.f32 $-1.000000000e+00, v3;
	v21 =	vmul.f32 $1.428571490e-01, v47  }
0x103: {  	v59 =	vld [tilespmem:$0x12270];
	v7 =	vadd.f32 v7, v7;
	(erf) = vrcp.f32 v57;
	v0 =	vmul.f32 v0, v53  }
0x104: {  	v49 =	vsel vm5, $0xFFFFFF82, v22;
	v9 =	vadd.f32 $2.000000030e-01, v21;
	v10 =	vadd.f32 $9.999999740e-06, v11  }
0x105: {  	v2 =	vmul.f32 $6.931471820e-01, v2;
	v11 =	vsel vm4, $0xFFFFFF82, v22;
	v0 =	vadd.f32 $1.000000000e+00, v0  }
0x106: {  	v9 =	vmul.f32 v9, v47;
	v21 =	vpop (erf);
	v58 =	vand.u32 $0x7FFFFF, v10;
	v10 =	vshrl.u32 v10, $0x17  }
0x107: {  	v8 =	vmul.f32 v21, v8;
	v21 =	vor.u32 $0x3F800000, v58;
	v0 =	vmul.f32 v0, v6  }
0x108: {  	v6 =	vadd.s32 v60, v46;
	v46 =	vadd.f32 $9.999999740e-06, v59;
	v9 =	vadd.f32 $3.333333430e-01, v9  }
0x109: {  	v61 =	vmul.f32 $5.000000000e-01, v21;
	vm6 =	vgt.f32 v21, $1.414213540e+00;
	v6 =	vcvt.s32.f32 v6  }
0x10a: {  	v48 =	vmul.f32 v8, v8;
	v50 =	vand.u32 $0x7FFFFF, v46;
	v41 =	vadd.f32 v0, v2  }
0x10b: {  	v21 =	vsel vm6, v61, v21;
	v9 =	vmul.f32 v9, v47;
	v6 =	vmul.f32 $6.931471820e-01, v6  }
0x10c: {  	v42 =	vor.u32 $0x3F800000, v50;
	v62 =	vmul.f32 $1.428571490e-01, v48;
	v43 =	vadd.f32 $1.000000000e+00, v21;
	v47 =	vpop (erf)  }
0x10d: {  	v8 =	vadd.f32 v8, v8;
	v2 =	vmul.f32 $5.000000000e-01, v42;
	v3 =	vmul.f32 v47, v3  }
0x10e: {  	vm7 =	vgt.f32 v42, $1.414213540e+00;
	v9 =	vadd.f32 $1.000000000e+00, v9;
	(erf) = vrcp.f32 v43  }
0x10f: {  	v54 =	vld [tilespmem:$0x12290];
	v21 =	vadd.f32 $-1.000000000e+00, v21;
	v63 =	vadd.f32 $2.000000030e-01, v62;
	v0 =	vmul.f32 v3, v3  }
0x110: {  	v50 =	vld [tilespmem:$0x12280];
	v2 =	vsel vm7, v2, v42;
	v7 =	vmul.f32 v9, v7;
	v9 =	vsel vm6, $0xFFFFFF82, v22  }
0x111: {  	v3 =	vadd.f32 v3, v3;
	v51 =	vmul.f32 v63, v48;
	v52 =	vmul.f32 $1.428571490e-01, v0  }
0x112: {  	v42 =	vadd.f32 v7, v6;
	v6 =	vshrl.u32 v45, $0x17;
	v7 =	vadd.f32 $1.000000000e+00, v2  }
0x113: {  	v9 =	vadd.s32 v10, v9;
	v43 =	vadd.f32 $3.333333430e-01, v51;
	v6 =	vadd.s32 v6, v11  }
0x114: {  	v53 =	vadd.f32 $2.000000030e-01, v52;
	v6 =	vcvt.s32.f32 v6;
	(erf) = vrcp.f32 v7  }
0x115: {  	v11 =	vmul.f32 v43, v48;
	v48 =	vadd.f32 $9.999999740e-06, v50;
	v50 =	vadd.f32 $9.999999740e-06, v54  }
0x116: {  	v2 =	vadd.f32 $-1.000000000e+00, v2;
	v51 =	vsel vm7, $0xFFFFFF82, v22;
	v6 =	vmul.f32 $6.931471820e-01, v6  }
0x117: {  	v60 =	vld [tilespmem:$0x122A0];
	v7 =	vadd.f32 $1.000000000e+00, v11;
	v11 =	vmul.f32 v53, v0;
	v59 =	vand.u32 $0x7FFFFF, v50;
	v55 =	vpop (erf)  }
0x118: {  	v56 =	vand.u32 $0x7FFFFF, v48;
	v47 =	vor.u32 $0x3F800000, v59;
	v21 =	vmul.f32 v55, v21  }
0x119: {  	v7 =	vmul.f32 v7, v8;
	v8 =	vshrl.u32 v44, $0x17;
	v11 =	vadd.f32 $3.333333430e-01, v11  }
0x11a: {  	v61 =	vmul.f32 $5.000000000e-01, v47;
	vm9 =	vgt.f32 v47, $1.414213540e+00;
	v8 =	vadd.s32 v8, v49  }
0x11b: {  	v43 =	vmul.f32 v21, v21;
	v0 =	vmul.f32 v11, v0;
	v11 =	vor.u32 $0x3F800000, v56  }
0x11c: {  	v45 =	vsel vm9, v61, v47;
	v47 =	vadd.f32 $9.999999740e-06, v60;
	v8 =	vcvt.s32.f32 v8  }
0x11d: {  	v56 =	vsel vm9, $0xFFFFFF82, v22;
	v21 =	vadd.f32 v21, v21;
	v58 =	vmul.f32 $5.000000000e-01, v11  }
0x11e: {  	vm8 =	vgt.f32 v11, $1.414213540e+00;
	v62 =	vadd.f32 $1.000000000e+00, v45;
	v57 =	vmul.f32 $1.428571490e-01, v43;
	v52 =	vpop (erf)  }
0x11f: {  	v0 =	vadd.f32 $1.000000000e+00, v0;
	v11 =	vsel vm8, v58, v11;
	v2 =	vmul.f32 v52, v2  }
0x120: {  	v53 =	vsel vm8, $0xFFFFFF82, v22;
	v54 =	vadd.f32 $1.000000000e+00, v11;
	v44 =	vadd.f32 $2.000000030e-01, v57  }
0x121: {  	v63 =	vand.u32 $0x7FFFFF, v47;
	v8 =	vmul.f32 $6.931471820e-01, v8;
	v49 =	vmul.f32 v2, v2  }
0x122: {  	v47 =	vshrl.u32 v47, $0x17;
	(erf) = vrcp.f32 v54;
	v44 =	vmul.f32 v44, v43  }
0x123: {  	v59 =	vld [tilespmem:$0x122B0];
	v52 =	vor.u32 $0x3F800000, v63;
	(erf) = vrcp.f32 v62;
	v57 =	vmul.f32 $1.428571490e-01, v49  }
0x124: {  	v55 =	vmul.f32 $5.000000000e-01, v52;
	vm10 =	vgt.f32 v52, $1.414213540e+00;
	v44 =	vadd.f32 $3.333333430e-01, v44  }
0x125: {  	v0 =	vmul.f32 v0, v3;
	v3 =	vcvt.s32.f32 v9;
	v54 =	vadd.f32 $2.000000030e-01, v57  }
0x126: {  	v9 =	vadd.f32 $-1.000000000e+00, v11;
	v10 =	vsel vm10, v55, v52;
	v43 =	vmul.f32 v44, v43  }
0x127: {  	v2 =	vadd.f32 v2, v2;
	v52 =	vadd.f32 $1.000000000e+00, v10;
	v58 =	vmul.f32 v54, v49  }
0x128: {  	v63 =	vshrl.u32 v46, $0x17;
	v54 =	vadd.f32 $9.999999740e-06, v59;
	v11 =	vadd.f32 $1.000000000e+00, v43  }
0x129: {  	v3 =	vmul.f32 $6.931471820e-01, v3;
	v62 =	vadd.f32 $-1.000000000e+00, v45;
	v60 =	vadd.f32 $3.333333430e-01, v58  }
0x12a: {  	v10 =	vadd.f32 $-1.000000000e+00, v10;
	v59 =	vand.u32 $0x7FFFFF, v54;
	v11 =	vmul.f32 v11, v21  }
0x12b: {  	v21 =	vadd.s32 v63, v51;
	v61 =	vpop (erf);
	(erf) = vrcp.f32 v52;
	v43 =	vmul.f32 v60, v49  }
0x12c: {  	v45 =	vor.u32 $0x3F800000, v59;
	v21 =	vcvt.s32.f32 v21;
	v9 =	vmul.f32 v61, v9;
	v57 =	vpop (erf)  }
0x12d: {  	vm11 =	vgt.f32 v45, $1.414213540e+00;
	v61 =	vmul.f32 $5.000000000e-01, v45;
	v52 =	vmul.f32 v57, v62  }
0x12e: {  	v43 =	vadd.f32 $1.000000000e+00, v43;
	v57 =	vsel vm10, $0xFFFFFF82, v22;
	v49 =	vmul.f32 v9, v9  }
0x12f: {  	v21 =	vmul.f32 $6.931471820e-01, v21;
	v55 =	vsel vm11, v61, v45;
	v45 =	vadd.f32 v7, v6  }
0x130: {  	v7 =	vld [tilespmem:$0x122C0];
	v9 =	vadd.f32 v9, v9;
	v51 =	vmul.f32 v52, v52;
	v58 =	vmul.f32 $1.428571490e-01, v49  }
0x131: {  	[tilespmem:$0x12100] =	vst v24;
	v24 =	vadd.s32 v47, v57;
	v62 =	vadd.f32 $1.000000000e+00, v55;
	v2 =	vmul.f32 v43, v2  }
0x132: {  	v24 =	vcvt.s32.f32 v24;
	v60 =	vmul.f32 $1.428571490e-01, v51;
	v44 =	vadd.f32 $2.000000030e-01, v58  }
0x133: {  	v57 =	vshrl.u32 v54, $0x17;
	(erf) = vrcp.f32 v62;
	v43 =	vadd.f32 v2, v21;
	v21 =	vld [tilespmem:$0x122E0]  }
0x134: {  	v24 =	vmul.f32 $6.931471820e-01, v24;
	v46 =	vadd.f32 $2.000000030e-01, v60;
	v44 =	vmul.f32 v44, v49;
	v58 =	vpop (erf)  }
0x135: {  	v7 =	vadd.f32 $9.999999740e-06, v7;
	v60 =	vadd.f32 $-1.000000000e+00, v55;
	v10 =	vmul.f32 v58, v10  }
0x136: {  	v59 =	vmul.f32 v46, v51;
	v46 =	vadd.f32 v0, v8;
	v63 =	vadd.f32 $3.333333430e-01, v44  }
0x137: {  	v8 =	vld [tilespmem:$0x122D0];
	v44 =	vadd.f32 v11, v3;
	v11 =	vshrl.u32 v48, $0x17;
	v48 =	vadd.f32 v52, v52  }
0x138: {  	v52 =	vsel vm11, $0xFFFFFF82, v22;
	v21 =	vadd.f32 $9.999999740e-06, v21;
	v6 =	vmul.f32 v10, v10  }
0x139: {  	v2 =	vadd.f32 $3.333333430e-01, v59;
	v11 =	vadd.s32 v11, v53;
	v59 =	vand.u32 $0x7FFFFF, v7  }
0x13a: {  	[tilespmem:$0x12130] =	vst v26;
	v10 =	vadd.f32 v10, v10;
	v26 =	vadd.s32 v57, v52;
	v0 =	vmul.f32 v63, v49  }
0x13b: {  	v49 =	vor.u32 $0x3F800000, v59;
	v11 =	vcvt.s32.f32 v11;
	v26 =	vcvt.s32.f32 v26  }
0x13c: {  	v3 =	vmul.f32 $1.428571490e-01, v6;
	v0 =	vadd.f32 $1.000000000e+00, v0;
	v8 =	vadd.f32 $9.999999740e-06, v8  }
0x13d: {  	v7 =	vshrl.u32 v7, $0x17;
	v2 =	vmul.f32 v2, v51;
	v51 =	vld [tilespmem:$0x122F0];
	v62 =	vmul.f32 $5.000000000e-01, v49  }
0x13e: {  	vm12 =	vgt.f32 v49, $1.414213540e+00;
	v61 =	vpop (erf);
	v0 =	vmul.f32 v0, v9;
	v63 =	vand.u32 $0x7FFFFF, v8  }
0x13f: {  	v9 =	vshrl.u32 v50, $0x17;
	v50 =	vmul.f32 v61, v60;
	v60 =	vor.u32 $0x3F800000, v63  }
0x140: {  	v11 =	vmul.f32 $6.931471820e-01, v11;
	v49 =	vsel vm12, v62, v49;
	v61 =	vmul.f32 $5.000000000e-01, v60  }
0x141: {  	v3 =	vadd.f32 $2.000000030e-01, v3;
	v62 =	vadd.f32 $1.000000000e+00, v49;
	vm13 =	vgt.f32 v60, $1.414213540e+00  }
0x142: {  	v63 =	vand.u32 $0x7FFFFF, v21;
	v51 =	vadd.f32 $9.999999740e-06, v51;
	v53 =	vsel vm13, v61, v60  }
0x143: {  	v3 =	vmul.f32 v3, v6;
	v55 =	vor.u32 $0x3F800000, v63;
	v58 =	vadd.f32 $1.000000000e+00, v53  }
0x144: {  	(erf) = vrcp.f32 v62;
	v60 =	vmul.f32 $5.000000000e-01, v55;
	v61 =	vand.u32 $0x7FFFFF, v51  }
0x145: {  	vm14 =	vgt.f32 v55, $1.414213540e+00;
	(erf) = vrcp.f32 v58;
	v58 =	vor.u32 $0x3F800000, v61  }
0x146: {  	v3 =	vadd.f32 $3.333333430e-01, v3;
	v55 =	vsel vm14, v60, v55;
	v60 =	vmul.f32 $5.000000000e-01, v58  }
0x147: {  	v26 =	vmul.f32 $6.931471820e-01, v26;
	v63 =	vadd.f32 $1.000000000e+00, v55;
	vm15 =	vgt.f32 v58, $1.414213540e+00  }
0x148: {  	v3 =	vmul.f32 v3, v6;
	v61 =	vmul.f32 v50, v50;
	v6 =	vsel vm15, v60, v58  }
0x149: {  	v2 =	vadd.f32 $1.000000000e+00, v2;
	(erf) = vrcp.f32 v63;
	v60 =	vadd.f32 $1.000000000e+00, v6  }
0x14a: {  	v49 =	vadd.f32 $-1.000000000e+00, v49;
	v8 =	vshrl.u32 v8, $0x17;
	v58 =	vmul.f32 $1.428571490e-01, v61  }
0x14b: {  	v9 =	vadd.s32 v9, v56;
	v56 =	vsel vm12, $0xFFFFFF82, v22;
	(erf) = vrcp.f32 v60  }
0x14c: {  	[tilespmem:$0x12110] =	vst v23;
	v9 =	vcvt.s32.f32 v9;
	v7 =	vadd.s32 v7, v56;
	v58 =	vadd.f32 $2.000000030e-01, v58  }
0x14d: {  	[tilespmem:$0x12120] =	vst v25;
	v2 =	vmul.f32 v2, v48;
	v7 =	vcvt.s32.f32 v7;
	v3 =	vadd.f32 $1.000000000e+00, v3  }
0x14e: {  	[tilespmem:$0x12150] =	vst v30;
	v59 =	vsel vm13, $0xFFFFFF82, v22;
	v9 =	vmul.f32 $6.931471820e-01, v9;
	v63 =	vpop (erf);
	v60 =	vmul.f32 v58, v61  }
0x14f: {  	[tilespmem:$0x12160] =	vst v29;
	v8 =	vadd.s32 v8, v59;
	v3 =	vmul.f32 v3, v10;
	v10 =	vmul.f32 v63, v49  }
0x150: {  	[tilespmem:$0x12140] =	vst v28;
	v23 =	vadd.f32 $-1.000000000e+00, v53;
	v8 =	vcvt.s32.f32 v8;
	v53 =	vadd.f32 $3.333333430e-01, v60  }
0x151: {  	[tilespmem:$0x12170] =	vst v27;
	v7 =	vmul.f32 $6.931471820e-01, v7;
	v47 =	vmul.f32 v10, v10;
	v63 =	vpop (erf);
	v60 =	vadd.f32 $-1.000000000e+00, v55  }
0x152: {  	[tilespmem:$0x12180] =	vst v31;
	v0 =	vadd.f32 v0, v11;
	v23 =	vmul.f32 v63, v23;
	v25 =	vmul.f32 v53, v61;
	v61 =	vpop (erf)  }
0x153: {  	[tilespmem:$0x12190] =	vst v32;
	v8 =	vmul.f32 $6.931471820e-01, v8;
	v6 =	vadd.f32 $-1.000000000e+00, v6;
	v53 =	vmul.f32 v61, v60  }
0x154: {  	[tilespmem:$0x121A0] =	vst v34;
	v62 =	vsel vm14, $0xFFFFFF82, v22;
	v58 =	vmul.f32 $1.428571490e-01, v47;
	v30 =	vmul.f32 v23, v23;
	v57 =	vpop (erf)  }
0x155: {  	[tilespmem:$0x121B0] =	vst v35;
	v2 =	vadd.f32 v2, v9;
	v11 =	vmul.f32 v53, v53;
	v6 =	vmul.f32 v57, v6  }
0x156: {  	[tilespmem:$0x121C0] =	vst v33;
	v63 =	vadd.f32 v50, v50;
	v52 =	vadd.f32 $2.000000030e-01, v58;
	v54 =	vmul.f32 $1.428571490e-01, v30  }
0x157: {  	[tilespmem:$0x121D0] =	vst v36;
	v25 =	vadd.f32 $1.000000000e+00, v25;
	v9 =	vmul.f32 $1.428571490e-01, v11;
	v31 =	vmul.f32 v6, v6  }
0x158: {  	[tilespmem:$0x121E0] =	vst v37;
	v3 =	vadd.f32 v3, v24;
	v27 =	vmul.f32 v52, v47;
	v55 =	vadd.f32 $2.000000030e-01, v54  }
0x159: {  	[tilespmem:$0x121F0] =	vst v38;
	v25 =	vmul.f32 v25, v63;
	v9 =	vadd.f32 $2.000000030e-01, v9;
	v61 =	vmul.f32 $1.428571490e-01, v31  }
0x15a: {  	[tilespmem:$0x12200] =	vst v39;
	v10 =	vadd.f32 v10, v10;
	v27 =	vadd.f32 $3.333333430e-01, v27;
	v29 =	vmul.f32 v55, v30  }
0x15b: {  	[tilespmem:$0x12210] =	vst v40;
	v25 =	vadd.f32 v25, v26;
	v9 =	vmul.f32 v9, v11;
	v26 =	vadd.f32 $2.000000030e-01, v61  }
0x15c: {  	[tilespmem:$0x12220] =	vst v41;
	v23 =	vadd.f32 v23, v23;
	v58 =	vmul.f32 v27, v47;
	v60 =	vadd.f32 $3.333333430e-01, v29  }
0x15d: {  	[tilespmem:$0x12230] =	vst v42;
	v63 =	vsel vm15, $0xFFFFFF82, v22;
	v9 =	vadd.f32 $3.333333430e-01, v9;
	v26 =	vmul.f32 v26, v31  }
0x15e: {  	[tilespmem:$0x12240] =	vst v45;
	v6 =	vadd.f32 v6, v6;
	v24 =	vadd.f32 $1.000000000e+00, v58;
	v27 =	vmul.f32 v60, v30  }
0x15f: {  	[tilespmem:$0x12270] =	vst v43;
	v9 =	vmul.f32 v9, v11;
	v11 =	vshrl.u32 v21, $0x17;
	v21 =	vadd.f32 $3.333333430e-01, v26  }
0x160: {  	[tilespmem:$0x12250] =	vst v46;
	v10 =	vmul.f32 v24, v10;
	v11 =	vadd.s32 v11, v62;
	v62 =	vshrl.u32 v51, $0x17  }
0x161: {  	[tilespmem:$0x12260] =	vst v44;
	v27 =	vadd.f32 $1.000000000e+00, v27;
	v24 =	vadd.s32 v62, v63;
	v21 =	vmul.f32 v21, v31  }
0x162: {  	[tilespmem:$0x12280] =	vst v0;
	v0 =	vadd.f32 $1.000000000e+00, v9;
	v9 =	vcvt.s32.f32 v11;
	v11 =	vadd.f32 v53, v53  }
0x163: {  	[tilespmem:$0x12290] =	vst v2;
	v23 =	vmul.f32 v27, v23;
	v2 =	vadd.f32 $1.000000000e+00, v21;
	v21 =	vcvt.s32.f32 v24  }
0x164: {  	[tilespmem:$0x122A0] =	vst v3;
	v3 =	vadd.f32 v10, v7;
	v0 =	vmul.f32 v0, v11;
	v7 =	vmul.f32 $6.931471820e-01, v9  }
0x165: {  	[tilespmem:$0x122B0] =	vst v25;
	v8 =	vadd.f32 v23, v8;
	v2 =	vmul.f32 v2, v6;
	v6 =	vmul.f32 $6.931471820e-01, v21  }
0x166: {  	[tilespmem:$0x122C0] =	vst v3;
	v0 =	vadd.f32 v0, v7  }
0x167: {  	[tilespmem:$0x122D0] =	vst v8;
	v2 =	vadd.f32 v2, v6  }
0x168: {  	[tilespmem:$0x122E0] =	vst v0  }
0x169: {  	s21 =	sadd.s32 s21, s6;
	[tilespmem:$0x122F0] =	vst v2  }
0x16a: {  	[hbm4b:s21+s2] =	stream.linear.scatter [tilespmem:s13], [sflag:$0x3], $0x200, $0x38;
	[tilespmem:$0x12300] =	vst v63  }
0x16b: {  	s20 =	sadd.s32 $0x1, s20;
	_ =	swait.ge [sflag:s9], $0x200  }
0x16c: {  	p0 =	sne.s32 s20, $0x8;
	v3 =	vld [tilespmem:$0x1FFA0]  }
.Ltmp5:
0x16d: {  	v6 =	vld [tilespmem:$0x1FFB0];
	(pc) =	sbr.rel @!p0 .LBB2_17-.Ltmp5, $4  }
0x16e: {  	v7 =	vld [tilespmem:$0x1FFC0]  }
0x16f: {  	v8 =	vld [tilespmem:$0x1FFD0]  }
0x170: {  	[sflag:s9] =	ssyncset.done $0x0;
	v9 =	vld [tilespmem:$0x1FFE0]  }
0x171: {  	v0 =	vlaneseq.u32;
	v2 =	vimm.s32 $0x0;
	v10 =	vld [tilespmem:$0x1FFF0];
	[sflag:s9] =	ssyncadd.s32 $0xFFFFFE00  }
.LBB2_6:
0x172: {  	_ =	swait.ge [sflag:s11], $0x8000;
	s21 =	sshllo.u32 s20, $0x1  }
0x173: {  	s31 =	sshll.u32 s20, $0x3;
	[sflag:s11] =	ssyncset.done $0x0;
	s22 =	sshll.u32 s21, $0xC  }
0x174: {  	s24 =	sand.u32 $0x3FFFFFE0, s31;
	[sflag:s11] =	ssyncadd.s32 $0xFFFF8000;
	s22 =	sadd.s32 s22, s5  }
0x175: {  	v0 =	vimm.f32 $0.0e+00;
	[tilespmem:s12], [sflag:$0x2] =	stream.linear.gather [hbm4b:s22+s18], $0x8000, $0x38;
	[tilespmem:$0x12300] =	vst v63  }
0x176: {  	v23 =	vld [tilespmem:s24+$0x11000];
	[tilespmem:$0x12100] =	vst v0  }
0x177: {  	[tilespmem:$0x12110] =	vst v0  }
0x178: {  	[tilespmem:$0x12120] =	vst v0  }
0x179: {  	[tilespmem:$0x12130] =	vst v0  }
0x17a: {  	[tilespmem:$0x12140] =	vst v0  }
0x17b: {  	[tilespmem:$0x12150] =	vst v0  }
0x17c: {  	[tilespmem:$0x12160] =	vst v0  }
0x17d: {  	[tilespmem:$0x12170] =	vst v0  }
0x17e: {  	[tilespmem:$0x12180] =	vst v0  }
0x17f: {  	[tilespmem:$0x12190] =	vst v0  }
0x180: {  	[tilespmem:$0x121A0] =	vst v0  }
0x181: {  	[tilespmem:$0x121B0] =	vst v0  }
0x182: {  	[tilespmem:$0x121C0] =	vst v0  }
0x183: {  	[tilespmem:$0x121D0] =	vst v0  }
0x184: {  	[tilespmem:$0x121E0] =	vst v0  }
0x185: {  	[tilespmem:$0x121F0] =	vst v0  }
0x186: {  	[tilespmem:$0x12200] =	vst v0  }
0x187: {  	[tilespmem:$0x12210] =	vst v0  }
0x188: {  	[tilespmem:$0x12220] =	vst v0  }
0x189: {  	[tilespmem:$0x12230] =	vst v0  }
0x18a: {  	[tilespmem:$0x12240] =	vst v0  }
0x18b: {  	[tilespmem:$0x12250] =	vst v0  }
0x18c: {  	[tilespmem:$0x12260] =	vst v0  }
0x18d: {  	[tilespmem:$0x12270] =	vst v0  }
0x18e: {  	[tilespmem:$0x12280] =	vst v0  }
0x18f: {  	[tilespmem:$0x12290] =	vst v0  }
0x190: {  	[tilespmem:$0x122A0] =	vst v0  }
0x191: {  	[tilespmem:$0x122B0] =	vst v0  }
0x192: {  	[tilespmem:$0x122C0] =	vst v0  }
0x193: {  	[tilespmem:$0x122D0] =	vst v0  }
0x194: {  	[tilespmem:$0x122E0] =	vst v0  }
0x195: {  	s23 =	sshrl.u32 s20, $0x2;
	s22 =	simm.s32 $0x0;
	[tilespmem:$0x122F0] =	vst v0;
	vm0 =	vne.s32 v23, $0xFFFFFFFF  }
.LBB2_7:
0x196: {  	v23 =	vor.u32 s22, v1;
	_ =	sdelay $0x4  }
0x197: {  	v23 =	vld.idx.msk [tilespmem:v23+s2+$0x0], $0xffff;
	_ =	sdelay $0x4  }
0x198: {  	v23 =	vadd.f32 $1.000000950e+00, v23;
	_ =	sdelay $0x1  }
0x199: {  	v23 =	vmul.f32 $1.450000000e+01, v23;
	_ =	sdelay $0x1  }
0x19a: {  	v23 =	vtrunc.f32 v23  }
0x19b: {  	v23 =	vcvt.f32.s32 v23;
	_ =	sdelay $0x1  }
0x19c: {  	v23 =	vadd.s32 v4, v23  }
0x19d: {  	v24 =	vor.u32 s22, v3;
	_ =	sdelay $0x3  }
0x19e: {  	[tilespmem:v23+s13+$0x0] =	vst.idx.add.f32.msk vm0, v5  }
0x19f: {  	v23 =	vld.idx.msk [tilespmem:v24+s2+$0x0], $0xffff;
	_ =	sdelay $0x4  }
0x1a0: {  	v23 =	vadd.f32 $1.000000950e+00, v23;
	_ =	sdelay $0x1  }
0x1a1: {  	v23 =	vmul.f32 $1.450000000e+01, v23;
	_ =	sdelay $0x1  }
0x1a2: {  	v23 =	vtrunc.f32 v23  }
0x1a3: {  	v23 =	vcvt.f32.s32 v23;
	_ =	sdelay $0x1  }
0x1a4: {  	v23 =	vadd.s32 v4, v23  }
0x1a5: {  	v50 =	vor.u32 s22, v6;
	_ =	sdelay $0x3  }
0x1a6: {  	[tilespmem:v23+s13+$0x0] =	vst.idx.add.f32.msk vm0, v5  }
0x1a7: {  	v23 =	vld.idx.msk [tilespmem:v50+s2+$0x0], $0xffff;
	_ =	sdelay $0x4  }
0x1a8: {  	v23 =	vadd.f32 $1.000000950e+00, v23;
	_ =	sdelay $0x1  }
0x1a9: {  	v23 =	vmul.f32 $1.450000000e+01, v23;
	_ =	sdelay $0x1  }
0x1aa: {  	v23 =	vtrunc.f32 v23  }
0x1ab: {  	v23 =	vcvt.f32.s32 v23;
	_ =	sdelay $0x1  }
0x1ac: {  	v23 =	vadd.s32 v4, v23  }
0x1ad: {  	v51 =	vor.u32 s22, v7;
	_ =	sdelay $0x3  }
0x1ae: {  	[tilespmem:v23+s13+$0x0] =	vst.idx.add.f32.msk vm0, v5  }
0x1af: {  	v23 =	vld.idx.msk [tilespmem:v51+s2+$0x0], $0xffff;
	_ =	sdelay $0x4  }
0x1b0: {  	v23 =	vadd.f32 $1.000000950e+00, v23;
	_ =	sdelay $0x1  }
0x1b1: {  	v23 =	vmul.f32 $1.450000000e+01, v23;
	_ =	sdelay $0x1  }
0x1b2: {  	v23 =	vtrunc.f32 v23  }
0x1b3: {  	v23 =	vcvt.f32.s32 v23;
	_ =	sdelay $0x1  }
0x1b4: {  	v23 =	vadd.s32 v4, v23  }
0x1b5: {  	v52 =	vor.u32 s22, v8;
	_ =	sdelay $0x3  }
0x1b6: {  	[tilespmem:v23+s13+$0x0] =	vst.idx.add.f32.msk vm0, v5  }
0x1b7: {  	v23 =	vld.idx.msk [tilespmem:v52+s2+$0x0], $0xffff;
	_ =	sdelay $0x4  }
0x1b8: {  	v23 =	vadd.f32 $1.000000950e+00, v23;
	_ =	sdelay $0x1  }
0x1b9: {  	v23 =	vmul.f32 $1.450000000e+01, v23;
	_ =	sdelay $0x1  }
0x1ba: {  	v23 =	vtrunc.f32 v23  }
0x1bb: {  	v23 =	vcvt.f32.s32 v23;
	_ =	sdelay $0x1  }
0x1bc: {  	v23 =	vadd.s32 v4, v23  }
0x1bd: {  	v53 =	vor.u32 s22, v9;
	_ =	sdelay $0x3  }
0x1be: {  	[tilespmem:v23+s13+$0x0] =	vst.idx.add.f32.msk vm0, v5  }
0x1bf: {  	v23 =	vld.idx.msk [tilespmem:v53+s2+$0x0], $0xffff;
	_ =	sdelay $0x4  }
0x1c0: {  	v23 =	vadd.f32 $1.000000950e+00, v23;
	_ =	sdelay $0x1  }
0x1c1: {  	v23 =	vmul.f32 $1.450000000e+01, v23;
	_ =	sdelay $0x1  }
0x1c2: {  	v23 =	vtrunc.f32 v23  }
0x1c3: {  	v23 =	vcvt.f32.s32 v23;
	_ =	sdelay $0x1  }
0x1c4: {  	v23 =	vadd.s32 v4, v23  }
0x1c5: {  	v54 =	vor.u32 s22, v10;
	_ =	sdelay $0x3  }
0x1c6: {  	[tilespmem:v23+s13+$0x0] =	vst.idx.add.f32.msk vm0, v5  }
0x1c7: {  	v23 =	vld.idx.msk [tilespmem:v54+s2+$0x0], $0xffff;
	_ =	sdelay $0x4  }
0x1c8: {  	v23 =	vadd.f32 $1.000000950e+00, v23;
	_ =	sdelay $0x1  }
0x1c9: {  	v23 =	vmul.f32 $1.450000000e+01, v23;
	_ =	sdelay $0x1  }
0x1ca: {  	v23 =	vtrunc.f32 v23  }
0x1cb: {  	v23 =	vcvt.f32.s32 v23;
	_ =	sdelay $0x1  }
0x1cc: {  	v23 =	vadd.s32 v4, v23  }
0x1cd: {  	v55 =	vor.u32 s22, v12;
	_ =	sdelay $0x3  }
0x1ce: {  	[tilespmem:v23+s13+$0x0] =	vst.idx.add.f32.msk vm0, v5  }
0x1cf: {  	v23 =	vld.idx.msk [tilespmem:v55+s2+$0x0], $0xffff;
	_ =	sdelay $0x4  }
0x1d0: {  	v23 =	vadd.f32 $1.000000950e+00, v23;
	_ =	sdelay $0x1  }
0x1d1: {  	v23 =	vmul.f32 $1.450000000e+01, v23;
	_ =	sdelay $0x1  }
0x1d2: {  	v23 =	vtrunc.f32 v23  }
0x1d3: {  	v23 =	vcvt.f32.s32 v23;
	_ =	sdelay $0x1  }
0x1d4: {  	v23 =	vadd.s32 v4, v23  }
0x1d5: {  	v56 =	vor.u32 s22, v13;
	_ =	sdelay $0x3  }
0x1d6: {  	[tilespmem:v23+s13+$0x0] =	vst.idx.add.f32.msk vm0, v5  }
0x1d7: {  	v23 =	vld.idx.msk [tilespmem:v56+s2+$0x0], $0xffff;
	_ =	sdelay $0x4  }
0x1d8: {  	v23 =	vadd.f32 $1.000000950e+00, v23;
	_ =	sdelay $0x1  }
0x1d9: {  	v23 =	vmul.f32 $1.450000000e+01, v23;
	_ =	sdelay $0x1  }
0x1da: {  	v23 =	vtrunc.f32 v23  }
0x1db: {  	v23 =	vcvt.f32.s32 v23;
	_ =	sdelay $0x1  }
0x1dc: {  	v23 =	vadd.s32 v4, v23  }
0x1dd: {  	v57 =	vor.u32 s22, v14;
	_ =	sdelay $0x3  }
0x1de: {  	[tilespmem:v23+s13+$0x0] =	vst.idx.add.f32.msk vm0, v5  }
0x1df: {  	v23 =	vld.idx.msk [tilespmem:v57+s2+$0x0], $0xffff;
	_ =	sdelay $0x4  }
0x1e0: {  	v23 =	vadd.f32 $1.000000950e+00, v23;
	_ =	sdelay $0x1  }
0x1e1: {  	v23 =	vmul.f32 $1.450000000e+01, v23;
	_ =	sdelay $0x1  }
0x1e2: {  	v23 =	vtrunc.f32 v23  }
0x1e3: {  	v23 =	vcvt.f32.s32 v23;
	_ =	sdelay $0x1  }
0x1e4: {  	v23 =	vadd.s32 v4, v23  }
0x1e5: {  	v58 =	vor.u32 s22, v15;
	_ =	sdelay $0x3  }
0x1e6: {  	[tilespmem:v23+s13+$0x0] =	vst.idx.add.f32.msk vm0, v5  }
0x1e7: {  	v23 =	vld.idx.msk [tilespmem:v58+s2+$0x0], $0xffff;
	_ =	sdelay $0x4  }
0x1e8: {  	v23 =	vadd.f32 $1.000000950e+00, v23;
	_ =	sdelay $0x1  }
0x1e9: {  	v23 =	vmul.f32 $1.450000000e+01, v23;
	_ =	sdelay $0x1  }
0x1ea: {  	v23 =	vtrunc.f32 v23  }
0x1eb: {  	v23 =	vcvt.f32.s32 v23;
	_ =	sdelay $0x1  }
0x1ec: {  	v23 =	vadd.s32 v4, v23  }
0x1ed: {  	v59 =	vor.u32 s22, v16;
	_ =	sdelay $0x3  }
0x1ee: {  	[tilespmem:v23+s13+$0x0] =	vst.idx.add.f32.msk vm0, v5  }
0x1ef: {  	v23 =	vld.idx.msk [tilespmem:v59+s2+$0x0], $0xffff;
	_ =	sdelay $0x4  }
0x1f0: {  	v23 =	vadd.f32 $1.000000950e+00, v23;
	_ =	sdelay $0x1  }
0x1f1: {  	v23 =	vmul.f32 $1.450000000e+01, v23;
	_ =	sdelay $0x1  }
0x1f2: {  	v23 =	vtrunc.f32 v23  }
0x1f3: {  	v23 =	vcvt.f32.s32 v23;
	_ =	sdelay $0x1  }
0x1f4: {  	v23 =	vadd.s32 v4, v23  }
0x1f5: {  	v60 =	vor.u32 s22, v17;
	_ =	sdelay $0x3  }
0x1f6: {  	[tilespmem:v23+s13+$0x0] =	vst.idx.add.f32.msk vm0, v5  }
0x1f7: {  	v23 =	vld.idx.msk [tilespmem:v60+s2+$0x0], $0xffff;
	_ =	sdelay $0x4  }
0x1f8: {  	v23 =	vadd.f32 $1.000000950e+00, v23;
	_ =	sdelay $0x1  }
0x1f9: {  	v23 =	vmul.f32 $1.450000000e+01, v23;
	_ =	sdelay $0x1  }
0x1fa: {  	v23 =	vtrunc.f32 v23  }
0x1fb: {  	v23 =	vcvt.f32.s32 v23;
	_ =	sdelay $0x1  }
0x1fc: {  	v23 =	vadd.s32 v4, v23  }
0x1fd: {  	v61 =	vor.u32 s22, v18;
	_ =	sdelay $0x3  }
0x1fe: {  	[tilespmem:v23+s13+$0x0] =	vst.idx.add.f32.msk vm0, v5  }
0x1ff: {  	v23 =	vld.idx.msk [tilespmem:v61+s2+$0x0], $0xffff;
	_ =	sdelay $0x4  }
0x200: {  	v23 =	vadd.f32 $1.000000950e+00, v23;
	_ =	sdelay $0x1  }
0x201: {  	v23 =	vmul.f32 $1.450000000e+01, v23;
	_ =	sdelay $0x1  }
0x202: {  	v23 =	vtrunc.f32 v23  }
0x203: {  	v23 =	vcvt.f32.s32 v23;
	_ =	sdelay $0x1  }
0x204: {  	v23 =	vadd.s32 v4, v23  }
0x205: {  	v62 =	vor.u32 s22, v19;
	_ =	sdelay $0x3  }
0x206: {  	[tilespmem:v23+s13+$0x0] =	vst.idx.add.f32.msk vm0, v5  }
0x207: {  	v23 =	vld.idx.msk [tilespmem:v62+s2+$0x0], $0xffff;
	_ =	sdelay $0x4  }
0x208: {  	v23 =	vadd.f32 $1.000000950e+00, v23;
	_ =	sdelay $0x1  }
0x209: {  	v23 =	vmul.f32 $1.450000000e+01, v23;
	_ =	sdelay $0x1  }
0x20a: {  	v23 =	vtrunc.f32 v23  }
0x20b: {  	v23 =	vcvt.f32.s32 v23;
	_ =	sdelay $0x1  }
0x20c: {  	v23 =	vadd.s32 v4, v23  }
0x20d: {  	v63 =	vor.u32 s22, v20;
	_ =	sdelay $0x3  }
0x20e: {  	[tilespmem:v23+s13+$0x0] =	vst.idx.add.f32.msk vm0, v5  }
0x20f: {  	v23 =	vld.idx.msk [tilespmem:v63+s2+$0x0], $0xffff;
	_ =	sdelay $0x4  }
0x210: {  	v23 =	vadd.f32 $1.000000950e+00, v23;
	_ =	sdelay $0x1  }
0x211: {  	v23 =	vmul.f32 $1.450000000e+01, v23;
	_ =	sdelay $0x1  }
0x212: {  	v23 =	vtrunc.f32 v23  }
0x213: {  	v23 =	vcvt.f32.s32 v23;
	_ =	sdelay $0x1  }
0x214: {  	p0 =	seq.s32 s22, $0x7F0;
	v23 =	vadd.s32 v4, v23  }
.Ltmp6:
0x215: {  	_ = 	snop;
	(pc) =	sbr.rel @!p0 .LBB2_7-.Ltmp6, $2  }
0x216: {  	_ =	sdelay $0x2  }
0x217: {  	s22 =	sadd.s32 $0x10, s22;
	[tilespmem:v23+s13+$0x0] =	vst.idx.add.f32.msk vm0, v5  }
0x218: {  	p0 =	seq.s32 s23, $0x0;
	s22 =	smov.u32 s19  }
0x219: {  	s22 =	smov.u32 @p0 s17  }
0x21a: {  	p0 =	slt.s32 s22, $0x1  }
.Ltmp7:
0x21b: {  	_ = 	snop;
	(pc) =	sbr.rel @p0 .LBB2_11-.Ltmp7, $3  }
0x21c: {  	_ =	sdelay $0x1  }
0x21d: {  	s23 =	smul.u32 $0x810, s23  }
0x21e: {  	v0 =	vimm.f32 $-1.000000000e+00  }
0x21f: {  	s25 =	simm.s32 $0x0  }
.LBB2_10:
0x220: {  	s26 =	sadd.s32 s23, s25  }
0x221: {  	v23 =	vmov s26;
	_ =	sdelay $0x4  }
0x222: {  	v23 =	vld.idx.msk [tilespmem:v23+s14+$0x0], $0xffff;
	_ =	sdelay $0x4  }
0x223: {  	v23 =	vadd.s32 v1, v23;
	_ =	sdelay $0x4  }
0x224: {  	v23 =	vld.idx.msk [tilespmem:v23+s2+$0x0], $0xffff;
	_ =	sdelay $0x4  }
0x225: {  	v23 =	vadd.f32 $1.000000950e+00, v23;
	_ =	sdelay $0x1  }
0x226: {  	v23 =	vmul.f32 $1.450000000e+01, v23;
	_ =	sdelay $0x1  }
0x227: {  	v23 =	vtrunc.f32 v23  }
0x228: {  	v23 =	vcvt.f32.s32 v23  }
0x229: {  	s25 =	sadd.s32 $0x1, s25  }
0x22a: {  	p1 =	sne.s32 s22, s25;
	v23 =	vadd.s32 v4, v23  }
.Ltmp8:
0x22b: {  	_ = 	snop;
	(pc) =	sbr.rel @p1 .LBB2_10-.Ltmp8, $2  }
0x22c: {  	_ =	sdelay $0x2  }
0x22d: {  	[tilespmem:v23+s13+$0x0] =	vst.idx.add.f32.msk vm0, v0  }
.LBB2_11:
0x22e: {  	v23 =	vld [tilespmem:$0x12100];
	_ =	sdelay $0x3  }
0x22f: {  	v24 =	vld [tilespmem:$0x12110]  }
0x230: {  	v28 =	vld [tilespmem:$0x12120];
	v23 =	vadd.f32 $9.999999740e-06, v23;
	_ =	sdelay $0x1  }
0x231: {  	v25 =	vand.u32 $0x7FFFFF, v23  }
0x232: {  	v25 =	vor.u32 $0x3F800000, v25  }
0x233: {  	v24 =	vadd.f32 $9.999999740e-06, v24;
	v26 =	vmul.f32 $5.000000000e-01, v25  }
0x234: {  	v29 =	vld [tilespmem:$0x12130];
	v11 =	vadd.f32 $9.999999740e-06, v28;
	vm1 =	vgt.f32 v25, $1.414213540e+00  }
0x235: {  	v27 =	vand.u32 $0x7FFFFF, v24;
	v25 =	vsel vm1, v26, v25  }
0x236: {  	v39 =	vand.u32 $0x7FFFFF, v11;
	v27 =	vor.u32 $0x3F800000, v27;
	v26 =	vadd.f32 $1.000000000e+00, v25  }
0x237: {  	v28 =	vor.u32 $0x3F800000, v39;
	v10 =	vmul.f32 $5.000000000e-01, v27  }
0x238: {  	vm0 =	vgt.f32 v27, $1.414213540e+00;
	v31 =	vmul.f32 $5.000000000e-01, v28;
	(erf) = vrcp.f32 v26  }
0x239: {  	v29 =	vadd.f32 $9.999999740e-06, v29;
	vm2 =	vgt.f32 v28, $1.414213540e+00;
	v26 =	vsel vm0, v10, v27  }
0x23a: {  	v28 =	vsel vm2, v31, v28;
	v27 =	vadd.f32 $1.000000000e+00, v26  }
0x23b: {  	v60 =	vld [tilespmem:$0x12170];
	v40 =	vand.u32 $0x7FFFFF, v29;
	v23 =	vshrl.u32 v23, $0x17;
	v31 =	vadd.f32 $1.000000000e+00, v28  }
0x23c: {  	v24 =	vshrl.u32 v24, $0x17;
	v29 =	vshrl.u32 v29, $0x17;
	(erf) = vrcp.f32 v27  }
0x23d: {  	v36 =	vsel vm1, $0xFFFFFF82, v22;
	(erf) = vrcp.f32 v31;
	v31 =	vor.u32 $0x3F800000, v40  }
0x23e: {  	v46 =	vsel vm0, $0xFFFFFF82, v22;
	v49 =	vsel vm2, $0xFFFFFF82, v22;
	v35 =	vmul.f32 $5.000000000e-01, v31  }
0x23f: {  	v23 =	vadd.s32 v23, v36;
	v24 =	vadd.s32 v24, v46;
	vm11 =	vgt.f32 v31, $1.414213540e+00  }
0x240: {  	v36 =	vadd.f32 $9.999999740e-06, v60;
	v25 =	vadd.f32 $-1.000000000e+00, v25;
	v31 =	vsel vm11, v35, v31  }
0x241: {  	v23 =	vcvt.s32.f32 v23;
	v28 =	vadd.f32 $-1.000000000e+00, v28;
	v42 =	vadd.f32 $1.000000000e+00, v31;
	v38 =	vpop (erf)  }
0x242: {  	v56 =	vld [tilespmem:$0x12160];
	v24 =	vcvt.s32.f32 v24;
	v46 =	vand.u32 $0x7FFFFF, v36;
	v25 =	vmul.f32 v38, v25  }
0x243: {  	v23 =	vmul.f32 $6.931471820e-01, v23;
	v27 =	vshrl.u32 v11, $0x17;
	(erf) = vrcp.f32 v42  }
0x244: {  	v26 =	vadd.f32 $-1.000000000e+00, v26;
	v27 =	vadd.s32 v27, v49;
	v30 =	vmul.f32 v25, v25  }
0x245: {  	v36 =	vshrl.u32 v36, $0x17;
	v53 =	vmul.f32 $6.931471820e-01, v24;
	v27 =	vcvt.s32.f32 v27;
	v33 =	vpop (erf)  }
0x246: {  	v61 =	vsel vm11, $0xFFFFFF82, v22;
	v26 =	vmul.f32 v33, v26;
	v45 =	vpop (erf);
	v32 =	vmul.f32 $1.428571490e-01, v30  }
0x247: {  	v27 =	vmul.f32 $6.931471820e-01, v27;
	v35 =	vadd.f32 $9.999999740e-06, v56;
	v28 =	vmul.f32 v45, v28  }
0x248: {  	v29 =	vadd.s32 v29, v61;
	v33 =	vmul.f32 v26, v26;
	v32 =	vadd.f32 $2.000000030e-01, v32  }
0x249: {  	v31 =	vadd.f32 $-1.000000000e+00, v31;
	v29 =	vcvt.s32.f32 v29;
	v48 =	vmul.f32 v28, v28  }
0x24a: {  	v62 =	vand.u32 $0x7FFFFF, v35;
	v34 =	vmul.f32 $1.428571490e-01, v33;
	v32 =	vmul.f32 v32, v30  }
0x24b: {  	v41 =	vld [tilespmem:$0x12140];
	v35 =	vshrl.u32 v35, $0x17;
	v25 =	vadd.f32 v25, v25;
	v39 =	vmul.f32 $1.428571490e-01, v48  }
0x24c: {  	v29 =	vmul.f32 $6.931471820e-01, v29;
	v34 =	vadd.f32 $2.000000030e-01, v34;
	v40 =	vpop (erf);
	v32 =	vadd.f32 $3.333333430e-01, v32  }
0x24d: {  	v54 =	vadd.f32 v26, v26;
	v39 =	vadd.f32 $2.000000030e-01, v39;
	v31 =	vmul.f32 v40, v31  }
0x24e: {  	v43 =	vld [tilespmem:$0x12150];
	v28 =	vadd.f32 v28, v28;
	v34 =	vmul.f32 v34, v33;
	v30 =	vmul.f32 v32, v30  }
0x24f: {  	v51 =	vmul.f32 v39, v48;
	v55 =	vmul.f32 v31, v31;
	v31 =	vadd.f32 v31, v31  }
0x250: {  	v39 =	vor.u32 $0x3F800000, v62;
	v44 =	vadd.f32 $3.333333430e-01, v34;
	v34 =	vadd.f32 $9.999999740e-06, v41  }
0x251: {  	v8 =	vmul.f32 $5.000000000e-01, v39;
	vm14 =	vgt.f32 v39, $1.414213540e+00;
	v30 =	vadd.f32 $1.000000000e+00, v30  }
0x252: {  	v57 =	vmul.f32 $1.428571490e-01, v55;
	v61 =	vsel vm14, $0xFFFFFF82, v22;
	v32 =	vmul.f32 v44, v33  }
0x253: {  	v47 =	vand.u32 $0x7FFFFF, v34;
	v33 =	vadd.f32 $9.999999740e-06, v43;
	v11 =	vsel vm14, v8, v39  }
0x254: {  	v39 =	vor.u32 $0x3F800000, v46;
	v25 =	vmul.f32 v30, v25;
	v30 =	vor.u32 $0x3F800000, v47  }
0x255: {  	v34 =	vshrl.u32 v34, $0x17;
	v32 =	vadd.f32 $1.000000000e+00, v32;
	v37 =	vmul.f32 $5.000000000e-01, v30  }
0x256: {  	v59 =	vadd.f32 $2.000000030e-01, v57;
	v38 =	vand.u32 $0x7FFFFF, v33;
	vm12 =	vgt.f32 v30, $1.414213540e+00  }
0x257: {  	v38 =	vor.u32 $0x3F800000, v38;
	v30 =	vsel vm12, v37, v30;
	v32 =	vmul.f32 v32, v54  }
0x258: {  	v24 =	vadd.f32 v25, v23;
	v50 =	vmul.f32 $5.000000000e-01, v38;
	v41 =	vadd.f32 $1.000000000e+00, v30  }
0x259: {  	vm13 =	vgt.f32 v38, $1.414213540e+00;
	v23 =	vadd.f32 v32, v53;
	v32 =	vmul.f32 v59, v55  }
0x25a: {  	v37 =	vsel vm13, v50, v38;
	v38 =	vadd.f32 $3.333333430e-01, v51;
	(erf) = vrcp.f32 v41  }
0x25b: {  	v35 =	vadd.s32 v35, v61;
	v52 =	vadd.f32 $1.000000000e+00, v37;
	v32 =	vadd.f32 $3.333333430e-01, v32  }
0x25c: {  	vm15 =	vgt.f32 v39, $1.414213540e+00;
	v35 =	vcvt.s32.f32 v35;
	v58 =	vmul.f32 v38, v48  }
0x25d: {  	v33 =	vshrl.u32 v33, $0x17;
	(erf) = vrcp.f32 v52;
	v26 =	vmul.f32 v32, v55;
	v55 =	vld [tilespmem:$0x12190]  }
0x25e: {  	v43 =	vsel vm12, $0xFFFFFF82, v22;
	v35 =	vmul.f32 $6.931471820e-01, v35;
	v25 =	vadd.f32 $1.000000000e+00, v58  }
0x25f: {  	v30 =	vadd.f32 $-1.000000000e+00, v30;
	v51 =	vadd.s32 v34, v43;
	v52 =	vld [tilespmem:$0x12180];
	v26 =	vadd.f32 $1.000000000e+00, v26  }
0x260: {  	v53 =	vsel vm13, $0xFFFFFF82, v22;
	v37 =	vadd.f32 $-1.000000000e+00, v37;
	v25 =	vmul.f32 v25, v28  }
0x261: {  	v38 =	vadd.f32 $1.000000000e+00, v11;
	v48 =	vmul.f32 $5.000000000e-01, v39;
	v26 =	vmul.f32 v26, v31  }
0x262: {  	v25 =	vadd.f32 v25, v27;
	v27 =	vcvt.s32.f32 v51;
	v40 =	vadd.f32 $9.999999740e-06, v55  }
0x263: {  	v63 =	vpop (erf);
	(erf) = vrcp.f32 v38;
	v38 =	vsel vm15, v48, v39;
	v26 =	vadd.f32 v26, v29  }
0x264: {  	v27 =	vmul.f32 $6.931471820e-01, v27;
	v29 =	vadd.s32 v33, v53;
	v33 =	vadd.f32 $9.999999740e-06, v52  }
0x265: {  	v30 =	vmul.f32 v63, v30;
	v39 =	vadd.f32 $1.000000000e+00, v38;
	v29 =	vcvt.s32.f32 v29  }
0x266: {  	v57 =	vadd.f32 $-1.000000000e+00, v38;
	v8 =	vand.u32 $0x7FFFFF, v40;
	v9 =	vpop (erf);
	v58 =	vand.u32 $0x7FFFFF, v33  }
0x267: {  	v63 =	vld [tilespmem:$0x121A0];
	v33 =	vshrl.u32 v33, $0x17;
	v10 =	vmul.f32 v30, v30;
	v32 =	vmul.f32 v9, v37  }
0x268: {  	(erf) = vrcp.f32 v39;
	v37 =	vadd.f32 $-1.000000000e+00, v11;
	v30 =	vadd.f32 v30, v30  }
0x269: {  	v38 =	vor.u32 $0x3F800000, v58;
	v9 =	vor.u32 $0x3F800000, v8;
	v29 =	vmul.f32 $6.931471820e-01, v29  }
0x26a: {  	v62 =	vmul.f32 $5.000000000e-01, v38;
	vm4 =	vgt.f32 v38, $1.414213540e+00;
	v46 =	vmul.f32 $5.000000000e-01, v9  }
0x26b: {  	vm5 =	vgt.f32 v9, $1.414213540e+00;
	v47 =	vmul.f32 $1.428571490e-01, v10;
	v42 =	vmul.f32 v32, v32  }
0x26c: {  	v32 =	vadd.f32 v32, v32;
	v38 =	vsel vm4, v62, v38;
	v43 =	vadd.f32 $9.999999740e-06, v63  }
0x26d: {  	v41 =	vadd.f32 $2.000000030e-01, v47;
	v44 =	vmul.f32 $1.428571490e-01, v42;
	v47 =	vsel vm15, $0xFFFFFF82, v22  }
0x26e: {  	v53 =	vand.u32 $0x7FFFFF, v43;
	v36 =	vadd.s32 v36, v47;
	v43 =	vshrl.u32 v43, $0x17  }
0x26f: {  	v49 =	vmul.f32 v41, v10;
	v50 =	vadd.f32 $2.000000030e-01, v44;
	v54 =	vpop (erf);
	v41 =	vsel vm5, v46, v9  }
0x270: {  	v46 =	vsel vm4, $0xFFFFFF82, v22;
	v36 =	vcvt.s32.f32 v36;
	v37 =	vmul.f32 v54, v37  }
0x271: {  	v11 =	vadd.f32 $1.000000000e+00, v41;
	v54 =	vor.u32 $0x3F800000, v53;
	v61 =	vadd.f32 $-1.000000000e+00, v41  }
0x272: {  	v53 =	vsel vm5, $0xFFFFFF82, v22;
	v33 =	vadd.s32 v33, v46;
	v31 =	vmul.f32 v50, v42  }
0x273: {  	v28 =	vadd.f32 $3.333333430e-01, v49;
	v62 =	vmul.f32 $6.931471820e-01, v36;
	v56 =	vmul.f32 v37, v37;
	v60 =	vpop (erf)  }
0x274: {  	vm6 =	vgt.f32 v54, $1.414213540e+00;
	v33 =	vcvt.s32.f32 v33;
	v34 =	vmul.f32 v60, v57  }
0x275: {  	v28 =	vmul.f32 v28, v10;
	v10 =	vadd.f32 $1.000000000e+00, v38;
	v59 =	vmul.f32 $1.428571490e-01, v56  }
0x276: {  	v9 =	vld [tilespmem:$0x121C0];
	v37 =	vadd.f32 v37, v37;
	v31 =	vadd.f32 $3.333333430e-01, v31;
	v45 =	vmul.f32 v34, v34  }
0x277: {  	v49 =	vsel vm6, $0xFFFFFF82, v22;
	(erf) = vrcp.f32 v10;
	v39 =	vadd.f32 $2.000000030e-01, v59  }
0x278: {  	v28 =	vadd.f32 $1.000000000e+00, v28;
	v31 =	vmul.f32 v31, v42;
	v48 =	vmul.f32 $1.428571490e-01, v45  }
0x279: {  	v38 =	vadd.f32 $-1.000000000e+00, v38;
	v33 =	vmul.f32 $6.931471820e-01, v33;
	v39 =	vmul.f32 v39, v56  }
0x27a: {  	v28 =	vmul.f32 v28, v30;
	v30 =	vadd.f32 $1.000000000e+00, v31;
	v52 =	vadd.f32 $2.000000030e-01, v48  }
0x27b: {  	v41 =	vadd.f32 $9.999999740e-06, v9;
	(erf) = vrcp.f32 v11;
	v39 =	vadd.f32 $3.333333430e-01, v39  }
0x27c: {  	v34 =	vadd.f32 v34, v34;
	v30 =	vmul.f32 v30, v32;
	v55 =	vmul.f32 v52, v45  }
0x27d: {  	v59 =	vld [tilespmem:$0x121B0];
	v28 =	vadd.f32 v28, v27;
	v31 =	vmul.f32 v39, v56;
	v56 =	vmul.f32 $5.000000000e-01, v54  }
0x27e: {  	v30 =	vadd.f32 v30, v29;
	v57 =	vadd.f32 $3.333333430e-01, v55;
	v55 =	vand.u32 $0x7FFFFF, v41  }
0x27f: {  	v41 =	vshrl.u32 v41, $0x17;
	v39 =	vsel vm6, v56, v54;
	v31 =	vadd.f32 $1.000000000e+00, v31  }
0x280: {  	v60 =	vpop (erf);
	v47 =	vor.u32 $0x3F800000, v55;
	v58 =	vadd.f32 $1.000000000e+00, v39;
	v32 =	vmul.f32 v57, v45  }
0x281: {  	v38 =	vmul.f32 v60, v38;
	v39 =	vadd.f32 $-1.000000000e+00, v39;
	v57 =	vmul.f32 $5.000000000e-01, v47  }
0x282: {  	vm8 =	vgt.f32 v47, $1.414213540e+00;
	v31 =	vmul.f32 v31, v37;
	v37 =	vadd.f32 $9.999999740e-06, v59  }
0x283: {  	(erf) = vrcp.f32 v58;
	v32 =	vadd.f32 $1.000000000e+00, v32;
	v63 =	vmul.f32 v38, v38  }
0x284: {  	v8 =	vpop (erf);
	v59 =	vsel vm8, v57, v47;
	v29 =	vadd.f32 v31, v35;
	v50 =	vand.u32 $0x7FFFFF, v37  }
0x285: {  	v32 =	vmul.f32 v32, v34;
	v34 =	vmul.f32 v8, v61;
	v35 =	vor.u32 $0x3F800000, v50  }
0x286: {  	v38 =	vadd.f32 v38, v38;
	v10 =	vmul.f32 $1.428571490e-01, v63;
	v52 =	vmul.f32 $5.000000000e-01, v35  }
0x287: {  	v37 =	vshrl.u32 v37, $0x17;
	vm7 =	vgt.f32 v35, $1.414213540e+00;
	v11 =	vmul.f32 v34, v34  }
0x288: {  	v61 =	vadd.f32 $1.000000000e+00, v59;
	v31 =	vadd.f32 $2.000000030e-01, v10;
	v35 =	vsel vm7, v52, v35  }
0x289: {  	v27 =	vadd.f32 v32, v62;
	v51 =	vmul.f32 $1.428571490e-01, v11;
	v44 =	vadd.f32 $1.000000000e+00, v35  }
0x28a: {  	v34 =	vadd.f32 v34, v34;
	v52 =	vadd.s32 v43, v49;
	v31 =	vmul.f32 v31, v63  }
0x28b: {  	v35 =	vadd.f32 $-1.000000000e+00, v35;
	v42 =	vadd.f32 $2.000000030e-01, v51;
	(erf) = vrcp.f32 v44  }
0x28c: {  	v31 =	vadd.f32 $3.333333430e-01, v31;
	v51 =	vsel vm8, $0xFFFFFF82, v22;
	v54 =	vpop (erf);
	(erf) = vrcp.f32 v61  }
0x28d: {  	v62 =	vld [tilespmem:$0x121D0];
	v41 =	vadd.s32 v41, v51;
	v39 =	vmul.f32 v54, v39;
	v42 =	vmul.f32 v42, v11  }
0x28e: {  	v31 =	vmul.f32 v31, v63;
	v63 =	vshrl.u32 v40, $0x17;
	v41 =	vcvt.s32.f32 v41  }
0x28f: {  	v36 =	vadd.s32 v63, v53;
	v56 =	vmul.f32 v39, v39;
	v58 =	vadd.f32 $3.333333430e-01, v42  }
0x290: {  	v31 =	vadd.f32 $1.000000000e+00, v31;
	v36 =	vcvt.s32.f32 v36;
	v42 =	vadd.f32 $-1.000000000e+00, v59  }
0x291: {  	v39 =	vadd.f32 v39, v39;
	v50 =	vmul.f32 $1.428571490e-01, v56;
	v32 =	vmul.f32 v58, v11  }
0x292: {  	v41 =	vmul.f32 $6.931471820e-01, v41;
	v31 =	vmul.f32 v31, v38;
	v38 =	vadd.f32 $9.999999740e-06, v62;
	v11 =	vld [tilespmem:$0x121E0]  }
0x293: {  	v36 =	vmul.f32 $6.931471820e-01, v36;
	v60 =	vadd.f32 $2.000000030e-01, v50;
	v32 =	vadd.f32 $1.000000000e+00, v32  }
0x294: {  	v10 =	vand.u32 $0x7FFFFF, v38;
	v31 =	vadd.f32 v31, v33;
	v38 =	vshrl.u32 v38, $0x17;
	v9 =	vpop (erf)  }
0x295: {  	v53 =	vor.u32 $0x3F800000, v10;
	v8 =	vmul.f32 v60, v56;
	v35 =	vmul.f32 v9, v35  }
0x296: {  	v32 =	vmul.f32 v32, v34;
	v55 =	vmul.f32 $5.000000000e-01, v53;
	vm9 =	vgt.f32 v53, $1.414213540e+00;
	v58 =	vpop (erf)  }
0x297: {  	v34 =	vcvt.s32.f32 v52;
	v42 =	vmul.f32 v58, v42;
	v45 =	vadd.f32 $9.999999740e-06, v11  }
0x298: {  	v52 =	vsel vm9, $0xFFFFFF82, v22;
	v40 =	vadd.f32 $3.333333430e-01, v8;
	v54 =	vmul.f32 v35, v35  }
0x299: {  	v43 =	vsel vm9, v55, v53;
	v34 =	vmul.f32 $6.931471820e-01, v34;
	v32 =	vadd.f32 v32, v36  }
0x29a: {  	v35 =	vadd.f32 v35, v35;
	v38 =	vadd.s32 v38, v52;
	v46 =	vadd.f32 $1.000000000e+00, v43  }
0x29b: {  	v49 =	vmul.f32 v42, v42;
	v59 =	vand.u32 $0x7FFFFF, v45;
	v43 =	vadd.f32 $-1.000000000e+00, v43  }
0x29c: {  	v38 =	vcvt.s32.f32 v38;
	v45 =	vshrl.u32 v45, $0x17;
	v40 =	vmul.f32 v40, v56  }
0x29d: {  	v60 =	vld [tilespmem:$0x121F0];
	v56 =	vsel vm7, $0xFFFFFF82, v22;
	v57 =	vmul.f32 $1.428571490e-01, v54;
	(erf) = vrcp.f32 v46  }
0x29e: {  	v46 =	vor.u32 $0x3F800000, v59;
	v62 =	vmul.f32 $1.428571490e-01, v49;
	v37 =	vadd.s32 v37, v56  }
0x29f: {  	v59 =	vadd.f32 v42, v42;
	v48 =	vadd.f32 $2.000000030e-01, v57;
	v63 =	vmul.f32 $5.000000000e-01, v46  }
0x2a0: {  	v38 =	vmul.f32 $6.931471820e-01, v38;
	vm10 =	vgt.f32 v46, $1.414213540e+00;
	v33 =	vadd.f32 $2.000000030e-01, v62  }
0x2a1: {  	v40 =	vadd.f32 $1.000000000e+00, v40;
	v61 =	vmul.f32 v48, v54;
	v46 =	vsel vm10, v63, v46  }
0x2a2: {  	v48 =	vadd.f32 $9.999999740e-06, v60;
	v8 =	vadd.f32 $1.000000000e+00, v46;
	v33 =	vmul.f32 v33, v49  }
0x2a3: {  	v37 =	vcvt.s32.f32 v37;
	v39 =	vmul.f32 v40, v39;
	v40 =	vadd.f32 $3.333333430e-01, v61  }
0x2a4: {  	v10 =	vand.u32 $0x7FFFFF, v48;
	(erf) = vrcp.f32 v8;
	v33 =	vadd.f32 $3.333333430e-01, v33  }
0x2a5: {  	v37 =	vmul.f32 $6.931471820e-01, v37;
	v8 =	vld [tilespmem:$0x12210];
	v9 =	vmul.f32 v40, v54;
	v40 =	vor.u32 $0x3F800000, v10  }
0x2a6: {  	v57 =	vld [tilespmem:$0x12200];
	v60 =	vadd.f32 $-1.000000000e+00, v46;
	v56 =	vmul.f32 $5.000000000e-01, v40;
	v33 =	vmul.f32 v33, v49  }
0x2a7: {  	v34 =	vadd.f32 v39, v34;
	vm11 =	vgt.f32 v40, $1.414213540e+00;
	v36 =	vadd.f32 $1.000000000e+00, v9;
	v11 =	vpop (erf)  }
0x2a8: {  	v43 =	vmul.f32 v11, v43;
	v40 =	vsel vm11, v56, v40;
	v33 =	vadd.f32 $1.000000000e+00, v33  }
0x2a9: {  	v11 =	vsel vm10, $0xFFFFFF82, v22;
	v47 =	vadd.f32 $1.000000000e+00, v40;
	v35 =	vmul.f32 v36, v35  }
0x2aa: {  	v40 =	vadd.f32 $-1.000000000e+00, v40;
	v46 =	vadd.f32 $9.999999740e-06, v8;
	v45 =	vadd.s32 v45, v11  }
0x2ab: {  	v44 =	vmul.f32 v43, v43;
	(erf) = vrcp.f32 v47;
	v47 =	vadd.f32 $9.999999740e-06, v57  }
0x2ac: {  	v33 =	vmul.f32 v33, v59;
	v43 =	vadd.f32 v43, v43;
	v45 =	vcvt.s32.f32 v45  }
0x2ad: {  	v8 =	vld [tilespmem:$0x12220];
	v35 =	vadd.f32 v35, v37;
	v58 =	vmul.f32 $1.428571490e-01, v44;
	v62 =	vpop (erf);
	v50 =	vand.u32 $0x7FFFFF, v47  }
0x2ae: {  	v33 =	vadd.f32 v33, v41;
	v36 =	vmul.f32 v62, v60;
	v63 =	vor.u32 $0x3F800000, v50  }
0x2af: {  	v54 =	vmul.f32 $6.931471820e-01, v45;
	v61 =	vadd.f32 $2.000000030e-01, v58;
	v10 =	vmul.f32 $5.000000000e-01, v63  }
0x2b0: {  	v47 =	vshrl.u32 v47, $0x17;
	vm12 =	vgt.f32 v63, $1.414213540e+00;
	v56 =	vmul.f32 v36, v36  }
0x2b1: {  	v60 =	vand.u32 $0x7FFFFF, v46;
	v9 =	vmul.f32 v61, v44;
	v57 =	vsel vm12, v10, v63  }
0x2b2: {  	v49 =	vadd.f32 $9.999999740e-06, v8;
	v58 =	vmul.f32 $1.428571490e-01, v56;
	v42 =	vadd.f32 $1.000000000e+00, v57  }
0x2b3: {  	v46 =	vshrl.u32 v46, $0x17;
	v36 =	vadd.f32 v36, v36;
	v39 =	vadd.f32 $3.333333430e-01, v9  }
0x2b4: {  	v63 =	vsel vm11, $0xFFFFFF82, v22;
	v41 =	vadd.f32 $2.000000030e-01, v58;
	v59 =	vpop (erf);
	(erf) = vrcp.f32 v42  }
0x2b5: {  	v39 =	vmul.f32 v39, v44;
	v42 =	vor.u32 $0x3F800000, v60;
	v40 =	vmul.f32 v59, v40  }
0x2b6: {  	v37 =	vadd.f32 $-1.000000000e+00, v57;
	v62 =	vmul.f32 $5.000000000e-01, v42;
	v41 =	vmul.f32 v41, v56  }
0x2b7: {  	vm13 =	vgt.f32 v42, $1.414213540e+00;
	v59 =	vshrl.u32 v48, $0x17;
	v61 =	vmul.f32 v40, v40  }
0x2b8: {  	v39 =	vadd.f32 $1.000000000e+00, v39;
	v44 =	vadd.s32 v59, v63;
	v41 =	vadd.f32 $3.333333430e-01, v41  }
0x2b9: {  	v42 =	vsel vm13, v62, v42;
	v62 =	vsel vm12, $0xFFFFFF82, v22;
	v53 =	vmul.f32 $1.428571490e-01, v61  }
0x2ba: {  	v44 =	vcvt.s32.f32 v44;
	v9 =	vadd.f32 $1.000000000e+00, v42;
	v41 =	vmul.f32 v41, v56  }
0x2bb: {  	v57 =	vld [tilespmem:$0x12230];
	v40 =	vadd.f32 v40, v40;
	v39 =	vmul.f32 v39, v43;
	v10 =	vadd.f32 $2.000000030e-01, v53  }
0x2bc: {  	v42 =	vadd.f32 $-1.000000000e+00, v42;
	(erf) = vrcp.f32 v9;
	v41 =	vadd.f32 $1.000000000e+00, v41  }
0x2bd: {  	v44 =	vmul.f32 $6.931471820e-01, v44;
	v56 =	vand.u32 $0x7FFFFF, v49;
	v50 =	vmul.f32 v10, v61;
	v11 =	vpop (erf)  }
0x2be: {  	v49 =	vshrl.u32 v49, $0x17;
	v43 =	vmul.f32 v11, v37;
	v41 =	vmul.f32 v41, v36  }
0x2bf: {  	v36 =	vadd.f32 v39, v38;
	v39 =	vor.u32 $0x3F800000, v56;
	v55 =	vadd.f32 $3.333333430e-01, v50  }
0x2c0: {  	vm14 =	vgt.f32 v39, $1.414213540e+00;
	v50 =	vadd.f32 $9.999999740e-06, v57;
	v38 =	vmul.f32 v43, v43  }
0x2c1: {  	v37 =	vadd.f32 v41, v54;
	v54 =	vsel vm13, $0xFFFFFF82, v22;
	v43 =	vadd.f32 v43, v43  }
0x2c2: {  	v58 =	vmul.f32 v55, v61;
	v61 =	vmul.f32 $5.000000000e-01, v39;
	v9 =	vand.u32 $0x7FFFFF, v50  }
0x2c3: {  	v46 =	vadd.s32 v46, v54;
	v50 =	vshrl.u32 v50, $0x17;
	v60 =	vmul.f32 $1.428571490e-01, v38  }
0x2c4: {  	v48 =	vor.u32 $0x3F800000, v9;
	v46 =	vcvt.s32.f32 v46;
	v39 =	vsel vm14, v61, v39  }
0x2c5: {  	v57 =	vld [tilespmem:$0x12240];
	v41 =	vadd.f32 $1.000000000e+00, v58;
	v63 =	vpop (erf);
	v11 =	vmul.f32 $5.000000000e-01, v48;
	v8 =	vadd.f32 $1.000000000e+00, v39  }
0x2c6: {  	vm15 =	vgt.f32 v48, $1.414213540e+00;
	v45 =	vadd.f32 $2.000000030e-01, v60;
	v42 =	vmul.f32 v63, v42  }
0x2c7: {  	v40 =	vmul.f32 v41, v40;
	v41 =	vsel vm15, v11, v48;
	(erf) = vrcp.f32 v8  }
0x2c8: {  	v58 =	vadd.s32 v47, v62;
	v52 =	vmul.f32 v42, v42;
	v48 =	vadd.f32 $1.000000000e+00, v41  }
0x2c9: {  	v39 =	vadd.f32 $-1.000000000e+00, v39;
	v45 =	vmul.f32 v45, v38;
	v8 =	vld [tilespmem:$0x12250];
	v42 =	vadd.f32 v42, v42  }
0x2ca: {  	v55 =	vmul.f32 $1.428571490e-01, v52;
	(erf) = vrcp.f32 v48;
	v48 =	vadd.f32 $9.999999740e-06, v57  }
0x2cb: {  	v46 =	vmul.f32 $6.931471820e-01, v46;
	v41 =	vadd.f32 $-1.000000000e+00, v41;
	v10 =	vadd.f32 $3.333333430e-01, v45  }
0x2cc: {  	v45 =	vcvt.s32.f32 v58;
	v59 =	vadd.f32 $2.000000030e-01, v55;
	v63 =	vand.u32 $0x7FFFFF, v48  }
0x2cd: {  	v38 =	vmul.f32 v10, v38;
	v10 =	vsel vm14, $0xFFFFFF82, v22;
	v9 =	vor.u32 $0x3F800000, v63  }
0x2ce: {  	v51 =	vadd.f32 $9.999999740e-06, v8;
	v10 =	vadd.s32 v49, v10;
	v47 =	vmul.f32 v59, v52  }
0x2cf: {  	v8 =	vld [tilespmem:$0x12260];
	v60 =	vadd.f32 $1.000000000e+00, v38;
	v38 =	vadd.f32 v40, v44;
	v40 =	vmul.f32 $6.931471820e-01, v45  }
0x2d0: {  	vm4 =	vgt.f32 v9, $1.414213540e+00;
	v61 =	vadd.f32 $3.333333430e-01, v47;
	v47 =	vmul.f32 $5.000000000e-01, v9;
	v62 =	vpop (erf)  }
0x2d1: {  	v43 =	vmul.f32 v60, v43;
	v60 =	vand.u32 $0x7FFFFF, v51;
	v45 =	vmul.f32 v62, v39  }
0x2d2: {  	v44 =	vmul.f32 v61, v52;
	v47 =	vsel vm4, v47, v9;
	v61 =	vor.u32 $0x3F800000, v60  }
0x2d3: {  	v39 =	vadd.f32 v43, v40;
	v9 =	vsel vm15, $0xFFFFFF82, v22;
	v57 =	vadd.f32 $1.000000000e+00, v47  }
0x2d4: {  	v49 =	vadd.f32 $9.999999740e-06, v8;
	v59 =	vpop (erf);
	v63 =	vmul.f32 $5.000000000e-01, v61;
	v53 =	vmul.f32 v45, v45  }
0x2d5: {  	v52 =	vsel vm4, $0xFFFFFF82, v22;
	v41 =	vmul.f32 v59, v41;
	(erf) = vrcp.f32 v57  }
0x2d6: {  	vm5 =	vgt.f32 v61, $1.414213540e+00;
	v44 =	vadd.f32 $1.000000000e+00, v44;
	v11 =	vmul.f32 $1.428571490e-01, v53  }
0x2d7: {  	v47 =	vadd.f32 $-1.000000000e+00, v47;
	v9 =	vadd.s32 v50, v9;
	v56 =	vmul.f32 v41, v41  }
0x2d8: {  	v54 =	vand.u32 $0x7FFFFF, v49;
	v42 =	vmul.f32 v44, v42;
	v58 =	vadd.f32 $2.000000030e-01, v11  }
0x2d9: {  	v45 =	vadd.f32 v45, v45;
	v43 =	vsel vm5, v63, v61;
	v63 =	vld [tilespmem:$0x12270];
	v11 =	vmul.f32 $1.428571490e-01, v56  }
0x2da: {  	v44 =	vcvt.s32.f32 v10;
	v40 =	vadd.f32 v42, v46;
	v62 =	vmul.f32 v58, v53  }
0x2db: {  	v49 =	vshrl.u32 v49, $0x17;
	v58 =	vadd.f32 $1.000000000e+00, v43;
	v60 =	vadd.f32 $2.000000030e-01, v11  }
0x2dc: {  	v44 =	vmul.f32 $6.931471820e-01, v44;
	v43 =	vadd.f32 $-1.000000000e+00, v43;
	v57 =	vadd.f32 $3.333333430e-01, v62  }
0x2dd: {  	(erf) = vrcp.f32 v58;
	v46 =	vmul.f32 v60, v56;
	v62 =	vor.u32 $0x3F800000, v54  }
0x2de: {  	v54 =	vadd.f32 $9.999999740e-06, v63;
	v8 =	vmul.f32 $5.000000000e-01, v62;
	vm6 =	vgt.f32 v62, $1.414213540e+00;
	v61 =	vpop (erf)  }
0x2df: {  	v59 =	vmul.f32 v57, v53;
	v46 =	vadd.f32 $3.333333430e-01, v46;
	v47 =	vmul.f32 v61, v47  }
0x2e0: {  	v50 =	vsel vm6, v8, v62;
	v61 =	vand.u32 $0x7FFFFF, v54;
	v62 =	vadd.f32 v41, v41  }
0x2e1: {  	v54 =	vshrl.u32 v54, $0x17;
	v42 =	vadd.f32 $1.000000000e+00, v59;
	v59 =	vsel vm5, $0xFFFFFF82, v22  }
0x2e2: {  	v46 =	vmul.f32 v46, v56;
	v11 =	vadd.f32 $1.000000000e+00, v50;
	v55 =	vor.u32 $0x3F800000, v61  }
0x2e3: {  	v56 =	vsel vm6, $0xFFFFFF82, v22;
	v50 =	vadd.f32 $-1.000000000e+00, v50;
	v58 =	vmul.f32 v47, v47  }
0x2e4: {  	v63 =	vmul.f32 $5.000000000e-01, v55;
	vm7 =	vgt.f32 v55, $1.414213540e+00;
	v42 =	vmul.f32 v42, v45  }
0x2e5: {  	v47 =	vadd.f32 v47, v47;
	v45 =	vcvt.s32.f32 v9;
	v10 =	vmul.f32 $1.428571490e-01, v58  }
0x2e6: {  	v49 =	vadd.s32 v49, v56;
	v46 =	vadd.f32 $1.000000000e+00, v46;
	(erf) = vrcp.f32 v11  }
0x2e7: {  	v56 =	vld [tilespmem:$0x122B0];
	v9 =	vshrl.u32 v48, $0x17;
	v45 =	vmul.f32 $6.931471820e-01, v45;
	v53 =	vadd.f32 $2.000000030e-01, v10;
	v60 =	vpop (erf)  }
0x2e8: {  	v55 =	vsel vm7, v63, v55;
	v46 =	vmul.f32 v46, v62;
	v43 =	vmul.f32 v60, v43  }
0x2e9: {  	v41 =	vadd.f32 v42, v44;
	v10 =	vadd.f32 $1.000000000e+00, v55;
	v60 =	vld [tilespmem:$0x12280];
	v53 =	vmul.f32 v53, v58  }
0x2ea: {  	v61 =	vld [tilespmem:$0x12290];
	v55 =	vadd.f32 $-1.000000000e+00, v55;
	v42 =	vadd.f32 v46, v45;
	v44 =	vmul.f32 v43, v43  }
0x2eb: {  	v45 =	vadd.s32 v9, v52;
	v9 =	vshrl.u32 v51, $0x17;
	v53 =	vadd.f32 $3.333333430e-01, v53  }
0x2ec: {  	v56 =	vadd.f32 $9.999999740e-06, v56;
	v45 =	vcvt.s32.f32 v45;
	v8 =	vmul.f32 $1.428571490e-01, v44  }
0x2ed: {  	(erf) = vrcp.f32 v10;
	v43 =	vadd.f32 v43, v43;
	v11 =	vmul.f32 v53, v58  }
0x2ee: {  	v45 =	vmul.f32 $6.931471820e-01, v45;
	v52 =	vadd.f32 $9.999999740e-06, v60;
	v58 =	vadd.f32 $2.000000030e-01, v8  }
0x2ef: {  	v53 =	vadd.f32 $9.999999740e-06, v61;
	v61 =	vsel vm7, $0xFFFFFF82, v22;
	v62 =	vadd.f32 $1.000000000e+00, v11  }
0x2f0: {  	v10 =	vand.u32 $0x7FFFFF, v52;
	v52 =	vshrl.u32 v52, $0x17;
	v63 =	vmul.f32 v58, v44;
	v8 =	vpop (erf)  }
0x2f1: {  	v58 =	vadd.s32 v9, v59;
	v11 =	vor.u32 $0x3F800000, v10;
	v50 =	vmul.f32 v8, v50  }
0x2f2: {  	v9 =	vand.u32 $0x7FFFFF, v53;
	v10 =	vld [tilespmem:$0x122A0];
	v46 =	vmul.f32 v62, v47;
	v57 =	vmul.f32 $5.000000000e-01, v11  }
0x2f3: {  	vm8 =	vgt.f32 v11, $1.414213540e+00;
	v59 =	vor.u32 $0x3F800000, v9;
	v58 =	vcvt.s32.f32 v58  }
0x2f4: {  	v48 =	vadd.f32 $3.333333430e-01, v63;
	v57 =	vsel vm8, v57, v11;
	v11 =	vmul.f32 $5.000000000e-01, v59  }
0x2f5: {  	v63 =	vsel vm8, $0xFFFFFF82, v22;
	vm9 =	vgt.f32 v59, $1.414213540e+00;
	v21 =	vadd.f32 $1.000000000e+00, v57  }
0x2f6: {  	v51 =	vmul.f32 v50, v50;
	v58 =	vmul.f32 $6.931471820e-01, v58;
	v59 =	vsel vm9, v11, v59  }
0x2f7: {  	v62 =	vpop (erf);
	v47 =	vadd.f32 $9.999999740e-06, v10;
	(erf) = vrcp.f32 v21;
	v21 =	vadd.f32 $1.000000000e+00, v59  }
0x2f8: {  	v2 =	vsel vm9, $0xFFFFFF82, v22;
	v50 =	vadd.f32 v50, v50;
	v55 =	vmul.f32 v62, v55  }
0x2f9: {  	v45 =	vadd.f32 v46, v45;
	(erf) = vrcp.f32 v21;
	v21 =	vand.u32 $0x7FFFFF, v47  }
0x2fa: {  	v8 =	vmul.f32 $1.428571490e-01, v51;
	v60 =	vmul.f32 v55, v55;
	v21 =	vor.u32 $0x3F800000, v21  }
0x2fb: {  	v52 =	vadd.s32 v52, v63;
	v44 =	vmul.f32 v48, v44;
	v0 =	vmul.f32 $5.000000000e-01, v21  }
0x2fc: {  	v48 =	vadd.f32 $2.000000030e-01, v8;
	v8 =	vmul.f32 $1.428571490e-01, v60;
	vm10 =	vgt.f32 v21, $1.414213540e+00  }
0x2fd: {  	v52 =	vcvt.s32.f32 v52;
	v11 =	vcvt.s32.f32 v49;
	v0 =	vsel vm10, v0, v21  }
0x2fe: {  	v48 =	vmul.f32 v48, v51;
	v62 =	vadd.f32 $2.000000030e-01, v8;
	v10 =	vadd.f32 $1.000000000e+00, v0  }
0x2ff: {  	[tilespmem:$0x12100] =	vst v24;
	v44 =	vadd.f32 $1.000000000e+00, v44;
	v55 =	vadd.f32 v55, v55;
	v24 =	vmul.f32 $6.931471820e-01, v52  }
0x300: {  	v48 =	vadd.f32 $3.333333430e-01, v48;
	v9 =	vmul.f32 v62, v60;
	v8 =	vpop (erf);
	(erf) = vrcp.f32 v10  }
0x301: {  	v43 =	vmul.f32 v44, v43;
	v44 =	vmul.f32 $6.931471820e-01, v11;
	v11 =	vadd.s32 v54, v61  }
0x302: {  	v21 =	vmul.f32 v48, v51;
	v48 =	vadd.f32 $3.333333430e-01, v9;
	v9 =	vadd.f32 $-1.000000000e+00, v59  }
0x303: {  	v47 =	vshrl.u32 v47, $0x17;
	v46 =	vadd.f32 v43, v58;
	v62 =	vadd.f32 $-1.000000000e+00, v57;
	v10 =	vpop (erf)  }
0x304: {  	v3 =	vsel vm10, $0xFFFFFF82, v22;
	v21 =	vadd.f32 $1.000000000e+00, v21;
	v51 =	vmul.f32 v10, v9  }
0x305: {  	v3 =	vadd.s32 v47, v3;
	v49 =	vmul.f32 v8, v62;
	v48 =	vmul.f32 v48, v60  }
0x306: {  	v21 =	vmul.f32 v21, v50;
	v9 =	vand.u32 $0x7FFFFF, v56;
	v57 =	vmul.f32 v51, v51  }
0x307: {  	v50 =	vcvt.s32.f32 v11;
	v59 =	vmul.f32 v49, v49;
	v60 =	vor.u32 $0x3F800000, v9  }
0x308: {  	v0 =	vadd.f32 $-1.000000000e+00, v0;
	v11 =	vmul.f32 $5.000000000e-01, v60;
	v10 =	vmul.f32 $1.428571490e-01, v57  }
0x309: {  	v3 =	vcvt.s32.f32 v3;
	v8 =	vmul.f32 $1.428571490e-01, v59;
	vm11 =	vgt.f32 v60, $1.414213540e+00;
	v6 =	vpop (erf)  }
0x30a: {  	v60 =	vsel vm11, v11, v60;
	v61 =	vadd.f32 $2.000000030e-01, v10;
	v0 =	vmul.f32 v6, v0  }
0x30b: {  	v50 =	vmul.f32 $6.931471820e-01, v50;
	v54 =	vadd.f32 $2.000000030e-01, v8;
	v6 =	vadd.f32 $1.000000000e+00, v60  }
0x30c: {  	v48 =	vadd.f32 $1.000000000e+00, v48;
	v9 =	vmul.f32 v61, v57;
	v61 =	vmul.f32 v0, v0  }
0x30d: {  	v49 =	vadd.f32 v49, v49;
	v54 =	vmul.f32 v54, v59;
	(erf) = vrcp.f32 v6;
	v6 =	vld [tilespmem:$0x122C0]  }
0x30e: {  	v58 =	vld [tilespmem:$0x122D0];
	v44 =	vadd.f32 v21, v44;
	v48 =	vmul.f32 v48, v55;
	v11 =	vmul.f32 $1.428571490e-01, v61  }
0x30f: {  	v52 =	vshrl.u32 v56, $0x17;
	v51 =	vadd.f32 v51, v51;
	v54 =	vadd.f32 $3.333333430e-01, v54  }
0x310: {  	v3 =	vmul.f32 $6.931471820e-01, v3;
	v43 =	vadd.f32 v48, v50;
	v50 =	vadd.f32 $2.000000030e-01, v11  }
0x311: {  	v8 =	vadd.f32 $-1.000000000e+00, v60;
	v21 =	vmul.f32 v54, v59;
	v10 =	vadd.f32 $3.333333430e-01, v9  }
0x312: {  	v59 =	vshrl.u32 v53, $0x17;
	v6 =	vadd.f32 $9.999999740e-06, v6;
	v62 =	vmul.f32 v50, v61;
	v50 =	vld [tilespmem:$0x122E0]  }
0x313: {  	v54 =	vadd.f32 $9.999999740e-06, v58;
	v58 =	vsel vm11, $0xFFFFFF82, v22;
	v48 =	vmul.f32 v10, v57;
	v57 =	vld [tilespmem:$0x122F0]  }
0x314: {  	[tilespmem:$0x12130] =	vst v26;
	v2 =	vadd.s32 v59, v2;
	v26 =	vadd.s32 v52, v58;
	v63 =	vand.u32 $0x7FFFFF, v6  }
0x315: {  	v21 =	vadd.f32 $1.000000000e+00, v21;
	v2 =	vcvt.s32.f32 v2;
	v53 =	vor.u32 $0x3F800000, v63  }
0x316: {  	v11 =	vand.u32 $0x7FFFFF, v54;
	v9 =	vpop (erf);
	v10 =	vmul.f32 $5.000000000e-01, v53;
	vm12 =	vgt.f32 v53, $1.414213540e+00  }
0x317: {  	v55 =	vmul.f32 v9, v8;
	v8 =	vor.u32 $0x3F800000, v11;
	v50 =	vadd.f32 $9.999999740e-06, v50  }
0x318: {  	v57 =	vadd.f32 $9.999999740e-06, v57;
	v53 =	vsel vm12, v10, v53;
	v9 =	vmul.f32 $5.000000000e-01, v8  }
0x319: {  	vm13 =	vgt.f32 v8, $1.414213540e+00;
	v10 =	vadd.f32 $1.000000000e+00, v53;
	v11 =	vand.u32 $0x7FFFFF, v50  }
0x31a: {  	v26 =	vcvt.s32.f32 v26;
	v59 =	vsel vm13, v9, v8;
	v60 =	vor.u32 $0x3F800000, v11  }
0x31b: {  	v9 =	vand.u32 $0x7FFFFF, v57;
	(erf) = vrcp.f32 v10;
	v8 =	vmul.f32 $5.000000000e-01, v60  }
0x31c: {  	v63 =	vadd.f32 $1.000000000e+00, v59;
	v9 =	vor.u32 $0x3F800000, v9;
	vm14 =	vgt.f32 v60, $1.414213540e+00  }
0x31d: {  	v21 =	vmul.f32 v21, v49;
	v8 =	vsel vm14, v8, v60;
	v60 =	vmul.f32 $5.000000000e-01, v9  }
0x31e: {  	v49 =	vadd.f32 $3.333333430e-01, v62;
	vm15 =	vgt.f32 v9, $1.414213540e+00;
	(erf) = vrcp.f32 v63  }
0x31f: {  	v48 =	vadd.f32 $1.000000000e+00, v48;
	v2 =	vmul.f32 $6.931471820e-01, v2;
	v9 =	vsel vm15, v60, v9  }
0x320: {  	v49 =	vmul.f32 v49, v61;
	v11 =	vadd.f32 $1.000000000e+00, v8;
	v61 =	vadd.f32 $1.000000000e+00, v9  }
0x321: {  	v26 =	vmul.f32 $6.931471820e-01, v26;
	v63 =	vmul.f32 v55, v55  }
0x322: {  	v0 =	vadd.f32 v0, v0;
	v48 =	vmul.f32 v48, v51;
	(erf) = vrcp.f32 v11  }
0x323: {  	[tilespmem:$0x12110] =	vst v23;
	v53 =	vadd.f32 $-1.000000000e+00, v53;
	v60 =	vmul.f32 $1.428571490e-01, v63;
	(erf) = vrcp.f32 v61  }
0x324: {  	[tilespmem:$0x12120] =	vst v25;
	v21 =	vadd.f32 v21, v24;
	v6 =	vshrl.u32 v6, $0x17;
	v62 =	vsel vm12, $0xFFFFFF82, v22;
	v61 =	vpop (erf)  }
0x325: {  	[tilespmem:$0x12140] =	vst v28;
	v6 =	vadd.s32 v6, v62;
	v60 =	vadd.f32 $2.000000030e-01, v60;
	v11 =	vmul.f32 v61, v53  }
0x326: {  	[tilespmem:$0x12150] =	vst v30;
	v49 =	vadd.f32 $1.000000000e+00, v49;
	v6 =	vcvt.s32.f32 v6;
	v23 =	vadd.f32 $-1.000000000e+00, v59  }
0x327: {  	[tilespmem:$0x12160] =	vst v29;
	v2 =	vadd.f32 v48, v2;
	v60 =	vmul.f32 v60, v63;
	v61 =	vpop (erf);
	v53 =	vmul.f32 v11, v11  }
0x328: {  	[tilespmem:$0x12170] =	vst v27;
	v7 =	vsel vm13, $0xFFFFFF82, v22;
	v0 =	vmul.f32 v49, v0;
	v23 =	vmul.f32 v61, v23  }
0x329: {  	v6 =	vmul.f32 $6.931471820e-01, v6;
	v51 =	vadd.f32 $3.333333430e-01, v60;
	v56 =	vmul.f32 $1.428571490e-01, v53  }
0x32a: {  	[tilespmem:$0x12180] =	vst v31;
	v10 =	vsel vm14, $0xFFFFFF82, v22;
	v8 =	vadd.f32 $-1.000000000e+00, v8;
	v58 =	vmul.f32 v23, v23  }
0x32b: {  	[tilespmem:$0x12190] =	vst v32;
	v9 =	vadd.f32 $-1.000000000e+00, v9;
	v25 =	vmul.f32 v51, v63;
	v59 =	vpop (erf);
	v61 =	vadd.f32 $2.000000030e-01, v56  }
0x32c: {  	[tilespmem:$0x121A0] =	vst v34;
	v0 =	vadd.f32 v0, v3;
	v8 =	vmul.f32 v59, v8;
	v63 =	vmul.f32 $1.428571490e-01, v58;
	v32 =	vpop (erf)  }
0x32d: {  	[tilespmem:$0x121B0] =	vst v35;
	v62 =	vsel vm15, $0xFFFFFF82, v22;
	v9 =	vmul.f32 v32, v9;
	v27 =	vmul.f32 v61, v53  }
0x32e: {  	[tilespmem:$0x121C0] =	vst v33;
	v60 =	vadd.f32 v55, v55;
	v28 =	vadd.f32 $2.000000030e-01, v63;
	v34 =	vmul.f32 v8, v8  }
0x32f: {  	[tilespmem:$0x121D0] =	vst v36;
	v55 =	vshrl.u32 v54, $0x17;
	v49 =	vmul.f32 v9, v9;
	v27 =	vadd.f32 $3.333333430e-01, v27  }
0x330: {  	[tilespmem:$0x121E0] =	vst v37;
	v25 =	vadd.f32 $1.000000000e+00, v25;
	v28 =	vmul.f32 v28, v58;
	v48 =	vmul.f32 $1.428571490e-01, v34  }
0x331: {  	[tilespmem:$0x121F0] =	vst v38;
	v7 =	vadd.s32 v55, v7;
	v3 =	vmul.f32 v27, v53;
	v53 =	vmul.f32 $1.428571490e-01, v49  }
0x332: {  	[tilespmem:$0x12200] =	vst v39;
	v25 =	vmul.f32 v25, v60;
	v51 =	vadd.f32 $3.333333430e-01, v28;
	v52 =	vadd.f32 $2.000000030e-01, v48  }
0x333: {  	[tilespmem:$0x12210] =	vst v40;
	v11 =	vadd.f32 v11, v11;
	v7 =	vcvt.s32.f32 v7;
	v28 =	vadd.f32 $2.000000030e-01, v53  }
0x334: {  	[tilespmem:$0x12220] =	vst v41;
	v25 =	vadd.f32 v25, v26;
	v27 =	vmul.f32 v51, v58;
	v26 =	vmul.f32 v52, v34  }
0x335: {  	[tilespmem:$0x12230] =	vst v42;
	v23 =	vadd.f32 v23, v23;
	v8 =	vadd.f32 v8, v8;
	v28 =	vmul.f32 v28, v49  }
0x336: {  	[tilespmem:$0x12240] =	vst v45;
	v7 =	vmul.f32 $6.931471820e-01, v7;
	v27 =	vadd.f32 $1.000000000e+00, v27;
	v26 =	vadd.f32 $3.333333430e-01, v26  }
0x337: {  	[tilespmem:$0x12250] =	vst v46;
	v58 =	vshrl.u32 v50, $0x17;
	v3 =	vadd.f32 $1.000000000e+00, v3;
	v59 =	vadd.f32 $3.333333430e-01, v28  }
0x338: {  	[tilespmem:$0x12260] =	vst v44;
	v10 =	vadd.s32 v58, v10;
	v56 =	vmul.f32 v27, v23;
	v23 =	vmul.f32 v26, v34  }
0x339: {  	[tilespmem:$0x12270] =	vst v43;
	v61 =	vshrl.u32 v57, $0x17;
	v10 =	vcvt.s32.f32 v10;
	v60 =	vmul.f32 v59, v49  }
0x33a: {  	[tilespmem:$0x12280] =	vst v21;
	v3 =	vmul.f32 v3, v11;
	v26 =	vadd.s32 v61, v62;
	v21 =	vadd.f32 $1.000000000e+00, v23  }
0x33b: {  	[tilespmem:$0x12290] =	vst v2;
	v9 =	vadd.f32 v9, v9;
	v23 =	vcvt.s32.f32 v26;
	v2 =	vadd.f32 $1.000000000e+00, v60  }
0x33c: {  	[tilespmem:$0x122A0] =	vst v0;
	v0 =	vadd.f32 v3, v6;
	v6 =	vmul.f32 $6.931471820e-01, v10;
	v3 =	vmul.f32 v21, v8  }
0x33d: {  	[tilespmem:$0x122B0] =	vst v25;
	v7 =	vadd.f32 v56, v7;
	v63 =	vmul.f32 $6.931471820e-01, v23;
	v2 =	vmul.f32 v2, v9  }
0x33e: {  	[tilespmem:$0x122C0] =	vst v0;
	v0 =	vadd.f32 v3, v6  }
0x33f: {  	[tilespmem:$0x122D0] =	vst v7;
	v2 =	vadd.f32 v2, v63  }
0x340: {  	s25 =	sshll.u32 s20, $0x7;
	[tilespmem:$0x122E0] =	vst v0  }
0x341: {  	s25 =	sadd.s32 s25, s6;
	[tilespmem:$0x122F0] =	vst v2  }
0x342: {  	[hbm4b:s25+s2] =	stream.linear.scatter [tilespmem:s13], [sflag:$0x3], $0x200, $0x38;
	[tilespmem:$0x12300] =	vst v63  }
0x343: {  	_ =	swait.ge [sflag:s9], $0x200  }
0x344: {  	[sflag:s9] =	ssyncset.done $0x0  }
0x345: {  	[sflag:s9] =	ssyncadd.s32 $0xFFFFFE00  }
0x346: {  	p1 =	seq.s32 s20, $0x7;
	_ =	swait.ge [sflag:s15], $0x8000  }
0x347: {  	s25 =	sshll.u32 @!p1 s20, $0xD;
	[sflag:s15] =	ssyncset.done $0x0  }
0x348: {  	s26 =	simm.s32 @!p1 $0x0;
	s25 =	sadd.s32 @!p1 s25, s7;
	[sflag:s15] =	ssyncadd.s32 $0xFFFF8000  }
0x349: {  	v0 =	vimm.f32 $0.0e+00;
	[tilespmem:s26], [sflag:$0x1] =	stream.linear.gather @!p1 [hbm4b:s25+s26], $0x8000, $0x38;
	[tilespmem:$0x12300] =	vst v63  }
0x34a: {  	v23 =	vld [tilespmem:s24+$0x11010];
	[tilespmem:$0x12100] =	vst v0  }
0x34b: {  	[tilespmem:$0x12110] =	vst v0  }
0x34c: {  	[tilespmem:$0x12120] =	vst v0  }
0x34d: {  	[tilespmem:$0x12130] =	vst v0  }
0x34e: {  	[tilespmem:$0x12140] =	vst v0  }
0x34f: {  	[tilespmem:$0x12150] =	vst v0  }
0x350: {  	[tilespmem:$0x12160] =	vst v0  }
0x351: {  	[tilespmem:$0x12170] =	vst v0  }
0x352: {  	[tilespmem:$0x12180] =	vst v0  }
0x353: {  	[tilespmem:$0x12190] =	vst v0  }
0x354: {  	[tilespmem:$0x121A0] =	vst v0  }
0x355: {  	[tilespmem:$0x121B0] =	vst v0  }
0x356: {  	[tilespmem:$0x121C0] =	vst v0  }
0x357: {  	[tilespmem:$0x121D0] =	vst v0  }
0x358: {  	[tilespmem:$0x121E0] =	vst v0  }
0x359: {  	[tilespmem:$0x121F0] =	vst v0  }
0x35a: {  	[tilespmem:$0x12200] =	vst v0  }
0x35b: {  	[tilespmem:$0x12210] =	vst v0  }
0x35c: {  	[tilespmem:$0x12220] =	vst v0  }
0x35d: {  	[tilespmem:$0x12230] =	vst v0  }
0x35e: {  	[tilespmem:$0x12240] =	vst v0  }
0x35f: {  	[tilespmem:$0x12250] =	vst v0  }
0x360: {  	[tilespmem:$0x12260] =	vst v0  }
0x361: {  	[tilespmem:$0x12270] =	vst v0  }
0x362: {  	[tilespmem:$0x12280] =	vst v0  }
0x363: {  	[tilespmem:$0x12290] =	vst v0  }
0x364: {  	[tilespmem:$0x122A0] =	vst v0  }
0x365: {  	[tilespmem:$0x122B0] =	vst v0  }
0x366: {  	[tilespmem:$0x122C0] =	vst v0  }
0x367: {  	[tilespmem:$0x122D0] =	vst v0  }
0x368: {  	[tilespmem:$0x122E0] =	vst v0  }
0x369: {  	s21 =	sshll.u32 s21, $0x6;
	[tilespmem:$0x122F0] =	vst v0;
	s24 =	simm.s32 $0x0  }
.LBB2_12:
0x36a: {  	v24 =	vor.u32 $0x8000, v1  }
0x36b: {  	v0 =	vor.u32 s24, v24;
	_ =	sdelay $0x4  }
0x36c: {  	v0 =	vld.idx.msk [tilespmem:v0+s2+$0x0], $0xffff;
	_ =	sdelay $0x4  }
0x36d: {  	v0 =	vadd.f32 $1.000000950e+00, v0;
	_ =	sdelay $0x1  }
0x36e: {  	v0 =	vmul.f32 $1.450000000e+01, v0;
	_ =	sdelay $0x1  }
0x36f: {  	v0 =	vtrunc.f32 v0  }
0x370: {  	v0 =	vcvt.f32.s32 v0  }
0x371: {  	vm0 =	vne.s32 v23, $0xFFFFFFFF  }
0x372: {  	v2 =	vor.u32 $0x8001, v1;
	v0 =	vadd.s32 v4, v0  }
0x373: {  	v2 =	vor.u32 s24, v2;
	_ =	sdelay $0x3  }
0x374: {  	[tilespmem:v0+s13+$0x0] =	vst.idx.add.f32.msk vm0, v5  }
0x375: {  	v0 =	vld.idx.msk [tilespmem:v2+s2+$0x0], $0xffff;
	_ =	sdelay $0x4  }
0x376: {  	v0 =	vadd.f32 $1.000000950e+00, v0;
	_ =	sdelay $0x1  }
0x377: {  	v0 =	vmul.f32 $1.450000000e+01, v0;
	_ =	sdelay $0x1  }
0x378: {  	v0 =	vtrunc.f32 v0  }
0x379: {  	v0 =	vcvt.f32.s32 v0;
	_ =	sdelay $0x1  }
0x37a: {  	v2 =	vor.u32 $0x8002, v1;
	v0 =	vadd.s32 v4, v0  }
0x37b: {  	v2 =	vor.u32 s24, v2;
	_ =	sdelay $0x3  }
0x37c: {  	[tilespmem:v0+s13+$0x0] =	vst.idx.add.f32.msk vm0, v5  }
0x37d: {  	v0 =	vld.idx.msk [tilespmem:v2+s2+$0x0], $0xffff;
	_ =	sdelay $0x4  }
0x37e: {  	v0 =	vadd.f32 $1.000000950e+00, v0;
	_ =	sdelay $0x1  }
0x37f: {  	v0 =	vmul.f32 $1.450000000e+01, v0;
	_ =	sdelay $0x1  }
0x380: {  	v0 =	vtrunc.f32 v0  }
0x381: {  	v0 =	vcvt.f32.s32 v0;
	_ =	sdelay $0x1  }
0x382: {  	v2 =	vor.u32 $0x8003, v1;
	v0 =	vadd.s32 v4, v0  }
0x383: {  	v2 =	vor.u32 s24, v2;
	_ =	sdelay $0x3  }
0x384: {  	[tilespmem:v0+s13+$0x0] =	vst.idx.add.f32.msk vm0, v5  }
0x385: {  	v0 =	vld.idx.msk [tilespmem:v2+s2+$0x0], $0xffff;
	_ =	sdelay $0x4  }
0x386: {  	v0 =	vadd.f32 $1.000000950e+00, v0;
	_ =	sdelay $0x1  }
0x387: {  	v0 =	vmul.f32 $1.450000000e+01, v0;
	_ =	sdelay $0x1  }
0x388: {  	v0 =	vtrunc.f32 v0  }
0x389: {  	v0 =	vcvt.f32.s32 v0;
	_ =	sdelay $0x1  }
0x38a: {  	v2 =	vor.u32 $0x8004, v1;
	v0 =	vadd.s32 v4, v0  }
0x38b: {  	v2 =	vor.u32 s24, v2;
	_ =	sdelay $0x3  }
0x38c: {  	[tilespmem:v0+s13+$0x0] =	vst.idx.add.f32.msk vm0, v5  }
0x38d: {  	v0 =	vld.idx.msk [tilespmem:v2+s2+$0x0], $0xffff;
	_ =	sdelay $0x4  }
0x38e: {  	v0 =	vadd.f32 $1.000000950e+00, v0;
	_ =	sdelay $0x1  }
0x38f: {  	v0 =	vmul.f32 $1.450000000e+01, v0;
	_ =	sdelay $0x1  }
0x390: {  	v0 =	vtrunc.f32 v0  }
0x391: {  	v0 =	vcvt.f32.s32 v0;
	_ =	sdelay $0x1  }
0x392: {  	v2 =	vor.u32 $0x8005, v1;
	v0 =	vadd.s32 v4, v0  }
0x393: {  	v2 =	vor.u32 s24, v2;
	_ =	sdelay $0x3  }
0x394: {  	[tilespmem:v0+s13+$0x0] =	vst.idx.add.f32.msk vm0, v5  }
0x395: {  	v0 =	vld.idx.msk [tilespmem:v2+s2+$0x0], $0xffff;
	_ =	sdelay $0x4  }
0x396: {  	v0 =	vadd.f32 $1.000000950e+00, v0;
	_ =	sdelay $0x1  }
0x397: {  	v0 =	vmul.f32 $1.450000000e+01, v0;
	_ =	sdelay $0x1  }
0x398: {  	v0 =	vtrunc.f32 v0  }
0x399: {  	v0 =	vcvt.f32.s32 v0;
	_ =	sdelay $0x1  }
0x39a: {  	v2 =	vor.u32 $0x8006, v1;
	v0 =	vadd.s32 v4, v0  }
0x39b: {  	v2 =	vor.u32 s24, v2;
	_ =	sdelay $0x3  }
0x39c: {  	[tilespmem:v0+s13+$0x0] =	vst.idx.add.f32.msk vm0, v5  }
0x39d: {  	v0 =	vld.idx.msk [tilespmem:v2+s2+$0x0], $0xffff;
	_ =	sdelay $0x4  }
0x39e: {  	v0 =	vadd.f32 $1.000000950e+00, v0;
	_ =	sdelay $0x1  }
0x39f: {  	v0 =	vmul.f32 $1.450000000e+01, v0;
	_ =	sdelay $0x1  }
0x3a0: {  	v0 =	vtrunc.f32 v0  }
0x3a1: {  	v0 =	vcvt.f32.s32 v0;
	_ =	sdelay $0x1  }
0x3a2: {  	v2 =	vor.u32 $0x8007, v1;
	v0 =	vadd.s32 v4, v0  }
0x3a3: {  	v2 =	vor.u32 s24, v2;
	_ =	sdelay $0x3  }
0x3a4: {  	[tilespmem:v0+s13+$0x0] =	vst.idx.add.f32.msk vm0, v5  }
0x3a5: {  	v0 =	vld.idx.msk [tilespmem:v2+s2+$0x0], $0xffff;
	_ =	sdelay $0x4  }
0x3a6: {  	v0 =	vadd.f32 $1.000000950e+00, v0;
	_ =	sdelay $0x1  }
0x3a7: {  	v0 =	vmul.f32 $1.450000000e+01, v0;
	_ =	sdelay $0x1  }
0x3a8: {  	v0 =	vtrunc.f32 v0  }
0x3a9: {  	v0 =	vcvt.f32.s32 v0;
	_ =	sdelay $0x1  }
0x3aa: {  	v2 =	vor.u32 $0x8008, v1;
	v0 =	vadd.s32 v4, v0  }
0x3ab: {  	v2 =	vor.u32 s24, v2;
	_ =	sdelay $0x3  }
0x3ac: {  	[tilespmem:v0+s13+$0x0] =	vst.idx.add.f32.msk vm0, v5  }
0x3ad: {  	v0 =	vld.idx.msk [tilespmem:v2+s2+$0x0], $0xffff;
	_ =	sdelay $0x4  }
0x3ae: {  	v0 =	vadd.f32 $1.000000950e+00, v0;
	_ =	sdelay $0x1  }
0x3af: {  	v0 =	vmul.f32 $1.450000000e+01, v0;
	_ =	sdelay $0x1  }
0x3b0: {  	v0 =	vtrunc.f32 v0  }
0x3b1: {  	v0 =	vcvt.f32.s32 v0;
	_ =	sdelay $0x1  }
0x3b2: {  	v2 =	vor.u32 $0x8009, v1;
	v0 =	vadd.s32 v4, v0  }
0x3b3: {  	v2 =	vor.u32 s24, v2;
	_ =	sdelay $0x3  }
0x3b4: {  	[tilespmem:v0+s13+$0x0] =	vst.idx.add.f32.msk vm0, v5  }
0x3b5: {  	v0 =	vld.idx.msk [tilespmem:v2+s2+$0x0], $0xffff;
	_ =	sdelay $0x4  }
0x3b6: {  	v0 =	vadd.f32 $1.000000950e+00, v0;
	_ =	sdelay $0x1  }
0x3b7: {  	v0 =	vmul.f32 $1.450000000e+01, v0;
	_ =	sdelay $0x1  }
0x3b8: {  	v0 =	vtrunc.f32 v0  }
0x3b9: {  	v0 =	vcvt.f32.s32 v0;
	_ =	sdelay $0x1  }
0x3ba: {  	v2 =	vor.u32 $0x800A, v1;
	v0 =	vadd.s32 v4, v0  }
0x3bb: {  	v2 =	vor.u32 s24, v2;
	_ =	sdelay $0x3  }
0x3bc: {  	[tilespmem:v0+s13+$0x0] =	vst.idx.add.f32.msk vm0, v5  }
0x3bd: {  	v0 =	vld.idx.msk [tilespmem:v2+s2+$0x0], $0xffff;
	_ =	sdelay $0x4  }
0x3be: {  	v0 =	vadd.f32 $1.000000950e+00, v0;
	_ =	sdelay $0x1  }
0x3bf: {  	v0 =	vmul.f32 $1.450000000e+01, v0;
	_ =	sdelay $0x1  }
0x3c0: {  	v0 =	vtrunc.f32 v0  }
0x3c1: {  	v0 =	vcvt.f32.s32 v0;
	_ =	sdelay $0x1  }
0x3c2: {  	v2 =	vor.u32 $0x800B, v1;
	v0 =	vadd.s32 v4, v0  }
0x3c3: {  	v2 =	vor.u32 s24, v2;
	_ =	sdelay $0x3  }
0x3c4: {  	[tilespmem:v0+s13+$0x0] =	vst.idx.add.f32.msk vm0, v5  }
0x3c5: {  	v0 =	vld.idx.msk [tilespmem:v2+s2+$0x0], $0xffff;
	_ =	sdelay $0x4  }
0x3c6: {  	v0 =	vadd.f32 $1.000000950e+00, v0;
	_ =	sdelay $0x1  }
0x3c7: {  	v0 =	vmul.f32 $1.450000000e+01, v0;
	_ =	sdelay $0x1  }
0x3c8: {  	v0 =	vtrunc.f32 v0  }
0x3c9: {  	v0 =	vcvt.f32.s32 v0;
	_ =	sdelay $0x1  }
0x3ca: {  	v2 =	vor.u32 $0x800C, v1;
	v0 =	vadd.s32 v4, v0  }
0x3cb: {  	v2 =	vor.u32 s24, v2;
	_ =	sdelay $0x3  }
0x3cc: {  	[tilespmem:v0+s13+$0x0] =	vst.idx.add.f32.msk vm0, v5  }
0x3cd: {  	v0 =	vld.idx.msk [tilespmem:v2+s2+$0x0], $0xffff;
	_ =	sdelay $0x4  }
0x3ce: {  	v0 =	vadd.f32 $1.000000950e+00, v0;
	_ =	sdelay $0x1  }
0x3cf: {  	v0 =	vmul.f32 $1.450000000e+01, v0;
	_ =	sdelay $0x1  }
0x3d0: {  	v0 =	vtrunc.f32 v0  }
0x3d1: {  	v0 =	vcvt.f32.s32 v0;
	_ =	sdelay $0x1  }
0x3d2: {  	v2 =	vor.u32 $0x800D, v1;
	v0 =	vadd.s32 v4, v0  }
0x3d3: {  	v2 =	vor.u32 s24, v2;
	_ =	sdelay $0x3  }
0x3d4: {  	[tilespmem:v0+s13+$0x0] =	vst.idx.add.f32.msk vm0, v5  }
0x3d5: {  	v0 =	vld.idx.msk [tilespmem:v2+s2+$0x0], $0xffff;
	_ =	sdelay $0x4  }
0x3d6: {  	v0 =	vadd.f32 $1.000000950e+00, v0;
	_ =	sdelay $0x1  }
0x3d7: {  	v0 =	vmul.f32 $1.450000000e+01, v0;
	_ =	sdelay $0x1  }
0x3d8: {  	v0 =	vtrunc.f32 v0  }
0x3d9: {  	v0 =	vcvt.f32.s32 v0;
	_ =	sdelay $0x1  }
0x3da: {  	v2 =	vor.u32 $0x800E, v1;
	v0 =	vadd.s32 v4, v0  }
0x3db: {  	v2 =	vor.u32 s24, v2;
	_ =	sdelay $0x3  }
0x3dc: {  	[tilespmem:v0+s13+$0x0] =	vst.idx.add.f32.msk vm0, v5  }
0x3dd: {  	v0 =	vld.idx.msk [tilespmem:v2+s2+$0x0], $0xffff;
	_ =	sdelay $0x4  }
0x3de: {  	v0 =	vadd.f32 $1.000000950e+00, v0;
	_ =	sdelay $0x1  }
0x3df: {  	v0 =	vmul.f32 $1.450000000e+01, v0;
	_ =	sdelay $0x1  }
0x3e0: {  	v0 =	vtrunc.f32 v0  }
0x3e1: {  	v0 =	vcvt.f32.s32 v0;
	_ =	sdelay $0x1  }
0x3e2: {  	v2 =	vor.u32 $0x800F, v1;
	v0 =	vadd.s32 v4, v0  }
0x3e3: {  	v2 =	vor.u32 s24, v2;
	_ =	sdelay $0x3  }
0x3e4: {  	[tilespmem:v0+s13+$0x0] =	vst.idx.add.f32.msk vm0, v5  }
0x3e5: {  	v0 =	vld.idx.msk [tilespmem:v2+s2+$0x0], $0xffff;
	_ =	sdelay $0x4  }
0x3e6: {  	v0 =	vadd.f32 $1.000000950e+00, v0;
	_ =	sdelay $0x1  }
0x3e7: {  	v0 =	vmul.f32 $1.450000000e+01, v0;
	_ =	sdelay $0x1  }
0x3e8: {  	v0 =	vtrunc.f32 v0  }
0x3e9: {  	v0 =	vcvt.f32.s32 v0;
	_ =	sdelay $0x1  }
0x3ea: {  	p1 =	seq.s32 s24, $0x7F0;
	v0 =	vadd.s32 v4, v0  }
.Ltmp9:
0x3eb: {  	_ = 	snop;
	(pc) =	sbr.rel @!p1 .LBB2_12-.Ltmp9, $2  }
0x3ec: {  	_ =	sdelay $0x2  }
0x3ed: {  	s24 =	sadd.s32 $0x10, s24;
	[tilespmem:v0+s13+$0x0] =	vst.idx.add.f32.msk vm0, v5  }
.Ltmp10:
0x3ee: {  	(pc) =	sbr.rel @p0 .LBB2_16-.Ltmp10, $2  }
0x3ef: {  	_ =	sdelay $0x2  }
0x3f0: {  	v2 =	vimm.f32 $-1.000000000e+00  }
0x3f1: {  	s24 =	simm.s32 $0x0  }
.LBB2_15:
0x3f2: {  	s25 =	sadd.s32 s23, s24  }
0x3f3: {  	v0 =	vmov s25;
	_ =	sdelay $0x4  }
0x3f4: {  	v0 =	vld.idx.msk [tilespmem:v0+s14+$0x0], $0xffff;
	_ =	sdelay $0x4  }
0x3f5: {  	v0 =	vadd.s32 v24, v0;
	_ =	sdelay $0x4  }
0x3f6: {  	v0 =	vld.idx.msk [tilespmem:v0+s2+$0x0], $0xffff;
	_ =	sdelay $0x4  }
0x3f7: {  	v0 =	vadd.f32 $1.000000950e+00, v0;
	_ =	sdelay $0x1  }
0x3f8: {  	v0 =	vmul.f32 $1.450000000e+01, v0;
	_ =	sdelay $0x1  }
0x3f9: {  	v0 =	vtrunc.f32 v0  }
0x3fa: {  	v0 =	vcvt.f32.s32 v0  }
0x3fb: {  	s24 =	sadd.s32 $0x1, s24  }
0x3fc: {  	p0 =	sne.s32 s22, s24;
	v0 =	vadd.s32 v4, v0  }
.Ltmp11:
0x3fd: {  	_ = 	snop;
	(pc) =	sbr.rel @p0 .LBB2_15-.Ltmp11, $2  }
0x3fe: {  	_ =	sdelay $0x2  }
0x3ff: {  	[tilespmem:v0+s13+$0x0] =	vst.idx.add.f32.msk vm0, v2  }
.Ltmp12:
0x400: {  	_ = 	snop;
	(pc) =	sbr.rel .LBB2_16-.Ltmp12, $1  }
0x401: {  	_ =	sdelay $0x3  }
.LBB2_18:
0x402: {  	_ =	sfence.sel $0x180000  }
0x403: {  	[bflag:$0x0] =	sbarrier.arrive $0xFFFF  }
0x404: {  	p0 =	sne.s32 s1, $0x0;
	_ =	strace $0x9000004A  }
0x405: {  	s0 =	sadd.s32 @!p0 $0x100000, s0;
	[bflag:$0x2] =	sbarrier.arrive $0xFFFF  }
0x406: {  	[sflag:s0] =	ssyncadd.tile.s32 @!p0 $0x1;
	_ =	shalt  }
.Lfunc_end2:
_tile_overlayer_lowered:
.L_overlay_start_2:
0x407: {  	(tag) =	ssettag $0x2  }
0x408: {  	s0 =	rddreg [dreg:$0x0];
	s2 =	stileid.u32  }
0x409: {  	s1 =	rddreg [dreg:$0x1];
	p0 =	sne.s32 s2, $0x0  }
0x40a: {  	s3 =	rddreg [dreg:$0x2];
	[bflag:$0x3] =	sbarrier.arrive $0xFFFF;
	s2 =	simm.s32 @!p0 $0x1C03  }
0x40b: {  	[timem:s3], [sflag:s2] =	dma.local @!p0 [hbm:s0], s1  }
0x40c: {  	s0 =	simm.s32 @!p0 $0x3  }
0x40d: {  	_ =	swait.ge @!p0 [sflag:s0], s1  }
0x40e: {  	s1 =	ssub.s32 @!p0 $0x0, s1;
	[sflag:s0] =	ssyncset.done @!p0 $0x0  }
0x40f: {  	[sflag:s0] =	ssyncadd.s32 @!p0 s1  }
0x410: {  	[bflag:$0x3] =	sbarrier.arrive $0xFFFF  }
0x411: {  	_ =	shalt  }

// kernel: sparse-core-data-format-call.cloned.1.call-start
scs
called_computation_lowered:
.L_overlay_start_0:
0x0: {  	s2 =	sld [smem:$0x3FD9]  }
0x1: {  	s3 =	sld [smem:$0x3FFE];
	_ =	sdelay $0x1  }
0x2: {  	s1 =	srdreg.scid  }
0x3: {  	s0 =	sand.u32 $0x1, s1  }
0x4: {  	s18 =	sshll.u32 s0, $0xA;
	s2 =	sadd.s32 s3, s2  }
0x5: {  	s2 =	sadd.s32 s2, s18  }
0x6: {  	[smem:$0x3FC5] =	sst s2  }
0x7: {  	_ = 	snop  }
0x8: {  	s2 =	sld [smem:$0x3FC9];
	(tm) =	ssettm $0x1  }
0x9: {  	s19 =	sld [smem:$0x3FFB];
	_ =	sdelay $0x3  }
0xa: {  	_ =	strace s19  }
0xb: {  	s3 =	sld [smem:$0x3FFC];
	_ =	sdelay $0x3  }
0xc: {  	_ =	strace s3  }
0xd: {  	s3 =	sld [smem:$0x3FFD];
	_ =	sdelay $0x3  }
0xe: {  	_ =	strace s3  }
0xf: {  	_ =	strace $0x8FFFFFFF  }
0x10: {  	s20 =	sld [smem:$0x3FDB];
	_ =	sdelay $0x1  }
0x11: {  	s4 =	simm.s32 $_scs_section_size  }
0x12: {  	s5 =	simm.s32 $_size__tile_overlayer_lowered;
	s6 =	simm.s32 $_tile_overlayer_lowered  }
0x13: {  	s23 =	simm.s32 $0x1BFF;
	s22 =	sshll.u32 s6, $0x1;
	s3 =	sadd.s32 s4, s20  }
0x14: {  	s7 =	simm.s32 $0x0;
	s21 =	sshll.u32 s5, $0x1;
	s5 =	sadd.s32 s22, s3  }
0x15: {  	[timem:s7], [sflag:s23] =	dma.local [hbm:s5], s21  }
0x16: {  	_ =	swait.ge [sflag:s23], s21  }
0x17: {  	s4 =	ssub.s32 $0x0, s21;
	[sflag:s23] =	ssyncset.done $0x0  }
0x18: {  	[sflag:s23] =	ssyncadd.s32 s4;
	_ =	sdelay $0x1  }
0x19: {  	s24 =	simm.s32 $0x1B8B  }
0x1a: {  	_ =	swait.ge [sflag:s24], $0x1  }
0x1b: {  	[sflag:s24] =	ssyncset.done $0x0  }
0x1c: {  	s26 =	simm.s32 $0x1B8E;
	s25 =	sld [smem:$0x3FFE];
	[sflag:s24] =	ssyncadd.s32 $0xFFFFFFFF  }
0x1d: {  	s27 =	simm.s32 $execute0_lowered;
	[smem:$0x3FD2] =	sst s26  }
0x1e: {  	s5 =	sshll.u32 s27, $0x1;
	_ =	strace $0x80000046;
	[dreg:$0x1] =	wrdreg $0xFFFFFFFF  }
0x1f: {  	s28 =	simm.s32 $_size_execute0_lowered;
	s3 =	sadd.s32 s3, s5;
	[dreg:$0x0] =	wrdreg $0x0  }
0x20: {  	s5 =	sshll.u32 s28, $0x1;
	[dreg:$0x2] =	wrdreg s3  }
0x21: {  	[dreg:$0x3] =	wrdreg s5  }
0x22: {  	[dreg:$0x4] =	wrdreg $0xC0  }
0x23: {  	_ =	task [dreg:s7], $0x5FFFF  }
0x24: {  	[dreg:$0x1] =	wrdreg $0xFFFFFFFF  }
0x25: {  	[dreg:$0x0] =	wrdreg $0x60  }
0x26: {  	[dreg:$0x2] =	wrdreg s2  }
0x27: {  	[dreg:$0x3] =	wrdreg s25  }
0x28: {  	[dreg:$0x4] =	wrdreg $0x9  }
0x29: {  	_ =	task.clear_ibuf [dreg:s7], $0x5FFFF;
	_ =	strace $0x90000046  }
0x2a: {  	s29 =	simm.s32 $0x9;
	_ =	strace $0x80000048  }
0x2b: {  	_ =	swait.ge [sflag:s29], $0x1  }
0x2c: {  	[sflag:s29] =	ssyncadd.s32 $0xFFFFFFFF  }
0x2d: {  	_ =	strace $0x90000048  }
0x2e: {  	_ =	sfence  }
0x2f: {  	s30 =	sld [smem:$0x0];
	_ =	sdelay $0x2  }
0x30: {  	s31 =	sshll.u32 s1, $0xD;
	s1 =	sshrl.u32 s1, $0x2  }
0x31: {  	s3 =	sand.u32 $0x4000, s31;
	s1 =	sadd.s32 s1, s30  }
0x32: {  	s0 =	sor.u32 s3, s0;
	s1 =	sshll.u32 s1, $0x11  }
0x33: {  	s0 =	sor.u32 s1, s0  }
0x34: {  	s0 =	sadd.s32 $0x8F2B, s0  }
0x35: {  	[sflag:s0] =	ssyncadd.remote.s32 $0x1  }
0x36: {  	_ =	sfence.sel $0xFFFF  }
0x37: {  	[dreg:$0x0] =	wrdreg $0xFFFFFFFF;
	(pc) =	sbr.abs _section_cstart, $3  }
0x38: {  	[dreg:$0x1] =	wrdreg $0xFFFFFFFF  }
0x39: {  	_ =	task.clear_ibuf [dreg:s7], $0x2FFFF;
	_ =	strace $0x9FFFFFFF  }
0x3a: {  	(tm) =	ssettm $0x7FFFFFFF  }
0x3b: {  	_ =	shalt  }
tec
execute0_lowered:
.L_overlay_start_1:
0x0: {  	(tag) =	ssettag $0x1  }
0x1: {  	s2 =	rddreg [dreg:$0x0]  }
0x2: {  	s1 =	rddreg [dreg:$0x1]  }
0x3: {  	s0 =	rddreg [dreg:$0x2];
	_ =	strace $0x80000047;
	s4 =	srdreg.scid  }
.Ltmp0:
0x4: {  	s6 =	simm.s32 $0x2;
	p0 =	por $0x0, $0x0;
	(pc) =	sbr.rel .LBB1_1-.Ltmp0, $4  }
0x5: {  	s9 =	simm.s32 $0x0;
	s3 =	sadd.s32 $0xC00, s1;
	s5 =	sshll.u32 s4, $0x4  }
0x6: {  	s1 =	stileid.u32;
	s4 =	simm.s32 $0x1;
	s5 =	sand.u32 $0x10, s5  }
0x7: {  	s7 =	simm.s32 $0x0;
	[sflag:s4] =	ssyncpa.u1 $0x0;
	s5 =	sor.u32 s1, s5  }
0x8: {  	[sflag:s6] =	ssyncpa.u1 $0x0;
	s6 =	simm.s32 $0x0;
	s8 =	smov.u32 s5  }
.LBB1_7:
0x9: {  	s11 =	sadd.s32 $0x20, s8  }
0xa: {  	p1 =	slt.u32 s7, $0x2;
	s7 =	sadd.s32 $0x1, s7;
	p2 =	sgt.s32 s11, $0x3FF  }
0xb: {  	s11 =	smov.u32 @p2 s5;
	p2 =	sne.s32 s7, $0x22  }
.Ltmp1:
0xc: {  	_ = 	snop;
	(pc) =	sbr.rel @!p2 .LBB1_8-.Ltmp1, $4  }
0xd: {  	s10 =	simm.s32 @!p1 $0x2  }
0xe: {  	_ =	swait.ge @!p1 [sflag:s10], $0x4000  }
0xf: {  	s9 =	smov.u32 s8;
	[sflag:s10] =	ssyncset.done @!p1 $0x0  }
0x10: {  	p0 =	por !p0, !p0;
	s8 =	smov.u32 s11;
	[sflag:s10] =	ssyncadd.s32 @!p1 $0xFFFFC000  }
.LBB1_1:
0x11: {  	p1 =	sgt.u32 s7, $0x1F  }
0x12: {  	s10 =	sxor.u32 @!p1 $0xFFFFFFFF, s7  }
0x13: {  	s11 =	sshll.u32 @!p1 s8, $0xB;
	s10 =	sshll.u32 @!p1 s10, $0xE  }
0x14: {  	s12 =	simm.s32 @!p1 $0x0;
	s11 =	sadd.s32 @!p1 s2, s11;
	s10 =	sand.u32 @!p1 $0x4000, s10  }
0x15: {  	[tilespmem:s10], [sflag:$0x1] =	stream.linear.gather @!p1 [hbm4b:s11+s12], $0x4000, $0x38;
	[tilespmem:$0x10000] =	vst v63  }
0x16: {  	p1 =	seq.s32 s7, $0x0  }
0x17: {  	p2 =	seq.s32 @!p1 s7, $0x21  }
0x18: {  	p1 =	por p1, p2  }
.Ltmp2:
0x19: {  	_ = 	snop;
	(pc) =	sbr.rel @p1 .LBB1_7-.Ltmp2, $1  }
0x1a: {  	_ =	sdelay $0x3  }
0x1b: {  	s10 =	simm.s32 $0x1;
	_ =	swait.ge [sflag:s4], $0x4000;
	s12 =	sshll.u32 s7, $0xE  }
0x1c: {  	s13 =	simm.s32 $0x0;
	s10 =	simm.s32 @!p0 $0x0;
	[sflag:s4] =	ssyncset.done $0x0  }
0x1d: {  	s12 =	sand.u32 $0x4000, s12;
	s11 =	sshll.u32 s10, $0xE;
	[sflag:s4] =	ssyncadd.s32 $0xFFFFC000  }
0x1e: {  	s12 =	sor.u32 $0x8000, s12;
	s10 =	sor.u32 $0x8040, s11;
	s11 =	sor.u32 $0x40, s11  }
.LBB1_3:
0x1f: {  	v0 =	vmov s11;
	_ =	sdelay $0x3  }
0x20: {  	s15 =	simm.s32 $0x0  }
0x21: {  	v6 =	vld.idx.msk [tilespmem:v0+s15+$0x30 ss:$0x1], $0xffff  }
0x22: {  	v7 =	vld.idx.msk [tilespmem:v0+s15+$0xFFFFFFC0 ss:$0x1], $0xffff  }
0x23: {  	v5 =	vld.idx.msk [tilespmem:v0+s15+$0xFFFFFFD0 ss:$0x1], $0xffff  }
0x24: {  	v4 =	vld.idx.msk [tilespmem:v0+s15+$0xFFFFFFE0 ss:$0x1], $0xffff  }
0x25: {  	v3 =	vld.idx.msk [tilespmem:v0+s15+$0xFFFFFFF0 ss:$0x1], $0xffff  }
0x26: {  	v1 =	vld.idx.msk [tilespmem:v0+s15+$0x0 ss:$0x1], $0xffff  }
0x27: {  	v2 =	vld.idx.msk [tilespmem:v0+s15+$0x10 ss:$0x1], $0xffff;
	[tilespmem:s10+$0x30] =	vst v6  }
0x28: {  	s14 =	simm.s32 $0x80;
	s16 =	simm.s32 $0x400;
	[tilespmem:s10+$0xFFFFFFC0] =	vst v7;
	v6 =	vld.idx.msk [tilespmem:v0+s15+$0x20 ss:$0x1], $0xffff;
	s15 =	smov.u32 s10  }
.LBB1_4:
0x29: {  	p1 =	sne.s32 s16, $0xE00;
	v7 =	vld.idx.msk [tilespmem:v0+s14+$0x30 ss:$0x1], $0xffff;
	[tilespmem:s15+$0xFFFFFFD0] =	vst v5  }
0x2a: {  	v8 =	vld.idx.msk [tilespmem:v0+s14+$0xFFFFFFC0 ss:$0x1], $0xffff;
	[tilespmem:s15+$0xFFFFFFE0] =	vst v4  }
0x2b: {  	v5 =	vld.idx.msk [tilespmem:v0+s14+$0xFFFFFFD0 ss:$0x1], $0xffff;
	[tilespmem:s15+$0xFFFFFFF0] =	vst v3  }
.Ltmp3:
0x2c: {  	v4 =	vld.idx.msk [tilespmem:v0+s14+$0xFFFFFFE0 ss:$0x1], $0xffff;
	[tilespmem:s15+$0x0] =	vst v1;
	(pc) =	sbr.rel @p1 .LBB1_4-.Ltmp3, $4  }
0x2d: {  	v3 =	vld.idx.msk [tilespmem:v0+s14+$0xFFFFFFF0 ss:$0x1], $0xffff;
	[tilespmem:s15+$0x10] =	vst v2  }
0x2e: {  	v1 =	vld.idx.msk [tilespmem:v0+s14+$0x0 ss:$0x1], $0xffff;
	[tilespmem:s15+$0x20] =	vst v6;
	s15 =	sadd.s32 $0x800, s15  }
0x2f: {  	v2 =	vld.idx.msk [tilespmem:v0+s14+$0x10 ss:$0x1], $0xffff;
	[tilespmem:s15+$0x30] =	vst v7  }
0x30: {  	[tilespmem:s15+$0xFFFFFFC0] =	vst v8;
	v6 =	vld.idx.msk [tilespmem:v0+s14+$0x20 ss:$0x1], $0xffff;
	s14 =	sshra.s32 s16, $0x2;
	s16 =	sadd.s32 $0x200, s16  }
0x31: {  	_ =	sdelay $0x2  }
0x32: {  	[tilespmem:s15+$0xFFFFFFD0] =	vst v5  }
0x33: {  	v56 =	vld.idx.msk [tilespmem:v0+s14+$0x30 ss:$0x1], $0xffff;
	[tilespmem:s15+$0xFFFFFFE0] =	vst v4  }
0x34: {  	v57 =	vld.idx.msk [tilespmem:v0+s14+$0xFFFFFFC0 ss:$0x1], $0xffff;
	[tilespmem:s15+$0xFFFFFFF0] =	vst v3  }
0x35: {  	v58 =	vld.idx.msk [tilespmem:v0+s14+$0xFFFFFFD0 ss:$0x1], $0xffff;
	[tilespmem:s15+$0x0] =	vst v1  }
0x36: {  	v59 =	vld.idx.msk [tilespmem:v0+s14+$0xFFFFFFE0 ss:$0x1], $0xffff;
	[tilespmem:s15+$0x10] =	vst v2  }
0x37: {  	v60 =	vld.idx.msk [tilespmem:v0+s14+$0xFFFFFFF0 ss:$0x1], $0xffff;
	s31 =	sadd.s32 $0x800, s15;
	[tilespmem:s15+$0x20] =	vst v6  }
0x38: {  	v61 =	vld.idx.msk [tilespmem:v0+s14+$0x0 ss:$0x1], $0xffff;
	[tilespmem:s31+$0x30] =	vst v56  }
0x39: {  	v62 =	vld.idx.msk [tilespmem:v0+s14+$0x10 ss:$0x1], $0xffff;
	s13 =	sadd.s32 $0x1, s13;
	[tilespmem:s31+$0xFFFFFFC0] =	vst v57  }
0x3a: {  	v63 =	vld.idx.msk [tilespmem:v0+s14+$0x20 ss:$0x1], $0xffff;
	p1 =	sne.s32 s13, $0x10;
	[tilespmem:s31+$0xFFFFFFD0] =	vst v58  }
.Ltmp4:
0x3b: {  	[tilespmem:s31+$0xFFFFFFE0] =	vst v59;
	(pc) =	sbr.rel @p1 .LBB1_3-.Ltmp4, $4  }
0x3c: {  	[tilespmem:s31+$0xFFFFFFF0] =	vst v60  }
0x3d: {  	[tilespmem:s31+$0x0] =	vst v61  }
0x3e: {  	[tilespmem:s31+$0x10] =	vst v62  }
0x3f: {  	s10 =	sadd.s32 $0x80, s10;
	s11 =	sadd.s32 $0x400, s11;
	[tilespmem:s31+$0x20] =	vst v63  }
.Ltmp5:
0x40: {  	(pc) =	sbr.rel .LBB1_7-.Ltmp5, $4  }
0x41: {  	_ = 	snop  }
0x42: {  	s9 =	sshll.u32 s9, $0xB  }
0x43: {  	s9 =	sadd.s32 s3, s9  }
0x44: {  	[hbm4b:s9+s6] =	stream.linear.scatter [tilespmem:s12], [sflag:$0x2], $0x4000, $0x38;
	[tilespmem:$0x10000] =	vst v63  }
.LBB1_8:
0x45: {  	_ =	sfence.sel $0x180000  }
0x46: {  	s2 =	simm.s32 $0x1;
	[bflag:$0x0] =	sbarrier.arrive $0xFFFF  }
0x47: {  	s31 =	simm.s32 $0x2;
	[sflag:s2] =	ssyncpa.u1 $0x1  }
0x48: {  	[sflag:s31] =	ssyncpa.u1 $0x1  }
0x49: {  	p0 =	sne.s32 s1, $0x0;
	_ =	strace $0x90000047  }
0x4a: {  	s0 =	sadd.s32 @!p0 $0x100000, s0;
	[bflag:$0x2] =	sbarrier.arrive $0xFFFF  }
0x4b: {  	[sflag:s0] =	ssyncadd.tile.s32 @!p0 $0x1;
	_ =	shalt  }
.Lfunc_end1:
_tile_overlayer_lowered:
.L_overlay_start_2:
0x4c: {  	(tag) =	ssettag $0x2  }
0x4d: {  	s0 =	rddreg [dreg:$0x0];
	s2 =	stileid.u32  }
0x4e: {  	s1 =	rddreg [dreg:$0x1];
	p0 =	sne.s32 s2, $0x0  }
0x4f: {  	s3 =	rddreg [dreg:$0x2];
	[bflag:$0x3] =	sbarrier.arrive $0xFFFF;
	s2 =	simm.s32 @!p0 $0x1C01  }
0x50: {  	[timem:s3], [sflag:s2] =	dma.local @!p0 [hbm:s0], s1  }
0x51: {  	s0 =	simm.s32 @!p0 $0x1  }
0x52: {  	_ =	swait.ge @!p0 [sflag:s0], s1  }
0x53: {  	s1 =	ssub.s32 @!p0 $0x0, s1;
	[sflag:s0] =	ssyncset.done @!p0 $0x0  }
0x54: {  	[sflag:s0] =	ssyncadd.s32 @!p0 s1  }
0x55: {  	[bflag:$0x3] =	sbarrier.arrive $0xFFFF  }
0x56: {  	_ =	shalt  }

</sc_bundles>
